<compile_context>
chip_gen: v7x
topology: tpu7x:2x2x1
jax: 0.10.2.dev20260603
libtpu: 0.0.44.dev20260713+nightly
codegen_flags: <defaults>
</compile_context>

<pallas_src>
import functools
import jax
import jax.numpy as jnp
from jax import lax
from jax.experimental import pallas as pl
from jax.experimental.pallas import tpu as pltpu
from jax.experimental.pallas import tpu_sc as plsc

_V = 1000001
_B = 16384
_D = 64
_L = 16
_NC = 2
_NS = 16
_NW = _NC * _NS
_BPW = _B // _NW
_NCB = 7812
_VMAIN = _NCB * 128

_mesh = plsc.VectorSubcoreMesh(core_axis_name="c", subcore_axis_name="s")


@functools.partial(
    pl.kernel,
    out_type=jax.ShapeDtypeStruct((_D, _B), jnp.float32),
    mesh=_mesh,
    compiler_params=pltpu.CompilerParams(needs_layout_passes=False),
    scratch_types=[
        pltpu.VMEM((_BPW,), jnp.int32),
        pltpu.VMEM((_BPW,), jnp.int32),
        pltpu.VMEM((_D, 128), jnp.float32),
        pltpu.VMEM((_D, 128), jnp.float32),
        pltpu.VMEM((_D, 128), jnp.float32),
        pltpu.VMEM((_D, 128), jnp.float32),
        pltpu.VMEM((_D, 128), jnp.float32),
        pltpu.VMEM((_D, 128), jnp.float32),
        pltpu.VMEM((_D, 128), jnp.float32),
        pltpu.VMEM((_D, 128), jnp.float32),
        pltpu.VMEM((_D, 128), jnp.float32),
        pltpu.VMEM((_D, 128), jnp.float32),
        pltpu.VMEM((_D, 128), jnp.float32),
        pltpu.VMEM((_D, 128), jnp.float32),
        pltpu.VMEM((_D, _BPW // 2), jnp.float32),
        pltpu.SemaphoreType.DMA,
        pltpu.SemaphoreType.DMA,
    ],
)
def _emb_sum(x0_hbm, x1_hbm, w0t_hbm, w1t_hbm, out_hbm,
             idx0_v, idx1_v,
             blk0a_v, blk0b_v, blk0c_v, blk0d_v, blk0e_v, blk0f_v,
             blk1a_v, blk1b_v, blk1c_v, blk1d_v, blk1e_v, blk1f_v,
             slab_v, sem0, sem1):
    wid = lax.axis_index("s") * _NC + lax.axis_index("c")
    base = wid * _BPW
    pltpu.sync_copy(x0_hbm.at[pl.ds(base, _BPW)], idx0_v)
    pltpu.sync_copy(x1_hbm.at[pl.ds(base, _BPW)], idx1_v)

    iota = lax.iota(jnp.int32, _L)
    dvs = [16 * c + iota for c in range(_D // _L)]
    blk0 = [blk0a_v, blk0b_v, blk0c_v, blk0d_v, blk0e_v, blk0f_v]
    blk1 = [blk1a_v, blk1b_v, blk1c_v, blk1d_v, blk1e_v, blk1f_v]
    _RING = 6

    _G = 2 * _L

    def group(g, carry):
        r0 = g * _G
        vecs0 = [idx0_v[pl.ds(r0, _L)], idx0_v[pl.ds(r0 + _L, _L)]]
        vecs1 = [idx1_v[pl.ds(r0, _L)], idx1_v[pl.ds(r0 + _L, _L)]]
        cbs0 = [jnp.minimum(lax.shift_right_logical(v, 7), _NCB - 1)
                for v in vecs0]
        cbs1 = [jnp.minimum(lax.shift_right_logical(v, 7), _NCB - 1)
                for v in vecs1]
        lanes0 = [v - cb * 128 for v, cb in zip(vecs0, cbs0)]
        lanes1 = [v - cb * 128 for v, cb in zip(vecs1, cbs1)]

        cps = [None] * _RING

        def fire(j):
            p = j % _RING
            q, r = divmod(j, _L)
            cp0 = pltpu.async_copy(
                w0t_hbm.at[:, pl.ds(cbs0[q][r] * 128, 128)], blk0[p], sem0)
            cp1 = pltpu.async_copy(
                w1t_hbm.at[:, pl.ds(cbs1[q][r] * 128, 128)], blk1[p], sem1)
            cps[p] = (cp0, cp1)

        for j in range(_RING - 1):
            fire(j)
        for j in range(_G):
            p = j % _RING
            cp0, cp1 = cps[p]
            cp0.wait()
            cp1.wait()
            if j + _RING - 1 < _G:
                fire(j + _RING - 1)
            q, r = divmod(j, _L)
            l0 = lanes0[q][r]
            l1 = lanes1[q][r]
            f0 = jnp.full((_L,), (l0 < 128).astype(jnp.float32))
            f1 = jnp.full((_L,), (l1 < 128).astype(jnp.float32))
            l0v = jnp.full((_L,), jnp.minimum(l0, 127))
            l1v = jnp.full((_L,), jnp.minimum(l1, 127))
            rv = jnp.full((_L,), lax.rem(g, 8) * _G + j)
            for c in range(_D // _L):
                e0 = plsc.load_gather(blk0[p], [dvs[c], l0v])
                e1 = plsc.load_gather(blk1[p], [dvs[c], l1v])
                plsc.store_scatter(slab_v, [dvs[c], rv], e0 * f0 + e1 * f1)
        @pl.when(lax.rem(g, 8) == 7)
        def _flush():
            half = lax.div(g, 8) * (_BPW // 2)
            pltpu.sync_copy(slab_v, out_hbm.at[:, pl.ds(base + half, _BPW // 2)])

        return carry

    lax.fori_loop(0, _BPW // _G, group, 0)


def kernel(x, W0, W1):
    x = x.astype(jnp.int32)
    x0 = x[:, 0]
    x1 = x[:, 1]
    out = _emb_sum(x0, x1, W0.T, W1.T).T
    tail0 = jnp.take(W0[_VMAIN:], jnp.clip(x0 - _VMAIN, 0, _V - _VMAIN - 1),
                     axis=0)
    tail1 = jnp.take(W1[_VMAIN:], jnp.clip(x1 - _VMAIN, 0, _V - _VMAIN - 1),
                     axis=0)
    out = out + jnp.where((x0 >= _VMAIN)[:, None], tail0, 0.0)
    out = out + jnp.where((x1 >= _VMAIN)[:, None], tail1, 0.0)
    return out

# --- scband reference (transcript-rebuilt; emitter-appended) ---
"""Pipeline reference for scband-bottleneck-encoder-27135603376332 (READ-ONLY COPY).

The authoritative reference and input builder live on the scoring server;
editing this copy changes nothing except your own understanding.
"""

import jax, jax.numpy as jnp
import numpy as np

VOCAB = 1000001  # cfg.share.dim0 + 1
EMB_DIM = 64
BATCH = 16384


def setup_inputs(seed: int = 0) -> dict:
    key = jax.random.key(seed)
    k1, k2, k3 = jax.random.split(key, 3)
    x = jax.random.randint(k1, (BATCH, 2), 0, VOCAB)
    # xavier_uniform init per torch.nn.init.xavier_uniform_ on [VOCAB, EMB_DIM]
    bound = float(np.sqrt(6.0 / (VOCAB + EMB_DIM)))
    W0 = jax.random.uniform(k2, (VOCAB, EMB_DIM), minval=-bound, maxval=bound, dtype=jnp.float32)
    W1 = jax.random.uniform(k3, (VOCAB, EMB_DIM), minval=-bound, maxval=bound, dtype=jnp.float32)
    return {"x": x, "W0": W0, "W1": W1}


def reference(x, W0, W1):
    # BottleneckEncoder.forward: sum over per-column embedding lookups
    encoded = jnp.take(W0, x[:, 0], axis=0)
    encoded = encoded + jnp.take(W1, x[:, 1], axis=0)
    return encoded

if __name__ == "__main__":
    import jax
    _d = setup_inputs()
    print(jax.jit(kernel)(*tuple(_d.values())))

</pallas_src>

<mosaic_0001>
#map = affine_map<(d0, d1) -> (0)>
#map1 = affine_map<(d0, d1) -> (0, 0)>
module attributes {stable_mosaic.version = 14 : i64} {
  func.func @_emb_sum(%arg0: i32, %arg1: i32, %arg2: memref<16384xi32, #tpu.memory_space<hbm>>, %arg3: memref<16384xi32, #tpu.memory_space<hbm>>, %arg4: memref<64x1000001xf32, #tpu.memory_space<hbm>>, %arg5: memref<64x1000001xf32, #tpu.memory_space<hbm>>, %arg6: memref<64x16384xf32, #tpu.memory_space<hbm>>, %arg7: memref<512xi32, #tpu.memory_space<vmem>>, %arg8: memref<512xi32, #tpu.memory_space<vmem>>, %arg9: memref<64x128xf32, #tpu.memory_space<vmem>>, %arg10: memref<64x128xf32, #tpu.memory_space<vmem>>, %arg11: memref<64x128xf32, #tpu.memory_space<vmem>>, %arg12: memref<64x128xf32, #tpu.memory_space<vmem>>, %arg13: memref<64x128xf32, #tpu.memory_space<vmem>>, %arg14: memref<64x128xf32, #tpu.memory_space<vmem>>, %arg15: memref<64x128xf32, #tpu.memory_space<vmem>>, %arg16: memref<64x128xf32, #tpu.memory_space<vmem>>, %arg17: memref<64x128xf32, #tpu.memory_space<vmem>>, %arg18: memref<64x128xf32, #tpu.memory_space<vmem>>, %arg19: memref<64x128xf32, #tpu.memory_space<vmem>>, %arg20: memref<64x128xf32, #tpu.memory_space<vmem>>, %arg21: memref<64x256xf32, #tpu.memory_space<vmem>>, %arg22: memref<!tpu.dma_semaphore, #tpu.memory_space<semaphore_mem>>, %arg23: memref<!tpu.dma_semaphore, #tpu.memory_space<semaphore_mem>>) attributes {dimension_semantics = [#tpu.dimension_semantics<core_parallel>, #tpu.dimension_semantics<subcore_parallel>], iteration_bounds = array<i64: 2, 16>, scalar_prefetch = 0 : i64, scratch_operands = 17 : i64, tpu.core_type = #tpu.core_type<sc_vector_subcore>, window_params = [{transform_indices = #map}, {transform_indices = #map}, {transform_indices = #map1}, {transform_indices = #map1}, {transform_indices = #map1}]} {
    %mul3A = arith.constant 2 : i32
    %mul3A_0 = arith.muli %arg1, %mul3A : i32
    %add3A = arith.addi %mul3A_0, %arg0 : i32
    %mul3A_1 = arith.constant 512 : i32
    %mul3A_2 = arith.muli %add3A, %mul3A_1 : i32
    "tpu.region"() ({
      %run_scoped3A = tpu.sem_alloc : memref<!tpu.dma_semaphore, #tpu.memory_space<semaphore_mem>>
      %dma_start3A = tpu.memref_slice %arg2[%mul3A_2] : memref<16384xi32, #tpu.memory_space<hbm>> -> memref<512xi32, #tpu.memory_space<hbm>>
      %dma_start3A_20 = tpu.memref_slice %arg2[%mul3A_2] : memref<16384xi32, #tpu.memory_space<hbm>> -> memref<512xi32, #tpu.memory_space<hbm>>
      tpu.enqueue_dma source(%dma_start3A_20 : memref<512xi32, #tpu.memory_space<hbm>>) target(%arg7 : memref<512xi32, #tpu.memory_space<vmem>>) target_semaphore(%run_scoped3A : memref<!tpu.dma_semaphore, #tpu.memory_space<semaphore_mem>>)
      %dma_wait3A = tpu.memref_slice %arg2[%mul3A_2] : memref<16384xi32, #tpu.memory_space<hbm>> -> memref<512xi32, #tpu.memory_space<hbm>>
      %dma_wait3A_21 = tpu.memref_slice %arg2[%mul3A_2] : memref<16384xi32, #tpu.memory_space<hbm>> -> memref<512xi32, #tpu.memory_space<hbm>>
      tpu.wait_dma2 semaphore(%run_scoped3A : memref<!tpu.dma_semaphore, #tpu.memory_space<semaphore_mem>>) src(%dma_wait3A_21 : memref<512xi32, #tpu.memory_space<hbm>>) dst(%arg7 : memref<512xi32, #tpu.memory_space<vmem>>)
      tpu.yield
    }) : () -> ()
    "tpu.region"() ({
      %run_scoped3A = tpu.sem_alloc : memref<!tpu.dma_semaphore, #tpu.memory_space<semaphore_mem>>
      %dma_start3A = tpu.memref_slice %arg3[%mul3A_2] : memref<16384xi32, #tpu.memory_space<hbm>> -> memref<512xi32, #tpu.memory_space<hbm>>
      %dma_start3A_20 = tpu.memref_slice %arg3[%mul3A_2] : memref<16384xi32, #tpu.memory_space<hbm>> -> memref<512xi32, #tpu.memory_space<hbm>>
      tpu.enqueue_dma source(%dma_start3A_20 : memref<512xi32, #tpu.memory_space<hbm>>) target(%arg8 : memref<512xi32, #tpu.memory_space<vmem>>) target_semaphore(%run_scoped3A : memref<!tpu.dma_semaphore, #tpu.memory_space<semaphore_mem>>)
      %dma_wait3A = tpu.memref_slice %arg3[%mul3A_2] : memref<16384xi32, #tpu.memory_space<hbm>> -> memref<512xi32, #tpu.memory_space<hbm>>
      %dma_wait3A_21 = tpu.memref_slice %arg3[%mul3A_2] : memref<16384xi32, #tpu.memory_space<hbm>> -> memref<512xi32, #tpu.memory_space<hbm>>
      tpu.wait_dma2 semaphore(%run_scoped3A : memref<!tpu.dma_semaphore, #tpu.memory_space<semaphore_mem>>) src(%dma_wait3A_21 : memref<512xi32, #tpu.memory_space<hbm>>) dst(%arg8 : memref<512xi32, #tpu.memory_space<vmem>>)
      tpu.yield
    }) : () -> ()
    %iota3A = tpu.iota {dimensions = array<i32: 0>} : vector<16xi32>
    %add3A_3 = arith.constant 0 : i32
    %add3A_4 = vector.broadcast %add3A_3 : i32 to vector<16xi32>
    %add3A_5 = arith.addi %add3A_4, %iota3A : vector<16xi32>
    %add3A_6 = arith.constant 16 : i32
    %add3A_7 = vector.broadcast %add3A_6 : i32 to vector<16xi32>
    %add3A_8 = arith.addi %add3A_7, %iota3A : vector<16xi32>
    %add3A_9 = arith.constant 32 : i32
    %add3A_10 = vector.broadcast %add3A_9 : i32 to vector<16xi32>
    %add3A_11 = arith.addi %add3A_10, %iota3A : vector<16xi32>
    %add3A_12 = arith.constant 48 : i32
    %add3A_13 = vector.broadcast %add3A_12 : i32 to vector<16xi32>
    %add3A_14 = arith.addi %add3A_13, %iota3A : vector<16xi32>
    %scan3A = arith.constant 0 : i32
    %scan3A_15 = arith.constant 0 : i32
    %scan3A_16 = arith.constant 16 : i32
    %scan3A_17 = arith.addi %scan3A_15, %scan3A_16 : i32
    %scan3A_18 = arith.constant 1 : i32
    scf.for %scan3A_20 = %scan3A_15 to %scan3A_17 step %scan3A_18  : i32 {
      %mul3A_21 = arith.constant 32 : i32
      %mul3A_22 = arith.muli %scan3A_20, %mul3A_21 : i32
      %get3A = arith.index_cast %mul3A_22 : i32 to index
      %get3A_23 = tpu.vector_load %arg7[%get3A] {strides = array<i32>} : memref<512xi32, #tpu.memory_space<vmem>>, vector<16xi32>,
      %add3A_24 = arith.constant 16 : i32
      %add3A_25 = arith.addi %mul3A_22, %add3A_24 : i32
      %get3A_26 = arith.index_cast %add3A_25 : i32 to index
      %get3A_27 = tpu.vector_load %arg7[%get3A_26] {strides = array<i32>} : memref<512xi32, #tpu.memory_space<vmem>>, vector<16xi32>,
      %get3A_28 = arith.index_cast %mul3A_22 : i32 to index
      %get3A_29 = tpu.vector_load %arg8[%get3A_28] {strides = array<i32>} : memref<512xi32, #tpu.memory_space<vmem>>, vector<16xi32>,
      %add3A_30 = arith.constant 16 : i32
      %add3A_31 = arith.addi %mul3A_22, %add3A_30 : i32
      %get3A_32 = arith.index_cast %add3A_31 : i32 to index
      %get3A_33 = tpu.vector_load %arg8[%get3A_32] {strides = array<i32>} : memref<512xi32, #tpu.memory_space<vmem>>, vector<16xi32>,
      %shift_right_logical3A = arith.constant 7 : i32
      %shift_right_logical3A_34 = vector.broadcast %shift_right_logical3A : i32 to vector<16xi32>
      %shift_right_logical3A_35 = arith.shrui %get3A_23, %shift_right_logical3A_34 : vector<16xi32>
      %min3A = arith.constant 7811 : i32
      %min3A_36 = vector.broadcast %min3A : i32 to vector<16xi32>
      %min3A_37 = arith.minsi %shift_right_logical3A_35, %min3A_36 : vector<16xi32>
      %shift_right_logical3A_38 = arith.constant 7 : i32
      %shift_right_logical3A_39 = vector.broadcast %shift_right_logical3A_38 : i32 to vector<16xi32>
      %shift_right_logical3A_40 = arith.shrui %get3A_27, %shift_right_logical3A_39 : vector<16xi32>
      %min3A_41 = arith.constant 7811 : i32
      %min3A_42 = vector.broadcast %min3A_41 : i32 to vector<16xi32>
      %min3A_43 = arith.minsi %shift_right_logical3A_40, %min3A_42 : vector<16xi32>
      %shift_right_logical3A_44 = arith.constant 7 : i32
      %shift_right_logical3A_45 = vector.broadcast %shift_right_logical3A_44 : i32 to vector<16xi32>
      %shift_right_logical3A_46 = arith.shrui %get3A_29, %shift_right_logical3A_45 : vector<16xi32>
      %min3A_47 = arith.constant 7811 : i32
      %min3A_48 = vector.broadcast %min3A_47 : i32 to vector<16xi32>
      %min3A_49 = arith.minsi %shift_right_logical3A_46, %min3A_48 : vector<16xi32>
      %shift_right_logical3A_50 = arith.constant 7 : i32
      %shift_right_logical3A_51 = vector.broadcast %shift_right_logical3A_50 : i32 to vector<16xi32>
      %shift_right_logical3A_52 = arith.shrui %get3A_33, %shift_right_logical3A_51 : vector<16xi32>
      %min3A_53 = arith.constant 7811 : i32
      %min3A_54 = vector.broadcast %min3A_53 : i32 to vector<16xi32>
      %min3A_55 = arith.minsi %shift_right_logical3A_52, %min3A_54 : vector<16xi32>
      %mul3A_56 = arith.constant 128 : i32
      %mul3A_57 = vector.broadcast %mul3A_56 : i32 to vector<16xi32>
      %mul3A_58 = arith.muli %min3A_37, %mul3A_57 : vector<16xi32>
      %sub3A = arith.subi %get3A_23, %mul3A_58 : vector<16xi32>
      %mul3A_59 = arith.constant 128 : i32
      %mul3A_60 = vector.broadcast %mul3A_59 : i32 to vector<16xi32>
      %mul3A_61 = arith.muli %min3A_43, %mul3A_60 : vector<16xi32>
      %sub3A_62 = arith.subi %get3A_27, %mul3A_61 : vector<16xi32>
      %mul3A_63 = arith.constant 128 : i32
      %mul3A_64 = vector.broadcast %mul3A_63 : i32 to vector<16xi32>
      %mul3A_65 = arith.muli %min3A_49, %mul3A_64 : vector<16xi32>
      %sub3A_66 = arith.subi %get3A_29, %mul3A_65 : vector<16xi32>
      %mul3A_67 = arith.constant 128 : i32
      %mul3A_68 = vector.broadcast %mul3A_67 : i32 to vector<16xi32>
      %mul3A_69 = arith.muli %min3A_55, %mul3A_68 : vector<16xi32>
      %sub3A_70 = arith.subi %get3A_33, %mul3A_69 : vector<16xi32>
      %slice3A = vector.extract_strided_slice %min3A_37 {offsets = [0], sizes = [1], strides = [1]} : vector<16xi32> to vector<1xi32>
      %squeeze3A = vector.extract %slice3A[0] : i32 from vector<1xi32>
      %mul3A_71 = arith.constant 128 : i32
      %mul3A_72 = arith.muli %squeeze3A, %mul3A_71 : i32
      %dma_start3A = arith.constant 0 : i32
      %dma_start3A_73 = tpu.memref_slice %arg4[%dma_start3A, %mul3A_72] : memref<64x1000001xf32, #tpu.memory_space<hbm>> -> memref<64x128xf32, #tpu.memory_space<hbm>>
      %dma_start3A_74 = arith.constant 0 : i32
      %dma_start3A_75 = tpu.memref_slice %arg4[%dma_start3A_74, %mul3A_72] : memref<64x1000001xf32, #tpu.memory_space<hbm>> -> memref<64x128xf32, #tpu.memory_space<hbm>>
      tpu.enqueue_dma source(%dma_start3A_75 : memref<64x128xf32, #tpu.memory_space<hbm>>) target(%arg9 : memref<64x128xf32, #tpu.memory_space<vmem>>) target_semaphore(%arg22 : memref<!tpu.dma_semaphore, #tpu.memory_space<semaphore_mem>>)
      %slice3A_76 = vector.extract_strided_slice %min3A_49 {offsets = [0], sizes = [1], strides = [1]} : vector<16xi32> to vector<1xi32>
      %squeeze3A_77 = vector.extract %slice3A_76[0] : i32 from vector<1xi32>
      %mul3A_78 = arith.constant 128 : i32
      %mul3A_79 = arith.muli %squeeze3A_77, %mul3A_78 : i32
      %dma_start3A_80 = arith.constant 0 : i32
      %dma_start3A_81 = tpu.memref_slice %arg5[%dma_start3A_80, %mul3A_79] : memref<64x1000001xf32, #tpu.memory_space<hbm>> -> memref<64x128xf32, #tpu.memory_space<hbm>>
      %dma_start3A_82 = arith.constant 0 : i32
      %dma_start3A_83 = tpu.memref_slice %arg5[%dma_start3A_82, %mul3A_79] : memref<64x1000001xf32, #tpu.memory_space<hbm>> -> memref<64x128xf32, #tpu.memory_space<hbm>>
      tpu.enqueue_dma source(%dma_start3A_83 : memref<64x128xf32, #tpu.memory_space<hbm>>) target(%arg15 : memref<64x128xf32, #tpu.memory_space<vmem>>) target_semaphore(%arg23 : memref<!tpu.dma_semaphore, #tpu.memory_space<semaphore_mem>>)
      %slice3A_84 = vector.extract_strided_slice %min3A_37 {offsets = [1], sizes = [1], strides = [1]} : vector<16xi32> to vector<1xi32>
      %squeeze3A_85 = vector.extract %slice3A_84[0] : i32 from vector<1xi32>
      %mul3A_86 = arith.constant 128 : i32
      %mul3A_87 = arith.muli %squeeze3A_85, %mul3A_86 : i32
      %dma_start3A_88 = arith.constant 0 : i32
      %dma_start3A_89 = tpu.memref_slice %arg4[%dma_start3A_88, %mul3A_87] : memref<64x1000001xf32, #tpu.memory_space<hbm>> -> memref<64x128xf32, #tpu.memory_space<hbm>>
      %dma_start3A_90 = arith.constant 0 : i32
      %dma_start3A_91 = tpu.memref_slice %arg4[%dma_start3A_90, %mul3A_87] : memref<64x1000001xf32, #tpu.memory_space<hbm>> -> memref<64x128xf32, #tpu.memory_space<hbm>>
      tpu.enqueue_dma source(%dma_start3A_91 : memref<64x128xf32, #tpu.memory_space<hbm>>) target(%arg10 : memref<64x128xf32, #tpu.memory_space<vmem>>) target_semaphore(%arg22 : memref<!tpu.dma_semaphore, #tpu.memory_space<semaphore_mem>>)
      %slice3A_92 = vector.extract_strided_slice %min3A_49 {offsets = [1], sizes = [1], strides = [1]} : vector<16xi32> to vector<1xi32>
      %squeeze3A_93 = vector.extract %slice3A_92[0] : i32 from vector<1xi32>
      %mul3A_94 = arith.constant 128 : i32
      %mul3A_95 = arith.muli %squeeze3A_93, %mul3A_94 : i32
      %dma_start3A_96 = arith.constant 0 : i32
      %dma_start3A_97 = tpu.memref_slice %arg5[%dma_start3A_96, %mul3A_95] : memref<64x1000001xf32, #tpu.memory_space<hbm>> -> memref<64x128xf32, #tpu.memory_space<hbm>>
      %dma_start3A_98 = arith.constant 0 : i32
      %dma_start3A_99 = tpu.memref_slice %arg5[%dma_start3A_98, %mul3A_95] : memref<64x1000001xf32, #tpu.memory_space<hbm>> -> memref<64x128xf32, #tpu.memory_space<hbm>>
      tpu.enqueue_dma source(%dma_start3A_99 : memref<64x128xf32, #tpu.memory_space<hbm>>) target(%arg16 : memref<64x128xf32, #tpu.memory_space<vmem>>) target_semaphore(%arg23 : memref<!tpu.dma_semaphore, #tpu.memory_space<semaphore_mem>>)
      %slice3A_100 = vector.extract_strided_slice %min3A_37 {offsets = [2], sizes = [1], strides = [1]} : vector<16xi32> to vector<1xi32>
      %squeeze3A_101 = vector.extract %slice3A_100[0] : i32 from vector<1xi32>
      %mul3A_102 = arith.constant 128 : i32
      %mul3A_103 = arith.muli %squeeze3A_101, %mul3A_102 : i32
      %dma_start3A_104 = arith.constant 0 : i32
      %dma_start3A_105 = tpu.memref_slice %arg4[%dma_start3A_104, %mul3A_103] : memref<64x1000001xf32, #tpu.memory_space<hbm>> -> memref<64x128xf32, #tpu.memory_space<hbm>>
      %dma_start3A_106 = arith.constant 0 : i32
      %dma_start3A_107 = tpu.memref_slice %arg4[%dma_start3A_106, %mul3A_103] : memref<64x1000001xf32, #tpu.memory_space<hbm>> -> memref<64x128xf32, #tpu.memory_space<hbm>>
      tpu.enqueue_dma source(%dma_start3A_107 : memref<64x128xf32, #tpu.memory_space<hbm>>) target(%arg11 : memref<64x128xf32, #tpu.memory_space<vmem>>) target_semaphore(%arg22 : memref<!tpu.dma_semaphore, #tpu.memory_space<semaphore_mem>>)
      %slice3A_108 = vector.extract_strided_slice %min3A_49 {offsets = [2], sizes = [1], strides = [1]} : vector<16xi32> to vector<1xi32>
      %squeeze3A_109 = vector.extract %slice3A_108[0] : i32 from vector<1xi32>
      %mul3A_110 = arith.constant 128 : i32
      %mul3A_111 = arith.muli %squeeze3A_109, %mul3A_110 : i32
      %dma_start3A_112 = arith.constant 0 : i32
      %dma_start3A_113 = tpu.memref_slice %arg5[%dma_start3A_112, %mul3A_111] : memref<64x1000001xf32, #tpu.memory_space<hbm>> -> memref<64x128xf32, #tpu.memory_space<hbm>>
      %dma_start3A_114 = arith.constant 0 : i32
      %dma_start3A_115 = tpu.memref_slice %arg5[%dma_start3A_114, %mul3A_111] : memref<64x1000001xf32, #tpu.memory_space<hbm>> -> memref<64x128xf32, #tpu.memory_space<hbm>>
      tpu.enqueue_dma source(%dma_start3A_115 : memref<64x128xf32, #tpu.memory_space<hbm>>) target(%arg17 : memref<64x128xf32, #tpu.memory_space<vmem>>) target_semaphore(%arg23 : memref<!tpu.dma_semaphore, #tpu.memory_space<semaphore_mem>>)
      %slice3A_116 = vector.extract_strided_slice %min3A_37 {offsets = [3], sizes = [1], strides = [1]} : vector<16xi32> to vector<1xi32>
      %squeeze3A_117 = vector.extract %slice3A_116[0] : i32 from vector<1xi32>
      %mul3A_118 = arith.constant 128 : i32
      %mul3A_119 = arith.muli %squeeze3A_117, %mul3A_118 : i32
      %dma_start3A_120 = arith.constant 0 : i32
      %dma_start3A_121 = tpu.memref_slice %arg4[%dma_start3A_120, %mul3A_119] : memref<64x1000001xf32, #tpu.memory_space<hbm>> -> memref<64x128xf32, #tpu.memory_space<hbm>>
      %dma_start3A_122 = arith.constant 0 : i32
      %dma_start3A_123 = tpu.memref_slice %arg4[%dma_start3A_122, %mul3A_119] : memref<64x1000001xf32, #tpu.memory_space<hbm>> -> memref<64x128xf32, #tpu.memory_space<hbm>>
      tpu.enqueue_dma source(%dma_start3A_123 : memref<64x128xf32, #tpu.memory_space<hbm>>) target(%arg12 : memref<64x128xf32, #tpu.memory_space<vmem>>) target_semaphore(%arg22 : memref<!tpu.dma_semaphore, #tpu.memory_space<semaphore_mem>>)
      %slice3A_124 = vector.extract_strided_slice %min3A_49 {offsets = [3], sizes = [1], strides = [1]} : vector<16xi32> to vector<1xi32>
      %squeeze3A_125 = vector.extract %slice3A_124[0] : i32 from vector<1xi32>
      %mul3A_126 = arith.constant 128 : i32
      %mul3A_127 = arith.muli %squeeze3A_125, %mul3A_126 : i32
      %dma_start3A_128 = arith.constant 0 : i32
      %dma_start3A_129 = tpu.memref_slice %arg5[%dma_start3A_128, %mul3A_127] : memref<64x1000001xf32, #tpu.memory_space<hbm>> -> memref<64x128xf32, #tpu.memory_space<hbm>>
      %dma_start3A_130 = arith.constant 0 : i32
      %dma_start3A_131 = tpu.memref_slice %arg5[%dma_start3A_130, %mul3A_127] : memref<64x1000001xf32, #tpu.memory_space<hbm>> -> memref<64x128xf32, #tpu.memory_space<hbm>>
      tpu.enqueue_dma source(%dma_start3A_131 : memref<64x128xf32, #tpu.memory_space<hbm>>) target(%arg18 : memref<64x128xf32, #tpu.memory_space<vmem>>) target_semaphore(%arg23 : memref<!tpu.dma_semaphore, #tpu.memory_space<semaphore_mem>>)
      %slice3A_132 = vector.extract_strided_slice %min3A_37 {offsets = [4], sizes = [1], strides = [1]} : vector<16xi32> to vector<1xi32>
      %squeeze3A_133 = vector.extract %slice3A_132[0] : i32 from vector<1xi32>
      %mul3A_134 = arith.constant 128 : i32
      %mul3A_135 = arith.muli %squeeze3A_133, %mul3A_134 : i32
      %dma_start3A_136 = arith.constant 0 : i32
      %dma_start3A_137 = tpu.memref_slice %arg4[%dma_start3A_136, %mul3A_135] : memref<64x1000001xf32, #tpu.memory_space<hbm>> -> memref<64x128xf32, #tpu.memory_space<hbm>>
      %dma_start3A_138 = arith.constant 0 : i32
      %dma_start3A_139 = tpu.memref_slice %arg4[%dma_start3A_138, %mul3A_135] : memref<64x1000001xf32, #tpu.memory_space<hbm>> -> memref<64x128xf32, #tpu.memory_space<hbm>>
      tpu.enqueue_dma source(%dma_start3A_139 : memref<64x128xf32, #tpu.memory_space<hbm>>) target(%arg13 : memref<64x128xf32, #tpu.memory_space<vmem>>) target_semaphore(%arg22 : memref<!tpu.dma_semaphore, #tpu.memory_space<semaphore_mem>>)
      %slice3A_140 = vector.extract_strided_slice %min3A_49 {offsets = [4], sizes = [1], strides = [1]} : vector<16xi32> to vector<1xi32>
      %squeeze3A_141 = vector.extract %slice3A_140[0] : i32 from vector<1xi32>
      %mul3A_142 = arith.constant 128 : i32
      %mul3A_143 = arith.muli %squeeze3A_141, %mul3A_142 : i32
      %dma_start3A_144 = arith.constant 0 : i32
      %dma_start3A_145 = tpu.memref_slice %arg5[%dma_start3A_144, %mul3A_143] : memref<64x1000001xf32, #tpu.memory_space<hbm>> -> memref<64x128xf32, #tpu.memory_space<hbm>>
      %dma_start3A_146 = arith.constant 0 : i32
      %dma_start3A_147 = tpu.memref_slice %arg5[%dma_start3A_146, %mul3A_143] : memref<64x1000001xf32, #tpu.memory_space<hbm>> -> memref<64x128xf32, #tpu.memory_space<hbm>>
      tpu.enqueue_dma source(%dma_start3A_147 : memref<64x128xf32, #tpu.memory_space<hbm>>) target(%arg19 : memref<64x128xf32, #tpu.memory_space<vmem>>) target_semaphore(%arg23 : memref<!tpu.dma_semaphore, #tpu.memory_space<semaphore_mem>>)
      %dma_wait3A = arith.constant 0 : i32
      %dma_wait3A_148 = tpu.memref_slice %arg4[%dma_wait3A, %mul3A_72] : memref<64x1000001xf32, #tpu.memory_space<hbm>> -> memref<64x128xf32, #tpu.memory_space<hbm>>
      %dma_wait3A_149 = arith.constant 0 : i32
      %dma_wait3A_150 = tpu.memref_slice %arg4[%dma_wait3A_149, %mul3A_72] : memref<64x1000001xf32, #tpu.memory_space<hbm>> -> memref<64x128xf32, #tpu.memory_space<hbm>>
      tpu.wait_dma2 semaphore(%arg22 : memref<!tpu.dma_semaphore, #tpu.memory_space<semaphore_mem>>) src(%dma_wait3A_150 : memref<64x128xf32, #tpu.memory_space<hbm>>) dst(%arg9 : memref<64x128xf32, #tpu.memory_space<vmem>>)
      %dma_wait3A_151 = arith.constant 0 : i32
      %dma_wait3A_152 = tpu.memref_slice %arg5[%dma_wait3A_151, %mul3A_79] : memref<64x1000001xf32, #tpu.memory_space<hbm>> -> memref<64x128xf32, #tpu.memory_space<hbm>>
      %dma_wait3A_153 = arith.constant 0 : i32
      %dma_wait3A_154 = tpu.memref_slice %arg5[%dma_wait3A_153, %mul3A_79] : memref<64x1000001xf32, #tpu.memory_space<hbm>> -> memref<64x128xf32, #tpu.memory_space<hbm>>
      tpu.wait_dma2 semaphore(%arg23 : memref<!tpu.dma_semaphore, #tpu.memory_space<semaphore_mem>>) src(%dma_wait3A_154 : memref<64x128xf32, #tpu.memory_space<hbm>>) dst(%arg15 : memref<64x128xf32, #tpu.memory_space<vmem>>)
      %slice3A_155 = vector.extract_strided_slice %min3A_37 {offsets = [5], sizes = [1], strides = [1]} : vector<16xi32> to vector<1xi32>
      %squeeze3A_156 = vector.extract %slice3A_155[0] : i32 from vector<1xi32>
      %mul3A_157 = arith.constant 128 : i32
      %mul3A_158 = arith.muli %squeeze3A_156, %mul3A_157 : i32
      %dma_start3A_159 = arith.constant 0 : i32
      %dma_start3A_160 = tpu.memref_slice %arg4[%dma_start3A_159, %mul3A_158] : memref<64x1000001xf32, #tpu.memory_space<hbm>> -> memref<64x128xf32, #tpu.memory_space<hbm>>
      %dma_start3A_161 = arith.constant 0 : i32
      %dma_start3A_162 = tpu.memref_slice %arg4[%dma_start3A_161, %mul3A_158] : memref<64x1000001xf32, #tpu.memory_space<hbm>> -> memref<64x128xf32, #tpu.memory_space<hbm>>
      tpu.enqueue_dma source(%dma_start3A_162 : memref<64x128xf32, #tpu.memory_space<hbm>>) target(%arg14 : memref<64x128xf32, #tpu.memory_space<vmem>>) target_semaphore(%arg22 : memref<!tpu.dma_semaphore, #tpu.memory_space<semaphore_mem>>)
      %slice3A_163 = vector.extract_strided_slice %min3A_49 {offsets = [5], sizes = [1], strides = [1]} : vector<16xi32> to vector<1xi32>
      %squeeze3A_164 = vector.extract %slice3A_163[0] : i32 from vector<1xi32>
      %mul3A_165 = arith.constant 128 : i32
      %mul3A_166 = arith.muli %squeeze3A_164, %mul3A_165 : i32
      %dma_start3A_167 = arith.constant 0 : i32
      %dma_start3A_168 = tpu.memref_slice %arg5[%dma_start3A_167, %mul3A_166] : memref<64x1000001xf32, #tpu.memory_space<hbm>> -> memref<64x128xf32, #tpu.memory_space<hbm>>
      %dma_start3A_169 = arith.constant 0 : i32
      %dma_start3A_170 = tpu.memref_slice %arg5[%dma_start3A_169, %mul3A_166] : memref<64x1000001xf32, #tpu.memory_space<hbm>> -> memref<64x128xf32, #tpu.memory_space<hbm>>
      tpu.enqueue_dma source(%dma_start3A_170 : memref<64x128xf32, #tpu.memory_space<hbm>>) target(%arg20 : memref<64x128xf32, #tpu.memory_space<vmem>>) target_semaphore(%arg23 : memref<!tpu.dma_semaphore, #tpu.memory_space<semaphore_mem>>)
      %slice3A_171 = vector.extract_strided_slice %sub3A {offsets = [0], sizes = [1], strides = [1]} : vector<16xi32> to vector<1xi32>
      %squeeze3A_172 = vector.extract %slice3A_171[0] : i32 from vector<1xi32>
      %slice3A_173 = vector.extract_strided_slice %sub3A_66 {offsets = [0], sizes = [1], strides = [1]} : vector<16xi32> to vector<1xi32>
      %squeeze3A_174 = vector.extract %slice3A_173[0] : i32 from vector<1xi32>
      %lt3A = arith.constant 128 : i32
      %lt3A_175 = arith.cmpi slt, %squeeze3A_172, %lt3A : i32
      %convert_element_type3A = arith.extui %lt3A_175 : i1 to i32
      %convert_element_type3A_176 = arith.sitofp %convert_element_type3A : i32 to f32
      %broadcast_in_dim3A = vector.broadcast %convert_element_type3A_176 : f32 to vector<16xf32>
      %lt3A_177 = arith.constant 128 : i32
      %lt3A_178 = arith.cmpi slt, %squeeze3A_174, %lt3A_177 : i32
      %convert_element_type3A_179 = arith.extui %lt3A_178 : i1 to i32
      %convert_element_type3A_180 = arith.sitofp %convert_element_type3A_179 : i32 to f32
      %broadcast_in_dim3A_181 = vector.broadcast %convert_element_type3A_180 : f32 to vector<16xf32>
      %min3A_182 = arith.constant 127 : i32
      %min3A_183 = arith.minsi %squeeze3A_172, %min3A_182 : i32
      %broadcast_in_dim3A_184 = vector.broadcast %min3A_183 : i32 to vector<16xi32>
      %min3A_185 = arith.constant 127 : i32
      %min3A_186 = arith.minsi %squeeze3A_174, %min3A_185 : i32
      %broadcast_in_dim3A_187 = vector.broadcast %min3A_186 : i32 to vector<16xi32>
      %rem3A = arith.constant 8 : i32
      %rem3A_188 = arith.remsi %scan3A_20, %rem3A : i32
      %mul3A_189 = arith.constant 32 : i32
      %mul3A_190 = arith.muli %rem3A_188, %mul3A_189 : i32
      %add3A_191 = arith.constant 0 : i32
      %add3A_192 = arith.addi %mul3A_190, %add3A_191 : i32
      %broadcast_in_dim3A_193 = vector.broadcast %add3A_192 : i32 to vector<16xi32>
      %gather3A = tpu.vector_load_idx %arg9[%add3A_5, %broadcast_in_dim3A_184] : memref<64x128xf32, #tpu.memory_space<vmem>>[vector<16xi32>, vector<16xi32>], vector<16xf32>,
      %gather3A_194 = tpu.vector_load_idx %arg15[%add3A_5, %broadcast_in_dim3A_187] : memref<64x128xf32, #tpu.memory_space<vmem>>[vector<16xi32>, vector<16xi32>], vector<16xf32>,
      %mul3A_195 = arith.mulf %gather3A, %broadcast_in_dim3A : vector<16xf32>
      %mul3A_196 = arith.mulf %gather3A_194, %broadcast_in_dim3A_181 : vector<16xf32>
      %add3A_197 = arith.addf %mul3A_195, %mul3A_196 : vector<16xf32>
      tpu.vector_store_idx %arg21[%add3A_5, %broadcast_in_dim3A_193], %add3A_197 : memref<64x256xf32, #tpu.memory_space<vmem>>[vector<16xi32>, vector<16xi32>], vector<16xf32>,
      %gather3A_198 = tpu.vector_load_idx %arg9[%add3A_8, %broadcast_in_dim3A_184] : memref<64x128xf32, #tpu.memory_space<vmem>>[vector<16xi32>, vector<16xi32>], vector<16xf32>,
      %gather3A_199 = tpu.vector_load_idx %arg15[%add3A_8, %broadcast_in_dim3A_187] : memref<64x128xf32, #tpu.memory_space<vmem>>[vector<16xi32>, vector<16xi32>], vector<16xf32>,
      %mul3A_200 = arith.mulf %gather3A_198, %broadcast_in_dim3A : vector<16xf32>
      %mul3A_201 = arith.mulf %gather3A_199, %broadcast_in_dim3A_181 : vector<16xf32>
      %add3A_202 = arith.addf %mul3A_200, %mul3A_201 : vector<16xf32>
      tpu.vector_store_idx %arg21[%add3A_8, %broadcast_in_dim3A_193], %add3A_202 : memref<64x256xf32, #tpu.memory_space<vmem>>[vector<16xi32>, vector<16xi32>], vector<16xf32>,
      %gather3A_203 = tpu.vector_load_idx %arg9[%add3A_11, %broadcast_in_dim3A_184] : memref<64x128xf32, #tpu.memory_space<vmem>>[vector<16xi32>, vector<16xi32>], vector<16xf32>,
      %gather3A_204 = tpu.vector_load_idx %arg15[%add3A_11, %broadcast_in_dim3A_187] : memref<64x128xf32, #tpu.memory_space<vmem>>[vector<16xi32>, vector<16xi32>], vector<16xf32>,
      %mul3A_205 = arith.mulf %gather3A_203, %broadcast_in_dim3A : vector<16xf32>
      %mul3A_206 = arith.mulf %gather3A_204, %broadcast_in_dim3A_181 : vector<16xf32>
      %add3A_207 = arith.addf %mul3A_205, %mul3A_206 : vector<16xf32>
      tpu.vector_store_idx %arg21[%add3A_11, %broadcast_in_dim3A_193], %add3A_207 : memref<64x256xf32, #tpu.memory_space<vmem>>[vector<16xi32>, vector<16xi32>], vector<16xf32>,
      %gather3A_208 = tpu.vector_load_idx %arg9[%add3A_14, %broadcast_in_dim3A_184] : memref<64x128xf32, #tpu.memory_space<vmem>>[vector<16xi32>, vector<16xi32>], vector<16xf32>,
      %gather3A_209 = tpu.vector_load_idx %arg15[%add3A_14, %broadcast_in_dim3A_187] : memref<64x128xf32, #tpu.memory_space<vmem>>[vector<16xi32>, vector<16xi32>], vector<16xf32>,
      %mul3A_210 = arith.mulf %gather3A_208, %broadcast_in_dim3A : vector<16xf32>
      %mul3A_211 = arith.mulf %gather3A_209, %broadcast_in_dim3A_181 : vector<16xf32>
      %add3A_212 = arith.addf %mul3A_210, %mul3A_211 : vector<16xf32>
      tpu.vector_store_idx %arg21[%add3A_14, %broadcast_in_dim3A_193], %add3A_212 : memref<64x256xf32, #tpu.memory_space<vmem>>[vector<16xi32>, vector<16xi32>], vector<16xf32>,
      %dma_wait3A_213 = arith.constant 0 : i32
      %dma_wait3A_214 = tpu.memref_slice %arg4[%dma_wait3A_213, %mul3A_87] : memref<64x1000001xf32, #tpu.memory_space<hbm>> -> memref<64x128xf32, #tpu.memory_space<hbm>>
      %dma_wait3A_215 = arith.constant 0 : i32
      %dma_wait3A_216 = tpu.memref_slice %arg4[%dma_wait3A_215, %mul3A_87] : memref<64x1000001xf32, #tpu.memory_space<hbm>> -> memref<64x128xf32, #tpu.memory_space<hbm>>
      tpu.wait_dma2 semaphore(%arg22 : memref<!tpu.dma_semaphore, #tpu.memory_space<semaphore_mem>>) src(%dma_wait3A_216 : memref<64x128xf32, #tpu.memory_space<hbm>>) dst(%arg10 : memref<64x128xf32, #tpu.memory_space<vmem>>)
      %dma_wait3A_217 = arith.constant 0 : i32
      %dma_wait3A_218 = tpu.memref_slice %arg5[%dma_wait3A_217, %mul3A_95] : memref<64x1000001xf32, #tpu.memory_space<hbm>> -> memref<64x128xf32, #tpu.memory_space<hbm>>
      %dma_wait3A_219 = arith.constant 0 : i32
      %dma_wait3A_220 = tpu.memref_slice %arg5[%dma_wait3A_219, %mul3A_95] : memref<64x1000001xf32, #tpu.memory_space<hbm>> -> memref<64x128xf32, #tpu.memory_space<hbm>>
      tpu.wait_dma2 semaphore(%arg23 : memref<!tpu.dma_semaphore, #tpu.memory_space<semaphore_mem>>) src(%dma_wait3A_220 : memref<64x128xf32, #tpu.memory_space<hbm>>) dst(%arg16 : memref<64x128xf32, #tpu.memory_space<vmem>>)
      %slice3A_221 = vector.extract_strided_slice %min3A_37 {offsets = [6], sizes = [1], strides = [1]} : vector<16xi32> to vector<1xi32>
      %squeeze3A_222 = vector.extract %slice3A_221[0] : i32 from vector<1xi32>
      %mul3A_223 = arith.constant 128 : i32
      %mul3A_224 = arith.muli %squeeze3A_222, %mul3A_223 : i32
      %dma_start3A_225 = arith.constant 0 : i32
      %dma_start3A_226 = tpu.memref_slice %arg4[%dma_start3A_225, %mul3A_224] : memref<64x1000001xf32, #tpu.memory_space<hbm>> -> memref<64x128xf32, #tpu.memory_space<hbm>>
      %dma_start3A_227 = arith.constant 0 : i32
      %dma_start3A_228 = tpu.memref_slice %arg4[%dma_start3A_227, %mul3A_224] : memref<64x1000001xf32, #tpu.memory_space<hbm>> -> memref<64x128xf32, #tpu.memory_space<hbm>>
      tpu.enqueue_dma source(%dma_start3A_228 : memref<64x128xf32, #tpu.memory_space<hbm>>) target(%arg9 : memref<64x128xf32, #tpu.memory_space<vmem>>) target_semaphore(%arg22 : memref<!tpu.dma_semaphore, #tpu.memory_space<semaphore_mem>>)
      %slice3A_229 = vector.extract_strided_slice %min3A_49 {offsets = [6], sizes = [1], strides = [1]} : vector<16xi32> to vector<1xi32>
      %squeeze3A_230 = vector.extract %slice3A_229[0] : i32 from vector<1xi32>
      %mul3A_231 = arith.constant 128 : i32
      %mul3A_232 = arith.muli %squeeze3A_230, %mul3A_231 : i32
      %dma_start3A_233 = arith.constant 0 : i32
      %dma_start3A_234 = tpu.memref_slice %arg5[%dma_start3A_233, %mul3A_232] : memref<64x1000001xf32, #tpu.memory_space<hbm>> -> memref<64x128xf32, #tpu.memory_space<hbm>>
      %dma_start3A_235 = arith.constant 0 : i32
      %dma_start3A_236 = tpu.memref_slice %arg5[%dma_start3A_235, %mul3A_232] : memref<64x1000001xf32, #tpu.memory_space<hbm>> -> memref<64x128xf32, #tpu.memory_space<hbm>>
      tpu.enqueue_dma source(%dma_start3A_236 : memref<64x128xf32, #tpu.memory_space<hbm>>) target(%arg15 : memref<64x128xf32, #tpu.memory_space<vmem>>) target_semaphore(%arg23 : memref<!tpu.dma_semaphore, #tpu.memory_space<semaphore_mem>>)
      %slice3A_237 = vector.extract_strided_slice %sub3A {offsets = [1], sizes = [1], strides = [1]} : vector<16xi32> to vector<1xi32>
      %squeeze3A_238 = vector.extract %slice3A_237[0] : i32 from vector<1xi32>
      %slice3A_239 = vector.extract_strided_slice %sub3A_66 {offsets = [1], sizes = [1], strides = [1]} : vector<16xi32> to vector<1xi32>
      %squeeze3A_240 = vector.extract %slice3A_239[0] : i32 from vector<1xi32>
      %lt3A_241 = arith.constant 128 : i32
      %lt3A_242 = arith.cmpi slt, %squeeze3A_238, %lt3A_241 : i32
      %convert_element_type3A_243 = arith.extui %lt3A_242 : i1 to i32
      %convert_element_type3A_244 = arith.sitofp %convert_element_type3A_243 : i32 to f32
      %broadcast_in_dim3A_245 = vector.broadcast %convert_element_type3A_244 : f32 to vector<16xf32>
      %lt3A_246 = arith.constant 128 : i32
      %lt3A_247 = arith.cmpi slt, %squeeze3A_240, %lt3A_246 : i32
      %convert_element_type3A_248 = arith.extui %lt3A_247 : i1 to i32
      %convert_element_type3A_249 = arith.sitofp %convert_element_type3A_248 : i32 to f32
      %broadcast_in_dim3A_250 = vector.broadcast %convert_element_type3A_249 : f32 to vector<16xf32>
      %min3A_251 = arith.constant 127 : i32
      %min3A_252 = arith.minsi %squeeze3A_238, %min3A_251 : i32
      %broadcast_in_dim3A_253 = vector.broadcast %min3A_252 : i32 to vector<16xi32>
      %min3A_254 = arith.constant 127 : i32
      %min3A_255 = arith.minsi %squeeze3A_240, %min3A_254 : i32
      %broadcast_in_dim3A_256 = vector.broadcast %min3A_255 : i32 to vector<16xi32>
      %rem3A_257 = arith.constant 8 : i32
      %rem3A_258 = arith.remsi %scan3A_20, %rem3A_257 : i32
      %mul3A_259 = arith.constant 32 : i32
      %mul3A_260 = arith.muli %rem3A_258, %mul3A_259 : i32
      %add3A_261 = arith.constant 1 : i32
      %add3A_262 = arith.addi %mul3A_260, %add3A_261 : i32
      %broadcast_in_dim3A_263 = vector.broadcast %add3A_262 : i32 to vector<16xi32>
      %gather3A_264 = tpu.vector_load_idx %arg10[%add3A_5, %broadcast_in_dim3A_253] : memref<64x128xf32, #tpu.memory_space<vmem>>[vector<16xi32>, vector<16xi32>], vector<16xf32>,
      %gather3A_265 = tpu.vector_load_idx %arg16[%add3A_5, %broadcast_in_dim3A_256] : memref<64x128xf32, #tpu.memory_space<vmem>>[vector<16xi32>, vector<16xi32>], vector<16xf32>,
      %mul3A_266 = arith.mulf %gather3A_264, %broadcast_in_dim3A_245 : vector<16xf32>
      %mul3A_267 = arith.mulf %gather3A_265, %broadcast_in_dim3A_250 : vector<16xf32>
      %add3A_268 = arith.addf %mul3A_266, %mul3A_267 : vector<16xf32>
      tpu.vector_store_idx %arg21[%add3A_5, %broadcast_in_dim3A_263], %add3A_268 : memref<64x256xf32, #tpu.memory_space<vmem>>[vector<16xi32>, vector<16xi32>], vector<16xf32>,
      %gather3A_269 = tpu.vector_load_idx %arg10[%add3A_8, %broadcast_in_dim3A_253] : memref<64x128xf32, #tpu.memory_space<vmem>>[vector<16xi32>, vector<16xi32>], vector<16xf32>,
      %gather3A_270 = tpu.vector_load_idx %arg16[%add3A_8, %broadcast_in_dim3A_256] : memref<64x128xf32, #tpu.memory_space<vmem>>[vector<16xi32>, vector<16xi32>], vector<16xf32>,
      %mul3A_271 = arith.mulf %gather3A_269, %broadcast_in_dim3A_245 : vector<16xf32>
      %mul3A_272 = arith.mulf %gather3A_270, %broadcast_in_dim3A_250 : vector<16xf32>
      %add3A_273 = arith.addf %mul3A_271, %mul3A_272 : vector<16xf32>
      tpu.vector_store_idx %arg21[%add3A_8, %broadcast_in_dim3A_263], %add3A_273 : memref<64x256xf32, #tpu.memory_space<vmem>>[vector<16xi32>, vector<16xi32>], vector<16xf32>,
      %gather3A_274 = tpu.vector_load_idx %arg10[%add3A_11, %broadcast_in_dim3A_253] : memref<64x128xf32, #tpu.memory_space<vmem>>[vector<16xi32>, vector<16xi32>], vector<16xf32>,
      %gather3A_275 = tpu.vector_load_idx %arg16[%add3A_11, %broadcast_in_dim3A_256] : memref<64x128xf32, #tpu.memory_space<vmem>>[vector<16xi32>, vector<16xi32>], vector<16xf32>,
      %mul3A_276 = arith.mulf %gather3A_274, %broadcast_in_dim3A_245 : vector<16xf32>
      %mul3A_277 = arith.mulf %gather3A_275, %broadcast_in_dim3A_250 : vector<16xf32>
      %add3A_278 = arith.addf %mul3A_276, %mul3A_277 : vector<16xf32>
      tpu.vector_store_idx %arg21[%add3A_11, %broadcast_in_dim3A_263], %add3A_278 : memref<64x256xf32, #tpu.memory_space<vmem>>[vector<16xi32>, vector<16xi32>], vector<16xf32>,
      %gather3A_279 = tpu.vector_load_idx %arg10[%add3A_14, %broadcast_in_dim3A_253] : memref<64x128xf32, #tpu.memory_space<vmem>>[vector<16xi32>, vector<16xi32>], vector<16xf32>,
      %gather3A_280 = tpu.vector_load_idx %arg16[%add3A_14, %broadcast_in_dim3A_256] : memref<64x128xf32, #tpu.memory_space<vmem>>[vector<16xi32>, vector<16xi32>], vector<16xf32>,
      %mul3A_281 = arith.mulf %gather3A_279, %broadcast_in_dim3A_245 : vector<16xf32>
      %mul3A_282 = arith.mulf %gather3A_280, %broadcast_in_dim3A_250 : vector<16xf32>
      %add3A_283 = arith.addf %mul3A_281, %mul3A_282 : vector<16xf32>
      tpu.vector_store_idx %arg21[%add3A_14, %broadcast_in_dim3A_263], %add3A_283 : memref<64x256xf32, #tpu.memory_space<vmem>>[vector<16xi32>, vector<16xi32>], vector<16xf32>,
      %dma_wait3A_284 = arith.constant 0 : i32
      %dma_wait3A_285 = tpu.memref_slice %arg4[%dma_wait3A_284, %mul3A_103] : memref<64x1000001xf32, #tpu.memory_space<hbm>> -> memref<64x128xf32, #tpu.memory_space<hbm>>
      %dma_wait3A_286 = arith.constant 0 : i32
      %dma_wait3A_287 = tpu.memref_slice %arg4[%dma_wait3A_286, %mul3A_103] : memref<64x1000001xf32, #tpu.memory_space<hbm>> -> memref<64x128xf32, #tpu.memory_space<hbm>>
      tpu.wait_dma2 semaphore(%arg22 : memref<!tpu.dma_semaphore, #tpu.memory_space<semaphore_mem>>) src(%dma_wait3A_287 : memref<64x128xf32, #tpu.memory_space<hbm>>) dst(%arg11 : memref<64x128xf32, #tpu.memory_space<vmem>>)
      %dma_wait3A_288 = arith.constant 0 : i32
      %dma_wait3A_289 = tpu.memref_slice %arg5[%dma_wait3A_288, %mul3A_111] : memref<64x1000001xf32, #tpu.memory_space<hbm>> -> memref<64x128xf32, #tpu.memory_space<hbm>>
      %dma_wait3A_290 = arith.constant 0 : i32
      %dma_wait3A_291 = tpu.memref_slice %arg5[%dma_wait3A_290, %mul3A_111] : memref<64x1000001xf32, #tpu.memory_space<hbm>> -> memref<64x128xf32, #tpu.memory_space<hbm>>
      tpu.wait_dma2 semaphore(%arg23 : memref<!tpu.dma_semaphore, #tpu.memory_space<semaphore_mem>>) src(%dma_wait3A_291 : memref<64x128xf32, #tpu.memory_space<hbm>>) dst(%arg17 : memref<64x128xf32, #tpu.memory_space<vmem>>)
      %slice3A_292 = vector.extract_strided_slice %min3A_37 {offsets = [7], sizes = [1], strides = [1]} : vector<16xi32> to vector<1xi32>
      %squeeze3A_293 = vector.extract %slice3A_292[0] : i32 from vector<1xi32>
      %mul3A_294 = arith.constant 128 : i32
      %mul3A_295 = arith.muli %squeeze3A_293, %mul3A_294 : i32
      %dma_start3A_296 = arith.constant 0 : i32
      %dma_start3A_297 = tpu.memref_slice %arg4[%dma_start3A_296, %mul3A_295] : memref<64x1000001xf32, #tpu.memory_space<hbm>> -> memref<64x128xf32, #tpu.memory_space<hbm>>
      %dma_start3A_298 = arith.constant 0 : i32
      %dma_start3A_299 = tpu.memref_slice %arg4[%dma_start3A_298, %mul3A_295] : memref<64x1000001xf32, #tpu.memory_space<hbm>> -> memref<64x128xf32, #tpu.memory_space<hbm>>
      tpu.enqueue_dma source(%dma_start3A_299 : memref<64x128xf32, #tpu.memory_space<hbm>>) target(%arg10 : memref<64x128xf32, #tpu.memory_space<vmem>>) target_semaphore(%arg22 : memref<!tpu.dma_semaphore, #tpu.memory_space<semaphore_mem>>)
      %slice3A_300 = vector.extract_strided_slice %min3A_49 {offsets = [7], sizes = [1], strides = [1]} : vector<16xi32> to vector<1xi32>
      %squeeze3A_301 = vector.extract %slice3A_300[0] : i32 from vector<1xi32>
      %mul3A_302 = arith.constant 128 : i32
      %mul3A_303 = arith.muli %squeeze3A_301, %mul3A_302 : i32
      %dma_start3A_304 = arith.constant 0 : i32
      %dma_start3A_305 = tpu.memref_slice %arg5[%dma_start3A_304, %mul3A_303] : memref<64x1000001xf32, #tpu.memory_space<hbm>> -> memref<64x128xf32, #tpu.memory_space<hbm>>
      %dma_start3A_306 = arith.constant 0 : i32
      %dma_start3A_307 = tpu.memref_slice %arg5[%dma_start3A_306, %mul3A_303] : memref<64x1000001xf32, #tpu.memory_space<hbm>> -> memref<64x128xf32, #tpu.memory_space<hbm>>
      tpu.enqueue_dma source(%dma_start3A_307 : memref<64x128xf32, #tpu.memory_space<hbm>>) target(%arg16 : memref<64x128xf32, #tpu.memory_space<vmem>>) target_semaphore(%arg23 : memref<!tpu.dma_semaphore, #tpu.memory_space<semaphore_mem>>)
      %slice3A_308 = vector.extract_strided_slice %sub3A {offsets = [2], sizes = [1], strides = [1]} : vector<16xi32> to vector<1xi32>
      %squeeze3A_309 = vector.extract %slice3A_308[0] : i32 from vector<1xi32>
      %slice3A_310 = vector.extract_strided_slice %sub3A_66 {offsets = [2], sizes = [1], strides = [1]} : vector<16xi32> to vector<1xi32>
      %squeeze3A_311 = vector.extract %slice3A_310[0] : i32 from vector<1xi32>
      %lt3A_312 = arith.constant 128 : i32
      %lt3A_313 = arith.cmpi slt, %squeeze3A_309, %lt3A_312 : i32
      %convert_element_type3A_314 = arith.extui %lt3A_313 : i1 to i32
      %convert_element_type3A_315 = arith.sitofp %convert_element_type3A_314 : i32 to f32
      %broadcast_in_dim3A_316 = vector.broadcast %convert_element_type3A_315 : f32 to vector<16xf32>
      %lt3A_317 = arith.constant 128 : i32
      %lt3A_318 = arith.cmpi slt, %squeeze3A_311, %lt3A_317 : i32
      %convert_element_type3A_319 = arith.extui %lt3A_318 : i1 to i32
      %convert_element_type3A_320 = arith.sitofp %convert_element_type3A_319 : i32 to f32
      %broadcast_in_dim3A_321 = vector.broadcast %convert_element_type3A_320 : f32 to vector<16xf32>
      %min3A_322 = arith.constant 127 : i32
      %min3A_323 = arith.minsi %squeeze3A_309, %min3A_322 : i32
      %broadcast_in_dim3A_324 = vector.broadcast %min3A_323 : i32 to vector<16xi32>
      %min3A_325 = arith.constant 127 : i32
      %min3A_326 = arith.minsi %squeeze3A_311, %min3A_325 : i32
      %broadcast_in_dim3A_327 = vector.broadcast %min3A_326 : i32 to vector<16xi32>
      %rem3A_328 = arith.constant 8 : i32
      %rem3A_329 = arith.remsi %scan3A_20, %rem3A_328 : i32
      %mul3A_330 = arith.constant 32 : i32
      %mul3A_331 = arith.muli %rem3A_329, %mul3A_330 : i32
      %add3A_332 = arith.constant 2 : i32
      %add3A_333 = arith.addi %mul3A_331, %add3A_332 : i32
      %broadcast_in_dim3A_334 = vector.broadcast %add3A_333 : i32 to vector<16xi32>
      %gather3A_335 = tpu.vector_load_idx %arg11[%add3A_5, %broadcast_in_dim3A_324] : memref<64x128xf32, #tpu.memory_space<vmem>>[vector<16xi32>, vector<16xi32>], vector<16xf32>,
      %gather3A_336 = tpu.vector_load_idx %arg17[%add3A_5, %broadcast_in_dim3A_327] : memref<64x128xf32, #tpu.memory_space<vmem>>[vector<16xi32>, vector<16xi32>], vector<16xf32>,
      %mul3A_337 = arith.mulf %gather3A_335, %broadcast_in_dim3A_316 : vector<16xf32>
      %mul3A_338 = arith.mulf %gather3A_336, %broadcast_in_dim3A_321 : vector<16xf32>
      %add3A_339 = arith.addf %mul3A_337, %mul3A_338 : vector<16xf32>
      tpu.vector_store_idx %arg21[%add3A_5, %broadcast_in_dim3A_334], %add3A_339 : memref<64x256xf32, #tpu.memory_space<vmem>>[vector<16xi32>, vector<16xi32>], vector<16xf32>,
      %gather3A_340 = tpu.vector_load_idx %arg11[%add3A_8, %broadcast_in_dim3A_324] : memref<64x128xf32, #tpu.memory_space<vmem>>[vector<16xi32>, vector<16xi32>], vector<16xf32>,
      %gather3A_341 = tpu.vector_load_idx %arg17[%add3A_8, %broadcast_in_dim3A_327] : memref<64x128xf32, #tpu.memory_space<vmem>>[vector<16xi32>, vector<16xi32>], vector<16xf32>,
      %mul3A_342 = arith.mulf %gather3A_340, %broadcast_in_dim3A_316 : vector<16xf32>
      %mul3A_343 = arith.mulf %gather3A_341, %broadcast_in_dim3A_321 : vector<16xf32>
      %add3A_344 = arith.addf %mul3A_342, %mul3A_343 : vector<16xf32>
      tpu.vector_store_idx %arg21[%add3A_8, %broadcast_in_dim3A_334], %add3A_344 : memref<64x256xf32, #tpu.memory_space<vmem>>[vector<16xi32>, vector<16xi32>], vector<16xf32>,
      %gather3A_345 = tpu.vector_load_idx %arg11[%add3A_11, %broadcast_in_dim3A_324] : memref<64x128xf32, #tpu.memory_space<vmem>>[vector<16xi32>, vector<16xi32>], vector<16xf32>,
      %gather3A_346 = tpu.vector_load_idx %arg17[%add3A_11, %broadcast_in_dim3A_327] : memref<64x128xf32, #tpu.memory_space<vmem>>[vector<16xi32>, vector<16xi32>], vector<16xf32>,
      %mul3A_347 = arith.mulf %gather3A_345, %broadcast_in_dim3A_316 : vector<16xf32>
      %mul3A_348 = arith.mulf %gather3A_346, %broadcast_in_dim3A_321 : vector<16xf32>
      %add3A_349 = arith.addf %mul3A_347, %mul3A_348 : vector<16xf32>
      tpu.vector_store_idx %arg21[%add3A_11, %broadcast_in_dim3A_334], %add3A_349 : memref<64x256xf32, #tpu.memory_space<vmem>>[vector<16xi32>, vector<16xi32>], vector<16xf32>,
      %gather3A_350 = tpu.vector_load_idx %arg11[%add3A_14, %broadcast_in_dim3A_324] : memref<64x128xf32, #tpu.memory_space<vmem>>[vector<16xi32>, vector<16xi32>], vector<16xf32>,
      %gather3A_351 = tpu.vector_load_idx %arg17[%add3A_14, %broadcast_in_dim3A_327] : memref<64x128xf32, #tpu.memory_space<vmem>>[vector<16xi32>, vector<16xi32>], vector<16xf32>,
      %mul3A_352 = arith.mulf %gather3A_350, %broadcast_in_dim3A_316 : vector<16xf32>
      %mul3A_353 = arith.mulf %gather3A_351, %broadcast_in_dim3A_321 : vector<16xf32>
      %add3A_354 = arith.addf %mul3A_352, %mul3A_353 : vector<16xf32>
      tpu.vector_store_idx %arg21[%add3A_14, %broadcast_in_dim3A_334], %add3A_354 : memref<64x256xf32, #tpu.memory_space<vmem>>[vector<16xi32>, vector<16xi32>], vector<16xf32>,
      %dma_wait3A_355 = arith.constant 0 : i32
      %dma_wait3A_356 = tpu.memref_slice %arg4[%dma_wait3A_355, %mul3A_119] : memref<64x1000001xf32, #tpu.memory_space<hbm>> -> memref<64x128xf32, #tpu.memory_space<hbm>>
      %dma_wait3A_357 = arith.constant 0 : i32
      %dma_wait3A_358 = tpu.memref_slice %arg4[%dma_wait3A_357, %mul3A_119] : memref<64x1000001xf32, #tpu.memory_space<hbm>> -> memref<64x128xf32, #tpu.memory_space<hbm>>
      tpu.wait_dma2 semaphore(%arg22 : memref<!tpu.dma_semaphore, #tpu.memory_space<semaphore_mem>>) src(%dma_wait3A_358 : memref<64x128xf32, #tpu.memory_space<hbm>>) dst(%arg12 : memref<64x128xf32, #tpu.memory_space<vmem>>)
      %dma_wait3A_359 = arith.constant 0 : i32
      %dma_wait3A_360 = tpu.memref_slice %arg5[%dma_wait3A_359, %mul3A_127] : memref<64x1000001xf32, #tpu.memory_space<hbm>> -> memref<64x128xf32, #tpu.memory_space<hbm>>
      %dma_wait3A_361 = arith.constant 0 : i32
      %dma_wait3A_362 = tpu.memref_slice %arg5[%dma_wait3A_361, %mul3A_127] : memref<64x1000001xf32, #tpu.memory_space<hbm>> -> memref<64x128xf32, #tpu.memory_space<hbm>>
      tpu.wait_dma2 semaphore(%arg23 : memref<!tpu.dma_semaphore, #tpu.memory_space<semaphore_mem>>) src(%dma_wait3A_362 : memref<64x128xf32, #tpu.memory_space<hbm>>) dst(%arg18 : memref<64x128xf32, #tpu.memory_space<vmem>>)
      %slice3A_363 = vector.extract_strided_slice %min3A_37 {offsets = [8], sizes = [1], strides = [1]} : vector<16xi32> to vector<1xi32>
      %squeeze3A_364 = vector.extract %slice3A_363[0] : i32 from vector<1xi32>
      %mul3A_365 = arith.constant 128 : i32
      %mul3A_366 = arith.muli %squeeze3A_364, %mul3A_365 : i32
      %dma_start3A_367 = arith.constant 0 : i32
      %dma_start3A_368 = tpu.memref_slice %arg4[%dma_start3A_367, %mul3A_366] : memref<64x1000001xf32, #tpu.memory_space<hbm>> -> memref<64x128xf32, #tpu.memory_space<hbm>>
      %dma_start3A_369 = arith.constant 0 : i32
      %dma_start3A_370 = tpu.memref_slice %arg4[%dma_start3A_369, %mul3A_366] : memref<64x1000001xf32, #tpu.memory_space<hbm>> -> memref<64x128xf32, #tpu.memory_space<hbm>>
      tpu.enqueue_dma source(%dma_start3A_370 : memref<64x128xf32, #tpu.memory_space<hbm>>) target(%arg11 : memref<64x128xf32, #tpu.memory_space<vmem>>) target_semaphore(%arg22 : memref<!tpu.dma_semaphore, #tpu.memory_space<semaphore_mem>>)
      %slice3A_371 = vector.extract_strided_slice %min3A_49 {offsets = [8], sizes = [1], strides = [1]} : vector<16xi32> to vector<1xi32>
      %squeeze3A_372 = vector.extract %slice3A_371[0] : i32 from vector<1xi32>
      %mul3A_373 = arith.constant 128 : i32
      %mul3A_374 = arith.muli %squeeze3A_372, %mul3A_373 : i32
      %dma_start3A_375 = arith.constant 0 : i32
      %dma_start3A_376 = tpu.memref_slice %arg5[%dma_start3A_375, %mul3A_374] : memref<64x1000001xf32, #tpu.memory_space<hbm>> -> memref<64x128xf32, #tpu.memory_space<hbm>>
      %dma_start3A_377 = arith.constant 0 : i32
      %dma_start3A_378 = tpu.memref_slice %arg5[%dma_start3A_377, %mul3A_374] : memref<64x1000001xf32, #tpu.memory_space<hbm>> -> memref<64x128xf32, #tpu.memory_space<hbm>>
      tpu.enqueue_dma source(%dma_start3A_378 : memref<64x128xf32, #tpu.memory_space<hbm>>) target(%arg17 : memref<64x128xf32, #tpu.memory_space<vmem>>) target_semaphore(%arg23 : memref<!tpu.dma_semaphore, #tpu.memory_space<semaphore_mem>>)
      %slice3A_379 = vector.extract_strided_slice %sub3A {offsets = [3], sizes = [1], strides = [1]} : vector<16xi32> to vector<1xi32>
      %squeeze3A_380 = vector.extract %slice3A_379[0] : i32 from vector<1xi32>
      %slice3A_381 = vector.extract_strided_slice %sub3A_66 {offsets = [3], sizes = [1], strides = [1]} : vector<16xi32> to vector<1xi32>
      %squeeze3A_382 = vector.extract %slice3A_381[0] : i32 from vector<1xi32>
      %lt3A_383 = arith.constant 128 : i32
      %lt3A_384 = arith.cmpi slt, %squeeze3A_380, %lt3A_383 : i32
      %convert_element_type3A_385 = arith.extui %lt3A_384 : i1 to i32
      %convert_element_type3A_386 = arith.sitofp %convert_element_type3A_385 : i32 to f32
      %broadcast_in_dim3A_387 = vector.broadcast %convert_element_type3A_386 : f32 to vector<16xf32>
      %lt3A_388 = arith.constant 128 : i32
      %lt3A_389 = arith.cmpi slt, %squeeze3A_382, %lt3A_388 : i32
      %convert_element_type3A_390 = arith.extui %lt3A_389 : i1 to i32
      %convert_element_type3A_391 = arith.sitofp %convert_element_type3A_390 : i32 to f32
      %broadcast_in_dim3A_392 = vector.broadcast %convert_element_type3A_391 : f32 to vector<16xf32>
      %min3A_393 = arith.constant 127 : i32
      %min3A_394 = arith.minsi %squeeze3A_380, %min3A_393 : i32
      %broadcast_in_dim3A_395 = vector.broadcast %min3A_394 : i32 to vector<16xi32>
      %min3A_396 = arith.constant 127 : i32
      %min3A_397 = arith.minsi %squeeze3A_382, %min3A_396 : i32
      %broadcast_in_dim3A_398 = vector.broadcast %min3A_397 : i32 to vector<16xi32>
      %rem3A_399 = arith.constant 8 : i32
      %rem3A_400 = arith.remsi %scan3A_20, %rem3A_399 : i32
      %mul3A_401 = arith.constant 32 : i32
      %mul3A_402 = arith.muli %rem3A_400, %mul3A_401 : i32
      %add3A_403 = arith.constant 3 : i32
      %add3A_404 = arith.addi %mul3A_402, %add3A_403 : i32
      %broadcast_in_dim3A_405 = vector.broadcast %add3A_404 : i32 to vector<16xi32>
      %gather3A_406 = tpu.vector_load_idx %arg12[%add3A_5, %broadcast_in_dim3A_395] : memref<64x128xf32, #tpu.memory_space<vmem>>[vector<16xi32>, vector<16xi32>], vector<16xf32>,
      %gather3A_407 = tpu.vector_load_idx %arg18[%add3A_5, %broadcast_in_dim3A_398] : memref<64x128xf32, #tpu.memory_space<vmem>>[vector<16xi32>, vector<16xi32>], vector<16xf32>,
      %mul3A_408 = arith.mulf %gather3A_406, %broadcast_in_dim3A_387 : vector<16xf32>
      %mul3A_409 = arith.mulf %gather3A_407, %broadcast_in_dim3A_392 : vector<16xf32>
      %add3A_410 = arith.addf %mul3A_408, %mul3A_409 : vector<16xf32>
      tpu.vector_store_idx %arg21[%add3A_5, %broadcast_in_dim3A_405], %add3A_410 : memref<64x256xf32, #tpu.memory_space<vmem>>[vector<16xi32>, vector<16xi32>], vector<16xf32>,
      %gather3A_411 = tpu.vector_load_idx %arg12[%add3A_8, %broadcast_in_dim3A_395] : memref<64x128xf32, #tpu.memory_space<vmem>>[vector<16xi32>, vector<16xi32>], vector<16xf32>,
      %gather3A_412 = tpu.vector_load_idx %arg18[%add3A_8, %broadcast_in_dim3A_398] : memref<64x128xf32, #tpu.memory_space<vmem>>[vector<16xi32>, vector<16xi32>], vector<16xf32>,
      %mul3A_413 = arith.mulf %gather3A_411, %broadcast_in_dim3A_387 : vector<16xf32>
      %mul3A_414 = arith.mulf %gather3A_412, %broadcast_in_dim3A_392 : vector<16xf32>
      %add3A_415 = arith.addf %mul3A_413, %mul3A_414 : vector<16xf32>
      tpu.vector_store_idx %arg21[%add3A_8, %broadcast_in_dim3A_405], %add3A_415 : memref<64x256xf32, #tpu.memory_space<vmem>>[vector<16xi32>, vector<16xi32>], vector<16xf32>,
      %gather3A_416 = tpu.vector_load_idx %arg12[%add3A_11, %broadcast_in_dim3A_395] : memref<64x128xf32, #tpu.memory_space<vmem>>[vector<16xi32>, vector<16xi32>], vector<16xf32>,
      %gather3A_417 = tpu.vector_load_idx %arg18[%add3A_11, %broadcast_in_dim3A_398] : memref<64x128xf32, #tpu.memory_space<vmem>>[vector<16xi32>, vector<16xi32>], vector<16xf32>,
      %mul3A_418 = arith.mulf %gather3A_416, %broadcast_in_dim3A_387 : vector<16xf32>
      %mul3A_419 = arith.mulf %gather3A_417, %broadcast_in_dim3A_392 : vector<16xf32>
      %add3A_420 = arith.addf %mul3A_418, %mul3A_419 : vector<16xf32>
      tpu.vector_store_idx %arg21[%add3A_11, %broadcast_in_dim3A_405], %add3A_420 : memref<64x256xf32, #tpu.memory_space<vmem>>[vector<16xi32>, vector<16xi32>], vector<16xf32>,
      %gather3A_421 = tpu.vector_load_idx %arg12[%add3A_14, %broadcast_in_dim3A_395] : memref<64x128xf32, #tpu.memory_space<vmem>>[vector<16xi32>, vector<16xi32>], vector<16xf32>,
      %gather3A_422 = tpu.vector_load_idx %arg18[%add3A_14, %broadcast_in_dim3A_398] : memref<64x128xf32, #tpu.memory_space<vmem>>[vector<16xi32>, vector<16xi32>], vector<16xf32>,
      %mul3A_423 = arith.mulf %gather3A_421, %broadcast_in_dim3A_387 : vector<16xf32>
      %mul3A_424 = arith.mulf %gather3A_422, %broadcast_in_dim3A_392 : vector<16xf32>
      %add3A_425 = arith.addf %mul3A_423, %mul3A_424 : vector<16xf32>
      tpu.vector_store_idx %arg21[%add3A_14, %broadcast_in_dim3A_405], %add3A_425 : memref<64x256xf32, #tpu.memory_space<vmem>>[vector<16xi32>, vector<16xi32>], vector<16xf32>,
      %dma_wait3A_426 = arith.constant 0 : i32
      %dma_wait3A_427 = tpu.memref_slice %arg4[%dma_wait3A_426, %mul3A_135] : memref<64x1000001xf32, #tpu.memory_space<hbm>> -> memref<64x128xf32, #tpu.memory_space<hbm>>
      %dma_wait3A_428 = arith.constant 0 : i32
      %dma_wait3A_429 = tpu.memref_slice %arg4[%dma_wait3A_428, %mul3A_135] : memref<64x1000001xf32, #tpu.memory_space<hbm>> -> memref<64x128xf32, #tpu.memory_space<hbm>>
      tpu.wait_dma2 semaphore(%arg22 : memref<!tpu.dma_semaphore, #tpu.memory_space<semaphore_mem>>) src(%dma_wait3A_429 : memref<64x128xf32, #tpu.memory_space<hbm>>) dst(%arg13 : memref<64x128xf32, #tpu.memory_space<vmem>>)
      %dma_wait3A_430 = arith.constant 0 : i32
      %dma_wait3A_431 = tpu.memref_slice %arg5[%dma_wait3A_430, %mul3A_143] : memref<64x1000001xf32, #tpu.memory_space<hbm>> -> memref<64x128xf32, #tpu.memory_space<hbm>>
      %dma_wait3A_432 = arith.constant 0 : i32
      %dma_wait3A_433 = tpu.memref_slice %arg5[%dma_wait3A_432, %mul3A_143] : memref<64x1000001xf32, #tpu.memory_space<hbm>> -> memref<64x128xf32, #tpu.memory_space<hbm>>
      tpu.wait_dma2 semaphore(%arg23 : memref<!tpu.dma_semaphore, #tpu.memory_space<semaphore_mem>>) src(%dma_wait3A_433 : memref<64x128xf32, #tpu.memory_space<hbm>>) dst(%arg19 : memref<64x128xf32, #tpu.memory_space<vmem>>)
      %slice3A_434 = vector.extract_strided_slice %min3A_37 {offsets = [9], sizes = [1], strides = [1]} : vector<16xi32> to vector<1xi32>
      %squeeze3A_435 = vector.extract %slice3A_434[0] : i32 from vector<1xi32>
      %mul3A_436 = arith.constant 128 : i32
      %mul3A_437 = arith.muli %squeeze3A_435, %mul3A_436 : i32
      %dma_start3A_438 = arith.constant 0 : i32
      %dma_start3A_439 = tpu.memref_slice %arg4[%dma_start3A_438, %mul3A_437] : memref<64x1000001xf32, #tpu.memory_space<hbm>> -> memref<64x128xf32, #tpu.memory_space<hbm>>
      %dma_start3A_440 = arith.constant 0 : i32
      %dma_start3A_441 = tpu.memref_slice %arg4[%dma_start3A_440, %mul3A_437] : memref<64x1000001xf32, #tpu.memory_space<hbm>> -> memref<64x128xf32, #tpu.memory_space<hbm>>
      tpu.enqueue_dma source(%dma_start3A_441 : memref<64x128xf32, #tpu.memory_space<hbm>>) target(%arg12 : memref<64x128xf32, #tpu.memory_space<vmem>>) target_semaphore(%arg22 : memref<!tpu.dma_semaphore, #tpu.memory_space<semaphore_mem>>)
      %slice3A_442 = vector.extract_strided_slice %min3A_49 {offsets = [9], sizes = [1], strides = [1]} : vector<16xi32> to vector<1xi32>
      %squeeze3A_443 = vector.extract %slice3A_442[0] : i32 from vector<1xi32>
      %mul3A_444 = arith.constant 128 : i32
      %mul3A_445 = arith.muli %squeeze3A_443, %mul3A_444 : i32
      %dma_start3A_446 = arith.constant 0 : i32
      %dma_start3A_447 = tpu.memref_slice %arg5[%dma_start3A_446, %mul3A_445] : memref<64x1000001xf32, #tpu.memory_space<hbm>> -> memref<64x128xf32, #tpu.memory_space<hbm>>
      %dma_start3A_448 = arith.constant 0 : i32
      %dma_start3A_449 = tpu.memref_slice %arg5[%dma_start3A_448, %mul3A_445] : memref<64x1000001xf32, #tpu.memory_space<hbm>> -> memref<64x128xf32, #tpu.memory_space<hbm>>
      tpu.enqueue_dma source(%dma_start3A_449 : memref<64x128xf32, #tpu.memory_space<hbm>>) target(%arg18 : memref<64x128xf32, #tpu.memory_space<vmem>>) target_semaphore(%arg23 : memref<!tpu.dma_semaphore, #tpu.memory_space<semaphore_mem>>)
      %slice3A_450 = vector.extract_strided_slice %sub3A {offsets = [4], sizes = [1], strides = [1]} : vector<16xi32> to vector<1xi32>
      %squeeze3A_451 = vector.extract %slice3A_450[0] : i32 from vector<1xi32>
      %slice3A_452 = vector.extract_strided_slice %sub3A_66 {offsets = [4], sizes = [1], strides = [1]} : vector<16xi32> to vector<1xi32>
      %squeeze3A_453 = vector.extract %slice3A_452[0] : i32 from vector<1xi32>
      %lt3A_454 = arith.constant 128 : i32
      %lt3A_455 = arith.cmpi slt, %squeeze3A_451, %lt3A_454 : i32
      %convert_element_type3A_456 = arith.extui %lt3A_455 : i1 to i32
      %convert_element_type3A_457 = arith.sitofp %convert_element_type3A_456 : i32 to f32
      %broadcast_in_dim3A_458 = vector.broadcast %convert_element_type3A_457 : f32 to vector<16xf32>
      %lt3A_459 = arith.constant 128 : i32
      %lt3A_460 = arith.cmpi slt, %squeeze3A_453, %lt3A_459 : i32
      %convert_element_type3A_461 = arith.extui %lt3A_460 : i1 to i32
      %convert_element_type3A_462 = arith.sitofp %convert_element_type3A_461 : i32 to f32
      %broadcast_in_dim3A_463 = vector.broadcast %convert_element_type3A_462 : f32 to vector<16xf32>
      %min3A_464 = arith.constant 127 : i32
      %min3A_465 = arith.minsi %squeeze3A_451, %min3A_464 : i32
      %broadcast_in_dim3A_466 = vector.broadcast %min3A_465 : i32 to vector<16xi32>
      %min3A_467 = arith.constant 127 : i32
      %min3A_468 = arith.minsi %squeeze3A_453, %min3A_467 : i32
      %broadcast_in_dim3A_469 = vector.broadcast %min3A_468 : i32 to vector<16xi32>
      %rem3A_470 = arith.constant 8 : i32
      %rem3A_471 = arith.remsi %scan3A_20, %rem3A_470 : i32
      %mul3A_472 = arith.constant 32 : i32
      %mul3A_473 = arith.muli %rem3A_471, %mul3A_472 : i32
      %add3A_474 = arith.constant 4 : i32
      %add3A_475 = arith.addi %mul3A_473, %add3A_474 : i32
      %broadcast_in_dim3A_476 = vector.broadcast %add3A_475 : i32 to vector<16xi32>
      %gather3A_477 = tpu.vector_load_idx %arg13[%add3A_5, %broadcast_in_dim3A_466] : memref<64x128xf32, #tpu.memory_space<vmem>>[vector<16xi32>, vector<16xi32>], vector<16xf32>,
      %gather3A_478 = tpu.vector_load_idx %arg19[%add3A_5, %broadcast_in_dim3A_469] : memref<64x128xf32, #tpu.memory_space<vmem>>[vector<16xi32>, vector<16xi32>], vector<16xf32>,
      %mul3A_479 = arith.mulf %gather3A_477, %broadcast_in_dim3A_458 : vector<16xf32>
      %mul3A_480 = arith.mulf %gather3A_478, %broadcast_in_dim3A_463 : vector<16xf32>
      %add3A_481 = arith.addf %mul3A_479, %mul3A_480 : vector<16xf32>
      tpu.vector_store_idx %arg21[%add3A_5, %broadcast_in_dim3A_476], %add3A_481 : memref<64x256xf32, #tpu.memory_space<vmem>>[vector<16xi32>, vector<16xi32>], vector<16xf32>,
      %gather3A_482 = tpu.vector_load_idx %arg13[%add3A_8, %broadcast_in_dim3A_466] : memref<64x128xf32, #tpu.memory_space<vmem>>[vector<16xi32>, vector<16xi32>], vector<16xf32>,
      %gather3A_483 = tpu.vector_load_idx %arg19[%add3A_8, %broadcast_in_dim3A_469] : memref<64x128xf32, #tpu.memory_space<vmem>>[vector<16xi32>, vector<16xi32>], vector<16xf32>,
      %mul3A_484 = arith.mulf %gather3A_482, %broadcast_in_dim3A_458 : vector<16xf32>
      %mul3A_485 = arith.mulf %gather3A_483, %broadcast_in_dim3A_463 : vector<16xf32>
      %add3A_486 = arith.addf %mul3A_484, %mul3A_485 : vector<16xf32>
      tpu.vector_store_idx %arg21[%add3A_8, %broadcast_in_dim3A_476], %add3A_486 : memref<64x256xf32, #tpu.memory_space<vmem>>[vector<16xi32>, vector<16xi32>], vector<16xf32>,
      %gather3A_487 = tpu.vector_load_idx %arg13[%add3A_11, %broadcast_in_dim3A_466] : memref<64x128xf32, #tpu.memory_space<vmem>>[vector<16xi32>, vector<16xi32>], vector<16xf32>,
      %gather3A_488 = tpu.vector_load_idx %arg19[%add3A_11, %broadcast_in_dim3A_469] : memref<64x128xf32, #tpu.memory_space<vmem>>[vector<16xi32>, vector<16xi32>], vector<16xf32>,
      %mul3A_489 = arith.mulf %gather3A_487, %broadcast_in_dim3A_458 : vector<16xf32>
      %mul3A_490 = arith.mulf %gather3A_488, %broadcast_in_dim3A_463 : vector<16xf32>
      %add3A_491 = arith.addf %mul3A_489, %mul3A_490 : vector<16xf32>
      tpu.vector_store_idx %arg21[%add3A_11, %broadcast_in_dim3A_476], %add3A_491 : memref<64x256xf32, #tpu.memory_space<vmem>>[vector<16xi32>, vector<16xi32>], vector<16xf32>,
      %gather3A_492 = tpu.vector_load_idx %arg13[%add3A_14, %broadcast_in_dim3A_466] : memref<64x128xf32, #tpu.memory_space<vmem>>[vector<16xi32>, vector<16xi32>], vector<16xf32>,
      %gather3A_493 = tpu.vector_load_idx %arg19[%add3A_14, %broadcast_in_dim3A_469] : memref<64x128xf32, #tpu.memory_space<vmem>>[vector<16xi32>, vector<16xi32>], vector<16xf32>,
      %mul3A_494 = arith.mulf %gather3A_492, %broadcast_in_dim3A_458 : vector<16xf32>
      %mul3A_495 = arith.mulf %gather3A_493, %broadcast_in_dim3A_463 : vector<16xf32>
      %add3A_496 = arith.addf %mul3A_494, %mul3A_495 : vector<16xf32>
      tpu.vector_store_idx %arg21[%add3A_14, %broadcast_in_dim3A_476], %add3A_496 : memref<64x256xf32, #tpu.memory_space<vmem>>[vector<16xi32>, vector<16xi32>], vector<16xf32>,
      %dma_wait3A_497 = arith.constant 0 : i32
      %dma_wait3A_498 = tpu.memref_slice %arg4[%dma_wait3A_497, %mul3A_158] : memref<64x1000001xf32, #tpu.memory_space<hbm>> -> memref<64x128xf32, #tpu.memory_space<hbm>>
      %dma_wait3A_499 = arith.constant 0 : i32
      %dma_wait3A_500 = tpu.memref_slice %arg4[%dma_wait3A_499, %mul3A_158] : memref<64x1000001xf32, #tpu.memory_space<hbm>> -> memref<64x128xf32, #tpu.memory_space<hbm>>
      tpu.wait_dma2 semaphore(%arg22 : memref<!tpu.dma_semaphore, #tpu.memory_space<semaphore_mem>>) src(%dma_wait3A_500 : memref<64x128xf32, #tpu.memory_space<hbm>>) dst(%arg14 : memref<64x128xf32, #tpu.memory_space<vmem>>)
      %dma_wait3A_501 = arith.constant 0 : i32
      %dma_wait3A_502 = tpu.memref_slice %arg5[%dma_wait3A_501, %mul3A_166] : memref<64x1000001xf32, #tpu.memory_space<hbm>> -> memref<64x128xf32, #tpu.memory_space<hbm>>
      %dma_wait3A_503 = arith.constant 0 : i32
      %dma_wait3A_504 = tpu.memref_slice %arg5[%dma_wait3A_503, %mul3A_166] : memref<64x1000001xf32, #tpu.memory_space<hbm>> -> memref<64x128xf32, #tpu.memory_space<hbm>>
      tpu.wait_dma2 semaphore(%arg23 : memref<!tpu.dma_semaphore, #tpu.memory_space<semaphore_mem>>) src(%dma_wait3A_504 : memref<64x128xf32, #tpu.memory_space<hbm>>) dst(%arg20 : memref<64x128xf32, #tpu.memory_space<vmem>>)
      %slice3A_505 = vector.extract_strided_slice %min3A_37 {offsets = [10], sizes = [1], strides = [1]} : vector<16xi32> to vector<1xi32>
      %squeeze3A_506 = vector.extract %slice3A_505[0] : i32 from vector<1xi32>
      %mul3A_507 = arith.constant 128 : i32
      %mul3A_508 = arith.muli %squeeze3A_506, %mul3A_507 : i32
      %dma_start3A_509 = arith.constant 0 : i32
      %dma_start3A_510 = tpu.memref_slice %arg4[%dma_start3A_509, %mul3A_508] : memref<64x1000001xf32, #tpu.memory_space<hbm>> -> memref<64x128xf32, #tpu.memory_space<hbm>>
      %dma_start3A_511 = arith.constant 0 : i32
      %dma_start3A_512 = tpu.memref_slice %arg4[%dma_start3A_511, %mul3A_508] : memref<64x1000001xf32, #tpu.memory_space<hbm>> -> memref<64x128xf32, #tpu.memory_space<hbm>>
      tpu.enqueue_dma source(%dma_start3A_512 : memref<64x128xf32, #tpu.memory_space<hbm>>) target(%arg13 : memref<64x128xf32, #tpu.memory_space<vmem>>) target_semaphore(%arg22 : memref<!tpu.dma_semaphore, #tpu.memory_space<semaphore_mem>>)
      %slice3A_513 = vector.extract_strided_slice %min3A_49 {offsets = [10], sizes = [1], strides = [1]} : vector<16xi32> to vector<1xi32>
      %squeeze3A_514 = vector.extract %slice3A_513[0] : i32 from vector<1xi32>
      %mul3A_515 = arith.constant 128 : i32
      %mul3A_516 = arith.muli %squeeze3A_514, %mul3A_515 : i32
      %dma_start3A_517 = arith.constant 0 : i32
      %dma_start3A_518 = tpu.memref_slice %arg5[%dma_start3A_517, %mul3A_516] : memref<64x1000001xf32, #tpu.memory_space<hbm>> -> memref<64x128xf32, #tpu.memory_space<hbm>>
      %dma_start3A_519 = arith.constant 0 : i32
      %dma_start3A_520 = tpu.memref_slice %arg5[%dma_start3A_519, %mul3A_516] : memref<64x1000001xf32, #tpu.memory_space<hbm>> -> memref<64x128xf32, #tpu.memory_space<hbm>>
      tpu.enqueue_dma source(%dma_start3A_520 : memref<64x128xf32, #tpu.memory_space<hbm>>) target(%arg19 : memref<64x128xf32, #tpu.memory_space<vmem>>) target_semaphore(%arg23 : memref<!tpu.dma_semaphore, #tpu.memory_space<semaphore_mem>>)
      %slice3A_521 = vector.extract_strided_slice %sub3A {offsets = [5], sizes = [1], strides = [1]} : vector<16xi32> to vector<1xi32>
      %squeeze3A_522 = vector.extract %slice3A_521[0] : i32 from vector<1xi32>
      %slice3A_523 = vector.extract_strided_slice %sub3A_66 {offsets = [5], sizes = [1], strides = [1]} : vector<16xi32> to vector<1xi32>
      %squeeze3A_524 = vector.extract %slice3A_523[0] : i32 from vector<1xi32>
      %lt3A_525 = arith.constant 128 : i32
      %lt3A_526 = arith.cmpi slt, %squeeze3A_522, %lt3A_525 : i32
      %convert_element_type3A_527 = arith.extui %lt3A_526 : i1 to i32
      %convert_element_type3A_528 = arith.sitofp %convert_element_type3A_527 : i32 to f32
      %broadcast_in_dim3A_529 = vector.broadcast %convert_element_type3A_528 : f32 to vector<16xf32>
      %lt3A_530 = arith.constant 128 : i32
      %lt3A_531 = arith.cmpi slt, %squeeze3A_524, %lt3A_530 : i32
      %convert_element_type3A_532 = arith.extui %lt3A_531 : i1 to i32
      %convert_element_type3A_533 = arith.sitofp %convert_element_type3A_532 : i32 to f32
      %broadcast_in_dim3A_534 = vector.broadcast %convert_element_type3A_533 : f32 to vector<16xf32>
      %min3A_535 = arith.constant 127 : i32
      %min3A_536 = arith.minsi %squeeze3A_522, %min3A_535 : i32
      %broadcast_in_dim3A_537 = vector.broadcast %min3A_536 : i32 to vector<16xi32>
      %min3A_538 = arith.constant 127 : i32
      %min3A_539 = arith.minsi %squeeze3A_524, %min3A_538 : i32
      %broadcast_in_dim3A_540 = vector.broadcast %min3A_539 : i32 to vector<16xi32>
      %rem3A_541 = arith.constant 8 : i32
      %rem3A_542 = arith.remsi %scan3A_20, %rem3A_541 : i32
      %mul3A_543 = arith.constant 32 : i32
      %mul3A_544 = arith.muli %rem3A_542, %mul3A_543 : i32
      %add3A_545 = arith.constant 5 : i32
      %add3A_546 = arith.addi %mul3A_544, %add3A_545 : i32
      %broadcast_in_dim3A_547 = vector.broadcast %add3A_546 : i32 to vector<16xi32>
      %gather3A_548 = tpu.vector_load_idx %arg14[%add3A_5, %broadcast_in_dim3A_537] : memref<64x128xf32, #tpu.memory_space<vmem>>[vector<16xi32>, vector<16xi32>], vector<16xf32>,
      %gather3A_549 = tpu.vector_load_idx %arg20[%add3A_5, %broadcast_in_dim3A_540] : memref<64x128xf32, #tpu.memory_space<vmem>>[vector<16xi32>, vector<16xi32>], vector<16xf32>,
      %mul3A_550 = arith.mulf %gather3A_548, %broadcast_in_dim3A_529 : vector<16xf32>
      %mul3A_551 = arith.mulf %gather3A_549, %broadcast_in_dim3A_534 : vector<16xf32>
      %add3A_552 = arith.addf %mul3A_550, %mul3A_551 : vector<16xf32>
      tpu.vector_store_idx %arg21[%add3A_5, %broadcast_in_dim3A_547], %add3A_552 : memref<64x256xf32, #tpu.memory_space<vmem>>[vector<16xi32>, vector<16xi32>], vector<16xf32>,
      %gather3A_553 = tpu.vector_load_idx %arg14[%add3A_8, %broadcast_in_dim3A_537] : memref<64x128xf32, #tpu.memory_space<vmem>>[vector<16xi32>, vector<16xi32>], vector<16xf32>,
      %gather3A_554 = tpu.vector_load_idx %arg20[%add3A_8, %broadcast_in_dim3A_540] : memref<64x128xf32, #tpu.memory_space<vmem>>[vector<16xi32>, vector<16xi32>], vector<16xf32>,
      %mul3A_555 = arith.mulf %gather3A_553, %broadcast_in_dim3A_529 : vector<16xf32>
      %mul3A_556 = arith.mulf %gather3A_554, %broadcast_in_dim3A_534 : vector<16xf32>
      %add3A_557 = arith.addf %mul3A_555, %mul3A_556 : vector<16xf32>
      tpu.vector_store_idx %arg21[%add3A_8, %broadcast_in_dim3A_547], %add3A_557 : memref<64x256xf32, #tpu.memory_space<vmem>>[vector<16xi32>, vector<16xi32>], vector<16xf32>,
      %gather3A_558 = tpu.vector_load_idx %arg14[%add3A_11, %broadcast_in_dim3A_537] : memref<64x128xf32, #tpu.memory_space<vmem>>[vector<16xi32>, vector<16xi32>], vector<16xf32>,
      %gather3A_559 = tpu.vector_load_idx %arg20[%add3A_11, %broadcast_in_dim3A_540] : memref<64x128xf32, #tpu.memory_space<vmem>>[vector<16xi32>, vector<16xi32>], vector<16xf32>,
      %mul3A_560 = arith.mulf %gather3A_558, %broadcast_in_dim3A_529 : vector<16xf32>
      %mul3A_561 = arith.mulf %gather3A_559, %broadcast_in_dim3A_534 : vector<16xf32>
      %add3A_562 = arith.addf %mul3A_560, %mul3A_561 : vector<16xf32>
      tpu.vector_store_idx %arg21[%add3A_11, %broadcast_in_dim3A_547], %add3A_562 : memref<64x256xf32, #tpu.memory_space<vmem>>[vector<16xi32>, vector<16xi32>], vector<16xf32>,
      %gather3A_563 = tpu.vector_load_idx %arg14[%add3A_14, %broadcast_in_dim3A_537] : memref<64x128xf32, #tpu.memory_space<vmem>>[vector<16xi32>, vector<16xi32>], vector<16xf32>,
      %gather3A_564 = tpu.vector_load_idx %arg20[%add3A_14, %broadcast_in_dim3A_540] : memref<64x128xf32, #tpu.memory_space<vmem>>[vector<16xi32>, vector<16xi32>], vector<16xf32>,
      %mul3A_565 = arith.mulf %gather3A_563, %broadcast_in_dim3A_529 : vector<16xf32>
      %mul3A_566 = arith.mulf %gather3A_564, %broadcast_in_dim3A_534 : vector<16xf32>
      %add3A_567 = arith.addf %mul3A_565, %mul3A_566 : vector<16xf32>
      tpu.vector_store_idx %arg21[%add3A_14, %broadcast_in_dim3A_547], %add3A_567 : memref<64x256xf32, #tpu.memory_space<vmem>>[vector<16xi32>, vector<16xi32>], vector<16xf32>,
      %dma_wait3A_568 = arith.constant 0 : i32
      %dma_wait3A_569 = tpu.memref_slice %arg4[%dma_wait3A_568, %mul3A_224] : memref<64x1000001xf32, #tpu.memory_space<hbm>> -> memref<64x128xf32, #tpu.memory_space<hbm>>
      %dma_wait3A_570 = arith.constant 0 : i32
      %dma_wait3A_571 = tpu.memref_slice %arg4[%dma_wait3A_570, %mul3A_224] : memref<64x1000001xf32, #tpu.memory_space<hbm>> -> memref<64x128xf32, #tpu.memory_space<hbm>>
      tpu.wait_dma2 semaphore(%arg22 : memref<!tpu.dma_semaphore, #tpu.memory_space<semaphore_mem>>) src(%dma_wait3A_571 : memref<64x128xf32, #tpu.memory_space<hbm>>) dst(%arg9 : memref<64x128xf32, #tpu.memory_space<vmem>>)
      %dma_wait3A_572 = arith.constant 0 : i32
      %dma_wait3A_573 = tpu.memref_slice %arg5[%dma_wait3A_572, %mul3A_232] : memref<64x1000001xf32, #tpu.memory_space<hbm>> -> memref<64x128xf32, #tpu.memory_space<hbm>>
      %dma_wait3A_574 = arith.constant 0 : i32
      %dma_wait3A_575 = tpu.memref_slice %arg5[%dma_wait3A_574, %mul3A_232] : memref<64x1000001xf32, #tpu.memory_space<hbm>> -> memref<64x128xf32, #tpu.memory_space<hbm>>
      tpu.wait_dma2 semaphore(%arg23 : memref<!tpu.dma_semaphore, #tpu.memory_space<semaphore_mem>>) src(%dma_wait3A_575 : memref<64x128xf32, #tpu.memory_space<hbm>>) dst(%arg15 : memref<64x128xf32, #tpu.memory_space<vmem>>)
      %slice3A_576 = vector.extract_strided_slice %min3A_37 {offsets = [11], sizes = [1], strides = [1]} : vector<16xi32> to vector<1xi32>
      %squeeze3A_577 = vector.extract %slice3A_576[0] : i32 from vector<1xi32>
      %mul3A_578 = arith.constant 128 : i32
      %mul3A_579 = arith.muli %squeeze3A_577, %mul3A_578 : i32
      %dma_start3A_580 = arith.constant 0 : i32
      %dma_start3A_581 = tpu.memref_slice %arg4[%dma_start3A_580, %mul3A_579] : memref<64x1000001xf32, #tpu.memory_space<hbm>> -> memref<64x128xf32, #tpu.memory_space<hbm>>
      %dma_start3A_582 = arith.constant 0 : i32
      %dma_start3A_583 = tpu.memref_slice %arg4[%dma_start3A_582, %mul3A_579] : memref<64x1000001xf32, #tpu.memory_space<hbm>> -> memref<64x128xf32, #tpu.memory_space<hbm>>
      tpu.enqueue_dma source(%dma_start3A_583 : memref<64x128xf32, #tpu.memory_space<hbm>>) target(%arg14 : memref<64x128xf32, #tpu.memory_space<vmem>>) target_semaphore(%arg22 : memref<!tpu.dma_semaphore, #tpu.memory_space<semaphore_mem>>)
      %slice3A_584 = vector.extract_strided_slice %min3A_49 {offsets = [11], sizes = [1], strides = [1]} : vector<16xi32> to vector<1xi32>
      %squeeze3A_585 = vector.extract %slice3A_584[0] : i32 from vector<1xi32>
      %mul3A_586 = arith.constant 128 : i32
      %mul3A_587 = arith.muli %squeeze3A_585, %mul3A_586 : i32
      %dma_start3A_588 = arith.constant 0 : i32
      %dma_start3A_589 = tpu.memref_slice %arg5[%dma_start3A_588, %mul3A_587] : memref<64x1000001xf32, #tpu.memory_space<hbm>> -> memref<64x128xf32, #tpu.memory_space<hbm>>
      %dma_start3A_590 = arith.constant 0 : i32
      %dma_start3A_591 = tpu.memref_slice %arg5[%dma_start3A_590, %mul3A_587] : memref<64x1000001xf32, #tpu.memory_space<hbm>> -> memref<64x128xf32, #tpu.memory_space<hbm>>
      tpu.enqueue_dma source(%dma_start3A_591 : memref<64x128xf32, #tpu.memory_space<hbm>>) target(%arg20 : memref<64x128xf32, #tpu.memory_space<vmem>>) target_semaphore(%arg23 : memref<!tpu.dma_semaphore, #tpu.memory_space<semaphore_mem>>)
      %slice3A_592 = vector.extract_strided_slice %sub3A {offsets = [6], sizes = [1], strides = [1]} : vector<16xi32> to vector<1xi32>
      %squeeze3A_593 = vector.extract %slice3A_592[0] : i32 from vector<1xi32>
      %slice3A_594 = vector.extract_strided_slice %sub3A_66 {offsets = [6], sizes = [1], strides = [1]} : vector<16xi32> to vector<1xi32>
      %squeeze3A_595 = vector.extract %slice3A_594[0] : i32 from vector<1xi32>
      %lt3A_596 = arith.constant 128 : i32
      %lt3A_597 = arith.cmpi slt, %squeeze3A_593, %lt3A_596 : i32
      %convert_element_type3A_598 = arith.extui %lt3A_597 : i1 to i32
      %convert_element_type3A_599 = arith.sitofp %convert_element_type3A_598 : i32 to f32
      %broadcast_in_dim3A_600 = vector.broadcast %convert_element_type3A_599 : f32 to vector<16xf32>
      %lt3A_601 = arith.constant 128 : i32
      %lt3A_602 = arith.cmpi slt, %squeeze3A_595, %lt3A_601 : i32
      %convert_element_type3A_603 = arith.extui %lt3A_602 : i1 to i32
      %convert_element_type3A_604 = arith.sitofp %convert_element_type3A_603 : i32 to f32
      %broadcast_in_dim3A_605 = vector.broadcast %convert_element_type3A_604 : f32 to vector<16xf32>
      %min3A_606 = arith.constant 127 : i32
      %min3A_607 = arith.minsi %squeeze3A_593, %min3A_606 : i32
      %broadcast_in_dim3A_608 = vector.broadcast %min3A_607 : i32 to vector<16xi32>
      %min3A_609 = arith.constant 127 : i32
      %min3A_610 = arith.minsi %squeeze3A_595, %min3A_609 : i32
      %broadcast_in_dim3A_611 = vector.broadcast %min3A_610 : i32 to vector<16xi32>
      %rem3A_612 = arith.constant 8 : i32
      %rem3A_613 = arith.remsi %scan3A_20, %rem3A_612 : i32
      %mul3A_614 = arith.constant 32 : i32
      %mul3A_615 = arith.muli %rem3A_613, %mul3A_614 : i32
      %add3A_616 = arith.constant 6 : i32
      %add3A_617 = arith.addi %mul3A_615, %add3A_616 : i32
      %broadcast_in_dim3A_618 = vector.broadcast %add3A_617 : i32 to vector<16xi32>
      %gather3A_619 = tpu.vector_load_idx %arg9[%add3A_5, %broadcast_in_dim3A_608] : memref<64x128xf32, #tpu.memory_space<vmem>>[vector<16xi32>, vector<16xi32>], vector<16xf32>,
      %gather3A_620 = tpu.vector_load_idx %arg15[%add3A_5, %broadcast_in_dim3A_611] : memref<64x128xf32, #tpu.memory_space<vmem>>[vector<16xi32>, vector<16xi32>], vector<16xf32>,
      %mul3A_621 = arith.mulf %gather3A_619, %broadcast_in_dim3A_600 : vector<16xf32>
      %mul3A_622 = arith.mulf %gather3A_620, %broadcast_in_dim3A_605 : vector<16xf32>
      %add3A_623 = arith.addf %mul3A_621, %mul3A_622 : vector<16xf32>
      tpu.vector_store_idx %arg21[%add3A_5, %broadcast_in_dim3A_618], %add3A_623 : memref<64x256xf32, #tpu.memory_space<vmem>>[vector<16xi32>, vector<16xi32>], vector<16xf32>,
      %gather3A_624 = tpu.vector_load_idx %arg9[%add3A_8, %broadcast_in_dim3A_608] : memref<64x128xf32, #tpu.memory_space<vmem>>[vector<16xi32>, vector<16xi32>], vector<16xf32>,
      %gather3A_625 = tpu.vector_load_idx %arg15[%add3A_8, %broadcast_in_dim3A_611] : memref<64x128xf32, #tpu.memory_space<vmem>>[vector<16xi32>, vector<16xi32>], vector<16xf32>,
      %mul3A_626 = arith.mulf %gather3A_624, %broadcast_in_dim3A_600 : vector<16xf32>
      %mul3A_627 = arith.mulf %gather3A_625, %broadcast_in_dim3A_605 : vector<16xf32>
      %add3A_628 = arith.addf %mul3A_626, %mul3A_627 : vector<16xf32>
      tpu.vector_store_idx %arg21[%add3A_8, %broadcast_in_dim3A_618], %add3A_628 : memref<64x256xf32, #tpu.memory_space<vmem>>[vector<16xi32>, vector<16xi32>], vector<16xf32>,
      %gather3A_629 = tpu.vector_load_idx %arg9[%add3A_11, %broadcast_in_dim3A_608] : memref<64x128xf32, #tpu.memory_space<vmem>>[vector<16xi32>, vector<16xi32>], vector<16xf32>,
      %gather3A_630 = tpu.vector_load_idx %arg15[%add3A_11, %broadcast_in_dim3A_611] : memref<64x128xf32, #tpu.memory_space<vmem>>[vector<16xi32>, vector<16xi32>], vector<16xf32>,
      %mul3A_631 = arith.mulf %gather3A_629, %broadcast_in_dim3A_600 : vector<16xf32>
      %mul3A_632 = arith.mulf %gather3A_630, %broadcast_in_dim3A_605 : vector<16xf32>
      %add3A_633 = arith.addf %mul3A_631, %mul3A_632 : vector<16xf32>
      tpu.vector_store_idx %arg21[%add3A_11, %broadcast_in_dim3A_618], %add3A_633 : memref<64x256xf32, #tpu.memory_space<vmem>>[vector<16xi32>, vector<16xi32>], vector<16xf32>,
      %gather3A_634 = tpu.vector_load_idx %arg9[%add3A_14, %broadcast_in_dim3A_608] : memref<64x128xf32, #tpu.memory_space<vmem>>[vector<16xi32>, vector<16xi32>], vector<16xf32>,
      %gather3A_635 = tpu.vector_load_idx %arg15[%add3A_14, %broadcast_in_dim3A_611] : memref<64x128xf32, #tpu.memory_space<vmem>>[vector<16xi32>, vector<16xi32>], vector<16xf32>,
      %mul3A_636 = arith.mulf %gather3A_634, %broadcast_in_dim3A_600 : vector<16xf32>
      %mul3A_637 = arith.mulf %gather3A_635, %broadcast_in_dim3A_605 : vector<16xf32>
      %add3A_638 = arith.addf %mul3A_636, %mul3A_637 : vector<16xf32>
      tpu.vector_store_idx %arg21[%add3A_14, %broadcast_in_dim3A_618], %add3A_638 : memref<64x256xf32, #tpu.memory_space<vmem>>[vector<16xi32>, vector<16xi32>], vector<16xf32>,
      %dma_wait3A_639 = arith.constant 0 : i32
      %dma_wait3A_640 = tpu.memref_slice %arg4[%dma_wait3A_639, %mul3A_295] : memref<64x1000001xf32, #tpu.memory_space<hbm>> -> memref<64x128xf32, #tpu.memory_space<hbm>>
      %dma_wait3A_641 = arith.constant 0 : i32
      %dma_wait3A_642 = tpu.memref_slice %arg4[%dma_wait3A_641, %mul3A_295] : memref<64x1000001xf32, #tpu.memory_space<hbm>> -> memref<64x128xf32, #tpu.memory_space<hbm>>
      tpu.wait_dma2 semaphore(%arg22 : memref<!tpu.dma_semaphore, #tpu.memory_space<semaphore_mem>>) src(%dma_wait3A_642 : memref<64x128xf32, #tpu.memory_space<hbm>>) dst(%arg10 : memref<64x128xf32, #tpu.memory_space<vmem>>)
      %dma_wait3A_643 = arith.constant 0 : i32
      %dma_wait3A_644 = tpu.memref_slice %arg5[%dma_wait3A_643, %mul3A_303] : memref<64x1000001xf32, #tpu.memory_space<hbm>> -> memref<64x128xf32, #tpu.memory_space<hbm>>
      %dma_wait3A_645 = arith.constant 0 : i32
      %dma_wait3A_646 = tpu.memref_slice %arg5[%dma_wait3A_645, %mul3A_303] : memref<64x1000001xf32, #tpu.memory_space<hbm>> -> memref<64x128xf32, #tpu.memory_space<hbm>>
      tpu.wait_dma2 semaphore(%arg23 : memref<!tpu.dma_semaphore, #tpu.memory_space<semaphore_mem>>) src(%dma_wait3A_646 : memref<64x128xf32, #tpu.memory_space<hbm>>) dst(%arg16 : memref<64x128xf32, #tpu.memory_space<vmem>>)
      %slice3A_647 = vector.extract_strided_slice %min3A_37 {offsets = [12], sizes = [1], strides = [1]} : vector<16xi32> to vector<1xi32>
      %squeeze3A_648 = vector.extract %slice3A_647[0] : i32 from vector<1xi32>
      %mul3A_649 = arith.constant 128 : i32
      %mul3A_650 = arith.muli %squeeze3A_648, %mul3A_649 : i32
      %dma_start3A_651 = arith.constant 0 : i32
      %dma_start3A_652 = tpu.memref_slice %arg4[%dma_start3A_651, %mul3A_650] : memref<64x1000001xf32, #tpu.memory_space<hbm>> -> memref<64x128xf32, #tpu.memory_space<hbm>>
      %dma_start3A_653 = arith.constant 0 : i32
      %dma_start3A_654 = tpu.memref_slice %arg4[%dma_start3A_653, %mul3A_650] : memref<64x1000001xf32, #tpu.memory_space<hbm>> -> memref<64x128xf32, #tpu.memory_space<hbm>>
      tpu.enqueue_dma source(%dma_start3A_654 : memref<64x128xf32, #tpu.memory_space<hbm>>) target(%arg9 : memref<64x128xf32, #tpu.memory_space<vmem>>) target_semaphore(%arg22 : memref<!tpu.dma_semaphore, #tpu.memory_space<semaphore_mem>>)
      %slice3A_655 = vector.extract_strided_slice %min3A_49 {offsets = [12], sizes = [1], strides = [1]} : vector<16xi32> to vector<1xi32>
      %squeeze3A_656 = vector.extract %slice3A_655[0] : i32 from vector<1xi32>
      %mul3A_657 = arith.constant 128 : i32
      %mul3A_658 = arith.muli %squeeze3A_656, %mul3A_657 : i32
      %dma_start3A_659 = arith.constant 0 : i32
      %dma_start3A_660 = tpu.memref_slice %arg5[%dma_start3A_659, %mul3A_658] : memref<64x1000001xf32, #tpu.memory_space<hbm>> -> memref<64x128xf32, #tpu.memory_space<hbm>>
      %dma_start3A_661 = arith.constant 0 : i32
      %dma_start3A_662 = tpu.memref_slice %arg5[%dma_start3A_661, %mul3A_658] : memref<64x1000001xf32, #tpu.memory_space<hbm>> -> memref<64x128xf32, #tpu.memory_space<hbm>>
      tpu.enqueue_dma source(%dma_start3A_662 : memref<64x128xf32, #tpu.memory_space<hbm>>) target(%arg15 : memref<64x128xf32, #tpu.memory_space<vmem>>) target_semaphore(%arg23 : memref<!tpu.dma_semaphore, #tpu.memory_space<semaphore_mem>>)
      %slice3A_663 = vector.extract_strided_slice %sub3A {offsets = [7], sizes = [1], strides = [1]} : vector<16xi32> to vector<1xi32>
      %squeeze3A_664 = vector.extract %slice3A_663[0] : i32 from vector<1xi32>
      %slice3A_665 = vector.extract_strided_slice %sub3A_66 {offsets = [7], sizes = [1], strides = [1]} : vector<16xi32> to vector<1xi32>
      %squeeze3A_666 = vector.extract %slice3A_665[0] : i32 from vector<1xi32>
      %lt3A_667 = arith.constant 128 : i32
      %lt3A_668 = arith.cmpi slt, %squeeze3A_664, %lt3A_667 : i32
      %convert_element_type3A_669 = arith.extui %lt3A_668 : i1 to i32
      %convert_element_type3A_670 = arith.sitofp %convert_element_type3A_669 : i32 to f32
      %broadcast_in_dim3A_671 = vector.broadcast %convert_element_type3A_670 : f32 to vector<16xf32>
      %lt3A_672 = arith.constant 128 : i32
      %lt3A_673 = arith.cmpi slt, %squeeze3A_666, %lt3A_672 : i32
      %convert_element_type3A_674 = arith.extui %lt3A_673 : i1 to i32
      %convert_element_type3A_675 = arith.sitofp %convert_element_type3A_674 : i32 to f32
      %broadcast_in_dim3A_676 = vector.broadcast %convert_element_type3A_675 : f32 to vector<16xf32>
      %min3A_677 = arith.constant 127 : i32
      %min3A_678 = arith.minsi %squeeze3A_664, %min3A_677 : i32
      %broadcast_in_dim3A_679 = vector.broadcast %min3A_678 : i32 to vector<16xi32>
      %min3A_680 = arith.constant 127 : i32
      %min3A_681 = arith.minsi %squeeze3A_666, %min3A_680 : i32
      %broadcast_in_dim3A_682 = vector.broadcast %min3A_681 : i32 to vector<16xi32>
      %rem3A_683 = arith.constant 8 : i32
      %rem3A_684 = arith.remsi %scan3A_20, %rem3A_683 : i32
      %mul3A_685 = arith.constant 32 : i32
      %mul3A_686 = arith.muli %rem3A_684, %mul3A_685 : i32
      %add3A_687 = arith.constant 7 : i32
      %add3A_688 = arith.addi %mul3A_686, %add3A_687 : i32
      %broadcast_in_dim3A_689 = vector.broadcast %add3A_688 : i32 to vector<16xi32>
      %gather3A_690 = tpu.vector_load_idx %arg10[%add3A_5, %broadcast_in_dim3A_679] : memref<64x128xf32, #tpu.memory_space<vmem>>[vector<16xi32>, vector<16xi32>], vector<16xf32>,
      %gather3A_691 = tpu.vector_load_idx %arg16[%add3A_5, %broadcast_in_dim3A_682] : memref<64x128xf32, #tpu.memory_space<vmem>>[vector<16xi32>, vector<16xi32>], vector<16xf32>,
      %mul3A_692 = arith.mulf %gather3A_690, %broadcast_in_dim3A_671 : vector<16xf32>
      %mul3A_693 = arith.mulf %gather3A_691, %broadcast_in_dim3A_676 : vector<16xf32>
      %add3A_694 = arith.addf %mul3A_692, %mul3A_693 : vector<16xf32>
      tpu.vector_store_idx %arg21[%add3A_5, %broadcast_in_dim3A_689], %add3A_694 : memref<64x256xf32, #tpu.memory_space<vmem>>[vector<16xi32>, vector<16xi32>], vector<16xf32>,
      %gather3A_695 = tpu.vector_load_idx %arg10[%add3A_8, %broadcast_in_dim3A_679] : memref<64x128xf32, #tpu.memory_space<vmem>>[vector<16xi32>, vector<16xi32>], vector<16xf32>,
      %gather3A_696 = tpu.vector_load_idx %arg16[%add3A_8, %broadcast_in_dim3A_682] : memref<64x128xf32, #tpu.memory_space<vmem>>[vector<16xi32>, vector<16xi32>], vector<16xf32>,
      %mul3A_697 = arith.mulf %gather3A_695, %broadcast_in_dim3A_671 : vector<16xf32>
      %mul3A_698 = arith.mulf %gather3A_696, %broadcast_in_dim3A_676 : vector<16xf32>
      %add3A_699 = arith.addf %mul3A_697, %mul3A_698 : vector<16xf32>
      tpu.vector_store_idx %arg21[%add3A_8, %broadcast_in_dim3A_689], %add3A_699 : memref<64x256xf32, #tpu.memory_space<vmem>>[vector<16xi32>, vector<16xi32>], vector<16xf32>,
      %gather3A_700 = tpu.vector_load_idx %arg10[%add3A_11, %broadcast_in_dim3A_679] : memref<64x128xf32, #tpu.memory_space<vmem>>[vector<16xi32>, vector<16xi32>], vector<16xf32>,
      %gather3A_701 = tpu.vector_load_idx %arg16[%add3A_11, %broadcast_in_dim3A_682] : memref<64x128xf32, #tpu.memory_space<vmem>>[vector<16xi32>, vector<16xi32>], vector<16xf32>,
      %mul3A_702 = arith.mulf %gather3A_700, %broadcast_in_dim3A_671 : vector<16xf32>
      %mul3A_703 = arith.mulf %gather3A_701, %broadcast_in_dim3A_676 : vector<16xf32>
      %add3A_704 = arith.addf %mul3A_702, %mul3A_703 : vector<16xf32>
      tpu.vector_store_idx %arg21[%add3A_11, %broadcast_in_dim3A_689], %add3A_704 : memref<64x256xf32, #tpu.memory_space<vmem>>[vector<16xi32>, vector<16xi32>], vector<16xf32>,
      %gather3A_705 = tpu.vector_load_idx %arg10[%add3A_14, %broadcast_in_dim3A_679] : memref<64x128xf32, #tpu.memory_space<vmem>>[vector<16xi32>, vector<16xi32>], vector<16xf32>,
      %gather3A_706 = tpu.vector_load_idx %arg16[%add3A_14, %broadcast_in_dim3A_682] : memref<64x128xf32, #tpu.memory_space<vmem>>[vector<16xi32>, vector<16xi32>], vector<16xf32>,
      %mul3A_707 = arith.mulf %gather3A_705, %broadcast_in_dim3A_671 : vector<16xf32>
      %mul3A_708 = arith.mulf %gather3A_706, %broadcast_in_dim3A_676 : vector<16xf32>
      %add3A_709 = arith.addf %mul3A_707, %mul3A_708 : vector<16xf32>
      tpu.vector_store_idx %arg21[%add3A_14, %broadcast_in_dim3A_689], %add3A_709 : memref<64x256xf32, #tpu.memory_space<vmem>>[vector<16xi32>, vector<16xi32>], vector<16xf32>,
      %dma_wait3A_710 = arith.constant 0 : i32
      %dma_wait3A_711 = tpu.memref_slice %arg4[%dma_wait3A_710, %mul3A_366] : memref<64x1000001xf32, #tpu.memory_space<hbm>> -> memref<64x128xf32, #tpu.memory_space<hbm>>
      %dma_wait3A_712 = arith.constant 0 : i32
      %dma_wait3A_713 = tpu.memref_slice %arg4[%dma_wait3A_712, %mul3A_366] : memref<64x1000001xf32, #tpu.memory_space<hbm>> -> memref<64x128xf32, #tpu.memory_space<hbm>>
      tpu.wait_dma2 semaphore(%arg22 : memref<!tpu.dma_semaphore, #tpu.memory_space<semaphore_mem>>) src(%dma_wait3A_713 : memref<64x128xf32, #tpu.memory_space<hbm>>) dst(%arg11 : memref<64x128xf32, #tpu.memory_space<vmem>>)
      %dma_wait3A_714 = arith.constant 0 : i32
      %dma_wait3A_715 = tpu.memref_slice %arg5[%dma_wait3A_714, %mul3A_374] : memref<64x1000001xf32, #tpu.memory_space<hbm>> -> memref<64x128xf32, #tpu.memory_space<hbm>>
      %dma_wait3A_716 = arith.constant 0 : i32
      %dma_wait3A_717 = tpu.memref_slice %arg5[%dma_wait3A_716, %mul3A_374] : memref<64x1000001xf32, #tpu.memory_space<hbm>> -> memref<64x128xf32, #tpu.memory_space<hbm>>
      tpu.wait_dma2 semaphore(%arg23 : memref<!tpu.dma_semaphore, #tpu.memory_space<semaphore_mem>>) src(%dma_wait3A_717 : memref<64x128xf32, #tpu.memory_space<hbm>>) dst(%arg17 : memref<64x128xf32, #tpu.memory_space<vmem>>)
      %slice3A_718 = vector.extract_strided_slice %min3A_37 {offsets = [13], sizes = [1], strides = [1]} : vector<16xi32> to vector<1xi32>
      %squeeze3A_719 = vector.extract %slice3A_718[0] : i32 from vector<1xi32>
      %mul3A_720 = arith.constant 128 : i32
      %mul3A_721 = arith.muli %squeeze3A_719, %mul3A_720 : i32
      %dma_start3A_722 = arith.constant 0 : i32
      %dma_start3A_723 = tpu.memref_slice %arg4[%dma_start3A_722, %mul3A_721] : memref<64x1000001xf32, #tpu.memory_space<hbm>> -> memref<64x128xf32, #tpu.memory_space<hbm>>
      %dma_start3A_724 = arith.constant 0 : i32
      %dma_start3A_725 = tpu.memref_slice %arg4[%dma_start3A_724, %mul3A_721] : memref<64x1000001xf32, #tpu.memory_space<hbm>> -> memref<64x128xf32, #tpu.memory_space<hbm>>
      tpu.enqueue_dma source(%dma_start3A_725 : memref<64x128xf32, #tpu.memory_space<hbm>>) target(%arg10 : memref<64x128xf32, #tpu.memory_space<vmem>>) target_semaphore(%arg22 : memref<!tpu.dma_semaphore, #tpu.memory_space<semaphore_mem>>)
      %slice3A_726 = vector.extract_strided_slice %min3A_49 {offsets = [13], sizes = [1], strides = [1]} : vector<16xi32> to vector<1xi32>
      %squeeze3A_727 = vector.extract %slice3A_726[0] : i32 from vector<1xi32>
      %mul3A_728 = arith.constant 128 : i32
      %mul3A_729 = arith.muli %squeeze3A_727, %mul3A_728 : i32
      %dma_start3A_730 = arith.constant 0 : i32
      %dma_start3A_731 = tpu.memref_slice %arg5[%dma_start3A_730, %mul3A_729] : memref<64x1000001xf32, #tpu.memory_space<hbm>> -> memref<64x128xf32, #tpu.memory_space<hbm>>
      %dma_start3A_732 = arith.constant 0 : i32
      %dma_start3A_733 = tpu.memref_slice %arg5[%dma_start3A_732, %mul3A_729] : memref<64x1000001xf32, #tpu.memory_space<hbm>> -> memref<64x128xf32, #tpu.memory_space<hbm>>
      tpu.enqueue_dma source(%dma_start3A_733 : memref<64x128xf32, #tpu.memory_space<hbm>>) target(%arg16 : memref<64x128xf32, #tpu.memory_space<vmem>>) target_semaphore(%arg23 : memref<!tpu.dma_semaphore, #tpu.memory_space<semaphore_mem>>)
      %slice3A_734 = vector.extract_strided_slice %sub3A {offsets = [8], sizes = [1], strides = [1]} : vector<16xi32> to vector<1xi32>
      %squeeze3A_735 = vector.extract %slice3A_734[0] : i32 from vector<1xi32>
      %slice3A_736 = vector.extract_strided_slice %sub3A_66 {offsets = [8], sizes = [1], strides = [1]} : vector<16xi32> to vector<1xi32>
      %squeeze3A_737 = vector.extract %slice3A_736[0] : i32 from vector<1xi32>
      %lt3A_738 = arith.constant 128 : i32
      %lt3A_739 = arith.cmpi slt, %squeeze3A_735, %lt3A_738 : i32
      %convert_element_type3A_740 = arith.extui %lt3A_739 : i1 to i32
      %convert_element_type3A_741 = arith.sitofp %convert_element_type3A_740 : i32 to f32
      %broadcast_in_dim3A_742 = vector.broadcast %convert_element_type3A_741 : f32 to vector<16xf32>
      %lt3A_743 = arith.constant 128 : i32
      %lt3A_744 = arith.cmpi slt, %squeeze3A_737, %lt3A_743 : i32
      %convert_element_type3A_745 = arith.extui %lt3A_744 : i1 to i32
      %convert_element_type3A_746 = arith.sitofp %convert_element_type3A_745 : i32 to f32
      %broadcast_in_dim3A_747 = vector.broadcast %convert_element_type3A_746 : f32 to vector<16xf32>
      %min3A_748 = arith.constant 127 : i32
      %min3A_749 = arith.minsi %squeeze3A_735, %min3A_748 : i32
      %broadcast_in_dim3A_750 = vector.broadcast %min3A_749 : i32 to vector<16xi32>
      %min3A_751 = arith.constant 127 : i32
      %min3A_752 = arith.minsi %squeeze3A_737, %min3A_751 : i32
      %broadcast_in_dim3A_753 = vector.broadcast %min3A_752 : i32 to vector<16xi32>
      %rem3A_754 = arith.constant 8 : i32
      %rem3A_755 = arith.remsi %scan3A_20, %rem3A_754 : i32
      %mul3A_756 = arith.constant 32 : i32
      %mul3A_757 = arith.muli %rem3A_755, %mul3A_756 : i32
      %add3A_758 = arith.constant 8 : i32
      %add3A_759 = arith.addi %mul3A_757, %add3A_758 : i32
      %broadcast_in_dim3A_760 = vector.broadcast %add3A_759 : i32 to vector<16xi32>
      %gather3A_761 = tpu.vector_load_idx %arg11[%add3A_5, %broadcast_in_dim3A_750] : memref<64x128xf32, #tpu.memory_space<vmem>>[vector<16xi32>, vector<16xi32>], vector<16xf32>,
      %gather3A_762 = tpu.vector_load_idx %arg17[%add3A_5, %broadcast_in_dim3A_753] : memref<64x128xf32, #tpu.memory_space<vmem>>[vector<16xi32>, vector<16xi32>], vector<16xf32>,
      %mul3A_763 = arith.mulf %gather3A_761, %broadcast_in_dim3A_742 : vector<16xf32>
      %mul3A_764 = arith.mulf %gather3A_762, %broadcast_in_dim3A_747 : vector<16xf32>
      %add3A_765 = arith.addf %mul3A_763, %mul3A_764 : vector<16xf32>
      tpu.vector_store_idx %arg21[%add3A_5, %broadcast_in_dim3A_760], %add3A_765 : memref<64x256xf32, #tpu.memory_space<vmem>>[vector<16xi32>, vector<16xi32>], vector<16xf32>,
      %gather3A_766 = tpu.vector_load_idx %arg11[%add3A_8, %broadcast_in_dim3A_750] : memref<64x128xf32, #tpu.memory_space<vmem>>[vector<16xi32>, vector<16xi32>], vector<16xf32>,
      %gather3A_767 = tpu.vector_load_idx %arg17[%add3A_8, %broadcast_in_dim3A_753] : memref<64x128xf32, #tpu.memory_space<vmem>>[vector<16xi32>, vector<16xi32>], vector<16xf32>,
      %mul3A_768 = arith.mulf %gather3A_766, %broadcast_in_dim3A_742 : vector<16xf32>
      %mul3A_769 = arith.mulf %gather3A_767, %broadcast_in_dim3A_747 : vector<16xf32>
      %add3A_770 = arith.addf %mul3A_768, %mul3A_769 : vector<16xf32>
      tpu.vector_store_idx %arg21[%add3A_8, %broadcast_in_dim3A_760], %add3A_770 : memref<64x256xf32, #tpu.memory_space<vmem>>[vector<16xi32>, vector<16xi32>], vector<16xf32>,
      %gather3A_771 = tpu.vector_load_idx %arg11[%add3A_11, %broadcast_in_dim3A_750] : memref<64x128xf32, #tpu.memory_space<vmem>>[vector<16xi32>, vector<16xi32>], vector<16xf32>,
      %gather3A_772 = tpu.vector_load_idx %arg17[%add3A_11, %broadcast_in_dim3A_753] : memref<64x128xf32, #tpu.memory_space<vmem>>[vector<16xi32>, vector<16xi32>], vector<16xf32>,
      %mul3A_773 = arith.mulf %gather3A_771, %broadcast_in_dim3A_742 : vector<16xf32>
      %mul3A_774 = arith.mulf %gather3A_772, %broadcast_in_dim3A_747 : vector<16xf32>
      %add3A_775 = arith.addf %mul3A_773, %mul3A_774 : vector<16xf32>
      tpu.vector_store_idx %arg21[%add3A_11, %broadcast_in_dim3A_760], %add3A_775 : memref<64x256xf32, #tpu.memory_space<vmem>>[vector<16xi32>, vector<16xi32>], vector<16xf32>,
      %gather3A_776 = tpu.vector_load_idx %arg11[%add3A_14, %broadcast_in_dim3A_750] : memref<64x128xf32, #tpu.memory_space<vmem>>[vector<16xi32>, vector<16xi32>], vector<16xf32>,
      %gather3A_777 = tpu.vector_load_idx %arg17[%add3A_14, %broadcast_in_dim3A_753] : memref<64x128xf32, #tpu.memory_space<vmem>>[vector<16xi32>, vector<16xi32>], vector<16xf32>,
      %mul3A_778 = arith.mulf %gather3A_776, %broadcast_in_dim3A_742 : vector<16xf32>
      %mul3A_779 = arith.mulf %gather3A_777, %broadcast_in_dim3A_747 : vector<16xf32>
      %add3A_780 = arith.addf %mul3A_778, %mul3A_779 : vector<16xf32>
      tpu.vector_store_idx %arg21[%add3A_14, %broadcast_in_dim3A_760], %add3A_780 : memref<64x256xf32, #tpu.memory_space<vmem>>[vector<16xi32>, vector<16xi32>], vector<16xf32>,
      %dma_wait3A_781 = arith.constant 0 : i32
      %dma_wait3A_782 = tpu.memref_slice %arg4[%dma_wait3A_781, %mul3A_437] : memref<64x1000001xf32, #tpu.memory_space<hbm>> -> memref<64x128xf32, #tpu.memory_space<hbm>>
      %dma_wait3A_783 = arith.constant 0 : i32
      %dma_wait3A_784 = tpu.memref_slice %arg4[%dma_wait3A_783, %mul3A_437] : memref<64x1000001xf32, #tpu.memory_space<hbm>> -> memref<64x128xf32, #tpu.memory_space<hbm>>
      tpu.wait_dma2 semaphore(%arg22 : memref<!tpu.dma_semaphore, #tpu.memory_space<semaphore_mem>>) src(%dma_wait3A_784 : memref<64x128xf32, #tpu.memory_space<hbm>>) dst(%arg12 : memref<64x128xf32, #tpu.memory_space<vmem>>)
      %dma_wait3A_785 = arith.constant 0 : i32
      %dma_wait3A_786 = tpu.memref_slice %arg5[%dma_wait3A_785, %mul3A_445] : memref<64x1000001xf32, #tpu.memory_space<hbm>> -> memref<64x128xf32, #tpu.memory_space<hbm>>
      %dma_wait3A_787 = arith.constant 0 : i32
      %dma_wait3A_788 = tpu.memref_slice %arg5[%dma_wait3A_787, %mul3A_445] : memref<64x1000001xf32, #tpu.memory_space<hbm>> -> memref<64x128xf32, #tpu.memory_space<hbm>>
      tpu.wait_dma2 semaphore(%arg23 : memref<!tpu.dma_semaphore, #tpu.memory_space<semaphore_mem>>) src(%dma_wait3A_788 : memref<64x128xf32, #tpu.memory_space<hbm>>) dst(%arg18 : memref<64x128xf32, #tpu.memory_space<vmem>>)
      %slice3A_789 = vector.extract_strided_slice %min3A_37 {offsets = [14], sizes = [1], strides = [1]} : vector<16xi32> to vector<1xi32>
      %squeeze3A_790 = vector.extract %slice3A_789[0] : i32 from vector<1xi32>
      %mul3A_791 = arith.constant 128 : i32
      %mul3A_792 = arith.muli %squeeze3A_790, %mul3A_791 : i32
      %dma_start3A_793 = arith.constant 0 : i32
      %dma_start3A_794 = tpu.memref_slice %arg4[%dma_start3A_793, %mul3A_792] : memref<64x1000001xf32, #tpu.memory_space<hbm>> -> memref<64x128xf32, #tpu.memory_space<hbm>>
      %dma_start3A_795 = arith.constant 0 : i32
      %dma_start3A_796 = tpu.memref_slice %arg4[%dma_start3A_795, %mul3A_792] : memref<64x1000001xf32, #tpu.memory_space<hbm>> -> memref<64x128xf32, #tpu.memory_space<hbm>>
      tpu.enqueue_dma source(%dma_start3A_796 : memref<64x128xf32, #tpu.memory_space<hbm>>) target(%arg11 : memref<64x128xf32, #tpu.memory_space<vmem>>) target_semaphore(%arg22 : memref<!tpu.dma_semaphore, #tpu.memory_space<semaphore_mem>>)
      %slice3A_797 = vector.extract_strided_slice %min3A_49 {offsets = [14], sizes = [1], strides = [1]} : vector<16xi32> to vector<1xi32>
      %squeeze3A_798 = vector.extract %slice3A_797[0] : i32 from vector<1xi32>
      %mul3A_799 = arith.constant 128 : i32
      %mul3A_800 = arith.muli %squeeze3A_798, %mul3A_799 : i32
      %dma_start3A_801 = arith.constant 0 : i32
      %dma_start3A_802 = tpu.memref_slice %arg5[%dma_start3A_801, %mul3A_800] : memref<64x1000001xf32, #tpu.memory_space<hbm>> -> memref<64x128xf32, #tpu.memory_space<hbm>>
      %dma_start3A_803 = arith.constant 0 : i32
      %dma_start3A_804 = tpu.memref_slice %arg5[%dma_start3A_803, %mul3A_800] : memref<64x1000001xf32, #tpu.memory_space<hbm>> -> memref<64x128xf32, #tpu.memory_space<hbm>>
      tpu.enqueue_dma source(%dma_start3A_804 : memref<64x128xf32, #tpu.memory_space<hbm>>) target(%arg17 : memref<64x128xf32, #tpu.memory_space<vmem>>) target_semaphore(%arg23 : memref<!tpu.dma_semaphore, #tpu.memory_space<semaphore_mem>>)
      %slice3A_805 = vector.extract_strided_slice %sub3A {offsets = [9], sizes = [1], strides = [1]} : vector<16xi32> to vector<1xi32>
      %squeeze3A_806 = vector.extract %slice3A_805[0] : i32 from vector<1xi32>
      %slice3A_807 = vector.extract_strided_slice %sub3A_66 {offsets = [9], sizes = [1], strides = [1]} : vector<16xi32> to vector<1xi32>
      %squeeze3A_808 = vector.extract %slice3A_807[0] : i32 from vector<1xi32>
      %lt3A_809 = arith.constant 128 : i32
      %lt3A_810 = arith.cmpi slt, %squeeze3A_806, %lt3A_809 : i32
      %convert_element_type3A_811 = arith.extui %lt3A_810 : i1 to i32
      %convert_element_type3A_812 = arith.sitofp %convert_element_type3A_811 : i32 to f32
      %broadcast_in_dim3A_813 = vector.broadcast %convert_element_type3A_812 : f32 to vector<16xf32>
      %lt3A_814 = arith.constant 128 : i32
      %lt3A_815 = arith.cmpi slt, %squeeze3A_808, %lt3A_814 : i32
      %convert_element_type3A_816 = arith.extui %lt3A_815 : i1 to i32
      %convert_element_type3A_817 = arith.sitofp %convert_element_type3A_816 : i32 to f32
      %broadcast_in_dim3A_818 = vector.broadcast %convert_element_type3A_817 : f32 to vector<16xf32>
      %min3A_819 = arith.constant 127 : i32
      %min3A_820 = arith.minsi %squeeze3A_806, %min3A_819 : i32
      %broadcast_in_dim3A_821 = vector.broadcast %min3A_820 : i32 to vector<16xi32>
      %min3A_822 = arith.constant 127 : i32
      %min3A_823 = arith.minsi %squeeze3A_808, %min3A_822 : i32
      %broadcast_in_dim3A_824 = vector.broadcast %min3A_823 : i32 to vector<16xi32>
      %rem3A_825 = arith.constant 8 : i32
      %rem3A_826 = arith.remsi %scan3A_20, %rem3A_825 : i32
      %mul3A_827 = arith.constant 32 : i32
      %mul3A_828 = arith.muli %rem3A_826, %mul3A_827 : i32
      %add3A_829 = arith.constant 9 : i32
      %add3A_830 = arith.addi %mul3A_828, %add3A_829 : i32
      %broadcast_in_dim3A_831 = vector.broadcast %add3A_830 : i32 to vector<16xi32>
      %gather3A_832 = tpu.vector_load_idx %arg12[%add3A_5, %broadcast_in_dim3A_821] : memref<64x128xf32, #tpu.memory_space<vmem>>[vector<16xi32>, vector<16xi32>], vector<16xf32>,
      %gather3A_833 = tpu.vector_load_idx %arg18[%add3A_5, %broadcast_in_dim3A_824] : memref<64x128xf32, #tpu.memory_space<vmem>>[vector<16xi32>, vector<16xi32>], vector<16xf32>,
      %mul3A_834 = arith.mulf %gather3A_832, %broadcast_in_dim3A_813 : vector<16xf32>
      %mul3A_835 = arith.mulf %gather3A_833, %broadcast_in_dim3A_818 : vector<16xf32>
      %add3A_836 = arith.addf %mul3A_834, %mul3A_835 : vector<16xf32>
      tpu.vector_store_idx %arg21[%add3A_5, %broadcast_in_dim3A_831], %add3A_836 : memref<64x256xf32, #tpu.memory_space<vmem>>[vector<16xi32>, vector<16xi32>], vector<16xf32>,
      %gather3A_837 = tpu.vector_load_idx %arg12[%add3A_8, %broadcast_in_dim3A_821] : memref<64x128xf32, #tpu.memory_space<vmem>>[vector<16xi32>, vector<16xi32>], vector<16xf32>,
      %gather3A_838 = tpu.vector_load_idx %arg18[%add3A_8, %broadcast_in_dim3A_824] : memref<64x128xf32, #tpu.memory_space<vmem>>[vector<16xi32>, vector<16xi32>], vector<16xf32>,
      %mul3A_839 = arith.mulf %gather3A_837, %broadcast_in_dim3A_813 : vector<16xf32>
      %mul3A_840 = arith.mulf %gather3A_838, %broadcast_in_dim3A_818 : vector<16xf32>
      %add3A_841 = arith.addf %mul3A_839, %mul3A_840 : vector<16xf32>
      tpu.vector_store_idx %arg21[%add3A_8, %broadcast_in_dim3A_831], %add3A_841 : memref<64x256xf32, #tpu.memory_space<vmem>>[vector<16xi32>, vector<16xi32>], vector<16xf32>,
      %gather3A_842 = tpu.vector_load_idx %arg12[%add3A_11, %broadcast_in_dim3A_821] : memref<64x128xf32, #tpu.memory_space<vmem>>[vector<16xi32>, vector<16xi32>], vector<16xf32>,
      %gather3A_843 = tpu.vector_load_idx %arg18[%add3A_11, %broadcast_in_dim3A_824] : memref<64x128xf32, #tpu.memory_space<vmem>>[vector<16xi32>, vector<16xi32>], vector<16xf32>,
      %mul3A_844 = arith.mulf %gather3A_842, %broadcast_in_dim3A_813 : vector<16xf32>
      %mul3A_845 = arith.mulf %gather3A_843, %broadcast_in_dim3A_818 : vector<16xf32>
      %add3A_846 = arith.addf %mul3A_844, %mul3A_845 : vector<16xf32>
      tpu.vector_store_idx %arg21[%add3A_11, %broadcast_in_dim3A_831], %add3A_846 : memref<64x256xf32, #tpu.memory_space<vmem>>[vector<16xi32>, vector<16xi32>], vector<16xf32>,
      %gather3A_847 = tpu.vector_load_idx %arg12[%add3A_14, %broadcast_in_dim3A_821] : memref<64x128xf32, #tpu.memory_space<vmem>>[vector<16xi32>, vector<16xi32>], vector<16xf32>,
      %gather3A_848 = tpu.vector_load_idx %arg18[%add3A_14, %broadcast_in_dim3A_824] : memref<64x128xf32, #tpu.memory_space<vmem>>[vector<16xi32>, vector<16xi32>], vector<16xf32>,
      %mul3A_849 = arith.mulf %gather3A_847, %broadcast_in_dim3A_813 : vector<16xf32>
      %mul3A_850 = arith.mulf %gather3A_848, %broadcast_in_dim3A_818 : vector<16xf32>
      %add3A_851 = arith.addf %mul3A_849, %mul3A_850 : vector<16xf32>
      tpu.vector_store_idx %arg21[%add3A_14, %broadcast_in_dim3A_831], %add3A_851 : memref<64x256xf32, #tpu.memory_space<vmem>>[vector<16xi32>, vector<16xi32>], vector<16xf32>,
      %dma_wait3A_852 = arith.constant 0 : i32
      %dma_wait3A_853 = tpu.memref_slice %arg4[%dma_wait3A_852, %mul3A_508] : memref<64x1000001xf32, #tpu.memory_space<hbm>> -> memref<64x128xf32, #tpu.memory_space<hbm>>
      %dma_wait3A_854 = arith.constant 0 : i32
      %dma_wait3A_855 = tpu.memref_slice %arg4[%dma_wait3A_854, %mul3A_508] : memref<64x1000001xf32, #tpu.memory_space<hbm>> -> memref<64x128xf32, #tpu.memory_space<hbm>>
      tpu.wait_dma2 semaphore(%arg22 : memref<!tpu.dma_semaphore, #tpu.memory_space<semaphore_mem>>) src(%dma_wait3A_855 : memref<64x128xf32, #tpu.memory_space<hbm>>) dst(%arg13 : memref<64x128xf32, #tpu.memory_space<vmem>>)
      %dma_wait3A_856 = arith.constant 0 : i32
      %dma_wait3A_857 = tpu.memref_slice %arg5[%dma_wait3A_856, %mul3A_516] : memref<64x1000001xf32, #tpu.memory_space<hbm>> -> memref<64x128xf32, #tpu.memory_space<hbm>>
      %dma_wait3A_858 = arith.constant 0 : i32
      %dma_wait3A_859 = tpu.memref_slice %arg5[%dma_wait3A_858, %mul3A_516] : memref<64x1000001xf32, #tpu.memory_space<hbm>> -> memref<64x128xf32, #tpu.memory_space<hbm>>
      tpu.wait_dma2 semaphore(%arg23 : memref<!tpu.dma_semaphore, #tpu.memory_space<semaphore_mem>>) src(%dma_wait3A_859 : memref<64x128xf32, #tpu.memory_space<hbm>>) dst(%arg19 : memref<64x128xf32, #tpu.memory_space<vmem>>)
      %slice3A_860 = vector.extract_strided_slice %min3A_37 {offsets = [15], sizes = [1], strides = [1]} : vector<16xi32> to vector<1xi32>
      %squeeze3A_861 = vector.extract %slice3A_860[0] : i32 from vector<1xi32>
      %mul3A_862 = arith.constant 128 : i32
      %mul3A_863 = arith.muli %squeeze3A_861, %mul3A_862 : i32
      %dma_start3A_864 = arith.constant 0 : i32
      %dma_start3A_865 = tpu.memref_slice %arg4[%dma_start3A_864, %mul3A_863] : memref<64x1000001xf32, #tpu.memory_space<hbm>> -> memref<64x128xf32, #tpu.memory_space<hbm>>
      %dma_start3A_866 = arith.constant 0 : i32
      %dma_start3A_867 = tpu.memref_slice %arg4[%dma_start3A_866, %mul3A_863] : memref<64x1000001xf32, #tpu.memory_space<hbm>> -> memref<64x128xf32, #tpu.memory_space<hbm>>
      tpu.enqueue_dma source(%dma_start3A_867 : memref<64x128xf32, #tpu.memory_space<hbm>>) target(%arg12 : memref<64x128xf32, #tpu.memory_space<vmem>>) target_semaphore(%arg22 : memref<!tpu.dma_semaphore, #tpu.memory_space<semaphore_mem>>)
      %slice3A_868 = vector.extract_strided_slice %min3A_49 {offsets = [15], sizes = [1], strides = [1]} : vector<16xi32> to vector<1xi32>
      %squeeze3A_869 = vector.extract %slice3A_868[0] : i32 from vector<1xi32>
      %mul3A_870 = arith.constant 128 : i32
      %mul3A_871 = arith.muli %squeeze3A_869, %mul3A_870 : i32
      %dma_start3A_872 = arith.constant 0 : i32
      %dma_start3A_873 = tpu.memref_slice %arg5[%dma_start3A_872, %mul3A_871] : memref<64x1000001xf32, #tpu.memory_space<hbm>> -> memref<64x128xf32, #tpu.memory_space<hbm>>
      %dma_start3A_874 = arith.constant 0 : i32
      %dma_start3A_875 = tpu.memref_slice %arg5[%dma_start3A_874, %mul3A_871] : memref<64x1000001xf32, #tpu.memory_space<hbm>> -> memref<64x128xf32, #tpu.memory_space<hbm>>
      tpu.enqueue_dma source(%dma_start3A_875 : memref<64x128xf32, #tpu.memory_space<hbm>>) target(%arg18 : memref<64x128xf32, #tpu.memory_space<vmem>>) target_semaphore(%arg23 : memref<!tpu.dma_semaphore, #tpu.memory_space<semaphore_mem>>)
      %slice3A_876 = vector.extract_strided_slice %sub3A {offsets = [10], sizes = [1], strides = [1]} : vector<16xi32> to vector<1xi32>
      %squeeze3A_877 = vector.extract %slice3A_876[0] : i32 from vector<1xi32>
      %slice3A_878 = vector.extract_strided_slice %sub3A_66 {offsets = [10], sizes = [1], strides = [1]} : vector<16xi32> to vector<1xi32>
      %squeeze3A_879 = vector.extract %slice3A_878[0] : i32 from vector<1xi32>
      %lt3A_880 = arith.constant 128 : i32
      %lt3A_881 = arith.cmpi slt, %squeeze3A_877, %lt3A_880 : i32
      %convert_element_type3A_882 = arith.extui %lt3A_881 : i1 to i32
      %convert_element_type3A_883 = arith.sitofp %convert_element_type3A_882 : i32 to f32
      %broadcast_in_dim3A_884 = vector.broadcast %convert_element_type3A_883 : f32 to vector<16xf32>
      %lt3A_885 = arith.constant 128 : i32
      %lt3A_886 = arith.cmpi slt, %squeeze3A_879, %lt3A_885 : i32
      %convert_element_type3A_887 = arith.extui %lt3A_886 : i1 to i32
      %convert_element_type3A_888 = arith.sitofp %convert_element_type3A_887 : i32 to f32
      %broadcast_in_dim3A_889 = vector.broadcast %convert_element_type3A_888 : f32 to vector<16xf32>
      %min3A_890 = arith.constant 127 : i32
      %min3A_891 = arith.minsi %squeeze3A_877, %min3A_890 : i32
      %broadcast_in_dim3A_892 = vector.broadcast %min3A_891 : i32 to vector<16xi32>
      %min3A_893 = arith.constant 127 : i32
      %min3A_894 = arith.minsi %squeeze3A_879, %min3A_893 : i32
      %broadcast_in_dim3A_895 = vector.broadcast %min3A_894 : i32 to vector<16xi32>
      %rem3A_896 = arith.constant 8 : i32
      %rem3A_897 = arith.remsi %scan3A_20, %rem3A_896 : i32
      %mul3A_898 = arith.constant 32 : i32
      %mul3A_899 = arith.muli %rem3A_897, %mul3A_898 : i32
      %add3A_900 = arith.constant 10 : i32
      %add3A_901 = arith.addi %mul3A_899, %add3A_900 : i32
      %broadcast_in_dim3A_902 = vector.broadcast %add3A_901 : i32 to vector<16xi32>
      %gather3A_903 = tpu.vector_load_idx %arg13[%add3A_5, %broadcast_in_dim3A_892] : memref<64x128xf32, #tpu.memory_space<vmem>>[vector<16xi32>, vector<16xi32>], vector<16xf32>,
      %gather3A_904 = tpu.vector_load_idx %arg19[%add3A_5, %broadcast_in_dim3A_895] : memref<64x128xf32, #tpu.memory_space<vmem>>[vector<16xi32>, vector<16xi32>], vector<16xf32>,
      %mul3A_905 = arith.mulf %gather3A_903, %broadcast_in_dim3A_884 : vector<16xf32>
      %mul3A_906 = arith.mulf %gather3A_904, %broadcast_in_dim3A_889 : vector<16xf32>
      %add3A_907 = arith.addf %mul3A_905, %mul3A_906 : vector<16xf32>
      tpu.vector_store_idx %arg21[%add3A_5, %broadcast_in_dim3A_902], %add3A_907 : memref<64x256xf32, #tpu.memory_space<vmem>>[vector<16xi32>, vector<16xi32>], vector<16xf32>,
      %gather3A_908 = tpu.vector_load_idx %arg13[%add3A_8, %broadcast_in_dim3A_892] : memref<64x128xf32, #tpu.memory_space<vmem>>[vector<16xi32>, vector<16xi32>], vector<16xf32>,
      %gather3A_909 = tpu.vector_load_idx %arg19[%add3A_8, %broadcast_in_dim3A_895] : memref<64x128xf32, #tpu.memory_space<vmem>>[vector<16xi32>, vector<16xi32>], vector<16xf32>,
      %mul3A_910 = arith.mulf %gather3A_908, %broadcast_in_dim3A_884 : vector<16xf32>
      %mul3A_911 = arith.mulf %gather3A_909, %broadcast_in_dim3A_889 : vector<16xf32>
      %add3A_912 = arith.addf %mul3A_910, %mul3A_911 : vector<16xf32>
      tpu.vector_store_idx %arg21[%add3A_8, %broadcast_in_dim3A_902], %add3A_912 : memref<64x256xf32, #tpu.memory_space<vmem>>[vector<16xi32>, vector<16xi32>], vector<16xf32>,
      %gather3A_913 = tpu.vector_load_idx %arg13[%add3A_11, %broadcast_in_dim3A_892] : memref<64x128xf32, #tpu.memory_space<vmem>>[vector<16xi32>, vector<16xi32>], vector<16xf32>,
      %gather3A_914 = tpu.vector_load_idx %arg19[%add3A_11, %broadcast_in_dim3A_895] : memref<64x128xf32, #tpu.memory_space<vmem>>[vector<16xi32>, vector<16xi32>], vector<16xf32>,
      %mul3A_915 = arith.mulf %gather3A_913, %broadcast_in_dim3A_884 : vector<16xf32>
      %mul3A_916 = arith.mulf %gather3A_914, %broadcast_in_dim3A_889 : vector<16xf32>
      %add3A_917 = arith.addf %mul3A_915, %mul3A_916 : vector<16xf32>
      tpu.vector_store_idx %arg21[%add3A_11, %broadcast_in_dim3A_902], %add3A_917 : memref<64x256xf32, #tpu.memory_space<vmem>>[vector<16xi32>, vector<16xi32>], vector<16xf32>,
      %gather3A_918 = tpu.vector_load_idx %arg13[%add3A_14, %broadcast_in_dim3A_892] : memref<64x128xf32, #tpu.memory_space<vmem>>[vector<16xi32>, vector<16xi32>], vector<16xf32>,
      %gather3A_919 = tpu.vector_load_idx %arg19[%add3A_14, %broadcast_in_dim3A_895] : memref<64x128xf32, #tpu.memory_space<vmem>>[vector<16xi32>, vector<16xi32>], vector<16xf32>,
      %mul3A_920 = arith.mulf %gather3A_918, %broadcast_in_dim3A_884 : vector<16xf32>
      %mul3A_921 = arith.mulf %gather3A_919, %broadcast_in_dim3A_889 : vector<16xf32>
      %add3A_922 = arith.addf %mul3A_920, %mul3A_921 : vector<16xf32>
      tpu.vector_store_idx %arg21[%add3A_14, %broadcast_in_dim3A_902], %add3A_922 : memref<64x256xf32, #tpu.memory_space<vmem>>[vector<16xi32>, vector<16xi32>], vector<16xf32>,
      %dma_wait3A_923 = arith.constant 0 : i32
      %dma_wait3A_924 = tpu.memref_slice %arg4[%dma_wait3A_923, %mul3A_579] : memref<64x1000001xf32, #tpu.memory_space<hbm>> -> memref<64x128xf32, #tpu.memory_space<hbm>>
      %dma_wait3A_925 = arith.constant 0 : i32
      %dma_wait3A_926 = tpu.memref_slice %arg4[%dma_wait3A_925, %mul3A_579] : memref<64x1000001xf32, #tpu.memory_space<hbm>> -> memref<64x128xf32, #tpu.memory_space<hbm>>
      tpu.wait_dma2 semaphore(%arg22 : memref<!tpu.dma_semaphore, #tpu.memory_space<semaphore_mem>>) src(%dma_wait3A_926 : memref<64x128xf32, #tpu.memory_space<hbm>>) dst(%arg14 : memref<64x128xf32, #tpu.memory_space<vmem>>)
      %dma_wait3A_927 = arith.constant 0 : i32
      %dma_wait3A_928 = tpu.memref_slice %arg5[%dma_wait3A_927, %mul3A_587] : memref<64x1000001xf32, #tpu.memory_space<hbm>> -> memref<64x128xf32, #tpu.memory_space<hbm>>
      %dma_wait3A_929 = arith.constant 0 : i32
      %dma_wait3A_930 = tpu.memref_slice %arg5[%dma_wait3A_929, %mul3A_587] : memref<64x1000001xf32, #tpu.memory_space<hbm>> -> memref<64x128xf32, #tpu.memory_space<hbm>>
      tpu.wait_dma2 semaphore(%arg23 : memref<!tpu.dma_semaphore, #tpu.memory_space<semaphore_mem>>) src(%dma_wait3A_930 : memref<64x128xf32, #tpu.memory_space<hbm>>) dst(%arg20 : memref<64x128xf32, #tpu.memory_space<vmem>>)
      %slice3A_931 = vector.extract_strided_slice %min3A_43 {offsets = [0], sizes = [1], strides = [1]} : vector<16xi32> to vector<1xi32>
      %squeeze3A_932 = vector.extract %slice3A_931[0] : i32 from vector<1xi32>
      %mul3A_933 = arith.constant 128 : i32
      %mul3A_934 = arith.muli %squeeze3A_932, %mul3A_933 : i32
      %dma_start3A_935 = arith.constant 0 : i32
      %dma_start3A_936 = tpu.memref_slice %arg4[%dma_start3A_935, %mul3A_934] : memref<64x1000001xf32, #tpu.memory_space<hbm>> -> memref<64x128xf32, #tpu.memory_space<hbm>>
      %dma_start3A_937 = arith.constant 0 : i32
      %dma_start3A_938 = tpu.memref_slice %arg4[%dma_start3A_937, %mul3A_934] : memref<64x1000001xf32, #tpu.memory_space<hbm>> -> memref<64x128xf32, #tpu.memory_space<hbm>>
      tpu.enqueue_dma source(%dma_start3A_938 : memref<64x128xf32, #tpu.memory_space<hbm>>) target(%arg13 : memref<64x128xf32, #tpu.memory_space<vmem>>) target_semaphore(%arg22 : memref<!tpu.dma_semaphore, #tpu.memory_space<semaphore_mem>>)
      %slice3A_939 = vector.extract_strided_slice %min3A_55 {offsets = [0], sizes = [1], strides = [1]} : vector<16xi32> to vector<1xi32>
      %squeeze3A_940 = vector.extract %slice3A_939[0] : i32 from vector<1xi32>
      %mul3A_941 = arith.constant 128 : i32
      %mul3A_942 = arith.muli %squeeze3A_940, %mul3A_941 : i32
      %dma_start3A_943 = arith.constant 0 : i32
      %dma_start3A_944 = tpu.memref_slice %arg5[%dma_start3A_943, %mul3A_942] : memref<64x1000001xf32, #tpu.memory_space<hbm>> -> memref<64x128xf32, #tpu.memory_space<hbm>>
      %dma_start3A_945 = arith.constant 0 : i32
      %dma_start3A_946 = tpu.memref_slice %arg5[%dma_start3A_945, %mul3A_942] : memref<64x1000001xf32, #tpu.memory_space<hbm>> -> memref<64x128xf32, #tpu.memory_space<hbm>>
      tpu.enqueue_dma source(%dma_start3A_946 : memref<64x128xf32, #tpu.memory_space<hbm>>) target(%arg19 : memref<64x128xf32, #tpu.memory_space<vmem>>) target_semaphore(%arg23 : memref<!tpu.dma_semaphore, #tpu.memory_space<semaphore_mem>>)
      %slice3A_947 = vector.extract_strided_slice %sub3A {offsets = [11], sizes = [1], strides = [1]} : vector<16xi32> to vector<1xi32>
      %squeeze3A_948 = vector.extract %slice3A_947[0] : i32 from vector<1xi32>
      %slice3A_949 = vector.extract_strided_slice %sub3A_66 {offsets = [11], sizes = [1], strides = [1]} : vector<16xi32> to vector<1xi32>
      %squeeze3A_950 = vector.extract %slice3A_949[0] : i32 from vector<1xi32>
      %lt3A_951 = arith.constant 128 : i32
      %lt3A_952 = arith.cmpi slt, %squeeze3A_948, %lt3A_951 : i32
      %convert_element_type3A_953 = arith.extui %lt3A_952 : i1 to i32
      %convert_element_type3A_954 = arith.sitofp %convert_element_type3A_953 : i32 to f32
      %broadcast_in_dim3A_955 = vector.broadcast %convert_element_type3A_954 : f32 to vector<16xf32>
      %lt3A_956 = arith.constant 128 : i32
      %lt3A_957 = arith.cmpi slt, %squeeze3A_950, %lt3A_956 : i32
      %convert_element_type3A_958 = arith.extui %lt3A_957 : i1 to i32
      %convert_element_type3A_959 = arith.sitofp %convert_element_type3A_958 : i32 to f32
      %broadcast_in_dim3A_960 = vector.broadcast %convert_element_type3A_959 : f32 to vector<16xf32>
      %min3A_961 = arith.constant 127 : i32
      %min3A_962 = arith.minsi %squeeze3A_948, %min3A_961 : i32
      %broadcast_in_dim3A_963 = vector.broadcast %min3A_962 : i32 to vector<16xi32>
      %min3A_964 = arith.constant 127 : i32
      %min3A_965 = arith.minsi %squeeze3A_950, %min3A_964 : i32
      %broadcast_in_dim3A_966 = vector.broadcast %min3A_965 : i32 to vector<16xi32>
      %rem3A_967 = arith.constant 8 : i32
      %rem3A_968 = arith.remsi %scan3A_20, %rem3A_967 : i32
      %mul3A_969 = arith.constant 32 : i32
      %mul3A_970 = arith.muli %rem3A_968, %mul3A_969 : i32
      %add3A_971 = arith.constant 11 : i32
      %add3A_972 = arith.addi %mul3A_970, %add3A_971 : i32
      %broadcast_in_dim3A_973 = vector.broadcast %add3A_972 : i32 to vector<16xi32>
      %gather3A_974 = tpu.vector_load_idx %arg14[%add3A_5, %broadcast_in_dim3A_963] : memref<64x128xf32, #tpu.memory_space<vmem>>[vector<16xi32>, vector<16xi32>], vector<16xf32>,
      %gather3A_975 = tpu.vector_load_idx %arg20[%add3A_5, %broadcast_in_dim3A_966] : memref<64x128xf32, #tpu.memory_space<vmem>>[vector<16xi32>, vector<16xi32>], vector<16xf32>,
      %mul3A_976 = arith.mulf %gather3A_974, %broadcast_in_dim3A_955 : vector<16xf32>
      %mul3A_977 = arith.mulf %gather3A_975, %broadcast_in_dim3A_960 : vector<16xf32>
      %add3A_978 = arith.addf %mul3A_976, %mul3A_977 : vector<16xf32>
      tpu.vector_store_idx %arg21[%add3A_5, %broadcast_in_dim3A_973], %add3A_978 : memref<64x256xf32, #tpu.memory_space<vmem>>[vector<16xi32>, vector<16xi32>], vector<16xf32>,
      %gather3A_979 = tpu.vector_load_idx %arg14[%add3A_8, %broadcast_in_dim3A_963] : memref<64x128xf32, #tpu.memory_space<vmem>>[vector<16xi32>, vector<16xi32>], vector<16xf32>,
      %gather3A_980 = tpu.vector_load_idx %arg20[%add3A_8, %broadcast_in_dim3A_966] : memref<64x128xf32, #tpu.memory_space<vmem>>[vector<16xi32>, vector<16xi32>], vector<16xf32>,
      %mul3A_981 = arith.mulf %gather3A_979, %broadcast_in_dim3A_955 : vector<16xf32>
      %mul3A_982 = arith.mulf %gather3A_980, %broadcast_in_dim3A_960 : vector<16xf32>
      %add3A_983 = arith.addf %mul3A_981, %mul3A_982 : vector<16xf32>
      tpu.vector_store_idx %arg21[%add3A_8, %broadcast_in_dim3A_973], %add3A_983 : memref<64x256xf32, #tpu.memory_space<vmem>>[vector<16xi32>, vector<16xi32>], vector<16xf32>,
      %gather3A_984 = tpu.vector_load_idx %arg14[%add3A_11, %broadcast_in_dim3A_963] : memref<64x128xf32, #tpu.memory_space<vmem>>[vector<16xi32>, vector<16xi32>], vector<16xf32>,
      %gather3A_985 = tpu.vector_load_idx %arg20[%add3A_11, %broadcast_in_dim3A_966] : memref<64x128xf32, #tpu.memory_space<vmem>>[vector<16xi32>, vector<16xi32>], vector<16xf32>,
      %mul3A_986 = arith.mulf %gather3A_984, %broadcast_in_dim3A_955 : vector<16xf32>
      %mul3A_987 = arith.mulf %gather3A_985, %broadcast_in_dim3A_960 : vector<16xf32>
      %add3A_988 = arith.addf %mul3A_986, %mul3A_987 : vector<16xf32>
      tpu.vector_store_idx %arg21[%add3A_11, %broadcast_in_dim3A_973], %add3A_988 : memref<64x256xf32, #tpu.memory_space<vmem>>[vector<16xi32>, vector<16xi32>], vector<16xf32>,
      %gather3A_989 = tpu.vector_load_idx %arg14[%add3A_14, %broadcast_in_dim3A_963] : memref<64x128xf32, #tpu.memory_space<vmem>>[vector<16xi32>, vector<16xi32>], vector<16xf32>,
      %gather3A_990 = tpu.vector_load_idx %arg20[%add3A_14, %broadcast_in_dim3A_966] : memref<64x128xf32, #tpu.memory_space<vmem>>[vector<16xi32>, vector<16xi32>], vector<16xf32>,
      %mul3A_991 = arith.mulf %gather3A_989, %broadcast_in_dim3A_955 : vector<16xf32>
      %mul3A_992 = arith.mulf %gather3A_990, %broadcast_in_dim3A_960 : vector<16xf32>
      %add3A_993 = arith.addf %mul3A_991, %mul3A_992 : vector<16xf32>
      tpu.vector_store_idx %arg21[%add3A_14, %broadcast_in_dim3A_973], %add3A_993 : memref<64x256xf32, #tpu.memory_space<vmem>>[vector<16xi32>, vector<16xi32>], vector<16xf32>,
      %dma_wait3A_994 = arith.constant 0 : i32
      %dma_wait3A_995 = tpu.memref_slice %arg4[%dma_wait3A_994, %mul3A_650] : memref<64x1000001xf32, #tpu.memory_space<hbm>> -> memref<64x128xf32, #tpu.memory_space<hbm>>
      %dma_wait3A_996 = arith.constant 0 : i32
      %dma_wait3A_997 = tpu.memref_slice %arg4[%dma_wait3A_996, %mul3A_650] : memref<64x1000001xf32, #tpu.memory_space<hbm>> -> memref<64x128xf32, #tpu.memory_space<hbm>>
      tpu.wait_dma2 semaphore(%arg22 : memref<!tpu.dma_semaphore, #tpu.memory_space<semaphore_mem>>) src(%dma_wait3A_997 : memref<64x128xf32, #tpu.memory_space<hbm>>) dst(%arg9 : memref<64x128xf32, #tpu.memory_space<vmem>>)
      %dma_wait3A_998 = arith.constant 0 : i32
      %dma_wait3A_999 = tpu.memref_slice %arg5[%dma_wait3A_998, %mul3A_658] : memref<64x1000001xf32, #tpu.memory_space<hbm>> -> memref<64x128xf32, #tpu.memory_space<hbm>>
      %dma_wait3A_1000 = arith.constant 0 : i32
      %dma_wait3A_1001 = tpu.memref_slice %arg5[%dma_wait3A_1000, %mul3A_658] : memref<64x1000001xf32, #tpu.memory_space<hbm>> -> memref<64x128xf32, #tpu.memory_space<hbm>>
      tpu.wait_dma2 semaphore(%arg23 : memref<!tpu.dma_semaphore, #tpu.memory_space<semaphore_mem>>) src(%dma_wait3A_1001 : memref<64x128xf32, #tpu.memory_space<hbm>>) dst(%arg15 : memref<64x128xf32, #tpu.memory_space<vmem>>)
      %slice3A_1002 = vector.extract_strided_slice %min3A_43 {offsets = [1], sizes = [1], strides = [1]} : vector<16xi32> to vector<1xi32>
      %squeeze3A_1003 = vector.extract %slice3A_1002[0] : i32 from vector<1xi32>
      %mul3A_1004 = arith.constant 128 : i32
      %mul3A_1005 = arith.muli %squeeze3A_1003, %mul3A_1004 : i32
      %dma_start3A_1006 = arith.constant 0 : i32
      %dma_start3A_1007 = tpu.memref_slice %arg4[%dma_start3A_1006, %mul3A_1005] : memref<64x1000001xf32, #tpu.memory_space<hbm>> -> memref<64x128xf32, #tpu.memory_space<hbm>>
      %dma_start3A_1008 = arith.constant 0 : i32
      %dma_start3A_1009 = tpu.memref_slice %arg4[%dma_start3A_1008, %mul3A_1005] : memref<64x1000001xf32, #tpu.memory_space<hbm>> -> memref<64x128xf32, #tpu.memory_space<hbm>>
      tpu.enqueue_dma source(%dma_start3A_1009 : memref<64x128xf32, #tpu.memory_space<hbm>>) target(%arg14 : memref<64x128xf32, #tpu.memory_space<vmem>>) target_semaphore(%arg22 : memref<!tpu.dma_semaphore, #tpu.memory_space<semaphore_mem>>)
      %slice3A_1010 = vector.extract_strided_slice %min3A_55 {offsets = [1], sizes = [1], strides = [1]} : vector<16xi32> to vector<1xi32>
      %squeeze3A_1011 = vector.extract %slice3A_1010[0] : i32 from vector<1xi32>
      %mul3A_1012 = arith.constant 128 : i32
      %mul3A_1013 = arith.muli %squeeze3A_1011, %mul3A_1012 : i32
      %dma_start3A_1014 = arith.constant 0 : i32
      %dma_start3A_1015 = tpu.memref_slice %arg5[%dma_start3A_1014, %mul3A_1013] : memref<64x1000001xf32, #tpu.memory_space<hbm>> -> memref<64x128xf32, #tpu.memory_space<hbm>>
      %dma_start3A_1016 = arith.constant 0 : i32
      %dma_start3A_1017 = tpu.memref_slice %arg5[%dma_start3A_1016, %mul3A_1013] : memref<64x1000001xf32, #tpu.memory_space<hbm>> -> memref<64x128xf32, #tpu.memory_space<hbm>>
      tpu.enqueue_dma source(%dma_start3A_1017 : memref<64x128xf32, #tpu.memory_space<hbm>>) target(%arg20 : memref<64x128xf32, #tpu.memory_space<vmem>>) target_semaphore(%arg23 : memref<!tpu.dma_semaphore, #tpu.memory_space<semaphore_mem>>)
      %slice3A_1018 = vector.extract_strided_slice %sub3A {offsets = [12], sizes = [1], strides = [1]} : vector<16xi32> to vector<1xi32>
      %squeeze3A_1019 = vector.extract %slice3A_1018[0] : i32 from vector<1xi32>
      %slice3A_1020 = vector.extract_strided_slice %sub3A_66 {offsets = [12], sizes = [1], strides = [1]} : vector<16xi32> to vector<1xi32>
      %squeeze3A_1021 = vector.extract %slice3A_1020[0] : i32 from vector<1xi32>
      %lt3A_1022 = arith.constant 128 : i32
      %lt3A_1023 = arith.cmpi slt, %squeeze3A_1019, %lt3A_1022 : i32
      %convert_element_type3A_1024 = arith.extui %lt3A_1023 : i1 to i32
      %convert_element_type3A_1025 = arith.sitofp %convert_element_type3A_1024 : i32 to f32
      %broadcast_in_dim3A_1026 = vector.broadcast %convert_element_type3A_1025 : f32 to vector<16xf32>
      %lt3A_1027 = arith.constant 128 : i32
      %lt3A_1028 = arith.cmpi slt, %squeeze3A_1021, %lt3A_1027 : i32
      %convert_element_type3A_1029 = arith.extui %lt3A_1028 : i1 to i32
      %convert_element_type3A_1030 = arith.sitofp %convert_element_type3A_1029 : i32 to f32
      %broadcast_in_dim3A_1031 = vector.broadcast %convert_element_type3A_1030 : f32 to vector<16xf32>
      %min3A_1032 = arith.constant 127 : i32
      %min3A_1033 = arith.minsi %squeeze3A_1019, %min3A_1032 : i32
      %broadcast_in_dim3A_1034 = vector.broadcast %min3A_1033 : i32 to vector<16xi32>
      %min3A_1035 = arith.constant 127 : i32
      %min3A_1036 = arith.minsi %squeeze3A_1021, %min3A_1035 : i32
      %broadcast_in_dim3A_1037 = vector.broadcast %min3A_1036 : i32 to vector<16xi32>
      %rem3A_1038 = arith.constant 8 : i32
      %rem3A_1039 = arith.remsi %scan3A_20, %rem3A_1038 : i32
      %mul3A_1040 = arith.constant 32 : i32
      %mul3A_1041 = arith.muli %rem3A_1039, %mul3A_1040 : i32
      %add3A_1042 = arith.constant 12 : i32
      %add3A_1043 = arith.addi %mul3A_1041, %add3A_1042 : i32
      %broadcast_in_dim3A_1044 = vector.broadcast %add3A_1043 : i32 to vector<16xi32>
      %gather3A_1045 = tpu.vector_load_idx %arg9[%add3A_5, %broadcast_in_dim3A_1034] : memref<64x128xf32, #tpu.memory_space<vmem>>[vector<16xi32>, vector<16xi32>], vector<16xf32>,
      %gather3A_1046 = tpu.vector_load_idx %arg15[%add3A_5, %broadcast_in_dim3A_1037] : memref<64x128xf32, #tpu.memory_space<vmem>>[vector<16xi32>, vector<16xi32>], vector<16xf32>,
      %mul3A_1047 = arith.mulf %gather3A_1045, %broadcast_in_dim3A_1026 : vector<16xf32>
      %mul3A_1048 = arith.mulf %gather3A_1046, %broadcast_in_dim3A_1031 : vector<16xf32>
      %add3A_1049 = arith.addf %mul3A_1047, %mul3A_1048 : vector<16xf32>
      tpu.vector_store_idx %arg21[%add3A_5, %broadcast_in_dim3A_1044], %add3A_1049 : memref<64x256xf32, #tpu.memory_space<vmem>>[vector<16xi32>, vector<16xi32>], vector<16xf32>,
      %gather3A_1050 = tpu.vector_load_idx %arg9[%add3A_8, %broadcast_in_dim3A_1034] : memref<64x128xf32, #tpu.memory_space<vmem>>[vector<16xi32>, vector<16xi32>], vector<16xf32>,
      %gather3A_1051 = tpu.vector_load_idx %arg15[%add3A_8, %broadcast_in_dim3A_1037] : memref<64x128xf32, #tpu.memory_space<vmem>>[vector<16xi32>, vector<16xi32>], vector<16xf32>,
      %mul3A_1052 = arith.mulf %gather3A_1050, %broadcast_in_dim3A_1026 : vector<16xf32>
      %mul3A_1053 = arith.mulf %gather3A_1051, %broadcast_in_dim3A_1031 : vector<16xf32>
      %add3A_1054 = arith.addf %mul3A_1052, %mul3A_1053 : vector<16xf32>
      tpu.vector_store_idx %arg21[%add3A_8, %broadcast_in_dim3A_1044], %add3A_1054 : memref<64x256xf32, #tpu.memory_space<vmem>>[vector<16xi32>, vector<16xi32>], vector<16xf32>,
      %gather3A_1055 = tpu.vector_load_idx %arg9[%add3A_11, %broadcast_in_dim3A_1034] : memref<64x128xf32, #tpu.memory_space<vmem>>[vector<16xi32>, vector<16xi32>], vector<16xf32>,
      %gather3A_1056 = tpu.vector_load_idx %arg15[%add3A_11, %broadcast_in_dim3A_1037] : memref<64x128xf32, #tpu.memory_space<vmem>>[vector<16xi32>, vector<16xi32>], vector<16xf32>,
      %mul3A_1057 = arith.mulf %gather3A_1055, %broadcast_in_dim3A_1026 : vector<16xf32>
      %mul3A_1058 = arith.mulf %gather3A_1056, %broadcast_in_dim3A_1031 : vector<16xf32>
      %add3A_1059 = arith.addf %mul3A_1057, %mul3A_1058 : vector<16xf32>
      tpu.vector_store_idx %arg21[%add3A_11, %broadcast_in_dim3A_1044], %add3A_1059 : memref<64x256xf32, #tpu.memory_space<vmem>>[vector<16xi32>, vector<16xi32>], vector<16xf32>,
      %gather3A_1060 = tpu.vector_load_idx %arg9[%add3A_14, %broadcast_in_dim3A_1034] : memref<64x128xf32, #tpu.memory_space<vmem>>[vector<16xi32>, vector<16xi32>], vector<16xf32>,
      %gather3A_1061 = tpu.vector_load_idx %arg15[%add3A_14, %broadcast_in_dim3A_1037] : memref<64x128xf32, #tpu.memory_space<vmem>>[vector<16xi32>, vector<16xi32>], vector<16xf32>,
      %mul3A_1062 = arith.mulf %gather3A_1060, %broadcast_in_dim3A_1026 : vector<16xf32>
      %mul3A_1063 = arith.mulf %gather3A_1061, %broadcast_in_dim3A_1031 : vector<16xf32>
      %add3A_1064 = arith.addf %mul3A_1062, %mul3A_1063 : vector<16xf32>
      tpu.vector_store_idx %arg21[%add3A_14, %broadcast_in_dim3A_1044], %add3A_1064 : memref<64x256xf32, #tpu.memory_space<vmem>>[vector<16xi32>, vector<16xi32>], vector<16xf32>,
      %dma_wait3A_1065 = arith.constant 0 : i32
      %dma_wait3A_1066 = tpu.memref_slice %arg4[%dma_wait3A_1065, %mul3A_721] : memref<64x1000001xf32, #tpu.memory_space<hbm>> -> memref<64x128xf32, #tpu.memory_space<hbm>>
      %dma_wait3A_1067 = arith.constant 0 : i32
      %dma_wait3A_1068 = tpu.memref_slice %arg4[%dma_wait3A_1067, %mul3A_721] : memref<64x1000001xf32, #tpu.memory_space<hbm>> -> memref<64x128xf32, #tpu.memory_space<hbm>>
      tpu.wait_dma2 semaphore(%arg22 : memref<!tpu.dma_semaphore, #tpu.memory_space<semaphore_mem>>) src(%dma_wait3A_1068 : memref<64x128xf32, #tpu.memory_space<hbm>>) dst(%arg10 : memref<64x128xf32, #tpu.memory_space<vmem>>)
      %dma_wait3A_1069 = arith.constant 0 : i32
      %dma_wait3A_1070 = tpu.memref_slice %arg5[%dma_wait3A_1069, %mul3A_729] : memref<64x1000001xf32, #tpu.memory_space<hbm>> -> memref<64x128xf32, #tpu.memory_space<hbm>>
      %dma_wait3A_1071 = arith.constant 0 : i32
      %dma_wait3A_1072 = tpu.memref_slice %arg5[%dma_wait3A_1071, %mul3A_729] : memref<64x1000001xf32, #tpu.memory_space<hbm>> -> memref<64x128xf32, #tpu.memory_space<hbm>>
      tpu.wait_dma2 semaphore(%arg23 : memref<!tpu.dma_semaphore, #tpu.memory_space<semaphore_mem>>) src(%dma_wait3A_1072 : memref<64x128xf32, #tpu.memory_space<hbm>>) dst(%arg16 : memref<64x128xf32, #tpu.memory_space<vmem>>)
      %slice3A_1073 = vector.extract_strided_slice %min3A_43 {offsets = [2], sizes = [1], strides = [1]} : vector<16xi32> to vector<1xi32>
      %squeeze3A_1074 = vector.extract %slice3A_1073[0] : i32 from vector<1xi32>
      %mul3A_1075 = arith.constant 128 : i32
      %mul3A_1076 = arith.muli %squeeze3A_1074, %mul3A_1075 : i32
      %dma_start3A_1077 = arith.constant 0 : i32
      %dma_start3A_1078 = tpu.memref_slice %arg4[%dma_start3A_1077, %mul3A_1076] : memref<64x1000001xf32, #tpu.memory_space<hbm>> -> memref<64x128xf32, #tpu.memory_space<hbm>>
      %dma_start3A_1079 = arith.constant 0 : i32
      %dma_start3A_1080 = tpu.memref_slice %arg4[%dma_start3A_1079, %mul3A_1076] : memref<64x1000001xf32, #tpu.memory_space<hbm>> -> memref<64x128xf32, #tpu.memory_space<hbm>>
      tpu.enqueue_dma source(%dma_start3A_1080 : memref<64x128xf32, #tpu.memory_space<hbm>>) target(%arg9 : memref<64x128xf32, #tpu.memory_space<vmem>>) target_semaphore(%arg22 : memref<!tpu.dma_semaphore, #tpu.memory_space<semaphore_mem>>)
      %slice3A_1081 = vector.extract_strided_slice %min3A_55 {offsets = [2], sizes = [1], strides = [1]} : vector<16xi32> to vector<1xi32>
      %squeeze3A_1082 = vector.extract %slice3A_1081[0] : i32 from vector<1xi32>
      %mul3A_1083 = arith.constant 128 : i32
      %mul3A_1084 = arith.muli %squeeze3A_1082, %mul3A_1083 : i32
      %dma_start3A_1085 = arith.constant 0 : i32
      %dma_start3A_1086 = tpu.memref_slice %arg5[%dma_start3A_1085, %mul3A_1084] : memref<64x1000001xf32, #tpu.memory_space<hbm>> -> memref<64x128xf32, #tpu.memory_space<hbm>>
      %dma_start3A_1087 = arith.constant 0 : i32
      %dma_start3A_1088 = tpu.memref_slice %arg5[%dma_start3A_1087, %mul3A_1084] : memref<64x1000001xf32, #tpu.memory_space<hbm>> -> memref<64x128xf32, #tpu.memory_space<hbm>>
      tpu.enqueue_dma source(%dma_start3A_1088 : memref<64x128xf32, #tpu.memory_space<hbm>>) target(%arg15 : memref<64x128xf32, #tpu.memory_space<vmem>>) target_semaphore(%arg23 : memref<!tpu.dma_semaphore, #tpu.memory_space<semaphore_mem>>)
      %slice3A_1089 = vector.extract_strided_slice %sub3A {offsets = [13], sizes = [1], strides = [1]} : vector<16xi32> to vector<1xi32>
      %squeeze3A_1090 = vector.extract %slice3A_1089[0] : i32 from vector<1xi32>
      %slice3A_1091 = vector.extract_strided_slice %sub3A_66 {offsets = [13], sizes = [1], strides = [1]} : vector<16xi32> to vector<1xi32>
      %squeeze3A_1092 = vector.extract %slice3A_1091[0] : i32 from vector<1xi32>
      %lt3A_1093 = arith.constant 128 : i32
      %lt3A_1094 = arith.cmpi slt, %squeeze3A_1090, %lt3A_1093 : i32
      %convert_element_type3A_1095 = arith.extui %lt3A_1094 : i1 to i32
      %convert_element_type3A_1096 = arith.sitofp %convert_element_type3A_1095 : i32 to f32
      %broadcast_in_dim3A_1097 = vector.broadcast %convert_element_type3A_1096 : f32 to vector<16xf32>
      %lt3A_1098 = arith.constant 128 : i32
      %lt3A_1099 = arith.cmpi slt, %squeeze3A_1092, %lt3A_1098 : i32
      %convert_element_type3A_1100 = arith.extui %lt3A_1099 : i1 to i32
      %convert_element_type3A_1101 = arith.sitofp %convert_element_type3A_1100 : i32 to f32
      %broadcast_in_dim3A_1102 = vector.broadcast %convert_element_type3A_1101 : f32 to vector<16xf32>
      %min3A_1103 = arith.constant 127 : i32
      %min3A_1104 = arith.minsi %squeeze3A_1090, %min3A_1103 : i32
      %broadcast_in_dim3A_1105 = vector.broadcast %min3A_1104 : i32 to vector<16xi32>
      %min3A_1106 = arith.constant 127 : i32
      %min3A_1107 = arith.minsi %squeeze3A_1092, %min3A_1106 : i32
      %broadcast_in_dim3A_1108 = vector.broadcast %min3A_1107 : i32 to vector<16xi32>
      %rem3A_1109 = arith.constant 8 : i32
      %rem3A_1110 = arith.remsi %scan3A_20, %rem3A_1109 : i32
      %mul3A_1111 = arith.constant 32 : i32
      %mul3A_1112 = arith.muli %rem3A_1110, %mul3A_1111 : i32
      %add3A_1113 = arith.constant 13 : i32
      %add3A_1114 = arith.addi %mul3A_1112, %add3A_1113 : i32
      %broadcast_in_dim3A_1115 = vector.broadcast %add3A_1114 : i32 to vector<16xi32>
      %gather3A_1116 = tpu.vector_load_idx %arg10[%add3A_5, %broadcast_in_dim3A_1105] : memref<64x128xf32, #tpu.memory_space<vmem>>[vector<16xi32>, vector<16xi32>], vector<16xf32>,
      %gather3A_1117 = tpu.vector_load_idx %arg16[%add3A_5, %broadcast_in_dim3A_1108] : memref<64x128xf32, #tpu.memory_space<vmem>>[vector<16xi32>, vector<16xi32>], vector<16xf32>,
      %mul3A_1118 = arith.mulf %gather3A_1116, %broadcast_in_dim3A_1097 : vector<16xf32>
      %mul3A_1119 = arith.mulf %gather3A_1117, %broadcast_in_dim3A_1102 : vector<16xf32>
      %add3A_1120 = arith.addf %mul3A_1118, %mul3A_1119 : vector<16xf32>
      tpu.vector_store_idx %arg21[%add3A_5, %broadcast_in_dim3A_1115], %add3A_1120 : memref<64x256xf32, #tpu.memory_space<vmem>>[vector<16xi32>, vector<16xi32>], vector<16xf32>,
      %gather3A_1121 = tpu.vector_load_idx %arg10[%add3A_8, %broadcast_in_dim3A_1105] : memref<64x128xf32, #tpu.memory_space<vmem>>[vector<16xi32>, vector<16xi32>], vector<16xf32>,
      %gather3A_1122 = tpu.vector_load_idx %arg16[%add3A_8, %broadcast_in_dim3A_1108] : memref<64x128xf32, #tpu.memory_space<vmem>>[vector<16xi32>, vector<16xi32>], vector<16xf32>,
      %mul3A_1123 = arith.mulf %gather3A_1121, %broadcast_in_dim3A_1097 : vector<16xf32>
      %mul3A_1124 = arith.mulf %gather3A_1122, %broadcast_in_dim3A_1102 : vector<16xf32>
      %add3A_1125 = arith.addf %mul3A_1123, %mul3A_1124 : vector<16xf32>
      tpu.vector_store_idx %arg21[%add3A_8, %broadcast_in_dim3A_1115], %add3A_1125 : memref<64x256xf32, #tpu.memory_space<vmem>>[vector<16xi32>, vector<16xi32>], vector<16xf32>,
      %gather3A_1126 = tpu.vector_load_idx %arg10[%add3A_11, %broadcast_in_dim3A_1105] : memref<64x128xf32, #tpu.memory_space<vmem>>[vector<16xi32>, vector<16xi32>], vector<16xf32>,
      %gather3A_1127 = tpu.vector_load_idx %arg16[%add3A_11, %broadcast_in_dim3A_1108] : memref<64x128xf32, #tpu.memory_space<vmem>>[vector<16xi32>, vector<16xi32>], vector<16xf32>,
      %mul3A_1128 = arith.mulf %gather3A_1126, %broadcast_in_dim3A_1097 : vector<16xf32>
      %mul3A_1129 = arith.mulf %gather3A_1127, %broadcast_in_dim3A_1102 : vector<16xf32>
      %add3A_1130 = arith.addf %mul3A_1128, %mul3A_1129 : vector<16xf32>
      tpu.vector_store_idx %arg21[%add3A_11, %broadcast_in_dim3A_1115], %add3A_1130 : memref<64x256xf32, #tpu.memory_space<vmem>>[vector<16xi32>, vector<16xi32>], vector<16xf32>,
      %gather3A_1131 = tpu.vector_load_idx %arg10[%add3A_14, %broadcast_in_dim3A_1105] : memref<64x128xf32, #tpu.memory_space<vmem>>[vector<16xi32>, vector<16xi32>], vector<16xf32>,
      %gather3A_1132 = tpu.vector_load_idx %arg16[%add3A_14, %broadcast_in_dim3A_1108] : memref<64x128xf32, #tpu.memory_space<vmem>>[vector<16xi32>, vector<16xi32>], vector<16xf32>,
      %mul3A_1133 = arith.mulf %gather3A_1131, %broadcast_in_dim3A_1097 : vector<16xf32>
      %mul3A_1134 = arith.mulf %gather3A_1132, %broadcast_in_dim3A_1102 : vector<16xf32>
      %add3A_1135 = arith.addf %mul3A_1133, %mul3A_1134 : vector<16xf32>
      tpu.vector_store_idx %arg21[%add3A_14, %broadcast_in_dim3A_1115], %add3A_1135 : memref<64x256xf32, #tpu.memory_space<vmem>>[vector<16xi32>, vector<16xi32>], vector<16xf32>,
      %dma_wait3A_1136 = arith.constant 0 : i32
      %dma_wait3A_1137 = tpu.memref_slice %arg4[%dma_wait3A_1136, %mul3A_792] : memref<64x1000001xf32, #tpu.memory_space<hbm>> -> memref<64x128xf32, #tpu.memory_space<hbm>>
      %dma_wait3A_1138 = arith.constant 0 : i32
      %dma_wait3A_1139 = tpu.memref_slice %arg4[%dma_wait3A_1138, %mul3A_792] : memref<64x1000001xf32, #tpu.memory_space<hbm>> -> memref<64x128xf32, #tpu.memory_space<hbm>>
      tpu.wait_dma2 semaphore(%arg22 : memref<!tpu.dma_semaphore, #tpu.memory_space<semaphore_mem>>) src(%dma_wait3A_1139 : memref<64x128xf32, #tpu.memory_space<hbm>>) dst(%arg11 : memref<64x128xf32, #tpu.memory_space<vmem>>)
      %dma_wait3A_1140 = arith.constant 0 : i32
      %dma_wait3A_1141 = tpu.memref_slice %arg5[%dma_wait3A_1140, %mul3A_800] : memref<64x1000001xf32, #tpu.memory_space<hbm>> -> memref<64x128xf32, #tpu.memory_space<hbm>>
      %dma_wait3A_1142 = arith.constant 0 : i32
      %dma_wait3A_1143 = tpu.memref_slice %arg5[%dma_wait3A_1142, %mul3A_800] : memref<64x1000001xf32, #tpu.memory_space<hbm>> -> memref<64x128xf32, #tpu.memory_space<hbm>>
      tpu.wait_dma2 semaphore(%arg23 : memref<!tpu.dma_semaphore, #tpu.memory_space<semaphore_mem>>) src(%dma_wait3A_1143 : memref<64x128xf32, #tpu.memory_space<hbm>>) dst(%arg17 : memref<64x128xf32, #tpu.memory_space<vmem>>)
      %slice3A_1144 = vector.extract_strided_slice %min3A_43 {offsets = [3], sizes = [1], strides = [1]} : vector<16xi32> to vector<1xi32>
      %squeeze3A_1145 = vector.extract %slice3A_1144[0] : i32 from vector<1xi32>
      %mul3A_1146 = arith.constant 128 : i32
      %mul3A_1147 = arith.muli %squeeze3A_1145, %mul3A_1146 : i32
      %dma_start3A_1148 = arith.constant 0 : i32
      %dma_start3A_1149 = tpu.memref_slice %arg4[%dma_start3A_1148, %mul3A_1147] : memref<64x1000001xf32, #tpu.memory_space<hbm>> -> memref<64x128xf32, #tpu.memory_space<hbm>>
      %dma_start3A_1150 = arith.constant 0 : i32
      %dma_start3A_1151 = tpu.memref_slice %arg4[%dma_start3A_1150, %mul3A_1147] : memref<64x1000001xf32, #tpu.memory_space<hbm>> -> memref<64x128xf32, #tpu.memory_space<hbm>>
      tpu.enqueue_dma source(%dma_start3A_1151 : memref<64x128xf32, #tpu.memory_space<hbm>>) target(%arg10 : memref<64x128xf32, #tpu.memory_space<vmem>>) target_semaphore(%arg22 : memref<!tpu.dma_semaphore, #tpu.memory_space<semaphore_mem>>)
      %slice3A_1152 = vector.extract_strided_slice %min3A_55 {offsets = [3], sizes = [1], strides = [1]} : vector<16xi32> to vector<1xi32>
      %squeeze3A_1153 = vector.extract %slice3A_1152[0] : i32 from vector<1xi32>
      %mul3A_1154 = arith.constant 128 : i32
      %mul3A_1155 = arith.muli %squeeze3A_1153, %mul3A_1154 : i32
      %dma_start3A_1156 = arith.constant 0 : i32
      %dma_start3A_1157 = tpu.memref_slice %arg5[%dma_start3A_1156, %mul3A_1155] : memref<64x1000001xf32, #tpu.memory_space<hbm>> -> memref<64x128xf32, #tpu.memory_space<hbm>>
      %dma_start3A_1158 = arith.constant 0 : i32
      %dma_start3A_1159 = tpu.memref_slice %arg5[%dma_start3A_1158, %mul3A_1155] : memref<64x1000001xf32, #tpu.memory_space<hbm>> -> memref<64x128xf32, #tpu.memory_space<hbm>>
      tpu.enqueue_dma source(%dma_start3A_1159 : memref<64x128xf32, #tpu.memory_space<hbm>>) target(%arg16 : memref<64x128xf32, #tpu.memory_space<vmem>>) target_semaphore(%arg23 : memref<!tpu.dma_semaphore, #tpu.memory_space<semaphore_mem>>)
      %slice3A_1160 = vector.extract_strided_slice %sub3A {offsets = [14], sizes = [1], strides = [1]} : vector<16xi32> to vector<1xi32>
      %squeeze3A_1161 = vector.extract %slice3A_1160[0] : i32 from vector<1xi32>
      %slice3A_1162 = vector.extract_strided_slice %sub3A_66 {offsets = [14], sizes = [1], strides = [1]} : vector<16xi32> to vector<1xi32>
      %squeeze3A_1163 = vector.extract %slice3A_1162[0] : i32 from vector<1xi32>
      %lt3A_1164 = arith.constant 128 : i32
      %lt3A_1165 = arith.cmpi slt, %squeeze3A_1161, %lt3A_1164 : i32
      %convert_element_type3A_1166 = arith.extui %lt3A_1165 : i1 to i32
      %convert_element_type3A_1167 = arith.sitofp %convert_element_type3A_1166 : i32 to f32
      %broadcast_in_dim3A_1168 = vector.broadcast %convert_element_type3A_1167 : f32 to vector<16xf32>
      %lt3A_1169 = arith.constant 128 : i32
      %lt3A_1170 = arith.cmpi slt, %squeeze3A_1163, %lt3A_1169 : i32
      %convert_element_type3A_1171 = arith.extui %lt3A_1170 : i1 to i32
      %convert_element_type3A_1172 = arith.sitofp %convert_element_type3A_1171 : i32 to f32
      %broadcast_in_dim3A_1173 = vector.broadcast %convert_element_type3A_1172 : f32 to vector<16xf32>
      %min3A_1174 = arith.constant 127 : i32
      %min3A_1175 = arith.minsi %squeeze3A_1161, %min3A_1174 : i32
      %broadcast_in_dim3A_1176 = vector.broadcast %min3A_1175 : i32 to vector<16xi32>
      %min3A_1177 = arith.constant 127 : i32
      %min3A_1178 = arith.minsi %squeeze3A_1163, %min3A_1177 : i32
      %broadcast_in_dim3A_1179 = vector.broadcast %min3A_1178 : i32 to vector<16xi32>
      %rem3A_1180 = arith.constant 8 : i32
      %rem3A_1181 = arith.remsi %scan3A_20, %rem3A_1180 : i32
      %mul3A_1182 = arith.constant 32 : i32
      %mul3A_1183 = arith.muli %rem3A_1181, %mul3A_1182 : i32
      %add3A_1184 = arith.constant 14 : i32
      %add3A_1185 = arith.addi %mul3A_1183, %add3A_1184 : i32
      %broadcast_in_dim3A_1186 = vector.broadcast %add3A_1185 : i32 to vector<16xi32>
      %gather3A_1187 = tpu.vector_load_idx %arg11[%add3A_5, %broadcast_in_dim3A_1176] : memref<64x128xf32, #tpu.memory_space<vmem>>[vector<16xi32>, vector<16xi32>], vector<16xf32>,
      %gather3A_1188 = tpu.vector_load_idx %arg17[%add3A_5, %broadcast_in_dim3A_1179] : memref<64x128xf32, #tpu.memory_space<vmem>>[vector<16xi32>, vector<16xi32>], vector<16xf32>,
      %mul3A_1189 = arith.mulf %gather3A_1187, %broadcast_in_dim3A_1168 : vector<16xf32>
      %mul3A_1190 = arith.mulf %gather3A_1188, %broadcast_in_dim3A_1173 : vector<16xf32>
      %add3A_1191 = arith.addf %mul3A_1189, %mul3A_1190 : vector<16xf32>
      tpu.vector_store_idx %arg21[%add3A_5, %broadcast_in_dim3A_1186], %add3A_1191 : memref<64x256xf32, #tpu.memory_space<vmem>>[vector<16xi32>, vector<16xi32>], vector<16xf32>,
      %gather3A_1192 = tpu.vector_load_idx %arg11[%add3A_8, %broadcast_in_dim3A_1176] : memref<64x128xf32, #tpu.memory_space<vmem>>[vector<16xi32>, vector<16xi32>], vector<16xf32>,
      %gather3A_1193 = tpu.vector_load_idx %arg17[%add3A_8, %broadcast_in_dim3A_1179] : memref<64x128xf32, #tpu.memory_space<vmem>>[vector<16xi32>, vector<16xi32>], vector<16xf32>,
      %mul3A_1194 = arith.mulf %gather3A_1192, %broadcast_in_dim3A_1168 : vector<16xf32>
      %mul3A_1195 = arith.mulf %gather3A_1193, %broadcast_in_dim3A_1173 : vector<16xf32>
      %add3A_1196 = arith.addf %mul3A_1194, %mul3A_1195 : vector<16xf32>
      tpu.vector_store_idx %arg21[%add3A_8, %broadcast_in_dim3A_1186], %add3A_1196 : memref<64x256xf32, #tpu.memory_space<vmem>>[vector<16xi32>, vector<16xi32>], vector<16xf32>,
      %gather3A_1197 = tpu.vector_load_idx %arg11[%add3A_11, %broadcast_in_dim3A_1176] : memref<64x128xf32, #tpu.memory_space<vmem>>[vector<16xi32>, vector<16xi32>], vector<16xf32>,
      %gather3A_1198 = tpu.vector_load_idx %arg17[%add3A_11, %broadcast_in_dim3A_1179] : memref<64x128xf32, #tpu.memory_space<vmem>>[vector<16xi32>, vector<16xi32>], vector<16xf32>,
      %mul3A_1199 = arith.mulf %gather3A_1197, %broadcast_in_dim3A_1168 : vector<16xf32>
      %mul3A_1200 = arith.mulf %gather3A_1198, %broadcast_in_dim3A_1173 : vector<16xf32>
      %add3A_1201 = arith.addf %mul3A_1199, %mul3A_1200 : vector<16xf32>
      tpu.vector_store_idx %arg21[%add3A_11, %broadcast_in_dim3A_1186], %add3A_1201 : memref<64x256xf32, #tpu.memory_space<vmem>>[vector<16xi32>, vector<16xi32>], vector<16xf32>,
      %gather3A_1202 = tpu.vector_load_idx %arg11[%add3A_14, %broadcast_in_dim3A_1176] : memref<64x128xf32, #tpu.memory_space<vmem>>[vector<16xi32>, vector<16xi32>], vector<16xf32>,
      %gather3A_1203 = tpu.vector_load_idx %arg17[%add3A_14, %broadcast_in_dim3A_1179] : memref<64x128xf32, #tpu.memory_space<vmem>>[vector<16xi32>, vector<16xi32>], vector<16xf32>,
      %mul3A_1204 = arith.mulf %gather3A_1202, %broadcast_in_dim3A_1168 : vector<16xf32>
      %mul3A_1205 = arith.mulf %gather3A_1203, %broadcast_in_dim3A_1173 : vector<16xf32>
      %add3A_1206 = arith.addf %mul3A_1204, %mul3A_1205 : vector<16xf32>
      tpu.vector_store_idx %arg21[%add3A_14, %broadcast_in_dim3A_1186], %add3A_1206 : memref<64x256xf32, #tpu.memory_space<vmem>>[vector<16xi32>, vector<16xi32>], vector<16xf32>,
      %dma_wait3A_1207 = arith.constant 0 : i32
      %dma_wait3A_1208 = tpu.memref_slice %arg4[%dma_wait3A_1207, %mul3A_863] : memref<64x1000001xf32, #tpu.memory_space<hbm>> -> memref<64x128xf32, #tpu.memory_space<hbm>>
      %dma_wait3A_1209 = arith.constant 0 : i32
      %dma_wait3A_1210 = tpu.memref_slice %arg4[%dma_wait3A_1209, %mul3A_863] : memref<64x1000001xf32, #tpu.memory_space<hbm>> -> memref<64x128xf32, #tpu.memory_space<hbm>>
      tpu.wait_dma2 semaphore(%arg22 : memref<!tpu.dma_semaphore, #tpu.memory_space<semaphore_mem>>) src(%dma_wait3A_1210 : memref<64x128xf32, #tpu.memory_space<hbm>>) dst(%arg12 : memref<64x128xf32, #tpu.memory_space<vmem>>)
      %dma_wait3A_1211 = arith.constant 0 : i32
      %dma_wait3A_1212 = tpu.memref_slice %arg5[%dma_wait3A_1211, %mul3A_871] : memref<64x1000001xf32, #tpu.memory_space<hbm>> -> memref<64x128xf32, #tpu.memory_space<hbm>>
      %dma_wait3A_1213 = arith.constant 0 : i32
      %dma_wait3A_1214 = tpu.memref_slice %arg5[%dma_wait3A_1213, %mul3A_871] : memref<64x1000001xf32, #tpu.memory_space<hbm>> -> memref<64x128xf32, #tpu.memory_space<hbm>>
      tpu.wait_dma2 semaphore(%arg23 : memref<!tpu.dma_semaphore, #tpu.memory_space<semaphore_mem>>) src(%dma_wait3A_1214 : memref<64x128xf32, #tpu.memory_space<hbm>>) dst(%arg18 : memref<64x128xf32, #tpu.memory_space<vmem>>)
      %slice3A_1215 = vector.extract_strided_slice %min3A_43 {offsets = [4], sizes = [1], strides = [1]} : vector<16xi32> to vector<1xi32>
      %squeeze3A_1216 = vector.extract %slice3A_1215[0] : i32 from vector<1xi32>
      %mul3A_1217 = arith.constant 128 : i32
      %mul3A_1218 = arith.muli %squeeze3A_1216, %mul3A_1217 : i32
      %dma_start3A_1219 = arith.constant 0 : i32
      %dma_start3A_1220 = tpu.memref_slice %arg4[%dma_start3A_1219, %mul3A_1218] : memref<64x1000001xf32, #tpu.memory_space<hbm>> -> memref<64x128xf32, #tpu.memory_space<hbm>>
      %dma_start3A_1221 = arith.constant 0 : i32
      %dma_start3A_1222 = tpu.memref_slice %arg4[%dma_start3A_1221, %mul3A_1218] : memref<64x1000001xf32, #tpu.memory_space<hbm>> -> memref<64x128xf32, #tpu.memory_space<hbm>>
      tpu.enqueue_dma source(%dma_start3A_1222 : memref<64x128xf32, #tpu.memory_space<hbm>>) target(%arg11 : memref<64x128xf32, #tpu.memory_space<vmem>>) target_semaphore(%arg22 : memref<!tpu.dma_semaphore, #tpu.memory_space<semaphore_mem>>)
      %slice3A_1223 = vector.extract_strided_slice %min3A_55 {offsets = [4], sizes = [1], strides = [1]} : vector<16xi32> to vector<1xi32>
      %squeeze3A_1224 = vector.extract %slice3A_1223[0] : i32 from vector<1xi32>
      %mul3A_1225 = arith.constant 128 : i32
      %mul3A_1226 = arith.muli %squeeze3A_1224, %mul3A_1225 : i32
      %dma_start3A_1227 = arith.constant 0 : i32
      %dma_start3A_1228 = tpu.memref_slice %arg5[%dma_start3A_1227, %mul3A_1226] : memref<64x1000001xf32, #tpu.memory_space<hbm>> -> memref<64x128xf32, #tpu.memory_space<hbm>>
      %dma_start3A_1229 = arith.constant 0 : i32
      %dma_start3A_1230 = tpu.memref_slice %arg5[%dma_start3A_1229, %mul3A_1226] : memref<64x1000001xf32, #tpu.memory_space<hbm>> -> memref<64x128xf32, #tpu.memory_space<hbm>>
      tpu.enqueue_dma source(%dma_start3A_1230 : memref<64x128xf32, #tpu.memory_space<hbm>>) target(%arg17 : memref<64x128xf32, #tpu.memory_space<vmem>>) target_semaphore(%arg23 : memref<!tpu.dma_semaphore, #tpu.memory_space<semaphore_mem>>)
      %slice3A_1231 = vector.extract_strided_slice %sub3A {offsets = [15], sizes = [1], strides = [1]} : vector<16xi32> to vector<1xi32>
      %squeeze3A_1232 = vector.extract %slice3A_1231[0] : i32 from vector<1xi32>
      %slice3A_1233 = vector.extract_strided_slice %sub3A_66 {offsets = [15], sizes = [1], strides = [1]} : vector<16xi32> to vector<1xi32>
      %squeeze3A_1234 = vector.extract %slice3A_1233[0] : i32 from vector<1xi32>
      %lt3A_1235 = arith.constant 128 : i32
      %lt3A_1236 = arith.cmpi slt, %squeeze3A_1232, %lt3A_1235 : i32
      %convert_element_type3A_1237 = arith.extui %lt3A_1236 : i1 to i32
      %convert_element_type3A_1238 = arith.sitofp %convert_element_type3A_1237 : i32 to f32
      %broadcast_in_dim3A_1239 = vector.broadcast %convert_element_type3A_1238 : f32 to vector<16xf32>
      %lt3A_1240 = arith.constant 128 : i32
      %lt3A_1241 = arith.cmpi slt, %squeeze3A_1234, %lt3A_1240 : i32
      %convert_element_type3A_1242 = arith.extui %lt3A_1241 : i1 to i32
      %convert_element_type3A_1243 = arith.sitofp %convert_element_type3A_1242 : i32 to f32
      %broadcast_in_dim3A_1244 = vector.broadcast %convert_element_type3A_1243 : f32 to vector<16xf32>
      %min3A_1245 = arith.constant 127 : i32
      %min3A_1246 = arith.minsi %squeeze3A_1232, %min3A_1245 : i32
      %broadcast_in_dim3A_1247 = vector.broadcast %min3A_1246 : i32 to vector<16xi32>
      %min3A_1248 = arith.constant 127 : i32
      %min3A_1249 = arith.minsi %squeeze3A_1234, %min3A_1248 : i32
      %broadcast_in_dim3A_1250 = vector.broadcast %min3A_1249 : i32 to vector<16xi32>
      %rem3A_1251 = arith.constant 8 : i32
      %rem3A_1252 = arith.remsi %scan3A_20, %rem3A_1251 : i32
      %mul3A_1253 = arith.constant 32 : i32
      %mul3A_1254 = arith.muli %rem3A_1252, %mul3A_1253 : i32
      %add3A_1255 = arith.constant 15 : i32
      %add3A_1256 = arith.addi %mul3A_1254, %add3A_1255 : i32
      %broadcast_in_dim3A_1257 = vector.broadcast %add3A_1256 : i32 to vector<16xi32>
      %gather3A_1258 = tpu.vector_load_idx %arg12[%add3A_5, %broadcast_in_dim3A_1247] : memref<64x128xf32, #tpu.memory_space<vmem>>[vector<16xi32>, vector<16xi32>], vector<16xf32>,
      %gather3A_1259 = tpu.vector_load_idx %arg18[%add3A_5, %broadcast_in_dim3A_1250] : memref<64x128xf32, #tpu.memory_space<vmem>>[vector<16xi32>, vector<16xi32>], vector<16xf32>,
      %mul3A_1260 = arith.mulf %gather3A_1258, %broadcast_in_dim3A_1239 : vector<16xf32>
      %mul3A_1261 = arith.mulf %gather3A_1259, %broadcast_in_dim3A_1244 : vector<16xf32>
      %add3A_1262 = arith.addf %mul3A_1260, %mul3A_1261 : vector<16xf32>
      tpu.vector_store_idx %arg21[%add3A_5, %broadcast_in_dim3A_1257], %add3A_1262 : memref<64x256xf32, #tpu.memory_space<vmem>>[vector<16xi32>, vector<16xi32>], vector<16xf32>,
      %gather3A_1263 = tpu.vector_load_idx %arg12[%add3A_8, %broadcast_in_dim3A_1247] : memref<64x128xf32, #tpu.memory_space<vmem>>[vector<16xi32>, vector<16xi32>], vector<16xf32>,
      %gather3A_1264 = tpu.vector_load_idx %arg18[%add3A_8, %broadcast_in_dim3A_1250] : memref<64x128xf32, #tpu.memory_space<vmem>>[vector<16xi32>, vector<16xi32>], vector<16xf32>,
      %mul3A_1265 = arith.mulf %gather3A_1263, %broadcast_in_dim3A_1239 : vector<16xf32>
      %mul3A_1266 = arith.mulf %gather3A_1264, %broadcast_in_dim3A_1244 : vector<16xf32>
      %add3A_1267 = arith.addf %mul3A_1265, %mul3A_1266 : vector<16xf32>
      tpu.vector_store_idx %arg21[%add3A_8, %broadcast_in_dim3A_1257], %add3A_1267 : memref<64x256xf32, #tpu.memory_space<vmem>>[vector<16xi32>, vector<16xi32>], vector<16xf32>,
      %gather3A_1268 = tpu.vector_load_idx %arg12[%add3A_11, %broadcast_in_dim3A_1247] : memref<64x128xf32, #tpu.memory_space<vmem>>[vector<16xi32>, vector<16xi32>], vector<16xf32>,
      %gather3A_1269 = tpu.vector_load_idx %arg18[%add3A_11, %broadcast_in_dim3A_1250] : memref<64x128xf32, #tpu.memory_space<vmem>>[vector<16xi32>, vector<16xi32>], vector<16xf32>,
      %mul3A_1270 = arith.mulf %gather3A_1268, %broadcast_in_dim3A_1239 : vector<16xf32>
      %mul3A_1271 = arith.mulf %gather3A_1269, %broadcast_in_dim3A_1244 : vector<16xf32>
      %add3A_1272 = arith.addf %mul3A_1270, %mul3A_1271 : vector<16xf32>
      tpu.vector_store_idx %arg21[%add3A_11, %broadcast_in_dim3A_1257], %add3A_1272 : memref<64x256xf32, #tpu.memory_space<vmem>>[vector<16xi32>, vector<16xi32>], vector<16xf32>,
      %gather3A_1273 = tpu.vector_load_idx %arg12[%add3A_14, %broadcast_in_dim3A_1247] : memref<64x128xf32, #tpu.memory_space<vmem>>[vector<16xi32>, vector<16xi32>], vector<16xf32>,
      %gather3A_1274 = tpu.vector_load_idx %arg18[%add3A_14, %broadcast_in_dim3A_1250] : memref<64x128xf32, #tpu.memory_space<vmem>>[vector<16xi32>, vector<16xi32>], vector<16xf32>,
      %mul3A_1275 = arith.mulf %gather3A_1273, %broadcast_in_dim3A_1239 : vector<16xf32>
      %mul3A_1276 = arith.mulf %gather3A_1274, %broadcast_in_dim3A_1244 : vector<16xf32>
      %add3A_1277 = arith.addf %mul3A_1275, %mul3A_1276 : vector<16xf32>
      tpu.vector_store_idx %arg21[%add3A_14, %broadcast_in_dim3A_1257], %add3A_1277 : memref<64x256xf32, #tpu.memory_space<vmem>>[vector<16xi32>, vector<16xi32>], vector<16xf32>,
      %dma_wait3A_1278 = arith.constant 0 : i32
      %dma_wait3A_1279 = tpu.memref_slice %arg4[%dma_wait3A_1278, %mul3A_934] : memref<64x1000001xf32, #tpu.memory_space<hbm>> -> memref<64x128xf32, #tpu.memory_space<hbm>>
      %dma_wait3A_1280 = arith.constant 0 : i32
      %dma_wait3A_1281 = tpu.memref_slice %arg4[%dma_wait3A_1280, %mul3A_934] : memref<64x1000001xf32, #tpu.memory_space<hbm>> -> memref<64x128xf32, #tpu.memory_space<hbm>>
      tpu.wait_dma2 semaphore(%arg22 : memref<!tpu.dma_semaphore, #tpu.memory_space<semaphore_mem>>) src(%dma_wait3A_1281 : memref<64x128xf32, #tpu.memory_space<hbm>>) dst(%arg13 : memref<64x128xf32, #tpu.memory_space<vmem>>)
      %dma_wait3A_1282 = arith.constant 0 : i32
      %dma_wait3A_1283 = tpu.memref_slice %arg5[%dma_wait3A_1282, %mul3A_942] : memref<64x1000001xf32, #tpu.memory_space<hbm>> -> memref<64x128xf32, #tpu.memory_space<hbm>>
      %dma_wait3A_1284 = arith.constant 0 : i32
      %dma_wait3A_1285 = tpu.memref_slice %arg5[%dma_wait3A_1284, %mul3A_942] : memref<64x1000001xf32, #tpu.memory_space<hbm>> -> memref<64x128xf32, #tpu.memory_space<hbm>>
      tpu.wait_dma2 semaphore(%arg23 : memref<!tpu.dma_semaphore, #tpu.memory_space<semaphore_mem>>) src(%dma_wait3A_1285 : memref<64x128xf32, #tpu.memory_space<hbm>>) dst(%arg19 : memref<64x128xf32, #tpu.memory_space<vmem>>)
      %slice3A_1286 = vector.extract_strided_slice %min3A_43 {offsets = [5], sizes = [1], strides = [1]} : vector<16xi32> to vector<1xi32>
      %squeeze3A_1287 = vector.extract %slice3A_1286[0] : i32 from vector<1xi32>
      %mul3A_1288 = arith.constant 128 : i32
      %mul3A_1289 = arith.muli %squeeze3A_1287, %mul3A_1288 : i32
      %dma_start3A_1290 = arith.constant 0 : i32
      %dma_start3A_1291 = tpu.memref_slice %arg4[%dma_start3A_1290, %mul3A_1289] : memref<64x1000001xf32, #tpu.memory_space<hbm>> -> memref<64x128xf32, #tpu.memory_space<hbm>>
      %dma_start3A_1292 = arith.constant 0 : i32
      %dma_start3A_1293 = tpu.memref_slice %arg4[%dma_start3A_1292, %mul3A_1289] : memref<64x1000001xf32, #tpu.memory_space<hbm>> -> memref<64x128xf32, #tpu.memory_space<hbm>>
      tpu.enqueue_dma source(%dma_start3A_1293 : memref<64x128xf32, #tpu.memory_space<hbm>>) target(%arg12 : memref<64x128xf32, #tpu.memory_space<vmem>>) target_semaphore(%arg22 : memref<!tpu.dma_semaphore, #tpu.memory_space<semaphore_mem>>)
      %slice3A_1294 = vector.extract_strided_slice %min3A_55 {offsets = [5], sizes = [1], strides = [1]} : vector<16xi32> to vector<1xi32>
      %squeeze3A_1295 = vector.extract %slice3A_1294[0] : i32 from vector<1xi32>
      %mul3A_1296 = arith.constant 128 : i32
      %mul3A_1297 = arith.muli %squeeze3A_1295, %mul3A_1296 : i32
      %dma_start3A_1298 = arith.constant 0 : i32
      %dma_start3A_1299 = tpu.memref_slice %arg5[%dma_start3A_1298, %mul3A_1297] : memref<64x1000001xf32, #tpu.memory_space<hbm>> -> memref<64x128xf32, #tpu.memory_space<hbm>>
      %dma_start3A_1300 = arith.constant 0 : i32
      %dma_start3A_1301 = tpu.memref_slice %arg5[%dma_start3A_1300, %mul3A_1297] : memref<64x1000001xf32, #tpu.memory_space<hbm>> -> memref<64x128xf32, #tpu.memory_space<hbm>>
      tpu.enqueue_dma source(%dma_start3A_1301 : memref<64x128xf32, #tpu.memory_space<hbm>>) target(%arg18 : memref<64x128xf32, #tpu.memory_space<vmem>>) target_semaphore(%arg23 : memref<!tpu.dma_semaphore, #tpu.memory_space<semaphore_mem>>)
      %slice3A_1302 = vector.extract_strided_slice %sub3A_62 {offsets = [0], sizes = [1], strides = [1]} : vector<16xi32> to vector<1xi32>
      %squeeze3A_1303 = vector.extract %slice3A_1302[0] : i32 from vector<1xi32>
      %slice3A_1304 = vector.extract_strided_slice %sub3A_70 {offsets = [0], sizes = [1], strides = [1]} : vector<16xi32> to vector<1xi32>
      %squeeze3A_1305 = vector.extract %slice3A_1304[0] : i32 from vector<1xi32>
      %lt3A_1306 = arith.constant 128 : i32
      %lt3A_1307 = arith.cmpi slt, %squeeze3A_1303, %lt3A_1306 : i32
      %convert_element_type3A_1308 = arith.extui %lt3A_1307 : i1 to i32
      %convert_element_type3A_1309 = arith.sitofp %convert_element_type3A_1308 : i32 to f32
      %broadcast_in_dim3A_1310 = vector.broadcast %convert_element_type3A_1309 : f32 to vector<16xf32>
      %lt3A_1311 = arith.constant 128 : i32
      %lt3A_1312 = arith.cmpi slt, %squeeze3A_1305, %lt3A_1311 : i32
      %convert_element_type3A_1313 = arith.extui %lt3A_1312 : i1 to i32
      %convert_element_type3A_1314 = arith.sitofp %convert_element_type3A_1313 : i32 to f32
      %broadcast_in_dim3A_1315 = vector.broadcast %convert_element_type3A_1314 : f32 to vector<16xf32>
      %min3A_1316 = arith.constant 127 : i32
      %min3A_1317 = arith.minsi %squeeze3A_1303, %min3A_1316 : i32
      %broadcast_in_dim3A_1318 = vector.broadcast %min3A_1317 : i32 to vector<16xi32>
      %min3A_1319 = arith.constant 127 : i32
      %min3A_1320 = arith.minsi %squeeze3A_1305, %min3A_1319 : i32
      %broadcast_in_dim3A_1321 = vector.broadcast %min3A_1320 : i32 to vector<16xi32>
      %rem3A_1322 = arith.constant 8 : i32
      %rem3A_1323 = arith.remsi %scan3A_20, %rem3A_1322 : i32
      %mul3A_1324 = arith.constant 32 : i32
      %mul3A_1325 = arith.muli %rem3A_1323, %mul3A_1324 : i32
      %add3A_1326 = arith.constant 16 : i32
      %add3A_1327 = arith.addi %mul3A_1325, %add3A_1326 : i32
      %broadcast_in_dim3A_1328 = vector.broadcast %add3A_1327 : i32 to vector<16xi32>
      %gather3A_1329 = tpu.vector_load_idx %arg13[%add3A_5, %broadcast_in_dim3A_1318] : memref<64x128xf32, #tpu.memory_space<vmem>>[vector<16xi32>, vector<16xi32>], vector<16xf32>,
      %gather3A_1330 = tpu.vector_load_idx %arg19[%add3A_5, %broadcast_in_dim3A_1321] : memref<64x128xf32, #tpu.memory_space<vmem>>[vector<16xi32>, vector<16xi32>], vector<16xf32>,
      %mul3A_1331 = arith.mulf %gather3A_1329, %broadcast_in_dim3A_1310 : vector<16xf32>
      %mul3A_1332 = arith.mulf %gather3A_1330, %broadcast_in_dim3A_1315 : vector<16xf32>
      %add3A_1333 = arith.addf %mul3A_1331, %mul3A_1332 : vector<16xf32>
      tpu.vector_store_idx %arg21[%add3A_5, %broadcast_in_dim3A_1328], %add3A_1333 : memref<64x256xf32, #tpu.memory_space<vmem>>[vector<16xi32>, vector<16xi32>], vector<16xf32>,
      %gather3A_1334 = tpu.vector_load_idx %arg13[%add3A_8, %broadcast_in_dim3A_1318] : memref<64x128xf32, #tpu.memory_space<vmem>>[vector<16xi32>, vector<16xi32>], vector<16xf32>,
      %gather3A_1335 = tpu.vector_load_idx %arg19[%add3A_8, %broadcast_in_dim3A_1321] : memref<64x128xf32, #tpu.memory_space<vmem>>[vector<16xi32>, vector<16xi32>], vector<16xf32>,
      %mul3A_1336 = arith.mulf %gather3A_1334, %broadcast_in_dim3A_1310 : vector<16xf32>
      %mul3A_1337 = arith.mulf %gather3A_1335, %broadcast_in_dim3A_1315 : vector<16xf32>
      %add3A_1338 = arith.addf %mul3A_1336, %mul3A_1337 : vector<16xf32>
      tpu.vector_store_idx %arg21[%add3A_8, %broadcast_in_dim3A_1328], %add3A_1338 : memref<64x256xf32, #tpu.memory_space<vmem>>[vector<16xi32>, vector<16xi32>], vector<16xf32>,
      %gather3A_1339 = tpu.vector_load_idx %arg13[%add3A_11, %broadcast_in_dim3A_1318] : memref<64x128xf32, #tpu.memory_space<vmem>>[vector<16xi32>, vector<16xi32>], vector<16xf32>,
      %gather3A_1340 = tpu.vector_load_idx %arg19[%add3A_11, %broadcast_in_dim3A_1321] : memref<64x128xf32, #tpu.memory_space<vmem>>[vector<16xi32>, vector<16xi32>], vector<16xf32>,
      %mul3A_1341 = arith.mulf %gather3A_1339, %broadcast_in_dim3A_1310 : vector<16xf32>
      %mul3A_1342 = arith.mulf %gather3A_1340, %broadcast_in_dim3A_1315 : vector<16xf32>
      %add3A_1343 = arith.addf %mul3A_1341, %mul3A_1342 : vector<16xf32>
      tpu.vector_store_idx %arg21[%add3A_11, %broadcast_in_dim3A_1328], %add3A_1343 : memref<64x256xf32, #tpu.memory_space<vmem>>[vector<16xi32>, vector<16xi32>], vector<16xf32>,
      %gather3A_1344 = tpu.vector_load_idx %arg13[%add3A_14, %broadcast_in_dim3A_1318] : memref<64x128xf32, #tpu.memory_space<vmem>>[vector<16xi32>, vector<16xi32>], vector<16xf32>,
      %gather3A_1345 = tpu.vector_load_idx %arg19[%add3A_14, %broadcast_in_dim3A_1321] : memref<64x128xf32, #tpu.memory_space<vmem>>[vector<16xi32>, vector<16xi32>], vector<16xf32>,
      %mul3A_1346 = arith.mulf %gather3A_1344, %broadcast_in_dim3A_1310 : vector<16xf32>
      %mul3A_1347 = arith.mulf %gather3A_1345, %broadcast_in_dim3A_1315 : vector<16xf32>
      %add3A_1348 = arith.addf %mul3A_1346, %mul3A_1347 : vector<16xf32>
      tpu.vector_store_idx %arg21[%add3A_14, %broadcast_in_dim3A_1328], %add3A_1348 : memref<64x256xf32, #tpu.memory_space<vmem>>[vector<16xi32>, vector<16xi32>], vector<16xf32>,
      %dma_wait3A_1349 = arith.constant 0 : i32
      %dma_wait3A_1350 = tpu.memref_slice %arg4[%dma_wait3A_1349, %mul3A_1005] : memref<64x1000001xf32, #tpu.memory_space<hbm>> -> memref<64x128xf32, #tpu.memory_space<hbm>>
      %dma_wait3A_1351 = arith.constant 0 : i32
      %dma_wait3A_1352 = tpu.memref_slice %arg4[%dma_wait3A_1351, %mul3A_1005] : memref<64x1000001xf32, #tpu.memory_space<hbm>> -> memref<64x128xf32, #tpu.memory_space<hbm>>
      tpu.wait_dma2 semaphore(%arg22 : memref<!tpu.dma_semaphore, #tpu.memory_space<semaphore_mem>>) src(%dma_wait3A_1352 : memref<64x128xf32, #tpu.memory_space<hbm>>) dst(%arg14 : memref<64x128xf32, #tpu.memory_space<vmem>>)
      %dma_wait3A_1353 = arith.constant 0 : i32
      %dma_wait3A_1354 = tpu.memref_slice %arg5[%dma_wait3A_1353, %mul3A_1013] : memref<64x1000001xf32, #tpu.memory_space<hbm>> -> memref<64x128xf32, #tpu.memory_space<hbm>>
      %dma_wait3A_1355 = arith.constant 0 : i32
      %dma_wait3A_1356 = tpu.memref_slice %arg5[%dma_wait3A_1355, %mul3A_1013] : memref<64x1000001xf32, #tpu.memory_space<hbm>> -> memref<64x128xf32, #tpu.memory_space<hbm>>
      tpu.wait_dma2 semaphore(%arg23 : memref<!tpu.dma_semaphore, #tpu.memory_space<semaphore_mem>>) src(%dma_wait3A_1356 : memref<64x128xf32, #tpu.memory_space<hbm>>) dst(%arg20 : memref<64x128xf32, #tpu.memory_space<vmem>>)
      %slice3A_1357 = vector.extract_strided_slice %min3A_43 {offsets = [6], sizes = [1], strides = [1]} : vector<16xi32> to vector<1xi32>
      %squeeze3A_1358 = vector.extract %slice3A_1357[0] : i32 from vector<1xi32>
      %mul3A_1359 = arith.constant 128 : i32
      %mul3A_1360 = arith.muli %squeeze3A_1358, %mul3A_1359 : i32
      %dma_start3A_1361 = arith.constant 0 : i32
      %dma_start3A_1362 = tpu.memref_slice %arg4[%dma_start3A_1361, %mul3A_1360] : memref<64x1000001xf32, #tpu.memory_space<hbm>> -> memref<64x128xf32, #tpu.memory_space<hbm>>
      %dma_start3A_1363 = arith.constant 0 : i32
      %dma_start3A_1364 = tpu.memref_slice %arg4[%dma_start3A_1363, %mul3A_1360] : memref<64x1000001xf32, #tpu.memory_space<hbm>> -> memref<64x128xf32, #tpu.memory_space<hbm>>
      tpu.enqueue_dma source(%dma_start3A_1364 : memref<64x128xf32, #tpu.memory_space<hbm>>) target(%arg13 : memref<64x128xf32, #tpu.memory_space<vmem>>) target_semaphore(%arg22 : memref<!tpu.dma_semaphore, #tpu.memory_space<semaphore_mem>>)
      %slice3A_1365 = vector.extract_strided_slice %min3A_55 {offsets = [6], sizes = [1], strides = [1]} : vector<16xi32> to vector<1xi32>
      %squeeze3A_1366 = vector.extract %slice3A_1365[0] : i32 from vector<1xi32>
      %mul3A_1367 = arith.constant 128 : i32
      %mul3A_1368 = arith.muli %squeeze3A_1366, %mul3A_1367 : i32
      %dma_start3A_1369 = arith.constant 0 : i32
      %dma_start3A_1370 = tpu.memref_slice %arg5[%dma_start3A_1369, %mul3A_1368] : memref<64x1000001xf32, #tpu.memory_space<hbm>> -> memref<64x128xf32, #tpu.memory_space<hbm>>
      %dma_start3A_1371 = arith.constant 0 : i32
      %dma_start3A_1372 = tpu.memref_slice %arg5[%dma_start3A_1371, %mul3A_1368] : memref<64x1000001xf32, #tpu.memory_space<hbm>> -> memref<64x128xf32, #tpu.memory_space<hbm>>
      tpu.enqueue_dma source(%dma_start3A_1372 : memref<64x128xf32, #tpu.memory_space<hbm>>) target(%arg19 : memref<64x128xf32, #tpu.memory_space<vmem>>) target_semaphore(%arg23 : memref<!tpu.dma_semaphore, #tpu.memory_space<semaphore_mem>>)
      %slice3A_1373 = vector.extract_strided_slice %sub3A_62 {offsets = [1], sizes = [1], strides = [1]} : vector<16xi32> to vector<1xi32>
      %squeeze3A_1374 = vector.extract %slice3A_1373[0] : i32 from vector<1xi32>
      %slice3A_1375 = vector.extract_strided_slice %sub3A_70 {offsets = [1], sizes = [1], strides = [1]} : vector<16xi32> to vector<1xi32>
      %squeeze3A_1376 = vector.extract %slice3A_1375[0] : i32 from vector<1xi32>
      %lt3A_1377 = arith.constant 128 : i32
      %lt3A_1378 = arith.cmpi slt, %squeeze3A_1374, %lt3A_1377 : i32
      %convert_element_type3A_1379 = arith.extui %lt3A_1378 : i1 to i32
      %convert_element_type3A_1380 = arith.sitofp %convert_element_type3A_1379 : i32 to f32
      %broadcast_in_dim3A_1381 = vector.broadcast %convert_element_type3A_1380 : f32 to vector<16xf32>
      %lt3A_1382 = arith.constant 128 : i32
      %lt3A_1383 = arith.cmpi slt, %squeeze3A_1376, %lt3A_1382 : i32
      %convert_element_type3A_1384 = arith.extui %lt3A_1383 : i1 to i32
      %convert_element_type3A_1385 = arith.sitofp %convert_element_type3A_1384 : i32 to f32
      %broadcast_in_dim3A_1386 = vector.broadcast %convert_element_type3A_1385 : f32 to vector<16xf32>
      %min3A_1387 = arith.constant 127 : i32
      %min3A_1388 = arith.minsi %squeeze3A_1374, %min3A_1387 : i32
      %broadcast_in_dim3A_1389 = vector.broadcast %min3A_1388 : i32 to vector<16xi32>
      %min3A_1390 = arith.constant 127 : i32
      %min3A_1391 = arith.minsi %squeeze3A_1376, %min3A_1390 : i32
      %broadcast_in_dim3A_1392 = vector.broadcast %min3A_1391 : i32 to vector<16xi32>
      %rem3A_1393 = arith.constant 8 : i32
      %rem3A_1394 = arith.remsi %scan3A_20, %rem3A_1393 : i32
      %mul3A_1395 = arith.constant 32 : i32
      %mul3A_1396 = arith.muli %rem3A_1394, %mul3A_1395 : i32
      %add3A_1397 = arith.constant 17 : i32
      %add3A_1398 = arith.addi %mul3A_1396, %add3A_1397 : i32
      %broadcast_in_dim3A_1399 = vector.broadcast %add3A_1398 : i32 to vector<16xi32>
      %gather3A_1400 = tpu.vector_load_idx %arg14[%add3A_5, %broadcast_in_dim3A_1389] : memref<64x128xf32, #tpu.memory_space<vmem>>[vector<16xi32>, vector<16xi32>], vector<16xf32>,
      %gather3A_1401 = tpu.vector_load_idx %arg20[%add3A_5, %broadcast_in_dim3A_1392] : memref<64x128xf32, #tpu.memory_space<vmem>>[vector<16xi32>, vector<16xi32>], vector<16xf32>,
      %mul3A_1402 = arith.mulf %gather3A_1400, %broadcast_in_dim3A_1381 : vector<16xf32>
      %mul3A_1403 = arith.mulf %gather3A_1401, %broadcast_in_dim3A_1386 : vector<16xf32>
      %add3A_1404 = arith.addf %mul3A_1402, %mul3A_1403 : vector<16xf32>
      tpu.vector_store_idx %arg21[%add3A_5, %broadcast_in_dim3A_1399], %add3A_1404 : memref<64x256xf32, #tpu.memory_space<vmem>>[vector<16xi32>, vector<16xi32>], vector<16xf32>,
      %gather3A_1405 = tpu.vector_load_idx %arg14[%add3A_8, %broadcast_in_dim3A_1389] : memref<64x128xf32, #tpu.memory_space<vmem>>[vector<16xi32>, vector<16xi32>], vector<16xf32>,
      %gather3A_1406 = tpu.vector_load_idx %arg20[%add3A_8, %broadcast_in_dim3A_1392] : memref<64x128xf32, #tpu.memory_space<vmem>>[vector<16xi32>, vector<16xi32>], vector<16xf32>,
      %mul3A_1407 = arith.mulf %gather3A_1405, %broadcast_in_dim3A_1381 : vector<16xf32>
      %mul3A_1408 = arith.mulf %gather3A_1406, %broadcast_in_dim3A_1386 : vector<16xf32>
      %add3A_1409 = arith.addf %mul3A_1407, %mul3A_1408 : vector<16xf32>
      tpu.vector_store_idx %arg21[%add3A_8, %broadcast_in_dim3A_1399], %add3A_1409 : memref<64x256xf32, #tpu.memory_space<vmem>>[vector<16xi32>, vector<16xi32>], vector<16xf32>,
      %gather3A_1410 = tpu.vector_load_idx %arg14[%add3A_11, %broadcast_in_dim3A_1389] : memref<64x128xf32, #tpu.memory_space<vmem>>[vector<16xi32>, vector<16xi32>], vector<16xf32>,
      %gather3A_1411 = tpu.vector_load_idx %arg20[%add3A_11, %broadcast_in_dim3A_1392] : memref<64x128xf32, #tpu.memory_space<vmem>>[vector<16xi32>, vector<16xi32>], vector<16xf32>,
      %mul3A_1412 = arith.mulf %gather3A_1410, %broadcast_in_dim3A_1381 : vector<16xf32>
      %mul3A_1413 = arith.mulf %gather3A_1411, %broadcast_in_dim3A_1386 : vector<16xf32>
      %add3A_1414 = arith.addf %mul3A_1412, %mul3A_1413 : vector<16xf32>
      tpu.vector_store_idx %arg21[%add3A_11, %broadcast_in_dim3A_1399], %add3A_1414 : memref<64x256xf32, #tpu.memory_space<vmem>>[vector<16xi32>, vector<16xi32>], vector<16xf32>,
      %gather3A_1415 = tpu.vector_load_idx %arg14[%add3A_14, %broadcast_in_dim3A_1389] : memref<64x128xf32, #tpu.memory_space<vmem>>[vector<16xi32>, vector<16xi32>], vector<16xf32>,
      %gather3A_1416 = tpu.vector_load_idx %arg20[%add3A_14, %broadcast_in_dim3A_1392] : memref<64x128xf32, #tpu.memory_space<vmem>>[vector<16xi32>, vector<16xi32>], vector<16xf32>,
      %mul3A_1417 = arith.mulf %gather3A_1415, %broadcast_in_dim3A_1381 : vector<16xf32>
      %mul3A_1418 = arith.mulf %gather3A_1416, %broadcast_in_dim3A_1386 : vector<16xf32>
      %add3A_1419 = arith.addf %mul3A_1417, %mul3A_1418 : vector<16xf32>
      tpu.vector_store_idx %arg21[%add3A_14, %broadcast_in_dim3A_1399], %add3A_1419 : memref<64x256xf32, #tpu.memory_space<vmem>>[vector<16xi32>, vector<16xi32>], vector<16xf32>,
      %dma_wait3A_1420 = arith.constant 0 : i32
      %dma_wait3A_1421 = tpu.memref_slice %arg4[%dma_wait3A_1420, %mul3A_1076] : memref<64x1000001xf32, #tpu.memory_space<hbm>> -> memref<64x128xf32, #tpu.memory_space<hbm>>
      %dma_wait3A_1422 = arith.constant 0 : i32
      %dma_wait3A_1423 = tpu.memref_slice %arg4[%dma_wait3A_1422, %mul3A_1076] : memref<64x1000001xf32, #tpu.memory_space<hbm>> -> memref<64x128xf32, #tpu.memory_space<hbm>>
      tpu.wait_dma2 semaphore(%arg22 : memref<!tpu.dma_semaphore, #tpu.memory_space<semaphore_mem>>) src(%dma_wait3A_1423 : memref<64x128xf32, #tpu.memory_space<hbm>>) dst(%arg9 : memref<64x128xf32, #tpu.memory_space<vmem>>)
      %dma_wait3A_1424 = arith.constant 0 : i32
      %dma_wait3A_1425 = tpu.memref_slice %arg5[%dma_wait3A_1424, %mul3A_1084] : memref<64x1000001xf32, #tpu.memory_space<hbm>> -> memref<64x128xf32, #tpu.memory_space<hbm>>
      %dma_wait3A_1426 = arith.constant 0 : i32
      %dma_wait3A_1427 = tpu.memref_slice %arg5[%dma_wait3A_1426, %mul3A_1084] : memref<64x1000001xf32, #tpu.memory_space<hbm>> -> memref<64x128xf32, #tpu.memory_space<hbm>>
      tpu.wait_dma2 semaphore(%arg23 : memref<!tpu.dma_semaphore, #tpu.memory_space<semaphore_mem>>) src(%dma_wait3A_1427 : memref<64x128xf32, #tpu.memory_space<hbm>>) dst(%arg15 : memref<64x128xf32, #tpu.memory_space<vmem>>)
      %slice3A_1428 = vector.extract_strided_slice %min3A_43 {offsets = [7], sizes = [1], strides = [1]} : vector<16xi32> to vector<1xi32>
      %squeeze3A_1429 = vector.extract %slice3A_1428[0] : i32 from vector<1xi32>
      %mul3A_1430 = arith.constant 128 : i32
      %mul3A_1431 = arith.muli %squeeze3A_1429, %mul3A_1430 : i32
      %dma_start3A_1432 = arith.constant 0 : i32
      %dma_start3A_1433 = tpu.memref_slice %arg4[%dma_start3A_1432, %mul3A_1431] : memref<64x1000001xf32, #tpu.memory_space<hbm>> -> memref<64x128xf32, #tpu.memory_space<hbm>>
      %dma_start3A_1434 = arith.constant 0 : i32
      %dma_start3A_1435 = tpu.memref_slice %arg4[%dma_start3A_1434, %mul3A_1431] : memref<64x1000001xf32, #tpu.memory_space<hbm>> -> memref<64x128xf32, #tpu.memory_space<hbm>>
      tpu.enqueue_dma source(%dma_start3A_1435 : memref<64x128xf32, #tpu.memory_space<hbm>>) target(%arg14 : memref<64x128xf32, #tpu.memory_space<vmem>>) target_semaphore(%arg22 : memref<!tpu.dma_semaphore, #tpu.memory_space<semaphore_mem>>)
      %slice3A_1436 = vector.extract_strided_slice %min3A_55 {offsets = [7], sizes = [1], strides = [1]} : vector<16xi32> to vector<1xi32>
      %squeeze3A_1437 = vector.extract %slice3A_1436[0] : i32 from vector<1xi32>
      %mul3A_1438 = arith.constant 128 : i32
      %mul3A_1439 = arith.muli %squeeze3A_1437, %mul3A_1438 : i32
      %dma_start3A_1440 = arith.constant 0 : i32
      %dma_start3A_1441 = tpu.memref_slice %arg5[%dma_start3A_1440, %mul3A_1439] : memref<64x1000001xf32, #tpu.memory_space<hbm>> -> memref<64x128xf32, #tpu.memory_space<hbm>>
      %dma_start3A_1442 = arith.constant 0 : i32
      %dma_start3A_1443 = tpu.memref_slice %arg5[%dma_start3A_1442, %mul3A_1439] : memref<64x1000001xf32, #tpu.memory_space<hbm>> -> memref<64x128xf32, #tpu.memory_space<hbm>>
      tpu.enqueue_dma source(%dma_start3A_1443 : memref<64x128xf32, #tpu.memory_space<hbm>>) target(%arg20 : memref<64x128xf32, #tpu.memory_space<vmem>>) target_semaphore(%arg23 : memref<!tpu.dma_semaphore, #tpu.memory_space<semaphore_mem>>)
      %slice3A_1444 = vector.extract_strided_slice %sub3A_62 {offsets = [2], sizes = [1], strides = [1]} : vector<16xi32> to vector<1xi32>
      %squeeze3A_1445 = vector.extract %slice3A_1444[0] : i32 from vector<1xi32>
      %slice3A_1446 = vector.extract_strided_slice %sub3A_70 {offsets = [2], sizes = [1], strides = [1]} : vector<16xi32> to vector<1xi32>
      %squeeze3A_1447 = vector.extract %slice3A_1446[0] : i32 from vector<1xi32>
      %lt3A_1448 = arith.constant 128 : i32
      %lt3A_1449 = arith.cmpi slt, %squeeze3A_1445, %lt3A_1448 : i32
      %convert_element_type3A_1450 = arith.extui %lt3A_1449 : i1 to i32
      %convert_element_type3A_1451 = arith.sitofp %convert_element_type3A_1450 : i32 to f32
      %broadcast_in_dim3A_1452 = vector.broadcast %convert_element_type3A_1451 : f32 to vector<16xf32>
      %lt3A_1453 = arith.constant 128 : i32
      %lt3A_1454 = arith.cmpi slt, %squeeze3A_1447, %lt3A_1453 : i32
      %convert_element_type3A_1455 = arith.extui %lt3A_1454 : i1 to i32
      %convert_element_type3A_1456 = arith.sitofp %convert_element_type3A_1455 : i32 to f32
      %broadcast_in_dim3A_1457 = vector.broadcast %convert_element_type3A_1456 : f32 to vector<16xf32>
      %min3A_1458 = arith.constant 127 : i32
      %min3A_1459 = arith.minsi %squeeze3A_1445, %min3A_1458 : i32
      %broadcast_in_dim3A_1460 = vector.broadcast %min3A_1459 : i32 to vector<16xi32>
      %min3A_1461 = arith.constant 127 : i32
      %min3A_1462 = arith.minsi %squeeze3A_1447, %min3A_1461 : i32
      %broadcast_in_dim3A_1463 = vector.broadcast %min3A_1462 : i32 to vector<16xi32>
      %rem3A_1464 = arith.constant 8 : i32
      %rem3A_1465 = arith.remsi %scan3A_20, %rem3A_1464 : i32
      %mul3A_1466 = arith.constant 32 : i32
      %mul3A_1467 = arith.muli %rem3A_1465, %mul3A_1466 : i32
      %add3A_1468 = arith.constant 18 : i32
      %add3A_1469 = arith.addi %mul3A_1467, %add3A_1468 : i32
      %broadcast_in_dim3A_1470 = vector.broadcast %add3A_1469 : i32 to vector<16xi32>
      %gather3A_1471 = tpu.vector_load_idx %arg9[%add3A_5, %broadcast_in_dim3A_1460] : memref<64x128xf32, #tpu.memory_space<vmem>>[vector<16xi32>, vector<16xi32>], vector<16xf32>,
      %gather3A_1472 = tpu.vector_load_idx %arg15[%add3A_5, %broadcast_in_dim3A_1463] : memref<64x128xf32, #tpu.memory_space<vmem>>[vector<16xi32>, vector<16xi32>], vector<16xf32>,
      %mul3A_1473 = arith.mulf %gather3A_1471, %broadcast_in_dim3A_1452 : vector<16xf32>
      %mul3A_1474 = arith.mulf %gather3A_1472, %broadcast_in_dim3A_1457 : vector<16xf32>
      %add3A_1475 = arith.addf %mul3A_1473, %mul3A_1474 : vector<16xf32>
      tpu.vector_store_idx %arg21[%add3A_5, %broadcast_in_dim3A_1470], %add3A_1475 : memref<64x256xf32, #tpu.memory_space<vmem>>[vector<16xi32>, vector<16xi32>], vector<16xf32>,
      %gather3A_1476 = tpu.vector_load_idx %arg9[%add3A_8, %broadcast_in_dim3A_1460] : memref<64x128xf32, #tpu.memory_space<vmem>>[vector<16xi32>, vector<16xi32>], vector<16xf32>,
      %gather3A_1477 = tpu.vector_load_idx %arg15[%add3A_8, %broadcast_in_dim3A_1463] : memref<64x128xf32, #tpu.memory_space<vmem>>[vector<16xi32>, vector<16xi32>], vector<16xf32>,
      %mul3A_1478 = arith.mulf %gather3A_1476, %broadcast_in_dim3A_1452 : vector<16xf32>
      %mul3A_1479 = arith.mulf %gather3A_1477, %broadcast_in_dim3A_1457 : vector<16xf32>
      %add3A_1480 = arith.addf %mul3A_1478, %mul3A_1479 : vector<16xf32>
      tpu.vector_store_idx %arg21[%add3A_8, %broadcast_in_dim3A_1470], %add3A_1480 : memref<64x256xf32, #tpu.memory_space<vmem>>[vector<16xi32>, vector<16xi32>], vector<16xf32>,
      %gather3A_1481 = tpu.vector_load_idx %arg9[%add3A_11, %broadcast_in_dim3A_1460] : memref<64x128xf32, #tpu.memory_space<vmem>>[vector<16xi32>, vector<16xi32>], vector<16xf32>,
      %gather3A_1482 = tpu.vector_load_idx %arg15[%add3A_11, %broadcast_in_dim3A_1463] : memref<64x128xf32, #tpu.memory_space<vmem>>[vector<16xi32>, vector<16xi32>], vector<16xf32>,
      %mul3A_1483 = arith.mulf %gather3A_1481, %broadcast_in_dim3A_1452 : vector<16xf32>
      %mul3A_1484 = arith.mulf %gather3A_1482, %broadcast_in_dim3A_1457 : vector<16xf32>
      %add3A_1485 = arith.addf %mul3A_1483, %mul3A_1484 : vector<16xf32>
      tpu.vector_store_idx %arg21[%add3A_11, %broadcast_in_dim3A_1470], %add3A_1485 : memref<64x256xf32, #tpu.memory_space<vmem>>[vector<16xi32>, vector<16xi32>], vector<16xf32>,
      %gather3A_1486 = tpu.vector_load_idx %arg9[%add3A_14, %broadcast_in_dim3A_1460] : memref<64x128xf32, #tpu.memory_space<vmem>>[vector<16xi32>, vector<16xi32>], vector<16xf32>,
      %gather3A_1487 = tpu.vector_load_idx %arg15[%add3A_14, %broadcast_in_dim3A_1463] : memref<64x128xf32, #tpu.memory_space<vmem>>[vector<16xi32>, vector<16xi32>], vector<16xf32>,
      %mul3A_1488 = arith.mulf %gather3A_1486, %broadcast_in_dim3A_1452 : vector<16xf32>
      %mul3A_1489 = arith.mulf %gather3A_1487, %broadcast_in_dim3A_1457 : vector<16xf32>
      %add3A_1490 = arith.addf %mul3A_1488, %mul3A_1489 : vector<16xf32>
      tpu.vector_store_idx %arg21[%add3A_14, %broadcast_in_dim3A_1470], %add3A_1490 : memref<64x256xf32, #tpu.memory_space<vmem>>[vector<16xi32>, vector<16xi32>], vector<16xf32>,
      %dma_wait3A_1491 = arith.constant 0 : i32
      %dma_wait3A_1492 = tpu.memref_slice %arg4[%dma_wait3A_1491, %mul3A_1147] : memref<64x1000001xf32, #tpu.memory_space<hbm>> -> memref<64x128xf32, #tpu.memory_space<hbm>>
      %dma_wait3A_1493 = arith.constant 0 : i32
      %dma_wait3A_1494 = tpu.memref_slice %arg4[%dma_wait3A_1493, %mul3A_1147] : memref<64x1000001xf32, #tpu.memory_space<hbm>> -> memref<64x128xf32, #tpu.memory_space<hbm>>
      tpu.wait_dma2 semaphore(%arg22 : memref<!tpu.dma_semaphore, #tpu.memory_space<semaphore_mem>>) src(%dma_wait3A_1494 : memref<64x128xf32, #tpu.memory_space<hbm>>) dst(%arg10 : memref<64x128xf32, #tpu.memory_space<vmem>>)
      %dma_wait3A_1495 = arith.constant 0 : i32
      %dma_wait3A_1496 = tpu.memref_slice %arg5[%dma_wait3A_1495, %mul3A_1155] : memref<64x1000001xf32, #tpu.memory_space<hbm>> -> memref<64x128xf32, #tpu.memory_space<hbm>>
      %dma_wait3A_1497 = arith.constant 0 : i32
      %dma_wait3A_1498 = tpu.memref_slice %arg5[%dma_wait3A_1497, %mul3A_1155] : memref<64x1000001xf32, #tpu.memory_space<hbm>> -> memref<64x128xf32, #tpu.memory_space<hbm>>
      tpu.wait_dma2 semaphore(%arg23 : memref<!tpu.dma_semaphore, #tpu.memory_space<semaphore_mem>>) src(%dma_wait3A_1498 : memref<64x128xf32, #tpu.memory_space<hbm>>) dst(%arg16 : memref<64x128xf32, #tpu.memory_space<vmem>>)
      %slice3A_1499 = vector.extract_strided_slice %min3A_43 {offsets = [8], sizes = [1], strides = [1]} : vector<16xi32> to vector<1xi32>
      %squeeze3A_1500 = vector.extract %slice3A_1499[0] : i32 from vector<1xi32>
      %mul3A_1501 = arith.constant 128 : i32
      %mul3A_1502 = arith.muli %squeeze3A_1500, %mul3A_1501 : i32
      %dma_start3A_1503 = arith.constant 0 : i32
      %dma_start3A_1504 = tpu.memref_slice %arg4[%dma_start3A_1503, %mul3A_1502] : memref<64x1000001xf32, #tpu.memory_space<hbm>> -> memref<64x128xf32, #tpu.memory_space<hbm>>
      %dma_start3A_1505 = arith.constant 0 : i32
      %dma_start3A_1506 = tpu.memref_slice %arg4[%dma_start3A_1505, %mul3A_1502] : memref<64x1000001xf32, #tpu.memory_space<hbm>> -> memref<64x128xf32, #tpu.memory_space<hbm>>
      tpu.enqueue_dma source(%dma_start3A_1506 : memref<64x128xf32, #tpu.memory_space<hbm>>) target(%arg9 : memref<64x128xf32, #tpu.memory_space<vmem>>) target_semaphore(%arg22 : memref<!tpu.dma_semaphore, #tpu.memory_space<semaphore_mem>>)
      %slice3A_1507 = vector.extract_strided_slice %min3A_55 {offsets = [8], sizes = [1], strides = [1]} : vector<16xi32> to vector<1xi32>
      %squeeze3A_1508 = vector.extract %slice3A_1507[0] : i32 from vector<1xi32>
      %mul3A_1509 = arith.constant 128 : i32
      %mul3A_1510 = arith.muli %squeeze3A_1508, %mul3A_1509 : i32
      %dma_start3A_1511 = arith.constant 0 : i32
      %dma_start3A_1512 = tpu.memref_slice %arg5[%dma_start3A_1511, %mul3A_1510] : memref<64x1000001xf32, #tpu.memory_space<hbm>> -> memref<64x128xf32, #tpu.memory_space<hbm>>
      %dma_start3A_1513 = arith.constant 0 : i32
      %dma_start3A_1514 = tpu.memref_slice %arg5[%dma_start3A_1513, %mul3A_1510] : memref<64x1000001xf32, #tpu.memory_space<hbm>> -> memref<64x128xf32, #tpu.memory_space<hbm>>
      tpu.enqueue_dma source(%dma_start3A_1514 : memref<64x128xf32, #tpu.memory_space<hbm>>) target(%arg15 : memref<64x128xf32, #tpu.memory_space<vmem>>) target_semaphore(%arg23 : memref<!tpu.dma_semaphore, #tpu.memory_space<semaphore_mem>>)
      %slice3A_1515 = vector.extract_strided_slice %sub3A_62 {offsets = [3], sizes = [1], strides = [1]} : vector<16xi32> to vector<1xi32>
      %squeeze3A_1516 = vector.extract %slice3A_1515[0] : i32 from vector<1xi32>
      %slice3A_1517 = vector.extract_strided_slice %sub3A_70 {offsets = [3], sizes = [1], strides = [1]} : vector<16xi32> to vector<1xi32>
      %squeeze3A_1518 = vector.extract %slice3A_1517[0] : i32 from vector<1xi32>
      %lt3A_1519 = arith.constant 128 : i32
      %lt3A_1520 = arith.cmpi slt, %squeeze3A_1516, %lt3A_1519 : i32
      %convert_element_type3A_1521 = arith.extui %lt3A_1520 : i1 to i32
      %convert_element_type3A_1522 = arith.sitofp %convert_element_type3A_1521 : i32 to f32
      %broadcast_in_dim3A_1523 = vector.broadcast %convert_element_type3A_1522 : f32 to vector<16xf32>
      %lt3A_1524 = arith.constant 128 : i32
      %lt3A_1525 = arith.cmpi slt, %squeeze3A_1518, %lt3A_1524 : i32
      %convert_element_type3A_1526 = arith.extui %lt3A_1525 : i1 to i32
      %convert_element_type3A_1527 = arith.sitofp %convert_element_type3A_1526 : i32 to f32
      %broadcast_in_dim3A_1528 = vector.broadcast %convert_element_type3A_1527 : f32 to vector<16xf32>
      %min3A_1529 = arith.constant 127 : i32
      %min3A_1530 = arith.minsi %squeeze3A_1516, %min3A_1529 : i32
      %broadcast_in_dim3A_1531 = vector.broadcast %min3A_1530 : i32 to vector<16xi32>
      %min3A_1532 = arith.constant 127 : i32
      %min3A_1533 = arith.minsi %squeeze3A_1518, %min3A_1532 : i32
      %broadcast_in_dim3A_1534 = vector.broadcast %min3A_1533 : i32 to vector<16xi32>
      %rem3A_1535 = arith.constant 8 : i32
      %rem3A_1536 = arith.remsi %scan3A_20, %rem3A_1535 : i32
      %mul3A_1537 = arith.constant 32 : i32
      %mul3A_1538 = arith.muli %rem3A_1536, %mul3A_1537 : i32
      %add3A_1539 = arith.constant 19 : i32
      %add3A_1540 = arith.addi %mul3A_1538, %add3A_1539 : i32
      %broadcast_in_dim3A_1541 = vector.broadcast %add3A_1540 : i32 to vector<16xi32>
      %gather3A_1542 = tpu.vector_load_idx %arg10[%add3A_5, %broadcast_in_dim3A_1531] : memref<64x128xf32, #tpu.memory_space<vmem>>[vector<16xi32>, vector<16xi32>], vector<16xf32>,
      %gather3A_1543 = tpu.vector_load_idx %arg16[%add3A_5, %broadcast_in_dim3A_1534] : memref<64x128xf32, #tpu.memory_space<vmem>>[vector<16xi32>, vector<16xi32>], vector<16xf32>,
      %mul3A_1544 = arith.mulf %gather3A_1542, %broadcast_in_dim3A_1523 : vector<16xf32>
      %mul3A_1545 = arith.mulf %gather3A_1543, %broadcast_in_dim3A_1528 : vector<16xf32>
      %add3A_1546 = arith.addf %mul3A_1544, %mul3A_1545 : vector<16xf32>
      tpu.vector_store_idx %arg21[%add3A_5, %broadcast_in_dim3A_1541], %add3A_1546 : memref<64x256xf32, #tpu.memory_space<vmem>>[vector<16xi32>, vector<16xi32>], vector<16xf32>,
      %gather3A_1547 = tpu.vector_load_idx %arg10[%add3A_8, %broadcast_in_dim3A_1531] : memref<64x128xf32, #tpu.memory_space<vmem>>[vector<16xi32>, vector<16xi32>], vector<16xf32>,
      %gather3A_1548 = tpu.vector_load_idx %arg16[%add3A_8, %broadcast_in_dim3A_1534] : memref<64x128xf32, #tpu.memory_space<vmem>>[vector<16xi32>, vector<16xi32>], vector<16xf32>,
      %mul3A_1549 = arith.mulf %gather3A_1547, %broadcast_in_dim3A_1523 : vector<16xf32>
      %mul3A_1550 = arith.mulf %gather3A_1548, %broadcast_in_dim3A_1528 : vector<16xf32>
      %add3A_1551 = arith.addf %mul3A_1549, %mul3A_1550 : vector<16xf32>
      tpu.vector_store_idx %arg21[%add3A_8, %broadcast_in_dim3A_1541], %add3A_1551 : memref<64x256xf32, #tpu.memory_space<vmem>>[vector<16xi32>, vector<16xi32>], vector<16xf32>,
      %gather3A_1552 = tpu.vector_load_idx %arg10[%add3A_11, %broadcast_in_dim3A_1531] : memref<64x128xf32, #tpu.memory_space<vmem>>[vector<16xi32>, vector<16xi32>], vector<16xf32>,
      %gather3A_1553 = tpu.vector_load_idx %arg16[%add3A_11, %broadcast_in_dim3A_1534] : memref<64x128xf32, #tpu.memory_space<vmem>>[vector<16xi32>, vector<16xi32>], vector<16xf32>,
      %mul3A_1554 = arith.mulf %gather3A_1552, %broadcast_in_dim3A_1523 : vector<16xf32>
      %mul3A_1555 = arith.mulf %gather3A_1553, %broadcast_in_dim3A_1528 : vector<16xf32>
      %add3A_1556 = arith.addf %mul3A_1554, %mul3A_1555 : vector<16xf32>
      tpu.vector_store_idx %arg21[%add3A_11, %broadcast_in_dim3A_1541], %add3A_1556 : memref<64x256xf32, #tpu.memory_space<vmem>>[vector<16xi32>, vector<16xi32>], vector<16xf32>,
      %gather3A_1557 = tpu.vector_load_idx %arg10[%add3A_14, %broadcast_in_dim3A_1531] : memref<64x128xf32, #tpu.memory_space<vmem>>[vector<16xi32>, vector<16xi32>], vector<16xf32>,
      %gather3A_1558 = tpu.vector_load_idx %arg16[%add3A_14, %broadcast_in_dim3A_1534] : memref<64x128xf32, #tpu.memory_space<vmem>>[vector<16xi32>, vector<16xi32>], vector<16xf32>,
      %mul3A_1559 = arith.mulf %gather3A_1557, %broadcast_in_dim3A_1523 : vector<16xf32>
      %mul3A_1560 = arith.mulf %gather3A_1558, %broadcast_in_dim3A_1528 : vector<16xf32>
      %add3A_1561 = arith.addf %mul3A_1559, %mul3A_1560 : vector<16xf32>
      tpu.vector_store_idx %arg21[%add3A_14, %broadcast_in_dim3A_1541], %add3A_1561 : memref<64x256xf32, #tpu.memory_space<vmem>>[vector<16xi32>, vector<16xi32>], vector<16xf32>,
      %dma_wait3A_1562 = arith.constant 0 : i32
      %dma_wait3A_1563 = tpu.memref_slice %arg4[%dma_wait3A_1562, %mul3A_1218] : memref<64x1000001xf32, #tpu.memory_space<hbm>> -> memref<64x128xf32, #tpu.memory_space<hbm>>
      %dma_wait3A_1564 = arith.constant 0 : i32
      %dma_wait3A_1565 = tpu.memref_slice %arg4[%dma_wait3A_1564, %mul3A_1218] : memref<64x1000001xf32, #tpu.memory_space<hbm>> -> memref<64x128xf32, #tpu.memory_space<hbm>>
      tpu.wait_dma2 semaphore(%arg22 : memref<!tpu.dma_semaphore, #tpu.memory_space<semaphore_mem>>) src(%dma_wait3A_1565 : memref<64x128xf32, #tpu.memory_space<hbm>>) dst(%arg11 : memref<64x128xf32, #tpu.memory_space<vmem>>)
      %dma_wait3A_1566 = arith.constant 0 : i32
      %dma_wait3A_1567 = tpu.memref_slice %arg5[%dma_wait3A_1566, %mul3A_1226] : memref<64x1000001xf32, #tpu.memory_space<hbm>> -> memref<64x128xf32, #tpu.memory_space<hbm>>
      %dma_wait3A_1568 = arith.constant 0 : i32
      %dma_wait3A_1569 = tpu.memref_slice %arg5[%dma_wait3A_1568, %mul3A_1226] : memref<64x1000001xf32, #tpu.memory_space<hbm>> -> memref<64x128xf32, #tpu.memory_space<hbm>>
      tpu.wait_dma2 semaphore(%arg23 : memref<!tpu.dma_semaphore, #tpu.memory_space<semaphore_mem>>) src(%dma_wait3A_1569 : memref<64x128xf32, #tpu.memory_space<hbm>>) dst(%arg17 : memref<64x128xf32, #tpu.memory_space<vmem>>)
      %slice3A_1570 = vector.extract_strided_slice %min3A_43 {offsets = [9], sizes = [1], strides = [1]} : vector<16xi32> to vector<1xi32>
      %squeeze3A_1571 = vector.extract %slice3A_1570[0] : i32 from vector<1xi32>
      %mul3A_1572 = arith.constant 128 : i32
      %mul3A_1573 = arith.muli %squeeze3A_1571, %mul3A_1572 : i32
      %dma_start3A_1574 = arith.constant 0 : i32
      %dma_start3A_1575 = tpu.memref_slice %arg4[%dma_start3A_1574, %mul3A_1573] : memref<64x1000001xf32, #tpu.memory_space<hbm>> -> memref<64x128xf32, #tpu.memory_space<hbm>>
      %dma_start3A_1576 = arith.constant 0 : i32
      %dma_start3A_1577 = tpu.memref_slice %arg4[%dma_start3A_1576, %mul3A_1573] : memref<64x1000001xf32, #tpu.memory_space<hbm>> -> memref<64x128xf32, #tpu.memory_space<hbm>>
      tpu.enqueue_dma source(%dma_start3A_1577 : memref<64x128xf32, #tpu.memory_space<hbm>>) target(%arg10 : memref<64x128xf32, #tpu.memory_space<vmem>>) target_semaphore(%arg22 : memref<!tpu.dma_semaphore, #tpu.memory_space<semaphore_mem>>)
      %slice3A_1578 = vector.extract_strided_slice %min3A_55 {offsets = [9], sizes = [1], strides = [1]} : vector<16xi32> to vector<1xi32>
      %squeeze3A_1579 = vector.extract %slice3A_1578[0] : i32 from vector<1xi32>
      %mul3A_1580 = arith.constant 128 : i32
      %mul3A_1581 = arith.muli %squeeze3A_1579, %mul3A_1580 : i32
      %dma_start3A_1582 = arith.constant 0 : i32
      %dma_start3A_1583 = tpu.memref_slice %arg5[%dma_start3A_1582, %mul3A_1581] : memref<64x1000001xf32, #tpu.memory_space<hbm>> -> memref<64x128xf32, #tpu.memory_space<hbm>>
      %dma_start3A_1584 = arith.constant 0 : i32
      %dma_start3A_1585 = tpu.memref_slice %arg5[%dma_start3A_1584, %mul3A_1581] : memref<64x1000001xf32, #tpu.memory_space<hbm>> -> memref<64x128xf32, #tpu.memory_space<hbm>>
      tpu.enqueue_dma source(%dma_start3A_1585 : memref<64x128xf32, #tpu.memory_space<hbm>>) target(%arg16 : memref<64x128xf32, #tpu.memory_space<vmem>>) target_semaphore(%arg23 : memref<!tpu.dma_semaphore, #tpu.memory_space<semaphore_mem>>)
      %slice3A_1586 = vector.extract_strided_slice %sub3A_62 {offsets = [4], sizes = [1], strides = [1]} : vector<16xi32> to vector<1xi32>
      %squeeze3A_1587 = vector.extract %slice3A_1586[0] : i32 from vector<1xi32>
      %slice3A_1588 = vector.extract_strided_slice %sub3A_70 {offsets = [4], sizes = [1], strides = [1]} : vector<16xi32> to vector<1xi32>
      %squeeze3A_1589 = vector.extract %slice3A_1588[0] : i32 from vector<1xi32>
      %lt3A_1590 = arith.constant 128 : i32
      %lt3A_1591 = arith.cmpi slt, %squeeze3A_1587, %lt3A_1590 : i32
      %convert_element_type3A_1592 = arith.extui %lt3A_1591 : i1 to i32
      %convert_element_type3A_1593 = arith.sitofp %convert_element_type3A_1592 : i32 to f32
      %broadcast_in_dim3A_1594 = vector.broadcast %convert_element_type3A_1593 : f32 to vector<16xf32>
      %lt3A_1595 = arith.constant 128 : i32
      %lt3A_1596 = arith.cmpi slt, %squeeze3A_1589, %lt3A_1595 : i32
      %convert_element_type3A_1597 = arith.extui %lt3A_1596 : i1 to i32
      %convert_element_type3A_1598 = arith.sitofp %convert_element_type3A_1597 : i32 to f32
      %broadcast_in_dim3A_1599 = vector.broadcast %convert_element_type3A_1598 : f32 to vector<16xf32>
      %min3A_1600 = arith.constant 127 : i32
      %min3A_1601 = arith.minsi %squeeze3A_1587, %min3A_1600 : i32
      %broadcast_in_dim3A_1602 = vector.broadcast %min3A_1601 : i32 to vector<16xi32>
      %min3A_1603 = arith.constant 127 : i32
      %min3A_1604 = arith.minsi %squeeze3A_1589, %min3A_1603 : i32
      %broadcast_in_dim3A_1605 = vector.broadcast %min3A_1604 : i32 to vector<16xi32>
      %rem3A_1606 = arith.constant 8 : i32
      %rem3A_1607 = arith.remsi %scan3A_20, %rem3A_1606 : i32
      %mul3A_1608 = arith.constant 32 : i32
      %mul3A_1609 = arith.muli %rem3A_1607, %mul3A_1608 : i32
      %add3A_1610 = arith.constant 20 : i32
      %add3A_1611 = arith.addi %mul3A_1609, %add3A_1610 : i32
      %broadcast_in_dim3A_1612 = vector.broadcast %add3A_1611 : i32 to vector<16xi32>
      %gather3A_1613 = tpu.vector_load_idx %arg11[%add3A_5, %broadcast_in_dim3A_1602] : memref<64x128xf32, #tpu.memory_space<vmem>>[vector<16xi32>, vector<16xi32>], vector<16xf32>,
      %gather3A_1614 = tpu.vector_load_idx %arg17[%add3A_5, %broadcast_in_dim3A_1605] : memref<64x128xf32, #tpu.memory_space<vmem>>[vector<16xi32>, vector<16xi32>], vector<16xf32>,
      %mul3A_1615 = arith.mulf %gather3A_1613, %broadcast_in_dim3A_1594 : vector<16xf32>
      %mul3A_1616 = arith.mulf %gather3A_1614, %broadcast_in_dim3A_1599 : vector<16xf32>
      %add3A_1617 = arith.addf %mul3A_1615, %mul3A_1616 : vector<16xf32>
      tpu.vector_store_idx %arg21[%add3A_5, %broadcast_in_dim3A_1612], %add3A_1617 : memref<64x256xf32, #tpu.memory_space<vmem>>[vector<16xi32>, vector<16xi32>], vector<16xf32>,
      %gather3A_1618 = tpu.vector_load_idx %arg11[%add3A_8, %broadcast_in_dim3A_1602] : memref<64x128xf32, #tpu.memory_space<vmem>>[vector<16xi32>, vector<16xi32>], vector<16xf32>,
      %gather3A_1619 = tpu.vector_load_idx %arg17[%add3A_8, %broadcast_in_dim3A_1605] : memref<64x128xf32, #tpu.memory_space<vmem>>[vector<16xi32>, vector<16xi32>], vector<16xf32>,
      %mul3A_1620 = arith.mulf %gather3A_1618, %broadcast_in_dim3A_1594 : vector<16xf32>
      %mul3A_1621 = arith.mulf %gather3A_1619, %broadcast_in_dim3A_1599 : vector<16xf32>
      %add3A_1622 = arith.addf %mul3A_1620, %mul3A_1621 : vector<16xf32>
      tpu.vector_store_idx %arg21[%add3A_8, %broadcast_in_dim3A_1612], %add3A_1622 : memref<64x256xf32, #tpu.memory_space<vmem>>[vector<16xi32>, vector<16xi32>], vector<16xf32>,
      %gather3A_1623 = tpu.vector_load_idx %arg11[%add3A_11, %broadcast_in_dim3A_1602] : memref<64x128xf32, #tpu.memory_space<vmem>>[vector<16xi32>, vector<16xi32>], vector<16xf32>,
      %gather3A_1624 = tpu.vector_load_idx %arg17[%add3A_11, %broadcast_in_dim3A_1605] : memref<64x128xf32, #tpu.memory_space<vmem>>[vector<16xi32>, vector<16xi32>], vector<16xf32>,
      %mul3A_1625 = arith.mulf %gather3A_1623, %broadcast_in_dim3A_1594 : vector<16xf32>
      %mul3A_1626 = arith.mulf %gather3A_1624, %broadcast_in_dim3A_1599 : vector<16xf32>
      %add3A_1627 = arith.addf %mul3A_1625, %mul3A_1626 : vector<16xf32>
      tpu.vector_store_idx %arg21[%add3A_11, %broadcast_in_dim3A_1612], %add3A_1627 : memref<64x256xf32, #tpu.memory_space<vmem>>[vector<16xi32>, vector<16xi32>], vector<16xf32>,
      %gather3A_1628 = tpu.vector_load_idx %arg11[%add3A_14, %broadcast_in_dim3A_1602] : memref<64x128xf32, #tpu.memory_space<vmem>>[vector<16xi32>, vector<16xi32>], vector<16xf32>,
      %gather3A_1629 = tpu.vector_load_idx %arg17[%add3A_14, %broadcast_in_dim3A_1605] : memref<64x128xf32, #tpu.memory_space<vmem>>[vector<16xi32>, vector<16xi32>], vector<16xf32>,
      %mul3A_1630 = arith.mulf %gather3A_1628, %broadcast_in_dim3A_1594 : vector<16xf32>
      %mul3A_1631 = arith.mulf %gather3A_1629, %broadcast_in_dim3A_1599 : vector<16xf32>
      %add3A_1632 = arith.addf %mul3A_1630, %mul3A_1631 : vector<16xf32>
      tpu.vector_store_idx %arg21[%add3A_14, %broadcast_in_dim3A_1612], %add3A_1632 : memref<64x256xf32, #tpu.memory_space<vmem>>[vector<16xi32>, vector<16xi32>], vector<16xf32>,
      %dma_wait3A_1633 = arith.constant 0 : i32
      %dma_wait3A_1634 = tpu.memref_slice %arg4[%dma_wait3A_1633, %mul3A_1289] : memref<64x1000001xf32, #tpu.memory_space<hbm>> -> memref<64x128xf32, #tpu.memory_space<hbm>>
      %dma_wait3A_1635 = arith.constant 0 : i32
      %dma_wait3A_1636 = tpu.memref_slice %arg4[%dma_wait3A_1635, %mul3A_1289] : memref<64x1000001xf32, #tpu.memory_space<hbm>> -> memref<64x128xf32, #tpu.memory_space<hbm>>
      tpu.wait_dma2 semaphore(%arg22 : memref<!tpu.dma_semaphore, #tpu.memory_space<semaphore_mem>>) src(%dma_wait3A_1636 : memref<64x128xf32, #tpu.memory_space<hbm>>) dst(%arg12 : memref<64x128xf32, #tpu.memory_space<vmem>>)
      %dma_wait3A_1637 = arith.constant 0 : i32
      %dma_wait3A_1638 = tpu.memref_slice %arg5[%dma_wait3A_1637, %mul3A_1297] : memref<64x1000001xf32, #tpu.memory_space<hbm>> -> memref<64x128xf32, #tpu.memory_space<hbm>>
      %dma_wait3A_1639 = arith.constant 0 : i32
      %dma_wait3A_1640 = tpu.memref_slice %arg5[%dma_wait3A_1639, %mul3A_1297] : memref<64x1000001xf32, #tpu.memory_space<hbm>> -> memref<64x128xf32, #tpu.memory_space<hbm>>
      tpu.wait_dma2 semaphore(%arg23 : memref<!tpu.dma_semaphore, #tpu.memory_space<semaphore_mem>>) src(%dma_wait3A_1640 : memref<64x128xf32, #tpu.memory_space<hbm>>) dst(%arg18 : memref<64x128xf32, #tpu.memory_space<vmem>>)
      %slice3A_1641 = vector.extract_strided_slice %min3A_43 {offsets = [10], sizes = [1], strides = [1]} : vector<16xi32> to vector<1xi32>
      %squeeze3A_1642 = vector.extract %slice3A_1641[0] : i32 from vector<1xi32>
      %mul3A_1643 = arith.constant 128 : i32
      %mul3A_1644 = arith.muli %squeeze3A_1642, %mul3A_1643 : i32
      %dma_start3A_1645 = arith.constant 0 : i32
      %dma_start3A_1646 = tpu.memref_slice %arg4[%dma_start3A_1645, %mul3A_1644] : memref<64x1000001xf32, #tpu.memory_space<hbm>> -> memref<64x128xf32, #tpu.memory_space<hbm>>
      %dma_start3A_1647 = arith.constant 0 : i32
      %dma_start3A_1648 = tpu.memref_slice %arg4[%dma_start3A_1647, %mul3A_1644] : memref<64x1000001xf32, #tpu.memory_space<hbm>> -> memref<64x128xf32, #tpu.memory_space<hbm>>
      tpu.enqueue_dma source(%dma_start3A_1648 : memref<64x128xf32, #tpu.memory_space<hbm>>) target(%arg11 : memref<64x128xf32, #tpu.memory_space<vmem>>) target_semaphore(%arg22 : memref<!tpu.dma_semaphore, #tpu.memory_space<semaphore_mem>>)
      %slice3A_1649 = vector.extract_strided_slice %min3A_55 {offsets = [10], sizes = [1], strides = [1]} : vector<16xi32> to vector<1xi32>
      %squeeze3A_1650 = vector.extract %slice3A_1649[0] : i32 from vector<1xi32>
      %mul3A_1651 = arith.constant 128 : i32
      %mul3A_1652 = arith.muli %squeeze3A_1650, %mul3A_1651 : i32
      %dma_start3A_1653 = arith.constant 0 : i32
      %dma_start3A_1654 = tpu.memref_slice %arg5[%dma_start3A_1653, %mul3A_1652] : memref<64x1000001xf32, #tpu.memory_space<hbm>> -> memref<64x128xf32, #tpu.memory_space<hbm>>
      %dma_start3A_1655 = arith.constant 0 : i32
      %dma_start3A_1656 = tpu.memref_slice %arg5[%dma_start3A_1655, %mul3A_1652] : memref<64x1000001xf32, #tpu.memory_space<hbm>> -> memref<64x128xf32, #tpu.memory_space<hbm>>
      tpu.enqueue_dma source(%dma_start3A_1656 : memref<64x128xf32, #tpu.memory_space<hbm>>) target(%arg17 : memref<64x128xf32, #tpu.memory_space<vmem>>) target_semaphore(%arg23 : memref<!tpu.dma_semaphore, #tpu.memory_space<semaphore_mem>>)
      %slice3A_1657 = vector.extract_strided_slice %sub3A_62 {offsets = [5], sizes = [1], strides = [1]} : vector<16xi32> to vector<1xi32>
      %squeeze3A_1658 = vector.extract %slice3A_1657[0] : i32 from vector<1xi32>
      %slice3A_1659 = vector.extract_strided_slice %sub3A_70 {offsets = [5], sizes = [1], strides = [1]} : vector<16xi32> to vector<1xi32>
      %squeeze3A_1660 = vector.extract %slice3A_1659[0] : i32 from vector<1xi32>
      %lt3A_1661 = arith.constant 128 : i32
      %lt3A_1662 = arith.cmpi slt, %squeeze3A_1658, %lt3A_1661 : i32
      %convert_element_type3A_1663 = arith.extui %lt3A_1662 : i1 to i32
      %convert_element_type3A_1664 = arith.sitofp %convert_element_type3A_1663 : i32 to f32
      %broadcast_in_dim3A_1665 = vector.broadcast %convert_element_type3A_1664 : f32 to vector<16xf32>
      %lt3A_1666 = arith.constant 128 : i32
      %lt3A_1667 = arith.cmpi slt, %squeeze3A_1660, %lt3A_1666 : i32
      %convert_element_type3A_1668 = arith.extui %lt3A_1667 : i1 to i32
      %convert_element_type3A_1669 = arith.sitofp %convert_element_type3A_1668 : i32 to f32
      %broadcast_in_dim3A_1670 = vector.broadcast %convert_element_type3A_1669 : f32 to vector<16xf32>
      %min3A_1671 = arith.constant 127 : i32
      %min3A_1672 = arith.minsi %squeeze3A_1658, %min3A_1671 : i32
      %broadcast_in_dim3A_1673 = vector.broadcast %min3A_1672 : i32 to vector<16xi32>
      %min3A_1674 = arith.constant 127 : i32
      %min3A_1675 = arith.minsi %squeeze3A_1660, %min3A_1674 : i32
      %broadcast_in_dim3A_1676 = vector.broadcast %min3A_1675 : i32 to vector<16xi32>
      %rem3A_1677 = arith.constant 8 : i32
      %rem3A_1678 = arith.remsi %scan3A_20, %rem3A_1677 : i32
      %mul3A_1679 = arith.constant 32 : i32
      %mul3A_1680 = arith.muli %rem3A_1678, %mul3A_1679 : i32
      %add3A_1681 = arith.constant 21 : i32
      %add3A_1682 = arith.addi %mul3A_1680, %add3A_1681 : i32
      %broadcast_in_dim3A_1683 = vector.broadcast %add3A_1682 : i32 to vector<16xi32>
      %gather3A_1684 = tpu.vector_load_idx %arg12[%add3A_5, %broadcast_in_dim3A_1673] : memref<64x128xf32, #tpu.memory_space<vmem>>[vector<16xi32>, vector<16xi32>], vector<16xf32>,
      %gather3A_1685 = tpu.vector_load_idx %arg18[%add3A_5, %broadcast_in_dim3A_1676] : memref<64x128xf32, #tpu.memory_space<vmem>>[vector<16xi32>, vector<16xi32>], vector<16xf32>,
      %mul3A_1686 = arith.mulf %gather3A_1684, %broadcast_in_dim3A_1665 : vector<16xf32>
      %mul3A_1687 = arith.mulf %gather3A_1685, %broadcast_in_dim3A_1670 : vector<16xf32>
      %add3A_1688 = arith.addf %mul3A_1686, %mul3A_1687 : vector<16xf32>
      tpu.vector_store_idx %arg21[%add3A_5, %broadcast_in_dim3A_1683], %add3A_1688 : memref<64x256xf32, #tpu.memory_space<vmem>>[vector<16xi32>, vector<16xi32>], vector<16xf32>,
      %gather3A_1689 = tpu.vector_load_idx %arg12[%add3A_8, %broadcast_in_dim3A_1673] : memref<64x128xf32, #tpu.memory_space<vmem>>[vector<16xi32>, vector<16xi32>], vector<16xf32>,
      %gather3A_1690 = tpu.vector_load_idx %arg18[%add3A_8, %broadcast_in_dim3A_1676] : memref<64x128xf32, #tpu.memory_space<vmem>>[vector<16xi32>, vector<16xi32>], vector<16xf32>,
      %mul3A_1691 = arith.mulf %gather3A_1689, %broadcast_in_dim3A_1665 : vector<16xf32>
      %mul3A_1692 = arith.mulf %gather3A_1690, %broadcast_in_dim3A_1670 : vector<16xf32>
      %add3A_1693 = arith.addf %mul3A_1691, %mul3A_1692 : vector<16xf32>
      tpu.vector_store_idx %arg21[%add3A_8, %broadcast_in_dim3A_1683], %add3A_1693 : memref<64x256xf32, #tpu.memory_space<vmem>>[vector<16xi32>, vector<16xi32>], vector<16xf32>,
      %gather3A_1694 = tpu.vector_load_idx %arg12[%add3A_11, %broadcast_in_dim3A_1673] : memref<64x128xf32, #tpu.memory_space<vmem>>[vector<16xi32>, vector<16xi32>], vector<16xf32>,
      %gather3A_1695 = tpu.vector_load_idx %arg18[%add3A_11, %broadcast_in_dim3A_1676] : memref<64x128xf32, #tpu.memory_space<vmem>>[vector<16xi32>, vector<16xi32>], vector<16xf32>,
      %mul3A_1696 = arith.mulf %gather3A_1694, %broadcast_in_dim3A_1665 : vector<16xf32>
      %mul3A_1697 = arith.mulf %gather3A_1695, %broadcast_in_dim3A_1670 : vector<16xf32>
      %add3A_1698 = arith.addf %mul3A_1696, %mul3A_1697 : vector<16xf32>
      tpu.vector_store_idx %arg21[%add3A_11, %broadcast_in_dim3A_1683], %add3A_1698 : memref<64x256xf32, #tpu.memory_space<vmem>>[vector<16xi32>, vector<16xi32>], vector<16xf32>,
      %gather3A_1699 = tpu.vector_load_idx %arg12[%add3A_14, %broadcast_in_dim3A_1673] : memref<64x128xf32, #tpu.memory_space<vmem>>[vector<16xi32>, vector<16xi32>], vector<16xf32>,
      %gather3A_1700 = tpu.vector_load_idx %arg18[%add3A_14, %broadcast_in_dim3A_1676] : memref<64x128xf32, #tpu.memory_space<vmem>>[vector<16xi32>, vector<16xi32>], vector<16xf32>,
      %mul3A_1701 = arith.mulf %gather3A_1699, %broadcast_in_dim3A_1665 : vector<16xf32>
      %mul3A_1702 = arith.mulf %gather3A_1700, %broadcast_in_dim3A_1670 : vector<16xf32>
      %add3A_1703 = arith.addf %mul3A_1701, %mul3A_1702 : vector<16xf32>
      tpu.vector_store_idx %arg21[%add3A_14, %broadcast_in_dim3A_1683], %add3A_1703 : memref<64x256xf32, #tpu.memory_space<vmem>>[vector<16xi32>, vector<16xi32>], vector<16xf32>,
      %dma_wait3A_1704 = arith.constant 0 : i32
      %dma_wait3A_1705 = tpu.memref_slice %arg4[%dma_wait3A_1704, %mul3A_1360] : memref<64x1000001xf32, #tpu.memory_space<hbm>> -> memref<64x128xf32, #tpu.memory_space<hbm>>
      %dma_wait3A_1706 = arith.constant 0 : i32
      %dma_wait3A_1707 = tpu.memref_slice %arg4[%dma_wait3A_1706, %mul3A_1360] : memref<64x1000001xf32, #tpu.memory_space<hbm>> -> memref<64x128xf32, #tpu.memory_space<hbm>>
      tpu.wait_dma2 semaphore(%arg22 : memref<!tpu.dma_semaphore, #tpu.memory_space<semaphore_mem>>) src(%dma_wait3A_1707 : memref<64x128xf32, #tpu.memory_space<hbm>>) dst(%arg13 : memref<64x128xf32, #tpu.memory_space<vmem>>)
      %dma_wait3A_1708 = arith.constant 0 : i32
      %dma_wait3A_1709 = tpu.memref_slice %arg5[%dma_wait3A_1708, %mul3A_1368] : memref<64x1000001xf32, #tpu.memory_space<hbm>> -> memref<64x128xf32, #tpu.memory_space<hbm>>
      %dma_wait3A_1710 = arith.constant 0 : i32
      %dma_wait3A_1711 = tpu.memref_slice %arg5[%dma_wait3A_1710, %mul3A_1368] : memref<64x1000001xf32, #tpu.memory_space<hbm>> -> memref<64x128xf32, #tpu.memory_space<hbm>>
      tpu.wait_dma2 semaphore(%arg23 : memref<!tpu.dma_semaphore, #tpu.memory_space<semaphore_mem>>) src(%dma_wait3A_1711 : memref<64x128xf32, #tpu.memory_space<hbm>>) dst(%arg19 : memref<64x128xf32, #tpu.memory_space<vmem>>)
      %slice3A_1712 = vector.extract_strided_slice %min3A_43 {offsets = [11], sizes = [1], strides = [1]} : vector<16xi32> to vector<1xi32>
      %squeeze3A_1713 = vector.extract %slice3A_1712[0] : i32 from vector<1xi32>
      %mul3A_1714 = arith.constant 128 : i32
      %mul3A_1715 = arith.muli %squeeze3A_1713, %mul3A_1714 : i32
      %dma_start3A_1716 = arith.constant 0 : i32
      %dma_start3A_1717 = tpu.memref_slice %arg4[%dma_start3A_1716, %mul3A_1715] : memref<64x1000001xf32, #tpu.memory_space<hbm>> -> memref<64x128xf32, #tpu.memory_space<hbm>>
      %dma_start3A_1718 = arith.constant 0 : i32
      %dma_start3A_1719 = tpu.memref_slice %arg4[%dma_start3A_1718, %mul3A_1715] : memref<64x1000001xf32, #tpu.memory_space<hbm>> -> memref<64x128xf32, #tpu.memory_space<hbm>>
      tpu.enqueue_dma source(%dma_start3A_1719 : memref<64x128xf32, #tpu.memory_space<hbm>>) target(%arg12 : memref<64x128xf32, #tpu.memory_space<vmem>>) target_semaphore(%arg22 : memref<!tpu.dma_semaphore, #tpu.memory_space<semaphore_mem>>)
      %slice3A_1720 = vector.extract_strided_slice %min3A_55 {offsets = [11], sizes = [1], strides = [1]} : vector<16xi32> to vector<1xi32>
      %squeeze3A_1721 = vector.extract %slice3A_1720[0] : i32 from vector<1xi32>
      %mul3A_1722 = arith.constant 128 : i32
      %mul3A_1723 = arith.muli %squeeze3A_1721, %mul3A_1722 : i32
      %dma_start3A_1724 = arith.constant 0 : i32
      %dma_start3A_1725 = tpu.memref_slice %arg5[%dma_start3A_1724, %mul3A_1723] : memref<64x1000001xf32, #tpu.memory_space<hbm>> -> memref<64x128xf32, #tpu.memory_space<hbm>>
      %dma_start3A_1726 = arith.constant 0 : i32
      %dma_start3A_1727 = tpu.memref_slice %arg5[%dma_start3A_1726, %mul3A_1723] : memref<64x1000001xf32, #tpu.memory_space<hbm>> -> memref<64x128xf32, #tpu.memory_space<hbm>>
      tpu.enqueue_dma source(%dma_start3A_1727 : memref<64x128xf32, #tpu.memory_space<hbm>>) target(%arg18 : memref<64x128xf32, #tpu.memory_space<vmem>>) target_semaphore(%arg23 : memref<!tpu.dma_semaphore, #tpu.memory_space<semaphore_mem>>)
      %slice3A_1728 = vector.extract_strided_slice %sub3A_62 {offsets = [6], sizes = [1], strides = [1]} : vector<16xi32> to vector<1xi32>
      %squeeze3A_1729 = vector.extract %slice3A_1728[0] : i32 from vector<1xi32>
      %slice3A_1730 = vector.extract_strided_slice %sub3A_70 {offsets = [6], sizes = [1], strides = [1]} : vector<16xi32> to vector<1xi32>
      %squeeze3A_1731 = vector.extract %slice3A_1730[0] : i32 from vector<1xi32>
      %lt3A_1732 = arith.constant 128 : i32
      %lt3A_1733 = arith.cmpi slt, %squeeze3A_1729, %lt3A_1732 : i32
      %convert_element_type3A_1734 = arith.extui %lt3A_1733 : i1 to i32
      %convert_element_type3A_1735 = arith.sitofp %convert_element_type3A_1734 : i32 to f32
      %broadcast_in_dim3A_1736 = vector.broadcast %convert_element_type3A_1735 : f32 to vector<16xf32>
      %lt3A_1737 = arith.constant 128 : i32
      %lt3A_1738 = arith.cmpi slt, %squeeze3A_1731, %lt3A_1737 : i32
      %convert_element_type3A_1739 = arith.extui %lt3A_1738 : i1 to i32
      %convert_element_type3A_1740 = arith.sitofp %convert_element_type3A_1739 : i32 to f32
      %broadcast_in_dim3A_1741 = vector.broadcast %convert_element_type3A_1740 : f32 to vector<16xf32>
      %min3A_1742 = arith.constant 127 : i32
      %min3A_1743 = arith.minsi %squeeze3A_1729, %min3A_1742 : i32
      %broadcast_in_dim3A_1744 = vector.broadcast %min3A_1743 : i32 to vector<16xi32>
      %min3A_1745 = arith.constant 127 : i32
      %min3A_1746 = arith.minsi %squeeze3A_1731, %min3A_1745 : i32
      %broadcast_in_dim3A_1747 = vector.broadcast %min3A_1746 : i32 to vector<16xi32>
      %rem3A_1748 = arith.constant 8 : i32
      %rem3A_1749 = arith.remsi %scan3A_20, %rem3A_1748 : i32
      %mul3A_1750 = arith.constant 32 : i32
      %mul3A_1751 = arith.muli %rem3A_1749, %mul3A_1750 : i32
      %add3A_1752 = arith.constant 22 : i32
      %add3A_1753 = arith.addi %mul3A_1751, %add3A_1752 : i32
      %broadcast_in_dim3A_1754 = vector.broadcast %add3A_1753 : i32 to vector<16xi32>
      %gather3A_1755 = tpu.vector_load_idx %arg13[%add3A_5, %broadcast_in_dim3A_1744] : memref<64x128xf32, #tpu.memory_space<vmem>>[vector<16xi32>, vector<16xi32>], vector<16xf32>,
      %gather3A_1756 = tpu.vector_load_idx %arg19[%add3A_5, %broadcast_in_dim3A_1747] : memref<64x128xf32, #tpu.memory_space<vmem>>[vector<16xi32>, vector<16xi32>], vector<16xf32>,
      %mul3A_1757 = arith.mulf %gather3A_1755, %broadcast_in_dim3A_1736 : vector<16xf32>
      %mul3A_1758 = arith.mulf %gather3A_1756, %broadcast_in_dim3A_1741 : vector<16xf32>
      %add3A_1759 = arith.addf %mul3A_1757, %mul3A_1758 : vector<16xf32>
      tpu.vector_store_idx %arg21[%add3A_5, %broadcast_in_dim3A_1754], %add3A_1759 : memref<64x256xf32, #tpu.memory_space<vmem>>[vector<16xi32>, vector<16xi32>], vector<16xf32>,
      %gather3A_1760 = tpu.vector_load_idx %arg13[%add3A_8, %broadcast_in_dim3A_1744] : memref<64x128xf32, #tpu.memory_space<vmem>>[vector<16xi32>, vector<16xi32>], vector<16xf32>,
      %gather3A_1761 = tpu.vector_load_idx %arg19[%add3A_8, %broadcast_in_dim3A_1747] : memref<64x128xf32, #tpu.memory_space<vmem>>[vector<16xi32>, vector<16xi32>], vector<16xf32>,
      %mul3A_1762 = arith.mulf %gather3A_1760, %broadcast_in_dim3A_1736 : vector<16xf32>
      %mul3A_1763 = arith.mulf %gather3A_1761, %broadcast_in_dim3A_1741 : vector<16xf32>
      %add3A_1764 = arith.addf %mul3A_1762, %mul3A_1763 : vector<16xf32>
      tpu.vector_store_idx %arg21[%add3A_8, %broadcast_in_dim3A_1754], %add3A_1764 : memref<64x256xf32, #tpu.memory_space<vmem>>[vector<16xi32>, vector<16xi32>], vector<16xf32>,
      %gather3A_1765 = tpu.vector_load_idx %arg13[%add3A_11, %broadcast_in_dim3A_1744] : memref<64x128xf32, #tpu.memory_space<vmem>>[vector<16xi32>, vector<16xi32>], vector<16xf32>,
      %gather3A_1766 = tpu.vector_load_idx %arg19[%add3A_11, %broadcast_in_dim3A_1747] : memref<64x128xf32, #tpu.memory_space<vmem>>[vector<16xi32>, vector<16xi32>], vector<16xf32>,
      %mul3A_1767 = arith.mulf %gather3A_1765, %broadcast_in_dim3A_1736 : vector<16xf32>
      %mul3A_1768 = arith.mulf %gather3A_1766, %broadcast_in_dim3A_1741 : vector<16xf32>
      %add3A_1769 = arith.addf %mul3A_1767, %mul3A_1768 : vector<16xf32>
      tpu.vector_store_idx %arg21[%add3A_11, %broadcast_in_dim3A_1754], %add3A_1769 : memref<64x256xf32, #tpu.memory_space<vmem>>[vector<16xi32>, vector<16xi32>], vector<16xf32>,
      %gather3A_1770 = tpu.vector_load_idx %arg13[%add3A_14, %broadcast_in_dim3A_1744] : memref<64x128xf32, #tpu.memory_space<vmem>>[vector<16xi32>, vector<16xi32>], vector<16xf32>,
      %gather3A_1771 = tpu.vector_load_idx %arg19[%add3A_14, %broadcast_in_dim3A_1747] : memref<64x128xf32, #tpu.memory_space<vmem>>[vector<16xi32>, vector<16xi32>], vector<16xf32>,
      %mul3A_1772 = arith.mulf %gather3A_1770, %broadcast_in_dim3A_1736 : vector<16xf32>
      %mul3A_1773 = arith.mulf %gather3A_1771, %broadcast_in_dim3A_1741 : vector<16xf32>
      %add3A_1774 = arith.addf %mul3A_1772, %mul3A_1773 : vector<16xf32>
      tpu.vector_store_idx %arg21[%add3A_14, %broadcast_in_dim3A_1754], %add3A_1774 : memref<64x256xf32, #tpu.memory_space<vmem>>[vector<16xi32>, vector<16xi32>], vector<16xf32>,
      %dma_wait3A_1775 = arith.constant 0 : i32
      %dma_wait3A_1776 = tpu.memref_slice %arg4[%dma_wait3A_1775, %mul3A_1431] : memref<64x1000001xf32, #tpu.memory_space<hbm>> -> memref<64x128xf32, #tpu.memory_space<hbm>>
      %dma_wait3A_1777 = arith.constant 0 : i32
      %dma_wait3A_1778 = tpu.memref_slice %arg4[%dma_wait3A_1777, %mul3A_1431] : memref<64x1000001xf32, #tpu.memory_space<hbm>> -> memref<64x128xf32, #tpu.memory_space<hbm>>
      tpu.wait_dma2 semaphore(%arg22 : memref<!tpu.dma_semaphore, #tpu.memory_space<semaphore_mem>>) src(%dma_wait3A_1778 : memref<64x128xf32, #tpu.memory_space<hbm>>) dst(%arg14 : memref<64x128xf32, #tpu.memory_space<vmem>>)
      %dma_wait3A_1779 = arith.constant 0 : i32
      %dma_wait3A_1780 = tpu.memref_slice %arg5[%dma_wait3A_1779, %mul3A_1439] : memref<64x1000001xf32, #tpu.memory_space<hbm>> -> memref<64x128xf32, #tpu.memory_space<hbm>>
      %dma_wait3A_1781 = arith.constant 0 : i32
      %dma_wait3A_1782 = tpu.memref_slice %arg5[%dma_wait3A_1781, %mul3A_1439] : memref<64x1000001xf32, #tpu.memory_space<hbm>> -> memref<64x128xf32, #tpu.memory_space<hbm>>
      tpu.wait_dma2 semaphore(%arg23 : memref<!tpu.dma_semaphore, #tpu.memory_space<semaphore_mem>>) src(%dma_wait3A_1782 : memref<64x128xf32, #tpu.memory_space<hbm>>) dst(%arg20 : memref<64x128xf32, #tpu.memory_space<vmem>>)
      %slice3A_1783 = vector.extract_strided_slice %min3A_43 {offsets = [12], sizes = [1], strides = [1]} : vector<16xi32> to vector<1xi32>
      %squeeze3A_1784 = vector.extract %slice3A_1783[0] : i32 from vector<1xi32>
      %mul3A_1785 = arith.constant 128 : i32
      %mul3A_1786 = arith.muli %squeeze3A_1784, %mul3A_1785 : i32
      %dma_start3A_1787 = arith.constant 0 : i32
      %dma_start3A_1788 = tpu.memref_slice %arg4[%dma_start3A_1787, %mul3A_1786] : memref<64x1000001xf32, #tpu.memory_space<hbm>> -> memref<64x128xf32, #tpu.memory_space<hbm>>
      %dma_start3A_1789 = arith.constant 0 : i32
      %dma_start3A_1790 = tpu.memref_slice %arg4[%dma_start3A_1789, %mul3A_1786] : memref<64x1000001xf32, #tpu.memory_space<hbm>> -> memref<64x128xf32, #tpu.memory_space<hbm>>
      tpu.enqueue_dma source(%dma_start3A_1790 : memref<64x128xf32, #tpu.memory_space<hbm>>) target(%arg13 : memref<64x128xf32, #tpu.memory_space<vmem>>) target_semaphore(%arg22 : memref<!tpu.dma_semaphore, #tpu.memory_space<semaphore_mem>>)
      %slice3A_1791 = vector.extract_strided_slice %min3A_55 {offsets = [12], sizes = [1], strides = [1]} : vector<16xi32> to vector<1xi32>
      %squeeze3A_1792 = vector.extract %slice3A_1791[0] : i32 from vector<1xi32>
      %mul3A_1793 = arith.constant 128 : i32
      %mul3A_1794 = arith.muli %squeeze3A_1792, %mul3A_1793 : i32
      %dma_start3A_1795 = arith.constant 0 : i32
      %dma_start3A_1796 = tpu.memref_slice %arg5[%dma_start3A_1795, %mul3A_1794] : memref<64x1000001xf32, #tpu.memory_space<hbm>> -> memref<64x128xf32, #tpu.memory_space<hbm>>
      %dma_start3A_1797 = arith.constant 0 : i32
      %dma_start3A_1798 = tpu.memref_slice %arg5[%dma_start3A_1797, %mul3A_1794] : memref<64x1000001xf32, #tpu.memory_space<hbm>> -> memref<64x128xf32, #tpu.memory_space<hbm>>
      tpu.enqueue_dma source(%dma_start3A_1798 : memref<64x128xf32, #tpu.memory_space<hbm>>) target(%arg19 : memref<64x128xf32, #tpu.memory_space<vmem>>) target_semaphore(%arg23 : memref<!tpu.dma_semaphore, #tpu.memory_space<semaphore_mem>>)
      %slice3A_1799 = vector.extract_strided_slice %sub3A_62 {offsets = [7], sizes = [1], strides = [1]} : vector<16xi32> to vector<1xi32>
      %squeeze3A_1800 = vector.extract %slice3A_1799[0] : i32 from vector<1xi32>
      %slice3A_1801 = vector.extract_strided_slice %sub3A_70 {offsets = [7], sizes = [1], strides = [1]} : vector<16xi32> to vector<1xi32>
      %squeeze3A_1802 = vector.extract %slice3A_1801[0] : i32 from vector<1xi32>
      %lt3A_1803 = arith.constant 128 : i32
      %lt3A_1804 = arith.cmpi slt, %squeeze3A_1800, %lt3A_1803 : i32
      %convert_element_type3A_1805 = arith.extui %lt3A_1804 : i1 to i32
      %convert_element_type3A_1806 = arith.sitofp %convert_element_type3A_1805 : i32 to f32
      %broadcast_in_dim3A_1807 = vector.broadcast %convert_element_type3A_1806 : f32 to vector<16xf32>
      %lt3A_1808 = arith.constant 128 : i32
      %lt3A_1809 = arith.cmpi slt, %squeeze3A_1802, %lt3A_1808 : i32
      %convert_element_type3A_1810 = arith.extui %lt3A_1809 : i1 to i32
      %convert_element_type3A_1811 = arith.sitofp %convert_element_type3A_1810 : i32 to f32
      %broadcast_in_dim3A_1812 = vector.broadcast %convert_element_type3A_1811 : f32 to vector<16xf32>
      %min3A_1813 = arith.constant 127 : i32
      %min3A_1814 = arith.minsi %squeeze3A_1800, %min3A_1813 : i32
      %broadcast_in_dim3A_1815 = vector.broadcast %min3A_1814 : i32 to vector<16xi32>
      %min3A_1816 = arith.constant 127 : i32
      %min3A_1817 = arith.minsi %squeeze3A_1802, %min3A_1816 : i32
      %broadcast_in_dim3A_1818 = vector.broadcast %min3A_1817 : i32 to vector<16xi32>
      %rem3A_1819 = arith.constant 8 : i32
      %rem3A_1820 = arith.remsi %scan3A_20, %rem3A_1819 : i32
      %mul3A_1821 = arith.constant 32 : i32
      %mul3A_1822 = arith.muli %rem3A_1820, %mul3A_1821 : i32
      %add3A_1823 = arith.constant 23 : i32
      %add3A_1824 = arith.addi %mul3A_1822, %add3A_1823 : i32
      %broadcast_in_dim3A_1825 = vector.broadcast %add3A_1824 : i32 to vector<16xi32>
      %gather3A_1826 = tpu.vector_load_idx %arg14[%add3A_5, %broadcast_in_dim3A_1815] : memref<64x128xf32, #tpu.memory_space<vmem>>[vector<16xi32>, vector<16xi32>], vector<16xf32>,
      %gather3A_1827 = tpu.vector_load_idx %arg20[%add3A_5, %broadcast_in_dim3A_1818] : memref<64x128xf32, #tpu.memory_space<vmem>>[vector<16xi32>, vector<16xi32>], vector<16xf32>,
      %mul3A_1828 = arith.mulf %gather3A_1826, %broadcast_in_dim3A_1807 : vector<16xf32>
      %mul3A_1829 = arith.mulf %gather3A_1827, %broadcast_in_dim3A_1812 : vector<16xf32>
      %add3A_1830 = arith.addf %mul3A_1828, %mul3A_1829 : vector<16xf32>
      tpu.vector_store_idx %arg21[%add3A_5, %broadcast_in_dim3A_1825], %add3A_1830 : memref<64x256xf32, #tpu.memory_space<vmem>>[vector<16xi32>, vector<16xi32>], vector<16xf32>,
      %gather3A_1831 = tpu.vector_load_idx %arg14[%add3A_8, %broadcast_in_dim3A_1815] : memref<64x128xf32, #tpu.memory_space<vmem>>[vector<16xi32>, vector<16xi32>], vector<16xf32>,
      %gather3A_1832 = tpu.vector_load_idx %arg20[%add3A_8, %broadcast_in_dim3A_1818] : memref<64x128xf32, #tpu.memory_space<vmem>>[vector<16xi32>, vector<16xi32>], vector<16xf32>,
      %mul3A_1833 = arith.mulf %gather3A_1831, %broadcast_in_dim3A_1807 : vector<16xf32>
      %mul3A_1834 = arith.mulf %gather3A_1832, %broadcast_in_dim3A_1812 : vector<16xf32>
      %add3A_1835 = arith.addf %mul3A_1833, %mul3A_1834 : vector<16xf32>
      tpu.vector_store_idx %arg21[%add3A_8, %broadcast_in_dim3A_1825], %add3A_1835 : memref<64x256xf32, #tpu.memory_space<vmem>>[vector<16xi32>, vector<16xi32>], vector<16xf32>,
      %gather3A_1836 = tpu.vector_load_idx %arg14[%add3A_11, %broadcast_in_dim3A_1815] : memref<64x128xf32, #tpu.memory_space<vmem>>[vector<16xi32>, vector<16xi32>], vector<16xf32>,
      %gather3A_1837 = tpu.vector_load_idx %arg20[%add3A_11, %broadcast_in_dim3A_1818] : memref<64x128xf32, #tpu.memory_space<vmem>>[vector<16xi32>, vector<16xi32>], vector<16xf32>,
      %mul3A_1838 = arith.mulf %gather3A_1836, %broadcast_in_dim3A_1807 : vector<16xf32>
      %mul3A_1839 = arith.mulf %gather3A_1837, %broadcast_in_dim3A_1812 : vector<16xf32>
      %add3A_1840 = arith.addf %mul3A_1838, %mul3A_1839 : vector<16xf32>
      tpu.vector_store_idx %arg21[%add3A_11, %broadcast_in_dim3A_1825], %add3A_1840 : memref<64x256xf32, #tpu.memory_space<vmem>>[vector<16xi32>, vector<16xi32>], vector<16xf32>,
      %gather3A_1841 = tpu.vector_load_idx %arg14[%add3A_14, %broadcast_in_dim3A_1815] : memref<64x128xf32, #tpu.memory_space<vmem>>[vector<16xi32>, vector<16xi32>], vector<16xf32>,
      %gather3A_1842 = tpu.vector_load_idx %arg20[%add3A_14, %broadcast_in_dim3A_1818] : memref<64x128xf32, #tpu.memory_space<vmem>>[vector<16xi32>, vector<16xi32>], vector<16xf32>,
      %mul3A_1843 = arith.mulf %gather3A_1841, %broadcast_in_dim3A_1807 : vector<16xf32>
      %mul3A_1844 = arith.mulf %gather3A_1842, %broadcast_in_dim3A_1812 : vector<16xf32>
      %add3A_1845 = arith.addf %mul3A_1843, %mul3A_1844 : vector<16xf32>
      tpu.vector_store_idx %arg21[%add3A_14, %broadcast_in_dim3A_1825], %add3A_1845 : memref<64x256xf32, #tpu.memory_space<vmem>>[vector<16xi32>, vector<16xi32>], vector<16xf32>,
      %dma_wait3A_1846 = arith.constant 0 : i32
      %dma_wait3A_1847 = tpu.memref_slice %arg4[%dma_wait3A_1846, %mul3A_1502] : memref<64x1000001xf32, #tpu.memory_space<hbm>> -> memref<64x128xf32, #tpu.memory_space<hbm>>
      %dma_wait3A_1848 = arith.constant 0 : i32
      %dma_wait3A_1849 = tpu.memref_slice %arg4[%dma_wait3A_1848, %mul3A_1502] : memref<64x1000001xf32, #tpu.memory_space<hbm>> -> memref<64x128xf32, #tpu.memory_space<hbm>>
      tpu.wait_dma2 semaphore(%arg22 : memref<!tpu.dma_semaphore, #tpu.memory_space<semaphore_mem>>) src(%dma_wait3A_1849 : memref<64x128xf32, #tpu.memory_space<hbm>>) dst(%arg9 : memref<64x128xf32, #tpu.memory_space<vmem>>)
      %dma_wait3A_1850 = arith.constant 0 : i32
      %dma_wait3A_1851 = tpu.memref_slice %arg5[%dma_wait3A_1850, %mul3A_1510] : memref<64x1000001xf32, #tpu.memory_space<hbm>> -> memref<64x128xf32, #tpu.memory_space<hbm>>
      %dma_wait3A_1852 = arith.constant 0 : i32
      %dma_wait3A_1853 = tpu.memref_slice %arg5[%dma_wait3A_1852, %mul3A_1510] : memref<64x1000001xf32, #tpu.memory_space<hbm>> -> memref<64x128xf32, #tpu.memory_space<hbm>>
      tpu.wait_dma2 semaphore(%arg23 : memref<!tpu.dma_semaphore, #tpu.memory_space<semaphore_mem>>) src(%dma_wait3A_1853 : memref<64x128xf32, #tpu.memory_space<hbm>>) dst(%arg15 : memref<64x128xf32, #tpu.memory_space<vmem>>)
      %slice3A_1854 = vector.extract_strided_slice %min3A_43 {offsets = [13], sizes = [1], strides = [1]} : vector<16xi32> to vector<1xi32>
      %squeeze3A_1855 = vector.extract %slice3A_1854[0] : i32 from vector<1xi32>
      %mul3A_1856 = arith.constant 128 : i32
      %mul3A_1857 = arith.muli %squeeze3A_1855, %mul3A_1856 : i32
      %dma_start3A_1858 = arith.constant 0 : i32
      %dma_start3A_1859 = tpu.memref_slice %arg4[%dma_start3A_1858, %mul3A_1857] : memref<64x1000001xf32, #tpu.memory_space<hbm>> -> memref<64x128xf32, #tpu.memory_space<hbm>>
      %dma_start3A_1860 = arith.constant 0 : i32
      %dma_start3A_1861 = tpu.memref_slice %arg4[%dma_start3A_1860, %mul3A_1857] : memref<64x1000001xf32, #tpu.memory_space<hbm>> -> memref<64x128xf32, #tpu.memory_space<hbm>>
      tpu.enqueue_dma source(%dma_start3A_1861 : memref<64x128xf32, #tpu.memory_space<hbm>>) target(%arg14 : memref<64x128xf32, #tpu.memory_space<vmem>>) target_semaphore(%arg22 : memref<!tpu.dma_semaphore, #tpu.memory_space<semaphore_mem>>)
      %slice3A_1862 = vector.extract_strided_slice %min3A_55 {offsets = [13], sizes = [1], strides = [1]} : vector<16xi32> to vector<1xi32>
      %squeeze3A_1863 = vector.extract %slice3A_1862[0] : i32 from vector<1xi32>
      %mul3A_1864 = arith.constant 128 : i32
      %mul3A_1865 = arith.muli %squeeze3A_1863, %mul3A_1864 : i32
      %dma_start3A_1866 = arith.constant 0 : i32
      %dma_start3A_1867 = tpu.memref_slice %arg5[%dma_start3A_1866, %mul3A_1865] : memref<64x1000001xf32, #tpu.memory_space<hbm>> -> memref<64x128xf32, #tpu.memory_space<hbm>>
      %dma_start3A_1868 = arith.constant 0 : i32
      %dma_start3A_1869 = tpu.memref_slice %arg5[%dma_start3A_1868, %mul3A_1865] : memref<64x1000001xf32, #tpu.memory_space<hbm>> -> memref<64x128xf32, #tpu.memory_space<hbm>>
      tpu.enqueue_dma source(%dma_start3A_1869 : memref<64x128xf32, #tpu.memory_space<hbm>>) target(%arg20 : memref<64x128xf32, #tpu.memory_space<vmem>>) target_semaphore(%arg23 : memref<!tpu.dma_semaphore, #tpu.memory_space<semaphore_mem>>)
      %slice3A_1870 = vector.extract_strided_slice %sub3A_62 {offsets = [8], sizes = [1], strides = [1]} : vector<16xi32> to vector<1xi32>
      %squeeze3A_1871 = vector.extract %slice3A_1870[0] : i32 from vector<1xi32>
      %slice3A_1872 = vector.extract_strided_slice %sub3A_70 {offsets = [8], sizes = [1], strides = [1]} : vector<16xi32> to vector<1xi32>
      %squeeze3A_1873 = vector.extract %slice3A_1872[0] : i32 from vector<1xi32>
      %lt3A_1874 = arith.constant 128 : i32
      %lt3A_1875 = arith.cmpi slt, %squeeze3A_1871, %lt3A_1874 : i32
      %convert_element_type3A_1876 = arith.extui %lt3A_1875 : i1 to i32
      %convert_element_type3A_1877 = arith.sitofp %convert_element_type3A_1876 : i32 to f32
      %broadcast_in_dim3A_1878 = vector.broadcast %convert_element_type3A_1877 : f32 to vector<16xf32>
      %lt3A_1879 = arith.constant 128 : i32
      %lt3A_1880 = arith.cmpi slt, %squeeze3A_1873, %lt3A_1879 : i32
      %convert_element_type3A_1881 = arith.extui %lt3A_1880 : i1 to i32
      %convert_element_type3A_1882 = arith.sitofp %convert_element_type3A_1881 : i32 to f32
      %broadcast_in_dim3A_1883 = vector.broadcast %convert_element_type3A_1882 : f32 to vector<16xf32>
      %min3A_1884 = arith.constant 127 : i32
      %min3A_1885 = arith.minsi %squeeze3A_1871, %min3A_1884 : i32
      %broadcast_in_dim3A_1886 = vector.broadcast %min3A_1885 : i32 to vector<16xi32>
      %min3A_1887 = arith.constant 127 : i32
      %min3A_1888 = arith.minsi %squeeze3A_1873, %min3A_1887 : i32
      %broadcast_in_dim3A_1889 = vector.broadcast %min3A_1888 : i32 to vector<16xi32>
      %rem3A_1890 = arith.constant 8 : i32
      %rem3A_1891 = arith.remsi %scan3A_20, %rem3A_1890 : i32
      %mul3A_1892 = arith.constant 32 : i32
      %mul3A_1893 = arith.muli %rem3A_1891, %mul3A_1892 : i32
      %add3A_1894 = arith.constant 24 : i32
      %add3A_1895 = arith.addi %mul3A_1893, %add3A_1894 : i32
      %broadcast_in_dim3A_1896 = vector.broadcast %add3A_1895 : i32 to vector<16xi32>
      %gather3A_1897 = tpu.vector_load_idx %arg9[%add3A_5, %broadcast_in_dim3A_1886] : memref<64x128xf32, #tpu.memory_space<vmem>>[vector<16xi32>, vector<16xi32>], vector<16xf32>,
      %gather3A_1898 = tpu.vector_load_idx %arg15[%add3A_5, %broadcast_in_dim3A_1889] : memref<64x128xf32, #tpu.memory_space<vmem>>[vector<16xi32>, vector<16xi32>], vector<16xf32>,
      %mul3A_1899 = arith.mulf %gather3A_1897, %broadcast_in_dim3A_1878 : vector<16xf32>
      %mul3A_1900 = arith.mulf %gather3A_1898, %broadcast_in_dim3A_1883 : vector<16xf32>
      %add3A_1901 = arith.addf %mul3A_1899, %mul3A_1900 : vector<16xf32>
      tpu.vector_store_idx %arg21[%add3A_5, %broadcast_in_dim3A_1896], %add3A_1901 : memref<64x256xf32, #tpu.memory_space<vmem>>[vector<16xi32>, vector<16xi32>], vector<16xf32>,
      %gather3A_1902 = tpu.vector_load_idx %arg9[%add3A_8, %broadcast_in_dim3A_1886] : memref<64x128xf32, #tpu.memory_space<vmem>>[vector<16xi32>, vector<16xi32>], vector<16xf32>,
      %gather3A_1903 = tpu.vector_load_idx %arg15[%add3A_8, %broadcast_in_dim3A_1889] : memref<64x128xf32, #tpu.memory_space<vmem>>[vector<16xi32>, vector<16xi32>], vector<16xf32>,
      %mul3A_1904 = arith.mulf %gather3A_1902, %broadcast_in_dim3A_1878 : vector<16xf32>
      %mul3A_1905 = arith.mulf %gather3A_1903, %broadcast_in_dim3A_1883 : vector<16xf32>
      %add3A_1906 = arith.addf %mul3A_1904, %mul3A_1905 : vector<16xf32>
      tpu.vector_store_idx %arg21[%add3A_8, %broadcast_in_dim3A_1896], %add3A_1906 : memref<64x256xf32, #tpu.memory_space<vmem>>[vector<16xi32>, vector<16xi32>], vector<16xf32>,
      %gather3A_1907 = tpu.vector_load_idx %arg9[%add3A_11, %broadcast_in_dim3A_1886] : memref<64x128xf32, #tpu.memory_space<vmem>>[vector<16xi32>, vector<16xi32>], vector<16xf32>,
      %gather3A_1908 = tpu.vector_load_idx %arg15[%add3A_11, %broadcast_in_dim3A_1889] : memref<64x128xf32, #tpu.memory_space<vmem>>[vector<16xi32>, vector<16xi32>], vector<16xf32>,
      %mul3A_1909 = arith.mulf %gather3A_1907, %broadcast_in_dim3A_1878 : vector<16xf32>
      %mul3A_1910 = arith.mulf %gather3A_1908, %broadcast_in_dim3A_1883 : vector<16xf32>
      %add3A_1911 = arith.addf %mul3A_1909, %mul3A_1910 : vector<16xf32>
      tpu.vector_store_idx %arg21[%add3A_11, %broadcast_in_dim3A_1896], %add3A_1911 : memref<64x256xf32, #tpu.memory_space<vmem>>[vector<16xi32>, vector<16xi32>], vector<16xf32>,
      %gather3A_1912 = tpu.vector_load_idx %arg9[%add3A_14, %broadcast_in_dim3A_1886] : memref<64x128xf32, #tpu.memory_space<vmem>>[vector<16xi32>, vector<16xi32>], vector<16xf32>,
      %gather3A_1913 = tpu.vector_load_idx %arg15[%add3A_14, %broadcast_in_dim3A_1889] : memref<64x128xf32, #tpu.memory_space<vmem>>[vector<16xi32>, vector<16xi32>], vector<16xf32>,
      %mul3A_1914 = arith.mulf %gather3A_1912, %broadcast_in_dim3A_1878 : vector<16xf32>
      %mul3A_1915 = arith.mulf %gather3A_1913, %broadcast_in_dim3A_1883 : vector<16xf32>
      %add3A_1916 = arith.addf %mul3A_1914, %mul3A_1915 : vector<16xf32>
      tpu.vector_store_idx %arg21[%add3A_14, %broadcast_in_dim3A_1896], %add3A_1916 : memref<64x256xf32, #tpu.memory_space<vmem>>[vector<16xi32>, vector<16xi32>], vector<16xf32>,
      %dma_wait3A_1917 = arith.constant 0 : i32
      %dma_wait3A_1918 = tpu.memref_slice %arg4[%dma_wait3A_1917, %mul3A_1573] : memref<64x1000001xf32, #tpu.memory_space<hbm>> -> memref<64x128xf32, #tpu.memory_space<hbm>>
      %dma_wait3A_1919 = arith.constant 0 : i32
      %dma_wait3A_1920 = tpu.memref_slice %arg4[%dma_wait3A_1919, %mul3A_1573] : memref<64x1000001xf32, #tpu.memory_space<hbm>> -> memref<64x128xf32, #tpu.memory_space<hbm>>
      tpu.wait_dma2 semaphore(%arg22 : memref<!tpu.dma_semaphore, #tpu.memory_space<semaphore_mem>>) src(%dma_wait3A_1920 : memref<64x128xf32, #tpu.memory_space<hbm>>) dst(%arg10 : memref<64x128xf32, #tpu.memory_space<vmem>>)
      %dma_wait3A_1921 = arith.constant 0 : i32
      %dma_wait3A_1922 = tpu.memref_slice %arg5[%dma_wait3A_1921, %mul3A_1581] : memref<64x1000001xf32, #tpu.memory_space<hbm>> -> memref<64x128xf32, #tpu.memory_space<hbm>>
      %dma_wait3A_1923 = arith.constant 0 : i32
      %dma_wait3A_1924 = tpu.memref_slice %arg5[%dma_wait3A_1923, %mul3A_1581] : memref<64x1000001xf32, #tpu.memory_space<hbm>> -> memref<64x128xf32, #tpu.memory_space<hbm>>
      tpu.wait_dma2 semaphore(%arg23 : memref<!tpu.dma_semaphore, #tpu.memory_space<semaphore_mem>>) src(%dma_wait3A_1924 : memref<64x128xf32, #tpu.memory_space<hbm>>) dst(%arg16 : memref<64x128xf32, #tpu.memory_space<vmem>>)
      %slice3A_1925 = vector.extract_strided_slice %min3A_43 {offsets = [14], sizes = [1], strides = [1]} : vector<16xi32> to vector<1xi32>
      %squeeze3A_1926 = vector.extract %slice3A_1925[0] : i32 from vector<1xi32>
      %mul3A_1927 = arith.constant 128 : i32
      %mul3A_1928 = arith.muli %squeeze3A_1926, %mul3A_1927 : i32
      %dma_start3A_1929 = arith.constant 0 : i32
      %dma_start3A_1930 = tpu.memref_slice %arg4[%dma_start3A_1929, %mul3A_1928] : memref<64x1000001xf32, #tpu.memory_space<hbm>> -> memref<64x128xf32, #tpu.memory_space<hbm>>
      %dma_start3A_1931 = arith.constant 0 : i32
      %dma_start3A_1932 = tpu.memref_slice %arg4[%dma_start3A_1931, %mul3A_1928] : memref<64x1000001xf32, #tpu.memory_space<hbm>> -> memref<64x128xf32, #tpu.memory_space<hbm>>
      tpu.enqueue_dma source(%dma_start3A_1932 : memref<64x128xf32, #tpu.memory_space<hbm>>) target(%arg9 : memref<64x128xf32, #tpu.memory_space<vmem>>) target_semaphore(%arg22 : memref<!tpu.dma_semaphore, #tpu.memory_space<semaphore_mem>>)
      %slice3A_1933 = vector.extract_strided_slice %min3A_55 {offsets = [14], sizes = [1], strides = [1]} : vector<16xi32> to vector<1xi32>
      %squeeze3A_1934 = vector.extract %slice3A_1933[0] : i32 from vector<1xi32>
      %mul3A_1935 = arith.constant 128 : i32
      %mul3A_1936 = arith.muli %squeeze3A_1934, %mul3A_1935 : i32
      %dma_start3A_1937 = arith.constant 0 : i32
      %dma_start3A_1938 = tpu.memref_slice %arg5[%dma_start3A_1937, %mul3A_1936] : memref<64x1000001xf32, #tpu.memory_space<hbm>> -> memref<64x128xf32, #tpu.memory_space<hbm>>
      %dma_start3A_1939 = arith.constant 0 : i32
      %dma_start3A_1940 = tpu.memref_slice %arg5[%dma_start3A_1939, %mul3A_1936] : memref<64x1000001xf32, #tpu.memory_space<hbm>> -> memref<64x128xf32, #tpu.memory_space<hbm>>
      tpu.enqueue_dma source(%dma_start3A_1940 : memref<64x128xf32, #tpu.memory_space<hbm>>) target(%arg15 : memref<64x128xf32, #tpu.memory_space<vmem>>) target_semaphore(%arg23 : memref<!tpu.dma_semaphore, #tpu.memory_space<semaphore_mem>>)
      %slice3A_1941 = vector.extract_strided_slice %sub3A_62 {offsets = [9], sizes = [1], strides = [1]} : vector<16xi32> to vector<1xi32>
      %squeeze3A_1942 = vector.extract %slice3A_1941[0] : i32 from vector<1xi32>
      %slice3A_1943 = vector.extract_strided_slice %sub3A_70 {offsets = [9], sizes = [1], strides = [1]} : vector<16xi32> to vector<1xi32>
      %squeeze3A_1944 = vector.extract %slice3A_1943[0] : i32 from vector<1xi32>
      %lt3A_1945 = arith.constant 128 : i32
      %lt3A_1946 = arith.cmpi slt, %squeeze3A_1942, %lt3A_1945 : i32
      %convert_element_type3A_1947 = arith.extui %lt3A_1946 : i1 to i32
      %convert_element_type3A_1948 = arith.sitofp %convert_element_type3A_1947 : i32 to f32
      %broadcast_in_dim3A_1949 = vector.broadcast %convert_element_type3A_1948 : f32 to vector<16xf32>
      %lt3A_1950 = arith.constant 128 : i32
      %lt3A_1951 = arith.cmpi slt, %squeeze3A_1944, %lt3A_1950 : i32
      %convert_element_type3A_1952 = arith.extui %lt3A_1951 : i1 to i32
      %convert_element_type3A_1953 = arith.sitofp %convert_element_type3A_1952 : i32 to f32
      %broadcast_in_dim3A_1954 = vector.broadcast %convert_element_type3A_1953 : f32 to vector<16xf32>
      %min3A_1955 = arith.constant 127 : i32
      %min3A_1956 = arith.minsi %squeeze3A_1942, %min3A_1955 : i32
      %broadcast_in_dim3A_1957 = vector.broadcast %min3A_1956 : i32 to vector<16xi32>
      %min3A_1958 = arith.constant 127 : i32
      %min3A_1959 = arith.minsi %squeeze3A_1944, %min3A_1958 : i32
      %broadcast_in_dim3A_1960 = vector.broadcast %min3A_1959 : i32 to vector<16xi32>
      %rem3A_1961 = arith.constant 8 : i32
      %rem3A_1962 = arith.remsi %scan3A_20, %rem3A_1961 : i32
      %mul3A_1963 = arith.constant 32 : i32
      %mul3A_1964 = arith.muli %rem3A_1962, %mul3A_1963 : i32
      %add3A_1965 = arith.constant 25 : i32
      %add3A_1966 = arith.addi %mul3A_1964, %add3A_1965 : i32
      %broadcast_in_dim3A_1967 = vector.broadcast %add3A_1966 : i32 to vector<16xi32>
      %gather3A_1968 = tpu.vector_load_idx %arg10[%add3A_5, %broadcast_in_dim3A_1957] : memref<64x128xf32, #tpu.memory_space<vmem>>[vector<16xi32>, vector<16xi32>], vector<16xf32>,
      %gather3A_1969 = tpu.vector_load_idx %arg16[%add3A_5, %broadcast_in_dim3A_1960] : memref<64x128xf32, #tpu.memory_space<vmem>>[vector<16xi32>, vector<16xi32>], vector<16xf32>,
      %mul3A_1970 = arith.mulf %gather3A_1968, %broadcast_in_dim3A_1949 : vector<16xf32>
      %mul3A_1971 = arith.mulf %gather3A_1969, %broadcast_in_dim3A_1954 : vector<16xf32>
      %add3A_1972 = arith.addf %mul3A_1970, %mul3A_1971 : vector<16xf32>
      tpu.vector_store_idx %arg21[%add3A_5, %broadcast_in_dim3A_1967], %add3A_1972 : memref<64x256xf32, #tpu.memory_space<vmem>>[vector<16xi32>, vector<16xi32>], vector<16xf32>,
      %gather3A_1973 = tpu.vector_load_idx %arg10[%add3A_8, %broadcast_in_dim3A_1957] : memref<64x128xf32, #tpu.memory_space<vmem>>[vector<16xi32>, vector<16xi32>], vector<16xf32>,
      %gather3A_1974 = tpu.vector_load_idx %arg16[%add3A_8, %broadcast_in_dim3A_1960] : memref<64x128xf32, #tpu.memory_space<vmem>>[vector<16xi32>, vector<16xi32>], vector<16xf32>,
      %mul3A_1975 = arith.mulf %gather3A_1973, %broadcast_in_dim3A_1949 : vector<16xf32>
      %mul3A_1976 = arith.mulf %gather3A_1974, %broadcast_in_dim3A_1954 : vector<16xf32>
      %add3A_1977 = arith.addf %mul3A_1975, %mul3A_1976 : vector<16xf32>
      tpu.vector_store_idx %arg21[%add3A_8, %broadcast_in_dim3A_1967], %add3A_1977 : memref<64x256xf32, #tpu.memory_space<vmem>>[vector<16xi32>, vector<16xi32>], vector<16xf32>,
      %gather3A_1978 = tpu.vector_load_idx %arg10[%add3A_11, %broadcast_in_dim3A_1957] : memref<64x128xf32, #tpu.memory_space<vmem>>[vector<16xi32>, vector<16xi32>], vector<16xf32>,
      %gather3A_1979 = tpu.vector_load_idx %arg16[%add3A_11, %broadcast_in_dim3A_1960] : memref<64x128xf32, #tpu.memory_space<vmem>>[vector<16xi32>, vector<16xi32>], vector<16xf32>,
      %mul3A_1980 = arith.mulf %gather3A_1978, %broadcast_in_dim3A_1949 : vector<16xf32>
      %mul3A_1981 = arith.mulf %gather3A_1979, %broadcast_in_dim3A_1954 : vector<16xf32>
      %add3A_1982 = arith.addf %mul3A_1980, %mul3A_1981 : vector<16xf32>
      tpu.vector_store_idx %arg21[%add3A_11, %broadcast_in_dim3A_1967], %add3A_1982 : memref<64x256xf32, #tpu.memory_space<vmem>>[vector<16xi32>, vector<16xi32>], vector<16xf32>,
      %gather3A_1983 = tpu.vector_load_idx %arg10[%add3A_14, %broadcast_in_dim3A_1957] : memref<64x128xf32, #tpu.memory_space<vmem>>[vector<16xi32>, vector<16xi32>], vector<16xf32>,
      %gather3A_1984 = tpu.vector_load_idx %arg16[%add3A_14, %broadcast_in_dim3A_1960] : memref<64x128xf32, #tpu.memory_space<vmem>>[vector<16xi32>, vector<16xi32>], vector<16xf32>,
      %mul3A_1985 = arith.mulf %gather3A_1983, %broadcast_in_dim3A_1949 : vector<16xf32>
      %mul3A_1986 = arith.mulf %gather3A_1984, %broadcast_in_dim3A_1954 : vector<16xf32>
      %add3A_1987 = arith.addf %mul3A_1985, %mul3A_1986 : vector<16xf32>
      tpu.vector_store_idx %arg21[%add3A_14, %broadcast_in_dim3A_1967], %add3A_1987 : memref<64x256xf32, #tpu.memory_space<vmem>>[vector<16xi32>, vector<16xi32>], vector<16xf32>,
      %dma_wait3A_1988 = arith.constant 0 : i32
      %dma_wait3A_1989 = tpu.memref_slice %arg4[%dma_wait3A_1988, %mul3A_1644] : memref<64x1000001xf32, #tpu.memory_space<hbm>> -> memref<64x128xf32, #tpu.memory_space<hbm>>
      %dma_wait3A_1990 = arith.constant 0 : i32
      %dma_wait3A_1991 = tpu.memref_slice %arg4[%dma_wait3A_1990, %mul3A_1644] : memref<64x1000001xf32, #tpu.memory_space<hbm>> -> memref<64x128xf32, #tpu.memory_space<hbm>>
      tpu.wait_dma2 semaphore(%arg22 : memref<!tpu.dma_semaphore, #tpu.memory_space<semaphore_mem>>) src(%dma_wait3A_1991 : memref<64x128xf32, #tpu.memory_space<hbm>>) dst(%arg11 : memref<64x128xf32, #tpu.memory_space<vmem>>)
      %dma_wait3A_1992 = arith.constant 0 : i32
      %dma_wait3A_1993 = tpu.memref_slice %arg5[%dma_wait3A_1992, %mul3A_1652] : memref<64x1000001xf32, #tpu.memory_space<hbm>> -> memref<64x128xf32, #tpu.memory_space<hbm>>
      %dma_wait3A_1994 = arith.constant 0 : i32
      %dma_wait3A_1995 = tpu.memref_slice %arg5[%dma_wait3A_1994, %mul3A_1652] : memref<64x1000001xf32, #tpu.memory_space<hbm>> -> memref<64x128xf32, #tpu.memory_space<hbm>>
      tpu.wait_dma2 semaphore(%arg23 : memref<!tpu.dma_semaphore, #tpu.memory_space<semaphore_mem>>) src(%dma_wait3A_1995 : memref<64x128xf32, #tpu.memory_space<hbm>>) dst(%arg17 : memref<64x128xf32, #tpu.memory_space<vmem>>)
      %slice3A_1996 = vector.extract_strided_slice %min3A_43 {offsets = [15], sizes = [1], strides = [1]} : vector<16xi32> to vector<1xi32>
      %squeeze3A_1997 = vector.extract %slice3A_1996[0] : i32 from vector<1xi32>
      %mul3A_1998 = arith.constant 128 : i32
      %mul3A_1999 = arith.muli %squeeze3A_1997, %mul3A_1998 : i32
      %dma_start3A_2000 = arith.constant 0 : i32
      %dma_start3A_2001 = tpu.memref_slice %arg4[%dma_start3A_2000, %mul3A_1999] : memref<64x1000001xf32, #tpu.memory_space<hbm>> -> memref<64x128xf32, #tpu.memory_space<hbm>>
      %dma_start3A_2002 = arith.constant 0 : i32
      %dma_start3A_2003 = tpu.memref_slice %arg4[%dma_start3A_2002, %mul3A_1999] : memref<64x1000001xf32, #tpu.memory_space<hbm>> -> memref<64x128xf32, #tpu.memory_space<hbm>>
      tpu.enqueue_dma source(%dma_start3A_2003 : memref<64x128xf32, #tpu.memory_space<hbm>>) target(%arg10 : memref<64x128xf32, #tpu.memory_space<vmem>>) target_semaphore(%arg22 : memref<!tpu.dma_semaphore, #tpu.memory_space<semaphore_mem>>)
      %slice3A_2004 = vector.extract_strided_slice %min3A_55 {offsets = [15], sizes = [1], strides = [1]} : vector<16xi32> to vector<1xi32>
      %squeeze3A_2005 = vector.extract %slice3A_2004[0] : i32 from vector<1xi32>
      %mul3A_2006 = arith.constant 128 : i32
      %mul3A_2007 = arith.muli %squeeze3A_2005, %mul3A_2006 : i32
      %dma_start3A_2008 = arith.constant 0 : i32
      %dma_start3A_2009 = tpu.memref_slice %arg5[%dma_start3A_2008, %mul3A_2007] : memref<64x1000001xf32, #tpu.memory_space<hbm>> -> memref<64x128xf32, #tpu.memory_space<hbm>>
      %dma_start3A_2010 = arith.constant 0 : i32
      %dma_start3A_2011 = tpu.memref_slice %arg5[%dma_start3A_2010, %mul3A_2007] : memref<64x1000001xf32, #tpu.memory_space<hbm>> -> memref<64x128xf32, #tpu.memory_space<hbm>>
      tpu.enqueue_dma source(%dma_start3A_2011 : memref<64x128xf32, #tpu.memory_space<hbm>>) target(%arg16 : memref<64x128xf32, #tpu.memory_space<vmem>>) target_semaphore(%arg23 : memref<!tpu.dma_semaphore, #tpu.memory_space<semaphore_mem>>)
      %slice3A_2012 = vector.extract_strided_slice %sub3A_62 {offsets = [10], sizes = [1], strides = [1]} : vector<16xi32> to vector<1xi32>
      %squeeze3A_2013 = vector.extract %slice3A_2012[0] : i32 from vector<1xi32>
      %slice3A_2014 = vector.extract_strided_slice %sub3A_70 {offsets = [10], sizes = [1], strides = [1]} : vector<16xi32> to vector<1xi32>
      %squeeze3A_2015 = vector.extract %slice3A_2014[0] : i32 from vector<1xi32>
      %lt3A_2016 = arith.constant 128 : i32
      %lt3A_2017 = arith.cmpi slt, %squeeze3A_2013, %lt3A_2016 : i32
      %convert_element_type3A_2018 = arith.extui %lt3A_2017 : i1 to i32
      %convert_element_type3A_2019 = arith.sitofp %convert_element_type3A_2018 : i32 to f32
      %broadcast_in_dim3A_2020 = vector.broadcast %convert_element_type3A_2019 : f32 to vector<16xf32>
      %lt3A_2021 = arith.constant 128 : i32
      %lt3A_2022 = arith.cmpi slt, %squeeze3A_2015, %lt3A_2021 : i32
      %convert_element_type3A_2023 = arith.extui %lt3A_2022 : i1 to i32
      %convert_element_type3A_2024 = arith.sitofp %convert_element_type3A_2023 : i32 to f32
      %broadcast_in_dim3A_2025 = vector.broadcast %convert_element_type3A_2024 : f32 to vector<16xf32>
      %min3A_2026 = arith.constant 127 : i32
      %min3A_2027 = arith.minsi %squeeze3A_2013, %min3A_2026 : i32
      %broadcast_in_dim3A_2028 = vector.broadcast %min3A_2027 : i32 to vector<16xi32>
      %min3A_2029 = arith.constant 127 : i32
      %min3A_2030 = arith.minsi %squeeze3A_2015, %min3A_2029 : i32
      %broadcast_in_dim3A_2031 = vector.broadcast %min3A_2030 : i32 to vector<16xi32>
      %rem3A_2032 = arith.constant 8 : i32
      %rem3A_2033 = arith.remsi %scan3A_20, %rem3A_2032 : i32
      %mul3A_2034 = arith.constant 32 : i32
      %mul3A_2035 = arith.muli %rem3A_2033, %mul3A_2034 : i32
      %add3A_2036 = arith.constant 26 : i32
      %add3A_2037 = arith.addi %mul3A_2035, %add3A_2036 : i32
      %broadcast_in_dim3A_2038 = vector.broadcast %add3A_2037 : i32 to vector<16xi32>
      %gather3A_2039 = tpu.vector_load_idx %arg11[%add3A_5, %broadcast_in_dim3A_2028] : memref<64x128xf32, #tpu.memory_space<vmem>>[vector<16xi32>, vector<16xi32>], vector<16xf32>,
      %gather3A_2040 = tpu.vector_load_idx %arg17[%add3A_5, %broadcast_in_dim3A_2031] : memref<64x128xf32, #tpu.memory_space<vmem>>[vector<16xi32>, vector<16xi32>], vector<16xf32>,
      %mul3A_2041 = arith.mulf %gather3A_2039, %broadcast_in_dim3A_2020 : vector<16xf32>
      %mul3A_2042 = arith.mulf %gather3A_2040, %broadcast_in_dim3A_2025 : vector<16xf32>
      %add3A_2043 = arith.addf %mul3A_2041, %mul3A_2042 : vector<16xf32>
      tpu.vector_store_idx %arg21[%add3A_5, %broadcast_in_dim3A_2038], %add3A_2043 : memref<64x256xf32, #tpu.memory_space<vmem>>[vector<16xi32>, vector<16xi32>], vector<16xf32>,
      %gather3A_2044 = tpu.vector_load_idx %arg11[%add3A_8, %broadcast_in_dim3A_2028] : memref<64x128xf32, #tpu.memory_space<vmem>>[vector<16xi32>, vector<16xi32>], vector<16xf32>,
      %gather3A_2045 = tpu.vector_load_idx %arg17[%add3A_8, %broadcast_in_dim3A_2031] : memref<64x128xf32, #tpu.memory_space<vmem>>[vector<16xi32>, vector<16xi32>], vector<16xf32>,
      %mul3A_2046 = arith.mulf %gather3A_2044, %broadcast_in_dim3A_2020 : vector<16xf32>
      %mul3A_2047 = arith.mulf %gather3A_2045, %broadcast_in_dim3A_2025 : vector<16xf32>
      %add3A_2048 = arith.addf %mul3A_2046, %mul3A_2047 : vector<16xf32>
      tpu.vector_store_idx %arg21[%add3A_8, %broadcast_in_dim3A_2038], %add3A_2048 : memref<64x256xf32, #tpu.memory_space<vmem>>[vector<16xi32>, vector<16xi32>], vector<16xf32>,
      %gather3A_2049 = tpu.vector_load_idx %arg11[%add3A_11, %broadcast_in_dim3A_2028] : memref<64x128xf32, #tpu.memory_space<vmem>>[vector<16xi32>, vector<16xi32>], vector<16xf32>,
      %gather3A_2050 = tpu.vector_load_idx %arg17[%add3A_11, %broadcast_in_dim3A_2031] : memref<64x128xf32, #tpu.memory_space<vmem>>[vector<16xi32>, vector<16xi32>], vector<16xf32>,
      %mul3A_2051 = arith.mulf %gather3A_2049, %broadcast_in_dim3A_2020 : vector<16xf32>
      %mul3A_2052 = arith.mulf %gather3A_2050, %broadcast_in_dim3A_2025 : vector<16xf32>
      %add3A_2053 = arith.addf %mul3A_2051, %mul3A_2052 : vector<16xf32>
      tpu.vector_store_idx %arg21[%add3A_11, %broadcast_in_dim3A_2038], %add3A_2053 : memref<64x256xf32, #tpu.memory_space<vmem>>[vector<16xi32>, vector<16xi32>], vector<16xf32>,
      %gather3A_2054 = tpu.vector_load_idx %arg11[%add3A_14, %broadcast_in_dim3A_2028] : memref<64x128xf32, #tpu.memory_space<vmem>>[vector<16xi32>, vector<16xi32>], vector<16xf32>,
      %gather3A_2055 = tpu.vector_load_idx %arg17[%add3A_14, %broadcast_in_dim3A_2031] : memref<64x128xf32, #tpu.memory_space<vmem>>[vector<16xi32>, vector<16xi32>], vector<16xf32>,
      %mul3A_2056 = arith.mulf %gather3A_2054, %broadcast_in_dim3A_2020 : vector<16xf32>
      %mul3A_2057 = arith.mulf %gather3A_2055, %broadcast_in_dim3A_2025 : vector<16xf32>
      %add3A_2058 = arith.addf %mul3A_2056, %mul3A_2057 : vector<16xf32>
      tpu.vector_store_idx %arg21[%add3A_14, %broadcast_in_dim3A_2038], %add3A_2058 : memref<64x256xf32, #tpu.memory_space<vmem>>[vector<16xi32>, vector<16xi32>], vector<16xf32>,
      %dma_wait3A_2059 = arith.constant 0 : i32
      %dma_wait3A_2060 = tpu.memref_slice %arg4[%dma_wait3A_2059, %mul3A_1715] : memref<64x1000001xf32, #tpu.memory_space<hbm>> -> memref<64x128xf32, #tpu.memory_space<hbm>>
      %dma_wait3A_2061 = arith.constant 0 : i32
      %dma_wait3A_2062 = tpu.memref_slice %arg4[%dma_wait3A_2061, %mul3A_1715] : memref<64x1000001xf32, #tpu.memory_space<hbm>> -> memref<64x128xf32, #tpu.memory_space<hbm>>
      tpu.wait_dma2 semaphore(%arg22 : memref<!tpu.dma_semaphore, #tpu.memory_space<semaphore_mem>>) src(%dma_wait3A_2062 : memref<64x128xf32, #tpu.memory_space<hbm>>) dst(%arg12 : memref<64x128xf32, #tpu.memory_space<vmem>>)
      %dma_wait3A_2063 = arith.constant 0 : i32
      %dma_wait3A_2064 = tpu.memref_slice %arg5[%dma_wait3A_2063, %mul3A_1723] : memref<64x1000001xf32, #tpu.memory_space<hbm>> -> memref<64x128xf32, #tpu.memory_space<hbm>>
      %dma_wait3A_2065 = arith.constant 0 : i32
      %dma_wait3A_2066 = tpu.memref_slice %arg5[%dma_wait3A_2065, %mul3A_1723] : memref<64x1000001xf32, #tpu.memory_space<hbm>> -> memref<64x128xf32, #tpu.memory_space<hbm>>
      tpu.wait_dma2 semaphore(%arg23 : memref<!tpu.dma_semaphore, #tpu.memory_space<semaphore_mem>>) src(%dma_wait3A_2066 : memref<64x128xf32, #tpu.memory_space<hbm>>) dst(%arg18 : memref<64x128xf32, #tpu.memory_space<vmem>>)
      %slice3A_2067 = vector.extract_strided_slice %sub3A_62 {offsets = [11], sizes = [1], strides = [1]} : vector<16xi32> to vector<1xi32>
      %squeeze3A_2068 = vector.extract %slice3A_2067[0] : i32 from vector<1xi32>
      %slice3A_2069 = vector.extract_strided_slice %sub3A_70 {offsets = [11], sizes = [1], strides = [1]} : vector<16xi32> to vector<1xi32>
      %squeeze3A_2070 = vector.extract %slice3A_2069[0] : i32 from vector<1xi32>
      %lt3A_2071 = arith.constant 128 : i32
      %lt3A_2072 = arith.cmpi slt, %squeeze3A_2068, %lt3A_2071 : i32
      %convert_element_type3A_2073 = arith.extui %lt3A_2072 : i1 to i32
      %convert_element_type3A_2074 = arith.sitofp %convert_element_type3A_2073 : i32 to f32
      %broadcast_in_dim3A_2075 = vector.broadcast %convert_element_type3A_2074 : f32 to vector<16xf32>
      %lt3A_2076 = arith.constant 128 : i32
      %lt3A_2077 = arith.cmpi slt, %squeeze3A_2070, %lt3A_2076 : i32
      %convert_element_type3A_2078 = arith.extui %lt3A_2077 : i1 to i32
      %convert_element_type3A_2079 = arith.sitofp %convert_element_type3A_2078 : i32 to f32
      %broadcast_in_dim3A_2080 = vector.broadcast %convert_element_type3A_2079 : f32 to vector<16xf32>
      %min3A_2081 = arith.constant 127 : i32
      %min3A_2082 = arith.minsi %squeeze3A_2068, %min3A_2081 : i32
      %broadcast_in_dim3A_2083 = vector.broadcast %min3A_2082 : i32 to vector<16xi32>
      %min3A_2084 = arith.constant 127 : i32
      %min3A_2085 = arith.minsi %squeeze3A_2070, %min3A_2084 : i32
      %broadcast_in_dim3A_2086 = vector.broadcast %min3A_2085 : i32 to vector<16xi32>
      %rem3A_2087 = arith.constant 8 : i32
      %rem3A_2088 = arith.remsi %scan3A_20, %rem3A_2087 : i32
      %mul3A_2089 = arith.constant 32 : i32
      %mul3A_2090 = arith.muli %rem3A_2088, %mul3A_2089 : i32
      %add3A_2091 = arith.constant 27 : i32
      %add3A_2092 = arith.addi %mul3A_2090, %add3A_2091 : i32
      %broadcast_in_dim3A_2093 = vector.broadcast %add3A_2092 : i32 to vector<16xi32>
      %gather3A_2094 = tpu.vector_load_idx %arg12[%add3A_5, %broadcast_in_dim3A_2083] : memref<64x128xf32, #tpu.memory_space<vmem>>[vector<16xi32>, vector<16xi32>], vector<16xf32>,
      %gather3A_2095 = tpu.vector_load_idx %arg18[%add3A_5, %broadcast_in_dim3A_2086] : memref<64x128xf32, #tpu.memory_space<vmem>>[vector<16xi32>, vector<16xi32>], vector<16xf32>,
      %mul3A_2096 = arith.mulf %gather3A_2094, %broadcast_in_dim3A_2075 : vector<16xf32>
      %mul3A_2097 = arith.mulf %gather3A_2095, %broadcast_in_dim3A_2080 : vector<16xf32>
      %add3A_2098 = arith.addf %mul3A_2096, %mul3A_2097 : vector<16xf32>
      tpu.vector_store_idx %arg21[%add3A_5, %broadcast_in_dim3A_2093], %add3A_2098 : memref<64x256xf32, #tpu.memory_space<vmem>>[vector<16xi32>, vector<16xi32>], vector<16xf32>,
      %gather3A_2099 = tpu.vector_load_idx %arg12[%add3A_8, %broadcast_in_dim3A_2083] : memref<64x128xf32, #tpu.memory_space<vmem>>[vector<16xi32>, vector<16xi32>], vector<16xf32>,
      %gather3A_2100 = tpu.vector_load_idx %arg18[%add3A_8, %broadcast_in_dim3A_2086] : memref<64x128xf32, #tpu.memory_space<vmem>>[vector<16xi32>, vector<16xi32>], vector<16xf32>,
      %mul3A_2101 = arith.mulf %gather3A_2099, %broadcast_in_dim3A_2075 : vector<16xf32>
      %mul3A_2102 = arith.mulf %gather3A_2100, %broadcast_in_dim3A_2080 : vector<16xf32>
      %add3A_2103 = arith.addf %mul3A_2101, %mul3A_2102 : vector<16xf32>
      tpu.vector_store_idx %arg21[%add3A_8, %broadcast_in_dim3A_2093], %add3A_2103 : memref<64x256xf32, #tpu.memory_space<vmem>>[vector<16xi32>, vector<16xi32>], vector<16xf32>,
      %gather3A_2104 = tpu.vector_load_idx %arg12[%add3A_11, %broadcast_in_dim3A_2083] : memref<64x128xf32, #tpu.memory_space<vmem>>[vector<16xi32>, vector<16xi32>], vector<16xf32>,
      %gather3A_2105 = tpu.vector_load_idx %arg18[%add3A_11, %broadcast_in_dim3A_2086] : memref<64x128xf32, #tpu.memory_space<vmem>>[vector<16xi32>, vector<16xi32>], vector<16xf32>,
      %mul3A_2106 = arith.mulf %gather3A_2104, %broadcast_in_dim3A_2075 : vector<16xf32>
      %mul3A_2107 = arith.mulf %gather3A_2105, %broadcast_in_dim3A_2080 : vector<16xf32>
      %add3A_2108 = arith.addf %mul3A_2106, %mul3A_2107 : vector<16xf32>
      tpu.vector_store_idx %arg21[%add3A_11, %broadcast_in_dim3A_2093], %add3A_2108 : memref<64x256xf32, #tpu.memory_space<vmem>>[vector<16xi32>, vector<16xi32>], vector<16xf32>,
      %gather3A_2109 = tpu.vector_load_idx %arg12[%add3A_14, %broadcast_in_dim3A_2083] : memref<64x128xf32, #tpu.memory_space<vmem>>[vector<16xi32>, vector<16xi32>], vector<16xf32>,
      %gather3A_2110 = tpu.vector_load_idx %arg18[%add3A_14, %broadcast_in_dim3A_2086] : memref<64x128xf32, #tpu.memory_space<vmem>>[vector<16xi32>, vector<16xi32>], vector<16xf32>,
      %mul3A_2111 = arith.mulf %gather3A_2109, %broadcast_in_dim3A_2075 : vector<16xf32>
      %mul3A_2112 = arith.mulf %gather3A_2110, %broadcast_in_dim3A_2080 : vector<16xf32>
      %add3A_2113 = arith.addf %mul3A_2111, %mul3A_2112 : vector<16xf32>
      tpu.vector_store_idx %arg21[%add3A_14, %broadcast_in_dim3A_2093], %add3A_2113 : memref<64x256xf32, #tpu.memory_space<vmem>>[vector<16xi32>, vector<16xi32>], vector<16xf32>,
      %dma_wait3A_2114 = arith.constant 0 : i32
      %dma_wait3A_2115 = tpu.memref_slice %arg4[%dma_wait3A_2114, %mul3A_1786] : memref<64x1000001xf32, #tpu.memory_space<hbm>> -> memref<64x128xf32, #tpu.memory_space<hbm>>
      %dma_wait3A_2116 = arith.constant 0 : i32
      %dma_wait3A_2117 = tpu.memref_slice %arg4[%dma_wait3A_2116, %mul3A_1786] : memref<64x1000001xf32, #tpu.memory_space<hbm>> -> memref<64x128xf32, #tpu.memory_space<hbm>>
      tpu.wait_dma2 semaphore(%arg22 : memref<!tpu.dma_semaphore, #tpu.memory_space<semaphore_mem>>) src(%dma_wait3A_2117 : memref<64x128xf32, #tpu.memory_space<hbm>>) dst(%arg13 : memref<64x128xf32, #tpu.memory_space<vmem>>)
      %dma_wait3A_2118 = arith.constant 0 : i32
      %dma_wait3A_2119 = tpu.memref_slice %arg5[%dma_wait3A_2118, %mul3A_1794] : memref<64x1000001xf32, #tpu.memory_space<hbm>> -> memref<64x128xf32, #tpu.memory_space<hbm>>
      %dma_wait3A_2120 = arith.constant 0 : i32
      %dma_wait3A_2121 = tpu.memref_slice %arg5[%dma_wait3A_2120, %mul3A_1794] : memref<64x1000001xf32, #tpu.memory_space<hbm>> -> memref<64x128xf32, #tpu.memory_space<hbm>>
      tpu.wait_dma2 semaphore(%arg23 : memref<!tpu.dma_semaphore, #tpu.memory_space<semaphore_mem>>) src(%dma_wait3A_2121 : memref<64x128xf32, #tpu.memory_space<hbm>>) dst(%arg19 : memref<64x128xf32, #tpu.memory_space<vmem>>)
      %slice3A_2122 = vector.extract_strided_slice %sub3A_62 {offsets = [12], sizes = [1], strides = [1]} : vector<16xi32> to vector<1xi32>
      %squeeze3A_2123 = vector.extract %slice3A_2122[0] : i32 from vector<1xi32>
      %slice3A_2124 = vector.extract_strided_slice %sub3A_70 {offsets = [12], sizes = [1], strides = [1]} : vector<16xi32> to vector<1xi32>
      %squeeze3A_2125 = vector.extract %slice3A_2124[0] : i32 from vector<1xi32>
      %lt3A_2126 = arith.constant 128 : i32
      %lt3A_2127 = arith.cmpi slt, %squeeze3A_2123, %lt3A_2126 : i32
      %convert_element_type3A_2128 = arith.extui %lt3A_2127 : i1 to i32
      %convert_element_type3A_2129 = arith.sitofp %convert_element_type3A_2128 : i32 to f32
      %broadcast_in_dim3A_2130 = vector.broadcast %convert_element_type3A_2129 : f32 to vector<16xf32>
      %lt3A_2131 = arith.constant 128 : i32
      %lt3A_2132 = arith.cmpi slt, %squeeze3A_2125, %lt3A_2131 : i32
      %convert_element_type3A_2133 = arith.extui %lt3A_2132 : i1 to i32
      %convert_element_type3A_2134 = arith.sitofp %convert_element_type3A_2133 : i32 to f32
      %broadcast_in_dim3A_2135 = vector.broadcast %convert_element_type3A_2134 : f32 to vector<16xf32>
      %min3A_2136 = arith.constant 127 : i32
      %min3A_2137 = arith.minsi %squeeze3A_2123, %min3A_2136 : i32
      %broadcast_in_dim3A_2138 = vector.broadcast %min3A_2137 : i32 to vector<16xi32>
      %min3A_2139 = arith.constant 127 : i32
      %min3A_2140 = arith.minsi %squeeze3A_2125, %min3A_2139 : i32
      %broadcast_in_dim3A_2141 = vector.broadcast %min3A_2140 : i32 to vector<16xi32>
      %rem3A_2142 = arith.constant 8 : i32
      %rem3A_2143 = arith.remsi %scan3A_20, %rem3A_2142 : i32
      %mul3A_2144 = arith.constant 32 : i32
      %mul3A_2145 = arith.muli %rem3A_2143, %mul3A_2144 : i32
      %add3A_2146 = arith.constant 28 : i32
      %add3A_2147 = arith.addi %mul3A_2145, %add3A_2146 : i32
      %broadcast_in_dim3A_2148 = vector.broadcast %add3A_2147 : i32 to vector<16xi32>
      %gather3A_2149 = tpu.vector_load_idx %arg13[%add3A_5, %broadcast_in_dim3A_2138] : memref<64x128xf32, #tpu.memory_space<vmem>>[vector<16xi32>, vector<16xi32>], vector<16xf32>,
      %gather3A_2150 = tpu.vector_load_idx %arg19[%add3A_5, %broadcast_in_dim3A_2141] : memref<64x128xf32, #tpu.memory_space<vmem>>[vector<16xi32>, vector<16xi32>], vector<16xf32>,
      %mul3A_2151 = arith.mulf %gather3A_2149, %broadcast_in_dim3A_2130 : vector<16xf32>
      %mul3A_2152 = arith.mulf %gather3A_2150, %broadcast_in_dim3A_2135 : vector<16xf32>
      %add3A_2153 = arith.addf %mul3A_2151, %mul3A_2152 : vector<16xf32>
      tpu.vector_store_idx %arg21[%add3A_5, %broadcast_in_dim3A_2148], %add3A_2153 : memref<64x256xf32, #tpu.memory_space<vmem>>[vector<16xi32>, vector<16xi32>], vector<16xf32>,
      %gather3A_2154 = tpu.vector_load_idx %arg13[%add3A_8, %broadcast_in_dim3A_2138] : memref<64x128xf32, #tpu.memory_space<vmem>>[vector<16xi32>, vector<16xi32>], vector<16xf32>,
      %gather3A_2155 = tpu.vector_load_idx %arg19[%add3A_8, %broadcast_in_dim3A_2141] : memref<64x128xf32, #tpu.memory_space<vmem>>[vector<16xi32>, vector<16xi32>], vector<16xf32>,
      %mul3A_2156 = arith.mulf %gather3A_2154, %broadcast_in_dim3A_2130 : vector<16xf32>
      %mul3A_2157 = arith.mulf %gather3A_2155, %broadcast_in_dim3A_2135 : vector<16xf32>
      %add3A_2158 = arith.addf %mul3A_2156, %mul3A_2157 : vector<16xf32>
      tpu.vector_store_idx %arg21[%add3A_8, %broadcast_in_dim3A_2148], %add3A_2158 : memref<64x256xf32, #tpu.memory_space<vmem>>[vector<16xi32>, vector<16xi32>], vector<16xf32>,
      %gather3A_2159 = tpu.vector_load_idx %arg13[%add3A_11, %broadcast_in_dim3A_2138] : memref<64x128xf32, #tpu.memory_space<vmem>>[vector<16xi32>, vector<16xi32>], vector<16xf32>,
      %gather3A_2160 = tpu.vector_load_idx %arg19[%add3A_11, %broadcast_in_dim3A_2141] : memref<64x128xf32, #tpu.memory_space<vmem>>[vector<16xi32>, vector<16xi32>], vector<16xf32>,
      %mul3A_2161 = arith.mulf %gather3A_2159, %broadcast_in_dim3A_2130 : vector<16xf32>
      %mul3A_2162 = arith.mulf %gather3A_2160, %broadcast_in_dim3A_2135 : vector<16xf32>
      %add3A_2163 = arith.addf %mul3A_2161, %mul3A_2162 : vector<16xf32>
      tpu.vector_store_idx %arg21[%add3A_11, %broadcast_in_dim3A_2148], %add3A_2163 : memref<64x256xf32, #tpu.memory_space<vmem>>[vector<16xi32>, vector<16xi32>], vector<16xf32>,
      %gather3A_2164 = tpu.vector_load_idx %arg13[%add3A_14, %broadcast_in_dim3A_2138] : memref<64x128xf32, #tpu.memory_space<vmem>>[vector<16xi32>, vector<16xi32>], vector<16xf32>,
      %gather3A_2165 = tpu.vector_load_idx %arg19[%add3A_14, %broadcast_in_dim3A_2141] : memref<64x128xf32, #tpu.memory_space<vmem>>[vector<16xi32>, vector<16xi32>], vector<16xf32>,
      %mul3A_2166 = arith.mulf %gather3A_2164, %broadcast_in_dim3A_2130 : vector<16xf32>
      %mul3A_2167 = arith.mulf %gather3A_2165, %broadcast_in_dim3A_2135 : vector<16xf32>
      %add3A_2168 = arith.addf %mul3A_2166, %mul3A_2167 : vector<16xf32>
      tpu.vector_store_idx %arg21[%add3A_14, %broadcast_in_dim3A_2148], %add3A_2168 : memref<64x256xf32, #tpu.memory_space<vmem>>[vector<16xi32>, vector<16xi32>], vector<16xf32>,
      %dma_wait3A_2169 = arith.constant 0 : i32
      %dma_wait3A_2170 = tpu.memref_slice %arg4[%dma_wait3A_2169, %mul3A_1857] : memref<64x1000001xf32, #tpu.memory_space<hbm>> -> memref<64x128xf32, #tpu.memory_space<hbm>>
      %dma_wait3A_2171 = arith.constant 0 : i32
      %dma_wait3A_2172 = tpu.memref_slice %arg4[%dma_wait3A_2171, %mul3A_1857] : memref<64x1000001xf32, #tpu.memory_space<hbm>> -> memref<64x128xf32, #tpu.memory_space<hbm>>
      tpu.wait_dma2 semaphore(%arg22 : memref<!tpu.dma_semaphore, #tpu.memory_space<semaphore_mem>>) src(%dma_wait3A_2172 : memref<64x128xf32, #tpu.memory_space<hbm>>) dst(%arg14 : memref<64x128xf32, #tpu.memory_space<vmem>>)
      %dma_wait3A_2173 = arith.constant 0 : i32
      %dma_wait3A_2174 = tpu.memref_slice %arg5[%dma_wait3A_2173, %mul3A_1865] : memref<64x1000001xf32, #tpu.memory_space<hbm>> -> memref<64x128xf32, #tpu.memory_space<hbm>>
      %dma_wait3A_2175 = arith.constant 0 : i32
      %dma_wait3A_2176 = tpu.memref_slice %arg5[%dma_wait3A_2175, %mul3A_1865] : memref<64x1000001xf32, #tpu.memory_space<hbm>> -> memref<64x128xf32, #tpu.memory_space<hbm>>
      tpu.wait_dma2 semaphore(%arg23 : memref<!tpu.dma_semaphore, #tpu.memory_space<semaphore_mem>>) src(%dma_wait3A_2176 : memref<64x128xf32, #tpu.memory_space<hbm>>) dst(%arg20 : memref<64x128xf32, #tpu.memory_space<vmem>>)
      %slice3A_2177 = vector.extract_strided_slice %sub3A_62 {offsets = [13], sizes = [1], strides = [1]} : vector<16xi32> to vector<1xi32>
      %squeeze3A_2178 = vector.extract %slice3A_2177[0] : i32 from vector<1xi32>
      %slice3A_2179 = vector.extract_strided_slice %sub3A_70 {offsets = [13], sizes = [1], strides = [1]} : vector<16xi32> to vector<1xi32>
      %squeeze3A_2180 = vector.extract %slice3A_2179[0] : i32 from vector<1xi32>
      %lt3A_2181 = arith.constant 128 : i32
      %lt3A_2182 = arith.cmpi slt, %squeeze3A_2178, %lt3A_2181 : i32
      %convert_element_type3A_2183 = arith.extui %lt3A_2182 : i1 to i32
      %convert_element_type3A_2184 = arith.sitofp %convert_element_type3A_2183 : i32 to f32
      %broadcast_in_dim3A_2185 = vector.broadcast %convert_element_type3A_2184 : f32 to vector<16xf32>
      %lt3A_2186 = arith.constant 128 : i32
      %lt3A_2187 = arith.cmpi slt, %squeeze3A_2180, %lt3A_2186 : i32
      %convert_element_type3A_2188 = arith.extui %lt3A_2187 : i1 to i32
      %convert_element_type3A_2189 = arith.sitofp %convert_element_type3A_2188 : i32 to f32
      %broadcast_in_dim3A_2190 = vector.broadcast %convert_element_type3A_2189 : f32 to vector<16xf32>
      %min3A_2191 = arith.constant 127 : i32
      %min3A_2192 = arith.minsi %squeeze3A_2178, %min3A_2191 : i32
      %broadcast_in_dim3A_2193 = vector.broadcast %min3A_2192 : i32 to vector<16xi32>
      %min3A_2194 = arith.constant 127 : i32
      %min3A_2195 = arith.minsi %squeeze3A_2180, %min3A_2194 : i32
      %broadcast_in_dim3A_2196 = vector.broadcast %min3A_2195 : i32 to vector<16xi32>
      %rem3A_2197 = arith.constant 8 : i32
      %rem3A_2198 = arith.remsi %scan3A_20, %rem3A_2197 : i32
      %mul3A_2199 = arith.constant 32 : i32
      %mul3A_2200 = arith.muli %rem3A_2198, %mul3A_2199 : i32
      %add3A_2201 = arith.constant 29 : i32
      %add3A_2202 = arith.addi %mul3A_2200, %add3A_2201 : i32
      %broadcast_in_dim3A_2203 = vector.broadcast %add3A_2202 : i32 to vector<16xi32>
      %gather3A_2204 = tpu.vector_load_idx %arg14[%add3A_5, %broadcast_in_dim3A_2193] : memref<64x128xf32, #tpu.memory_space<vmem>>[vector<16xi32>, vector<16xi32>], vector<16xf32>,
      %gather3A_2205 = tpu.vector_load_idx %arg20[%add3A_5, %broadcast_in_dim3A_2196] : memref<64x128xf32, #tpu.memory_space<vmem>>[vector<16xi32>, vector<16xi32>], vector<16xf32>,
      %mul3A_2206 = arith.mulf %gather3A_2204, %broadcast_in_dim3A_2185 : vector<16xf32>
      %mul3A_2207 = arith.mulf %gather3A_2205, %broadcast_in_dim3A_2190 : vector<16xf32>
      %add3A_2208 = arith.addf %mul3A_2206, %mul3A_2207 : vector<16xf32>
      tpu.vector_store_idx %arg21[%add3A_5, %broadcast_in_dim3A_2203], %add3A_2208 : memref<64x256xf32, #tpu.memory_space<vmem>>[vector<16xi32>, vector<16xi32>], vector<16xf32>,
      %gather3A_2209 = tpu.vector_load_idx %arg14[%add3A_8, %broadcast_in_dim3A_2193] : memref<64x128xf32, #tpu.memory_space<vmem>>[vector<16xi32>, vector<16xi32>], vector<16xf32>,
      %gather3A_2210 = tpu.vector_load_idx %arg20[%add3A_8, %broadcast_in_dim3A_2196] : memref<64x128xf32, #tpu.memory_space<vmem>>[vector<16xi32>, vector<16xi32>], vector<16xf32>,
      %mul3A_2211 = arith.mulf %gather3A_2209, %broadcast_in_dim3A_2185 : vector<16xf32>
      %mul3A_2212 = arith.mulf %gather3A_2210, %broadcast_in_dim3A_2190 : vector<16xf32>
      %add3A_2213 = arith.addf %mul3A_2211, %mul3A_2212 : vector<16xf32>
      tpu.vector_store_idx %arg21[%add3A_8, %broadcast_in_dim3A_2203], %add3A_2213 : memref<64x256xf32, #tpu.memory_space<vmem>>[vector<16xi32>, vector<16xi32>], vector<16xf32>,
      %gather3A_2214 = tpu.vector_load_idx %arg14[%add3A_11, %broadcast_in_dim3A_2193] : memref<64x128xf32, #tpu.memory_space<vmem>>[vector<16xi32>, vector<16xi32>], vector<16xf32>,
      %gather3A_2215 = tpu.vector_load_idx %arg20[%add3A_11, %broadcast_in_dim3A_2196] : memref<64x128xf32, #tpu.memory_space<vmem>>[vector<16xi32>, vector<16xi32>], vector<16xf32>,
      %mul3A_2216 = arith.mulf %gather3A_2214, %broadcast_in_dim3A_2185 : vector<16xf32>
      %mul3A_2217 = arith.mulf %gather3A_2215, %broadcast_in_dim3A_2190 : vector<16xf32>
      %add3A_2218 = arith.addf %mul3A_2216, %mul3A_2217 : vector<16xf32>
      tpu.vector_store_idx %arg21[%add3A_11, %broadcast_in_dim3A_2203], %add3A_2218 : memref<64x256xf32, #tpu.memory_space<vmem>>[vector<16xi32>, vector<16xi32>], vector<16xf32>,
      %gather3A_2219 = tpu.vector_load_idx %arg14[%add3A_14, %broadcast_in_dim3A_2193] : memref<64x128xf32, #tpu.memory_space<vmem>>[vector<16xi32>, vector<16xi32>], vector<16xf32>,
      %gather3A_2220 = tpu.vector_load_idx %arg20[%add3A_14, %broadcast_in_dim3A_2196] : memref<64x128xf32, #tpu.memory_space<vmem>>[vector<16xi32>, vector<16xi32>], vector<16xf32>,
      %mul3A_2221 = arith.mulf %gather3A_2219, %broadcast_in_dim3A_2185 : vector<16xf32>
      %mul3A_2222 = arith.mulf %gather3A_2220, %broadcast_in_dim3A_2190 : vector<16xf32>
      %add3A_2223 = arith.addf %mul3A_2221, %mul3A_2222 : vector<16xf32>
      tpu.vector_store_idx %arg21[%add3A_14, %broadcast_in_dim3A_2203], %add3A_2223 : memref<64x256xf32, #tpu.memory_space<vmem>>[vector<16xi32>, vector<16xi32>], vector<16xf32>,
      %dma_wait3A_2224 = arith.constant 0 : i32
      %dma_wait3A_2225 = tpu.memref_slice %arg4[%dma_wait3A_2224, %mul3A_1928] : memref<64x1000001xf32, #tpu.memory_space<hbm>> -> memref<64x128xf32, #tpu.memory_space<hbm>>
      %dma_wait3A_2226 = arith.constant 0 : i32
      %dma_wait3A_2227 = tpu.memref_slice %arg4[%dma_wait3A_2226, %mul3A_1928] : memref<64x1000001xf32, #tpu.memory_space<hbm>> -> memref<64x128xf32, #tpu.memory_space<hbm>>
      tpu.wait_dma2 semaphore(%arg22 : memref<!tpu.dma_semaphore, #tpu.memory_space<semaphore_mem>>) src(%dma_wait3A_2227 : memref<64x128xf32, #tpu.memory_space<hbm>>) dst(%arg9 : memref<64x128xf32, #tpu.memory_space<vmem>>)
      %dma_wait3A_2228 = arith.constant 0 : i32
      %dma_wait3A_2229 = tpu.memref_slice %arg5[%dma_wait3A_2228, %mul3A_1936] : memref<64x1000001xf32, #tpu.memory_space<hbm>> -> memref<64x128xf32, #tpu.memory_space<hbm>>
      %dma_wait3A_2230 = arith.constant 0 : i32
      %dma_wait3A_2231 = tpu.memref_slice %arg5[%dma_wait3A_2230, %mul3A_1936] : memref<64x1000001xf32, #tpu.memory_space<hbm>> -> memref<64x128xf32, #tpu.memory_space<hbm>>
      tpu.wait_dma2 semaphore(%arg23 : memref<!tpu.dma_semaphore, #tpu.memory_space<semaphore_mem>>) src(%dma_wait3A_2231 : memref<64x128xf32, #tpu.memory_space<hbm>>) dst(%arg15 : memref<64x128xf32, #tpu.memory_space<vmem>>)
      %slice3A_2232 = vector.extract_strided_slice %sub3A_62 {offsets = [14], sizes = [1], strides = [1]} : vector<16xi32> to vector<1xi32>
      %squeeze3A_2233 = vector.extract %slice3A_2232[0] : i32 from vector<1xi32>
      %slice3A_2234 = vector.extract_strided_slice %sub3A_70 {offsets = [14], sizes = [1], strides = [1]} : vector<16xi32> to vector<1xi32>
      %squeeze3A_2235 = vector.extract %slice3A_2234[0] : i32 from vector<1xi32>
      %lt3A_2236 = arith.constant 128 : i32
      %lt3A_2237 = arith.cmpi slt, %squeeze3A_2233, %lt3A_2236 : i32
      %convert_element_type3A_2238 = arith.extui %lt3A_2237 : i1 to i32
      %convert_element_type3A_2239 = arith.sitofp %convert_element_type3A_2238 : i32 to f32
      %broadcast_in_dim3A_2240 = vector.broadcast %convert_element_type3A_2239 : f32 to vector<16xf32>
      %lt3A_2241 = arith.constant 128 : i32
      %lt3A_2242 = arith.cmpi slt, %squeeze3A_2235, %lt3A_2241 : i32
      %convert_element_type3A_2243 = arith.extui %lt3A_2242 : i1 to i32
      %convert_element_type3A_2244 = arith.sitofp %convert_element_type3A_2243 : i32 to f32
      %broadcast_in_dim3A_2245 = vector.broadcast %convert_element_type3A_2244 : f32 to vector<16xf32>
      %min3A_2246 = arith.constant 127 : i32
      %min3A_2247 = arith.minsi %squeeze3A_2233, %min3A_2246 : i32
      %broadcast_in_dim3A_2248 = vector.broadcast %min3A_2247 : i32 to vector<16xi32>
      %min3A_2249 = arith.constant 127 : i32
      %min3A_2250 = arith.minsi %squeeze3A_2235, %min3A_2249 : i32
      %broadcast_in_dim3A_2251 = vector.broadcast %min3A_2250 : i32 to vector<16xi32>
      %rem3A_2252 = arith.constant 8 : i32
      %rem3A_2253 = arith.remsi %scan3A_20, %rem3A_2252 : i32
      %mul3A_2254 = arith.constant 32 : i32
      %mul3A_2255 = arith.muli %rem3A_2253, %mul3A_2254 : i32
      %add3A_2256 = arith.constant 30 : i32
      %add3A_2257 = arith.addi %mul3A_2255, %add3A_2256 : i32
      %broadcast_in_dim3A_2258 = vector.broadcast %add3A_2257 : i32 to vector<16xi32>
      %gather3A_2259 = tpu.vector_load_idx %arg9[%add3A_5, %broadcast_in_dim3A_2248] : memref<64x128xf32, #tpu.memory_space<vmem>>[vector<16xi32>, vector<16xi32>], vector<16xf32>,
      %gather3A_2260 = tpu.vector_load_idx %arg15[%add3A_5, %broadcast_in_dim3A_2251] : memref<64x128xf32, #tpu.memory_space<vmem>>[vector<16xi32>, vector<16xi32>], vector<16xf32>,
      %mul3A_2261 = arith.mulf %gather3A_2259, %broadcast_in_dim3A_2240 : vector<16xf32>
      %mul3A_2262 = arith.mulf %gather3A_2260, %broadcast_in_dim3A_2245 : vector<16xf32>
      %add3A_2263 = arith.addf %mul3A_2261, %mul3A_2262 : vector<16xf32>
      tpu.vector_store_idx %arg21[%add3A_5, %broadcast_in_dim3A_2258], %add3A_2263 : memref<64x256xf32, #tpu.memory_space<vmem>>[vector<16xi32>, vector<16xi32>], vector<16xf32>,
      %gather3A_2264 = tpu.vector_load_idx %arg9[%add3A_8, %broadcast_in_dim3A_2248] : memref<64x128xf32, #tpu.memory_space<vmem>>[vector<16xi32>, vector<16xi32>], vector<16xf32>,
      %gather3A_2265 = tpu.vector_load_idx %arg15[%add3A_8, %broadcast_in_dim3A_2251] : memref<64x128xf32, #tpu.memory_space<vmem>>[vector<16xi32>, vector<16xi32>], vector<16xf32>,
      %mul3A_2266 = arith.mulf %gather3A_2264, %broadcast_in_dim3A_2240 : vector<16xf32>
      %mul3A_2267 = arith.mulf %gather3A_2265, %broadcast_in_dim3A_2245 : vector<16xf32>
      %add3A_2268 = arith.addf %mul3A_2266, %mul3A_2267 : vector<16xf32>
      tpu.vector_store_idx %arg21[%add3A_8, %broadcast_in_dim3A_2258], %add3A_2268 : memref<64x256xf32, #tpu.memory_space<vmem>>[vector<16xi32>, vector<16xi32>], vector<16xf32>,
      %gather3A_2269 = tpu.vector_load_idx %arg9[%add3A_11, %broadcast_in_dim3A_2248] : memref<64x128xf32, #tpu.memory_space<vmem>>[vector<16xi32>, vector<16xi32>], vector<16xf32>,
      %gather3A_2270 = tpu.vector_load_idx %arg15[%add3A_11, %broadcast_in_dim3A_2251] : memref<64x128xf32, #tpu.memory_space<vmem>>[vector<16xi32>, vector<16xi32>], vector<16xf32>,
      %mul3A_2271 = arith.mulf %gather3A_2269, %broadcast_in_dim3A_2240 : vector<16xf32>
      %mul3A_2272 = arith.mulf %gather3A_2270, %broadcast_in_dim3A_2245 : vector<16xf32>
      %add3A_2273 = arith.addf %mul3A_2271, %mul3A_2272 : vector<16xf32>
      tpu.vector_store_idx %arg21[%add3A_11, %broadcast_in_dim3A_2258], %add3A_2273 : memref<64x256xf32, #tpu.memory_space<vmem>>[vector<16xi32>, vector<16xi32>], vector<16xf32>,
      %gather3A_2274 = tpu.vector_load_idx %arg9[%add3A_14, %broadcast_in_dim3A_2248] : memref<64x128xf32, #tpu.memory_space<vmem>>[vector<16xi32>, vector<16xi32>], vector<16xf32>,
      %gather3A_2275 = tpu.vector_load_idx %arg15[%add3A_14, %broadcast_in_dim3A_2251] : memref<64x128xf32, #tpu.memory_space<vmem>>[vector<16xi32>, vector<16xi32>], vector<16xf32>,
      %mul3A_2276 = arith.mulf %gather3A_2274, %broadcast_in_dim3A_2240 : vector<16xf32>
      %mul3A_2277 = arith.mulf %gather3A_2275, %broadcast_in_dim3A_2245 : vector<16xf32>
      %add3A_2278 = arith.addf %mul3A_2276, %mul3A_2277 : vector<16xf32>
      tpu.vector_store_idx %arg21[%add3A_14, %broadcast_in_dim3A_2258], %add3A_2278 : memref<64x256xf32, #tpu.memory_space<vmem>>[vector<16xi32>, vector<16xi32>], vector<16xf32>,
      %dma_wait3A_2279 = arith.constant 0 : i32
      %dma_wait3A_2280 = tpu.memref_slice %arg4[%dma_wait3A_2279, %mul3A_1999] : memref<64x1000001xf32, #tpu.memory_space<hbm>> -> memref<64x128xf32, #tpu.memory_space<hbm>>
      %dma_wait3A_2281 = arith.constant 0 : i32
      %dma_wait3A_2282 = tpu.memref_slice %arg4[%dma_wait3A_2281, %mul3A_1999] : memref<64x1000001xf32, #tpu.memory_space<hbm>> -> memref<64x128xf32, #tpu.memory_space<hbm>>
      tpu.wait_dma2 semaphore(%arg22 : memref<!tpu.dma_semaphore, #tpu.memory_space<semaphore_mem>>) src(%dma_wait3A_2282 : memref<64x128xf32, #tpu.memory_space<hbm>>) dst(%arg10 : memref<64x128xf32, #tpu.memory_space<vmem>>)
      %dma_wait3A_2283 = arith.constant 0 : i32
      %dma_wait3A_2284 = tpu.memref_slice %arg5[%dma_wait3A_2283, %mul3A_2007] : memref<64x1000001xf32, #tpu.memory_space<hbm>> -> memref<64x128xf32, #tpu.memory_space<hbm>>
      %dma_wait3A_2285 = arith.constant 0 : i32
      %dma_wait3A_2286 = tpu.memref_slice %arg5[%dma_wait3A_2285, %mul3A_2007] : memref<64x1000001xf32, #tpu.memory_space<hbm>> -> memref<64x128xf32, #tpu.memory_space<hbm>>
      tpu.wait_dma2 semaphore(%arg23 : memref<!tpu.dma_semaphore, #tpu.memory_space<semaphore_mem>>) src(%dma_wait3A_2286 : memref<64x128xf32, #tpu.memory_space<hbm>>) dst(%arg16 : memref<64x128xf32, #tpu.memory_space<vmem>>)
      %slice3A_2287 = vector.extract_strided_slice %sub3A_62 {offsets = [15], sizes = [1], strides = [1]} : vector<16xi32> to vector<1xi32>
      %squeeze3A_2288 = vector.extract %slice3A_2287[0] : i32 from vector<1xi32>
      %slice3A_2289 = vector.extract_strided_slice %sub3A_70 {offsets = [15], sizes = [1], strides = [1]} : vector<16xi32> to vector<1xi32>
      %squeeze3A_2290 = vector.extract %slice3A_2289[0] : i32 from vector<1xi32>
      %lt3A_2291 = arith.constant 128 : i32
      %lt3A_2292 = arith.cmpi slt, %squeeze3A_2288, %lt3A_2291 : i32
      %convert_element_type3A_2293 = arith.extui %lt3A_2292 : i1 to i32
      %convert_element_type3A_2294 = arith.sitofp %convert_element_type3A_2293 : i32 to f32
      %broadcast_in_dim3A_2295 = vector.broadcast %convert_element_type3A_2294 : f32 to vector<16xf32>
      %lt3A_2296 = arith.constant 128 : i32
      %lt3A_2297 = arith.cmpi slt, %squeeze3A_2290, %lt3A_2296 : i32
      %convert_element_type3A_2298 = arith.extui %lt3A_2297 : i1 to i32
      %convert_element_type3A_2299 = arith.sitofp %convert_element_type3A_2298 : i32 to f32
      %broadcast_in_dim3A_2300 = vector.broadcast %convert_element_type3A_2299 : f32 to vector<16xf32>
      %min3A_2301 = arith.constant 127 : i32
      %min3A_2302 = arith.minsi %squeeze3A_2288, %min3A_2301 : i32
      %broadcast_in_dim3A_2303 = vector.broadcast %min3A_2302 : i32 to vector<16xi32>
      %min3A_2304 = arith.constant 127 : i32
      %min3A_2305 = arith.minsi %squeeze3A_2290, %min3A_2304 : i32
      %broadcast_in_dim3A_2306 = vector.broadcast %min3A_2305 : i32 to vector<16xi32>
      %rem3A_2307 = arith.constant 8 : i32
      %rem3A_2308 = arith.remsi %scan3A_20, %rem3A_2307 : i32
      %mul3A_2309 = arith.constant 32 : i32
      %mul3A_2310 = arith.muli %rem3A_2308, %mul3A_2309 : i32
      %add3A_2311 = arith.constant 31 : i32
      %add3A_2312 = arith.addi %mul3A_2310, %add3A_2311 : i32
      %broadcast_in_dim3A_2313 = vector.broadcast %add3A_2312 : i32 to vector<16xi32>
      %gather3A_2314 = tpu.vector_load_idx %arg10[%add3A_5, %broadcast_in_dim3A_2303] : memref<64x128xf32, #tpu.memory_space<vmem>>[vector<16xi32>, vector<16xi32>], vector<16xf32>,
      %gather3A_2315 = tpu.vector_load_idx %arg16[%add3A_5, %broadcast_in_dim3A_2306] : memref<64x128xf32, #tpu.memory_space<vmem>>[vector<16xi32>, vector<16xi32>], vector<16xf32>,
      %mul3A_2316 = arith.mulf %gather3A_2314, %broadcast_in_dim3A_2295 : vector<16xf32>
      %mul3A_2317 = arith.mulf %gather3A_2315, %broadcast_in_dim3A_2300 : vector<16xf32>
      %add3A_2318 = arith.addf %mul3A_2316, %mul3A_2317 : vector<16xf32>
      tpu.vector_store_idx %arg21[%add3A_5, %broadcast_in_dim3A_2313], %add3A_2318 : memref<64x256xf32, #tpu.memory_space<vmem>>[vector<16xi32>, vector<16xi32>], vector<16xf32>,
      %gather3A_2319 = tpu.vector_load_idx %arg10[%add3A_8, %broadcast_in_dim3A_2303] : memref<64x128xf32, #tpu.memory_space<vmem>>[vector<16xi32>, vector<16xi32>], vector<16xf32>,
      %gather3A_2320 = tpu.vector_load_idx %arg16[%add3A_8, %broadcast_in_dim3A_2306] : memref<64x128xf32, #tpu.memory_space<vmem>>[vector<16xi32>, vector<16xi32>], vector<16xf32>,
      %mul3A_2321 = arith.mulf %gather3A_2319, %broadcast_in_dim3A_2295 : vector<16xf32>
      %mul3A_2322 = arith.mulf %gather3A_2320, %broadcast_in_dim3A_2300 : vector<16xf32>
      %add3A_2323 = arith.addf %mul3A_2321, %mul3A_2322 : vector<16xf32>
      tpu.vector_store_idx %arg21[%add3A_8, %broadcast_in_dim3A_2313], %add3A_2323 : memref<64x256xf32, #tpu.memory_space<vmem>>[vector<16xi32>, vector<16xi32>], vector<16xf32>,
      %gather3A_2324 = tpu.vector_load_idx %arg10[%add3A_11, %broadcast_in_dim3A_2303] : memref<64x128xf32, #tpu.memory_space<vmem>>[vector<16xi32>, vector<16xi32>], vector<16xf32>,
      %gather3A_2325 = tpu.vector_load_idx %arg16[%add3A_11, %broadcast_in_dim3A_2306] : memref<64x128xf32, #tpu.memory_space<vmem>>[vector<16xi32>, vector<16xi32>], vector<16xf32>,
      %mul3A_2326 = arith.mulf %gather3A_2324, %broadcast_in_dim3A_2295 : vector<16xf32>
      %mul3A_2327 = arith.mulf %gather3A_2325, %broadcast_in_dim3A_2300 : vector<16xf32>
      %add3A_2328 = arith.addf %mul3A_2326, %mul3A_2327 : vector<16xf32>
      tpu.vector_store_idx %arg21[%add3A_11, %broadcast_in_dim3A_2313], %add3A_2328 : memref<64x256xf32, #tpu.memory_space<vmem>>[vector<16xi32>, vector<16xi32>], vector<16xf32>,
      %gather3A_2329 = tpu.vector_load_idx %arg10[%add3A_14, %broadcast_in_dim3A_2303] : memref<64x128xf32, #tpu.memory_space<vmem>>[vector<16xi32>, vector<16xi32>], vector<16xf32>,
      %gather3A_2330 = tpu.vector_load_idx %arg16[%add3A_14, %broadcast_in_dim3A_2306] : memref<64x128xf32, #tpu.memory_space<vmem>>[vector<16xi32>, vector<16xi32>], vector<16xf32>,
      %mul3A_2331 = arith.mulf %gather3A_2329, %broadcast_in_dim3A_2295 : vector<16xf32>
      %mul3A_2332 = arith.mulf %gather3A_2330, %broadcast_in_dim3A_2300 : vector<16xf32>
      %add3A_2333 = arith.addf %mul3A_2331, %mul3A_2332 : vector<16xf32>
      tpu.vector_store_idx %arg21[%add3A_14, %broadcast_in_dim3A_2313], %add3A_2333 : memref<64x256xf32, #tpu.memory_space<vmem>>[vector<16xi32>, vector<16xi32>], vector<16xf32>,
      %rem3A_2334 = arith.constant 8 : i32
      %rem3A_2335 = arith.remsi %scan3A_20, %rem3A_2334 : i32
      %eq3A = arith.constant 7 : i32
      %eq3A_2336 = arith.cmpi eq, %rem3A_2335, %eq3A : i32
      %convert_element_type3A_2337 = arith.extui %eq3A_2336 : i1 to i32
      %cond3A = arith.constant 0 : i32
      %cond3A_2338 = arith.cmpi ne, %convert_element_type3A_2337, %cond3A : i32
      scf.if %cond3A_2338 {
        %div3A = arith.constant 8 : i32
        %div3A_2339 = arith.divsi %scan3A_20, %div3A : i32
        %mul3A_2340 = arith.constant 256 : i32
        %mul3A_2341 = arith.muli %div3A_2339, %mul3A_2340 : i32
        %add3A_2342 = arith.addi %mul3A_2, %mul3A_2341 : i32
        "tpu.region"() ({
          %run_scoped3A = tpu.sem_alloc : memref<!tpu.dma_semaphore, #tpu.memory_space<semaphore_mem>>
          %dma_start3A_2343 = arith.constant 0 : i32
          %dma_start3A_2344 = tpu.memref_slice %arg6[%dma_start3A_2343, %add3A_2342] : memref<64x16384xf32, #tpu.memory_space<hbm>> -> memref<64x256xf32, #tpu.memory_space<hbm>>
          %dma_start3A_2345 = arith.constant 0 : i32
          %dma_start3A_2346 = tpu.memref_slice %arg6[%dma_start3A_2345, %add3A_2342] : memref<64x16384xf32, #tpu.memory_space<hbm>> -> memref<64x256xf32, #tpu.memory_space<hbm>>
          tpu.enqueue_dma source(%arg21 : memref<64x256xf32, #tpu.memory_space<vmem>>) target(%dma_start3A_2346 : memref<64x256xf32, #tpu.memory_space<hbm>>) target_semaphore(%run_scoped3A : memref<!tpu.dma_semaphore, #tpu.memory_space<semaphore_mem>>)
          %dma_wait3A_2347 = arith.constant 0 : i32
          %dma_wait3A_2348 = tpu.memref_slice %arg6[%dma_wait3A_2347, %add3A_2342] : memref<64x16384xf32, #tpu.memory_space<hbm>> -> memref<64x256xf32, #tpu.memory_space<hbm>>
          %dma_wait3A_2349 = arith.constant 0 : i32
          %dma_wait3A_2350 = tpu.memref_slice %arg6[%dma_wait3A_2349, %add3A_2342] : memref<64x16384xf32, #tpu.memory_space<hbm>> -> memref<64x256xf32, #tpu.memory_space<hbm>>
          tpu.wait_dma2 semaphore(%run_scoped3A : memref<!tpu.dma_semaphore, #tpu.memory_space<semaphore_mem>>) src(%arg21 : memref<64x256xf32, #tpu.memory_space<vmem>>) dst(%dma_wait3A_2350 : memref<64x256xf32, #tpu.memory_space<hbm>>)
          tpu.yield
        }) : () -> ()
      } else {
      }
    }
    %scan3A_19 = arith.constant 16 : i32
    return
  }
}

</mosaic_0001>

<sc_bundles>
// kernel: kernel.3.cloned.1.call-start
scs
__scs_entry_jumppad:
0x0: {  	(pc) =	sbr.rel $0x88, $3  }
0x1: {  	(tag) =	ssettag $0x0;
	lr =	simm.s32 $0x1  }
0x2: {  	[smem:$0x3F9E] =	sst lr;
	_ =	strace $0xD0000000  }
0x3: {  	_ = 	snop  }
0x4: {  	_ = 	snop  }
0x5: {  	_ = 	snop  }
0x6: {  	_ = 	snop  }
0x7: {  	_ = 	snop  }
__scs_overlays_trampoline_lowered:
0x8: {  	[smem:$0x3FAD] =	sst s0  }
0x9: {  	[smem:$0x3FAE] =	sst s1  }
0xa: {  	[smem:$0x3FAF] =	sst s2  }
0xb: {  	[smem:$0x3FB0] =	sst s3  }
0xc: {  	[smem:$0x3FB1] =	sst s4  }
0xd: {  	[smem:$0x3FB2] =	sst s5  }
0xe: {  	[smem:$0x3FB3] =	sst s6  }
0xf: {  	[smem:$0x3FB4] =	sst s7  }
0x10: {  	[smem:$0x3FB5] =	sst s8  }
0x11: {  	[smem:$0x3FB6] =	sst s9;
	s0 =	simm.s32 @!p0 $0x0  }
0x12: {  	s1 =	sld [smem:$0x3F9C];
	s0 =	simm.s32 @p0 $0x1  }
0x13: {  	[smem:$0x3FB7] =	sst s0;
	s0 =	simm.s32 @!p1 $0x0  }
0x14: {  	s2 =	sld [smem:$0x3F9B];
	s0 =	simm.s32 @p1 $0x1  }
0x15: {  	[smem:$0x3FB8] =	sst s0;
	s0 =	simm.s32 @!p2 $0x0  }
0x16: {  	s3 =	sld [smem:$0x3FDB];
	s0 =	simm.s32 @p2 $0x1  }
0x17: {  	s4 =	simm.s32 $0x1BF5;
	[smem:$0x3FBA] =	sst s0  }
0x18: {  	s0 =	sld [smem:$0x3F9D];
	_ =	swait.ge [sflag:s4], $0x0  }
0x19: {  	s7 =	sld [smem:$0x3F9E]  }
0x1a: {  	s8 =	sadd.s32 $0xFFFFE003, lr  }
0x1b: {  	s9 =	sadd.s32 $0xFFFFFEF7, lr;
	s5 =	simm.s32 $0xFFFFFFFF;
	p2 =	slt.u32 s8, $0xFFFFF086  }
0x1c: {  	p1 =	slt.u32 s9, $0xF7A;
	s5 =	simm.s32 @!p2 $0x0  }
0x1d: {  	s5 =	simm.s32 @p1 $0x1;
	p0 =	seq.s32 s7, s2  }
0x1e: {  	s7 =	smul.u32 @!p0 $0xF7A, s2;
	p2 =	seq.s32 @!p0 s5, $0x0  }
0x1f: {  	s9 =	smul.u32 $0xF7A, s1;
	s8 =	simm.s32 @!p0 $0x1BF5;
	p2 =	por !p2, p0  }
0x20: {  	[sflag:s8] =	ssyncset.s32 @!p0 $0xFFFFF086;
	s6 =	sadd.s32 @!p0 s3, s7;
	s7 =	simm.s32 @!p0 $0x108  }
0x21: {  	s3 =	sadd.s32 s3, s9;
	s6 =	sadd.s32 @!p0 $0x88, s6;
	s7 =	simm.s32 @p2 $0x1082  }
0x22: {  	[simem:s7], [sflag:s8] =	dma.local @!p0 [hbm:s6], $0xF7A  }
0x23: {  	s9 =	sor.u32 $0xD0000000, s2;
	s6 =	simm.s32 $0x108;
	_ =	swait.ge @!p0 [sflag:s8], $0x0  }
0x24: {  	s3 =	sadd.s32 $0x88, s3;
	s6 =	simm.s32 @!p1 $0x1082;
	[sflag:s4] =	ssyncset.s32 $0xFFFFF086  }
0x25: {  	[simem:s6], [sflag:s4] =	dma.local [hbm:s3], $0xF7A  }
0x26: {  	[smem:$0x3F9E] =	sst s1;
	(tag) =	ssettag s2;
	_ =	strace s9  }
0x27: {  	s1 =	sld [smem:$0x3FAE]  }
0x28: {  	s2 =	sld [smem:$0x3FAF]  }
0x29: {  	s4 =	sld [smem:$0x3FB1]  }
0x2a: {  	p0 =	seq.s32 s5, $0x0;
	s5 =	sld [smem:$0x3FB2]  }
0x2b: {  	s6 =	sld [smem:$0x3FB3]  }
0x2c: {  	s7 =	sld [smem:$0x3FB4]  }
0x2d: {  	s3 =	simm.s32 $0x108;
	s8 =	sld [smem:$0x3FB5]  }
0x2e: {  	s3 =	simm.s32 @!p0 $0x1082;
	s9 =	sld [smem:$0x3FB6]  }
0x2f: {  	lr =	sadd.s32 s0, s3;
	s0 =	sld [smem:$0x3FAD]  }
0x30: {  	s3 =	sld [smem:$0x3FB0]  }
0x31: {  	[smem:$0x3FB9] =	sst s10  }
0x32: {  	s10 =	sld [smem:$0x3FB7];
	_ =	sdelay $0x3  }
0x33: {  	p0 =	seq.s32 s10, $0x1;
	s10 =	sld [smem:$0x3FB9];
	_ =	sdelay $0x3  }
0x34: {  	[smem:$0x3FB9] =	sst s10  }
0x35: {  	s10 =	sld [smem:$0x3FB8];
	_ =	sdelay $0x3  }
0x36: {  	p1 =	seq.s32 s10, $0x1;
	s10 =	sld [smem:$0x3FB9];
	_ =	sdelay $0x3  }
0x37: {  	[smem:$0x3FB9] =	sst s10  }
0x38: {  	s10 =	sld [smem:$0x3FBA]  }
0x39: {  	_ = 	snop;
	(pc) =	sbr.ind lr, $3  }
0x3a: {  	_ = 	snop  }
0x3b: {  	_ = 	snop  }
0x3c: {  	p2 =	seq.s32 s10, $0x1;
	s10 =	sld [smem:$0x3FB9]  }
0x3d: {  	_ =	shalt  }
0x3e: {  	_ =	shalt  }
0x3f: {  	_ =	shalt  }
0x40: {  	_ =	shalt  }
0x41: {  	_ =	shalt  }
0x42: {  	_ =	shalt  }
0x43: {  	_ =	shalt  }
0x44: {  	_ =	shalt  }
0x45: {  	_ =	shalt  }
0x46: {  	_ =	shalt  }
0x47: {  	_ =	shalt  }
0x48: {  	_ =	shalt  }
0x49: {  	_ =	shalt  }
0x4a: {  	_ =	shalt  }
0x4b: {  	_ =	shalt  }
0x4c: {  	_ =	shalt  }
0x4d: {  	_ =	shalt  }
0x4e: {  	_ =	shalt  }
0x4f: {  	_ =	shalt  }
0x50: {  	_ =	shalt  }
0x51: {  	_ =	shalt  }
0x52: {  	_ =	shalt  }
0x53: {  	_ =	shalt  }
0x54: {  	_ =	shalt  }
0x55: {  	_ =	shalt  }
0x56: {  	_ =	shalt  }
0x57: {  	_ =	shalt  }
0x58: {  	_ =	shalt  }
0x59: {  	_ =	shalt  }
0x5a: {  	_ =	shalt  }
0x5b: {  	_ =	shalt  }
0x5c: {  	_ =	shalt  }
0x5d: {  	_ =	shalt  }
0x5e: {  	_ =	shalt  }
0x5f: {  	_ =	shalt  }
0x60: {  	_ =	shalt  }
0x61: {  	_ =	shalt  }
0x62: {  	_ =	shalt  }
0x63: {  	_ =	shalt  }
0x64: {  	_ =	shalt  }
0x65: {  	_ =	shalt  }
0x66: {  	_ =	shalt  }
0x67: {  	_ =	shalt  }
0x68: {  	_ =	shalt  }
0x69: {  	_ =	shalt  }
0x6a: {  	_ =	shalt  }
0x6b: {  	_ =	shalt  }
0x6c: {  	_ =	shalt  }
0x6d: {  	_ =	shalt  }
0x6e: {  	_ =	shalt  }
0x6f: {  	_ =	shalt  }
0x70: {  	_ =	shalt  }
0x71: {  	_ =	shalt  }
0x72: {  	_ =	shalt  }
0x73: {  	_ =	shalt  }
0x74: {  	_ =	shalt  }
0x75: {  	_ =	shalt  }
0x76: {  	_ =	shalt  }
0x77: {  	_ =	shalt  }
0x78: {  	_ =	shalt  }
0x79: {  	_ =	shalt  }
0x7a: {  	_ =	shalt  }
0x7b: {  	_ =	shalt  }
0x7c: {  	_ =	shalt  }
0x7d: {  	_ =	shalt  }
0x7e: {  	_ =	shalt  }
0x7f: {  	_ =	shalt  }
0x80: {  	_ =	shalt  }
0x81: {  	_ =	shalt  }
0x82: {  	_ =	shalt  }
0x83: {  	_ =	shalt  }
0x84: {  	_ =	shalt  }
0x85: {  	_ =	shalt  }
0x86: {  	_ =	shalt  }
0x87: {  	_ =	shalt  }
.Lfunc_end0:
.L_simem_size_0:
called_computation_lowered:
.L_overlay_start_0:
0x88: {  	s2 =	sld [smem:$0x3FD9]  }
0x89: {  	s3 =	sld [smem:$0x3FFE];
	_ =	sdelay $0x1  }
0x8a: {  	s1 =	srdreg.scid  }
0x8b: {  	s0 =	sand.u32 $0x1, s1  }
0x8c: {  	s17 =	sshll.u32 s0, $0xA;
	s2 =	sadd.s32 s3, s2  }
0x8d: {  	s2 =	sadd.s32 s2, s17  }
0x8e: {  	[smem:$0x3FC5] =	sst s2  }
0x8f: {  	_ = 	snop  }
0x90: {  	s2 =	sld [smem:$0x3FC8]  }
0x91: {  	s18 =	sld [smem:$0x3FC7]  }
0x92: {  	s4 =	sld [smem:$0x3FD0];
	(tm) =	ssettm $0x1  }
0x93: {  	s5 =	sld [smem:$0x3FFB];
	_ =	sdelay $0x3  }
0x94: {  	_ =	strace s5  }
0x95: {  	s5 =	sld [smem:$0x3FFC];
	_ =	sdelay $0x3  }
0x96: {  	_ =	strace s5  }
0x97: {  	s5 =	sld [smem:$0x3FFD];
	_ =	sdelay $0x3  }
0x98: {  	_ =	strace s5  }
0x99: {  	_ =	strace $0x8FFFFFFF  }
0x9a: {  	s19 =	sld [smem:$0x3FDB];
	_ =	sdelay $0x1  }
0x9b: {  	s6 =	simm.s32 $_scs_section_size  }
0x9c: {  	s7 =	simm.s32 $_size__tile_overlayer_lowered;
	s8 =	simm.s32 $_tile_overlayer_lowered  }
0x9d: {  	s22 =	simm.s32 $0x1BFF;
	s21 =	sshll.u32 s8, $0x1;
	s5 =	sadd.s32 s6, s19  }
0x9e: {  	s9 =	simm.s32 $0x0;
	s20 =	sshll.u32 s7, $0x1;
	s7 =	sadd.s32 s21, s5  }
0x9f: {  	[timem:s9], [sflag:s22] =	dma.local [hbm:s7], s20  }
0xa0: {  	_ =	swait.ge [sflag:s22], s20  }
0xa1: {  	s6 =	ssub.s32 $0x0, s20;
	[sflag:s22] =	ssyncset.done $0x0  }
0xa2: {  	[sflag:s22] =	ssyncadd.s32 s6;
	_ =	sdelay $0x1  }
0xa3: {  	s23 =	simm.s32 $0x1B8B  }
0xa4: {  	_ =	swait.ge [sflag:s23], $0x1  }
0xa5: {  	[sflag:s23] =	ssyncset.done $0x0  }
0xa6: {  	s25 =	simm.s32 $0x1B8E;
	s24 =	sld [smem:$0x3FFE];
	[sflag:s23] =	ssyncadd.s32 $0xFFFFFFFF  }
0xa7: {  	s26 =	simm.s32 $execute0_lowered;
	[smem:$0x3FD2] =	sst s25  }
0xa8: {  	s7 =	sshll.u32 s26, $0x1;
	_ =	strace $0x80000046;
	[dreg:$0x1] =	wrdreg $0xFFFFFFFF  }
0xa9: {  	s28 =	simm.s32 $_size_execute0_lowered;
	s5 =	sadd.s32 s5, s7;
	[dreg:$0x0] =	wrdreg $0x0  }
0xaa: {  	s7 =	sshll.u32 s28, $0x1;
	[dreg:$0x2] =	wrdreg s5  }
0xab: {  	[dreg:$0x3] =	wrdreg s7  }
0xac: {  	[dreg:$0x4] =	wrdreg $0xC0  }
0xad: {  	_ =	task [dreg:s9], $0x5FFFF  }
0xae: {  	[dreg:$0x1] =	wrdreg $0xFFFFFFFF  }
0xaf: {  	[dreg:$0x0] =	wrdreg $0x60  }
0xb0: {  	[dreg:$0x2] =	wrdreg s24  }
0xb1: {  	[dreg:$0x3] =	wrdreg s2  }
0xb2: {  	[dreg:$0x4] =	wrdreg s18  }
0xb3: {  	[dreg:$0x5] =	wrdreg s4  }
0xb4: {  	[dreg:$0x6] =	wrdreg $0x9  }
0xb5: {  	_ =	task.clear_ibuf [dreg:s9], $0x7FFFF;
	_ =	strace $0x90000046  }
0xb6: {  	s29 =	simm.s32 $0x9;
	_ =	strace $0x80000048  }
0xb7: {  	_ =	swait.ge [sflag:s29], $0x1  }
0xb8: {  	[sflag:s29] =	ssyncadd.s32 $0xFFFFFFFF  }
0xb9: {  	_ =	strace $0x90000048  }
0xba: {  	_ =	sfence  }
0xbb: {  	s30 =	sld [smem:$0x0];
	_ =	sdelay $0x2  }
0xbc: {  	s31 =	sshll.u32 s1, $0xD;
	s1 =	sshrl.u32 s1, $0x2  }
0xbd: {  	s3 =	sand.u32 $0x4000, s31;
	s1 =	sadd.s32 s1, s30  }
0xbe: {  	s0 =	sor.u32 s3, s0;
	s1 =	sshll.u32 s1, $0x11  }
0xbf: {  	s0 =	sor.u32 s1, s0  }
0xc0: {  	s0 =	sadd.s32 $0x8F2B, s0  }
0xc1: {  	[sflag:s0] =	ssyncadd.remote.s32 $0x1  }
0xc2: {  	_ =	sfence.sel $0xFFFF  }
0xc3: {  	[dreg:$0x0] =	wrdreg $0xFFFFFFFF;
	(pc) =	sbr.abs _section_cstart, $3  }
0xc4: {  	[dreg:$0x1] =	wrdreg $0xFFFFFFFF  }
0xc5: {  	_ =	task.clear_ibuf [dreg:s9], $0x2FFFF;
	_ =	strace $0x9FFFFFFF  }
0xc6: {  	(tm) =	ssettm $0x7FFFFFFF  }
0xc7: {  	_ =	shalt  }
tec
execute0_lowered:
.L_overlay_start_1:
0x0: {  	(tag) =	ssettag $0x1  }
0x1: {  	v0 =	vimm.s32 $0xB80;
	vm14 =	vcmask $0x300;
	vm13 =	vcmask $0x704  }
0x2: {  	vm12 =	vcmask $0xB08;
	vm11 =	vcmask $0xF0C;
	vm10 =	vcmask $0x1310  }
0x3: {  	vm9 =	vcmask $0x1714;
	vm8 =	vcmask $0x1B18;
	vm7 =	vcmask $0x1F1C  }
0x4: {  	vm6 =	vcmask $0x2320;
	vm5 =	vcmask $0x2724;
	vm4 =	vcmask $0x2B28  }
0x5: {  	vm3 =	vcmask $0x2F2C;
	v1 =	vlaneseq.u32;
	vm2 =	vcmask $0x3330  }
0x6: {  	vm1 =	vcmask $0x3734;
	vm0 =	vcmask $0x3B38;
	v3 =	vimm.s32 $0x1B80  }
0x7: {  	v4 =	vimm.s32 $0x2B80;
	v5 =	vimm.s32 $0x3B80;
	v0 =	vsel vm14, $0x0, v0  }
0x8: {  	v3 =	vsel vm14, $0x1000, v3;
	v4 =	vsel vm14, $0x2000, v4;
	v5 =	vsel vm14, $0x3000, v5  }
0x9: {  	v0 =	vsel vm13, $0x80, v0;
	v3 =	vsel vm13, $0x1080, v3;
	v4 =	vsel vm13, $0x2080, v4  }
0xa: {  	v5 =	vsel vm13, $0x3080, v5;
	v0 =	vsel vm12, $0x100, v0;
	v3 =	vsel vm12, $0x1100, v3  }
0xb: {  	v4 =	vsel vm12, $0x2100, v4;
	v5 =	vsel vm12, $0x3100, v5;
	v0 =	vsel vm11, $0x180, v0  }
0xc: {  	v3 =	vsel vm11, $0x1180, v3;
	v4 =	vsel vm11, $0x2180, v4;
	v5 =	vsel vm11, $0x3180, v5  }
0xd: {  	s2 =	rddreg [dreg:$0x0];
	v0 =	vsel vm10, $0x200, v0;
	v3 =	vsel vm10, $0x1200, v3;
	v4 =	vsel vm10, $0x2200, v4  }
0xe: {  	s0 =	rddreg [dreg:$0x1];
	v5 =	vsel vm10, $0x3200, v5;
	v0 =	vsel vm9, $0x280, v0;
	v3 =	vsel vm9, $0x1280, v3  }
0xf: {  	s1 =	rddreg [dreg:$0x2];
	s3 =	srdreg.scid;
	v4 =	vsel vm9, $0x2280, v4;
	v5 =	vsel vm9, $0x3280, v5;
	v0 =	vsel vm8, $0x300, v0  }
0x10: {  	s7 =	rddreg [dreg:$0x3];
	s4 =	stileid.u32;
	s28 =	simm.s32 $0x0;
	v3 =	vsel vm8, $0x1300, v3;
	v4 =	vsel vm8, $0x2300, v4;
	v5 =	vsel vm8, $0x3300, v5  }
0x11: {  	s9 =	simm.s32 $0x3;
	s10 =	simm.s32 $0x7A1400;
	s11 =	simm.s32 $0x400;
	v0 =	vsel vm7, $0x380, v0;
	v3 =	vsel vm7, $0x1380, v3;
	v4 =	vsel vm7, $0x2380, v4  }
0x12: {  	s12 =	simm.s32 $0xC400;
	s13 =	simm.s32 $0x2400;
	s14 =	simm.s32 $0xE400;
	v5 =	vsel vm7, $0x3380, v5;
	v0 =	vsel vm6, $0x800, v0;
	v3 =	vsel vm6, $0x1800, v3  }
0x13: {  	s15 =	simm.s32 $0x4400;
	s16 =	simm.s32 $0x10400;
	s17 =	simm.s32 $0x6400;
	v4 =	vsel vm6, $0x2800, v4;
	v5 =	vsel vm6, $0x3800, v5;
	v0 =	vsel vm5, $0x880, v0  }
0x14: {  	s18 =	simm.s32 $0x12400;
	s19 =	simm.s32 $0x8400;
	s20 =	simm.s32 $0x14400;
	v3 =	vsel vm5, $0x1880, v3;
	v4 =	vsel vm5, $0x2880, v4;
	v5 =	vsel vm5, $0x3880, v5  }
0x15: {  	s21 =	simm.s32 $0x1;
	s22 =	simm.s32 $0x2;
	s3 =	sand.u32 $0x1, s3;
	v0 =	vsel vm4, $0x900, v0;
	v3 =	vsel vm4, $0x1900, v3;
	v4 =	vsel vm4, $0x2900, v4  }
0x16: {  	s23 =	simm.s32 $0xA400;
	s5 =	sshll.u32 s4, $0xA;
	s6 =	sshll.u32 s3, $0x9;
	v5 =	vsel vm4, $0x3900, v5;
	v2 =	vsel vm3, $0x980, v0;
	v0 =	vmul.u32 $0x80, v1  }
0x17: {  	s24 =	simm.s32 $0x16400;
	s25 =	simm.s32 $0x18400;
	s8 =	sor.u32 s6, s5;
	v3 =	vsel vm3, $0x1980, v3;
	v4 =	vsel vm3, $0x2980, v4;
	v5 =	vsel vm3, $0x3980, v5  }
0x18: {  	[smem:$0x7FF] =	sst s28;
	s3 =	ssub.s32 $0x2, s3;
	s5 =	sshrl.u32 s8, $0x3;
	v1 =	vsel vm2, $0xA00, v2;
	v3 =	vsel vm2, $0x1A00, v3;
	v6 =	vsel vm2, $0x2A00, v4  }
0x19: {  	_ =	strace $0x80000047;
	s31 =	sadd.s32 s7, s8;
	s2 =	sadd.s32 s5, s2;
	v5 =	vsel vm2, $0x3A00, v5;
	v1 =	vsel vm1, $0xA80, v1;
	v2 =	vor.u32 $0x800, v0  }
0x1a: {  	s29 =	sshrl.u32 s3, $0x1;
	[dreg:$0x5] =	wrdreg s31;
	s30 =	sadd.s32 $0xE00, s2;
	v3 =	vsel vm1, $0x1A80, v3;
	v4 =	vor.u32 $0x1000, v0;
	v6 =	vsel vm1, $0x2A80, v6  }
0x1b: {  	s3 =	ssub.s32 s3, s29;
	s2 =	sadd.s32 $0x600, s2;
	[dreg:$0x6] =	wrdreg s30;
	v7 =	vsel vm1, $0x3A80, v5;
	v1 =	vsel vm0, $0xB00, v1;
	v3 =	vsel vm0, $0x1B00, v3  }
0x1c: {  	s26 =	simm.s32 $0x0;
	s7 =	smax.u32 s3, $0x1;
	[dreg:$0x7] =	wrdreg s2;
	v5 =	vsel vm0, $0x2B00, v6;
	v6 =	vor.u32 $0x1800, v0;
	v7 =	vsel vm0, $0x3B00, v7  }
.LBB2_1:
0x1d: {  	s2 =	simm.s32 $0x0;
	s3 =	rddreg [dreg:$0x6]  }
0x1e: {  	[tilespmem:s2], [sflag:$0x3] =	stream.linear.gather [hbm4b:s3+s2], $0x200, $0x38;
	[tilespmem:$0x1C400] =	vst v63  }
0x1f: {  	_ =	swait.ge [sflag:s9], $0x200  }
0x20: {  	[sflag:s9] =	ssyncset.done $0x0  }
0x21: {  	s4 =	simm.s32 $0x200;
	s8 =	rddreg [dreg:$0x7];
	[sflag:s9] =	ssyncadd.s32 $0xFFFFFE00  }
0x22: {  	[tilespmem:s4], [sflag:$0x3] =	stream.linear.gather [hbm4b:s8+s2], $0x200, $0x38;
	[tilespmem:$0x1C400] =	vst v63  }
0x23: {  	_ =	swait.ge [sflag:s9], $0x200  }
0x24: {  	s28 =	simm.s32 $0x210;
	s29 =	simm.s32 $0x10;
	[sflag:s9] =	ssyncset.done $0x0  }
0x25: {  	s30 =	simm.s32 $0x0;
	s31 =	simm.s32 $0x0;
	[sflag:s9] =	ssyncadd.s32 $0xFFFFFE00  }
.LBB2_2:
0x26: {  	v10 =	vld [tilespmem:s29+$0xFFFFFFF0];
	_ =	sdelay $0x1  }
0x27: {  	v11 =	vld [tilespmem:s28+$0xFFFFFFF0];
	_ =	sdelay $0x2  }
0x28: {  	v8 =	vshrl.u32 v10, $0x7  }
0x29: {  	v8 =	vmin.u32 v8, $0x1E83  }
0x2a: {  	v9 =	vshrl.u32 v11, $0x7;
	v14 =	vshll.u32 v8, $0x7  }
0x2b: {  	v8 =	vmin.u32 v9, $0x1E83;
	v12 =	vadd.s32 s0, v14  }
0x2c: {  	v15 =	vshll.u32 v8, $0x7;
	(v2sf) =	vpush v12, $0x0  }
0x2d: {  	v13 =	vadd.s32 s1, v15  }
0x2e: {  	(v2sf) =	vpush v13, $0x0;
	_ =	sdelay $0x1  }
0x2f: {  	(v2sf) =	vpush v12, $0x1;
	_ =	sdelay $0x1  }
0x30: {  	(v2sf) =	vpush v13, $0x1;
	_ =	sdelay $0x1  }
0x31: {  	(v2sf) =	vpush v12, $0x2;
	_ =	sdelay $0x1  }
0x32: {  	(v2sf) =	vpush v13, $0x2;
	_ =	sdelay $0x1  }
0x33: {  	(v2sf) =	vpush v12, $0x3;
	_ =	sdelay $0x1  }
0x34: {  	(v2sf) =	vpush v13, $0x3  }
0x35: {  	v9 =	vld [tilespmem:s28+$0x0];
	s2 =	spop (v2sf)  }
0x36: {  	v8 =	vld [tilespmem:s29+$0x0];
	(v2sf) =	vpush v12, $0x4;
	[tilespmem:s11], [sflag:$0x1] =	stream.strided.gather [hbm4b:s2+s11], $0x2000, s10, s11, $0x38  }
0x37: {  	s8 =	spop (v2sf)  }
0x38: {  	(v2sf) =	vpush v13, $0x4;
	[tilespmem:s12], [sflag:$0x2] =	stream.strided.gather [hbm4b:s8+s11], $0x2000, s10, s11, $0x38;
	[tilespmem:$0x1C400] =	vst v63  }
0x39: {  	s3 =	spop (v2sf)  }
0x3a: {  	[tilespmem:s13], [sflag:$0x1] =	stream.strided.gather [hbm4b:s3+s11], $0x2000, s10, s11, $0x38;
	[tilespmem:$0x1C400] =	vst v63  }
0x3b: {  	s4 =	spop (v2sf)  }
0x3c: {  	[tilespmem:s14], [sflag:$0x2] =	stream.strided.gather [hbm4b:s4+s11], $0x2000, s10, s11, $0x38;
	[tilespmem:$0x1C400] =	vst v63  }
0x3d: {  	s5 =	spop (v2sf)  }
0x3e: {  	[tilespmem:s15], [sflag:$0x1] =	stream.strided.gather [hbm4b:s5+s11], $0x2000, s10, s11, $0x38;
	[tilespmem:$0x1C400] =	vst v63  }
0x3f: {  	s6 =	spop (v2sf)  }
0x40: {  	[tilespmem:s16], [sflag:$0x2] =	stream.strided.gather [hbm4b:s6+s11], $0x2000, s10, s11, $0x38;
	[tilespmem:$0x1C400] =	vst v63  }
0x41: {  	s8 =	spop (v2sf)  }
0x42: {  	[tilespmem:s17], [sflag:$0x1] =	stream.strided.gather [hbm4b:s8+s11], $0x2000, s10, s11, $0x38;
	[tilespmem:$0x1C400] =	vst v63  }
0x43: {  	s3 =	spop (v2sf)  }
0x44: {  	[tilespmem:s18], [sflag:$0x2] =	stream.strided.gather [hbm4b:s3+s11], $0x2000, s10, s11, $0x38;
	[tilespmem:$0x1C400] =	vst v63  }
0x45: {  	s4 =	spop (v2sf)  }
0x46: {  	[tilespmem:s19], [sflag:$0x1] =	stream.strided.gather [hbm4b:s4+s11], $0x2000, s10, s11, $0x38;
	[tilespmem:$0x1C400] =	vst v63  }
0x47: {  	s5 =	spop (v2sf)  }
0x48: {  	[tilespmem:s20], [sflag:$0x2] =	stream.strided.gather [hbm4b:s5+s11], $0x2000, s10, s11, $0x38;
	[tilespmem:$0x1C400] =	vst v63  }
0x49: {  	_ =	swait.ge [sflag:s21], $0x2000  }
0x4a: {  	[sflag:s21] =	ssyncset.done $0x0  }
0x4b: {  	[sflag:s21] =	ssyncadd.s32 $0xFFFFE000  }
0x4c: {  	_ =	swait.ge [sflag:s22], $0x2000  }
0x4d: {  	(v2sf) =	vpush v12, $0x5  }
0x4e: {  	v10 =	vsub.s32 v10, v14;
	(v2sf) =	vpush v13, $0x5  }
0x4f: {  	v11 =	vsub.s32 v11, v15;
	(v2sf) =	vpush v10, $0x0  }
0x50: {  	(v2sf) =	vpush v11, $0x0;
	_ =	sdelay $0xb  }
0x51: {  	s6 =	spop (v2sf)  }
0x52: {  	s3 =	spop (v2sf)  }
0x53: {  	s8 =	spop (v2sf)  }
0x54: {  	[sflag:s22] =	ssyncset.done $0x0;
	s4 =	spop (v2sf);
	p2 =	slt.s32 s8, $0x7F  }
0x55: {  	p0 =	slt.s32 s8, $0x80;
	s8 =	simm.s32 @!p2 $0x7F;
	p2 =	slt.s32 s4, $0x7F  }
0x56: {  	[sflag:s22] =	ssyncadd.s32 $0xFFFFE000;
	p1 =	slt.s32 s4, $0x80;
	s4 =	simm.s32 @!p2 $0x7F;
	v38 =	vadd.s32 s8, v0  }
0x57: {  	[tilespmem:s23], [sflag:$0x1] =	stream.strided.gather [hbm4b:s6+s11], $0x2000, s10, s11, $0x38;
	v39 =	vadd.s32 s4, v0;
	[tilespmem:$0x1C400] =	vst v63  }
0x58: {  	_ = 	snop  }
0x59: {  	[tilespmem:s24], [sflag:$0x2] =	stream.strided.gather [hbm4b:s3+s11], $0x2000, s10, s11, $0x38;
	[tilespmem:$0x1C400] =	vst v63  }
0x5a: {  	s3 =	sand.u32 $0x7, s31  }
0x5b: {  	s2 =	sshll.u32 s3, $0x5;
	v14 =	vld.idx.msk [tilespmem:v38+s11+$0x0], $0xffff  }
0x5c: {  	v16 =	vmov s2;
	v15 =	vld.idx.msk [tilespmem:v39+s12+$0x0], $0xffff  }
0x5d: {  	v17 =	vshll.u32 v16, $0x3  }
0x5e: {  	v16 =	vand.u32 $0x60, v16;
	v17 =	vand.u32 $0x400, v17  }
0x5f: {  	s5 =	simm.f32 $1.000000000e+00;
	s6 =	simm.f32 $1.000000000e+00;
	v16 =	vor.u32 v16, v17  }
0x60: {  	s5 =	simm.s32 @!p0 $0x0;
	s6 =	simm.s32 @!p1 $0x0;
	v17 =	vor.u32 v1, v16  }
0x61: {  	v18 =	vadd.s32 s8, v2;
	v14 =	vmul.f32 s5, v14;
	v15 =	vmul.f32 s6, v15  }
0x62: {  	v19 =	vadd.s32 s4, v2  }
0x63: {  	v14 =	vadd.f32 v15, v14;
	_ =	sdelay $0x1  }
0x64: {  	[tilespmem:v17+s25+$0x0] =	vst.idx.msk $0xffff, v14  }
0x65: {  	v14 =	vld.idx.msk [tilespmem:v18+s11+$0x0], $0xffff  }
0x66: {  	v40 =	vld.idx.msk [tilespmem:v19+s12+$0x0], $0xffff;
	_ =	sdelay $0x3  }
0x67: {  	v41 =	vor.u32 v3, v16  }
0x68: {  	v42 =	vadd.s32 s8, v4;
	v14 =	vmul.f32 s5, v14;
	v15 =	vmul.f32 s6, v40  }
0x69: {  	v43 =	vadd.s32 s4, v4  }
0x6a: {  	v14 =	vadd.f32 v15, v14;
	_ =	sdelay $0x1  }
0x6b: {  	[tilespmem:v41+s25+$0x0] =	vst.idx.msk $0xffff, v14  }
0x6c: {  	v14 =	vld.idx.msk [tilespmem:v42+s11+$0x0], $0xffff  }
0x6d: {  	v44 =	vld.idx.msk [tilespmem:v43+s12+$0x0], $0xffff;
	_ =	sdelay $0x3  }
0x6e: {  	v45 =	vor.u32 v5, v16  }
0x6f: {  	v46 =	vadd.s32 s8, v6;
	v14 =	vmul.f32 s5, v14;
	v15 =	vmul.f32 s6, v44  }
0x70: {  	v47 =	vadd.s32 s4, v6  }
0x71: {  	v14 =	vadd.f32 v15, v14;
	_ =	sdelay $0x1  }
0x72: {  	[tilespmem:v45+s25+$0x0] =	vst.idx.msk $0xffff, v14  }
0x73: {  	v14 =	vld.idx.msk [tilespmem:v46+s11+$0x0], $0xffff  }
0x74: {  	v48 =	vld.idx.msk [tilespmem:v47+s12+$0x0], $0xffff;
	_ =	sdelay $0x3  }
0x75: {  	v16 =	vor.u32 v7, v16  }
0x76: {  	v14 =	vmul.f32 s5, v14;
	v15 =	vmul.f32 s6, v48;
	_ =	sdelay $0x1  }
0x77: {  	v14 =	vadd.f32 v15, v14;
	_ =	sdelay $0x1  }
0x78: {  	[tilespmem:v16+s25+$0x0] =	vst.idx.msk $0xffff, v14  }
0x79: {  	_ =	swait.ge [sflag:s21], $0x2000  }
0x7a: {  	[sflag:s21] =	ssyncset.done $0x0  }
0x7b: {  	[sflag:s21] =	ssyncadd.s32 $0xFFFFE000  }
0x7c: {  	_ =	swait.ge [sflag:s22], $0x2000  }
0x7d: {  	(v2sf) =	vpush v12, $0x6  }
0x7e: {  	(v2sf) =	vpush v13, $0x6  }
0x7f: {  	(v2sf) =	vpush v10, $0x1  }
0x80: {  	(v2sf) =	vpush v11, $0x1;
	_ =	sdelay $0xb  }
0x81: {  	s4 =	spop (v2sf)  }
0x82: {  	s5 =	spop (v2sf)  }
0x83: {  	s6 =	spop (v2sf)  }
0x84: {  	s8 =	spop (v2sf);
	p2 =	slt.s32 s6, $0x7F  }
0x85: {  	p0 =	slt.s32 s6, $0x80;
	s6 =	simm.s32 @!p2 $0x7F;
	p2 =	slt.s32 s8, $0x7F  }
0x86: {  	[sflag:s22] =	ssyncset.done $0x0;
	p1 =	slt.s32 s8, $0x80;
	s8 =	simm.s32 @!p2 $0x7F;
	v49 =	vadd.s32 s6, v0  }
0x87: {  	[sflag:s22] =	ssyncadd.s32 $0xFFFFE000;
	v50 =	vadd.s32 s8, v0  }
0x88: {  	[tilespmem:s11], [sflag:$0x1] =	stream.strided.gather [hbm4b:s4+s11], $0x2000, s10, s11, $0x38;
	[tilespmem:$0x1C400] =	vst v63  }
0x89: {  	_ = 	snop  }
0x8a: {  	[tilespmem:s12], [sflag:$0x2] =	stream.strided.gather [hbm4b:s5+s11], $0x2000, s10, s11, $0x38;
	[tilespmem:$0x1C400] =	vst v63  }
0x8b: {  	s5 =	sor.u32 $0x1, s2;
	v14 =	vld.idx.msk [tilespmem:v49+s13+$0x0], $0xffff  }
0x8c: {  	v51 =	vmov s5;
	v15 =	vld.idx.msk [tilespmem:v50+s14+$0x0], $0xffff  }
0x8d: {  	v52 =	vshll.u32 v51, $0x3  }
0x8e: {  	v16 =	vand.u32 $0x61, v51;
	v17 =	vand.u32 $0x400, v52  }
0x8f: {  	s4 =	simm.f32 $1.000000000e+00;
	s5 =	simm.f32 $1.000000000e+00;
	v16 =	vor.u32 v16, v17  }
0x90: {  	s4 =	simm.s32 @!p0 $0x0;
	s5 =	simm.s32 @!p1 $0x0;
	v17 =	vor.u32 v1, v16  }
0x91: {  	v53 =	vadd.s32 s6, v2;
	v14 =	vmul.f32 s4, v14;
	v15 =	vmul.f32 s5, v15  }
0x92: {  	v54 =	vadd.s32 s8, v2  }
0x93: {  	v14 =	vadd.f32 v15, v14;
	_ =	sdelay $0x1  }
0x94: {  	[tilespmem:v17+s25+$0x0] =	vst.idx.msk $0xffff, v14  }
0x95: {  	v14 =	vld.idx.msk [tilespmem:v53+s13+$0x0], $0xffff  }
0x96: {  	v55 =	vld.idx.msk [tilespmem:v54+s14+$0x0], $0xffff;
	_ =	sdelay $0x3  }
0x97: {  	v56 =	vor.u32 v3, v16  }
0x98: {  	v57 =	vadd.s32 s6, v4;
	v14 =	vmul.f32 s4, v14;
	v15 =	vmul.f32 s5, v55  }
0x99: {  	v58 =	vadd.s32 s8, v4  }
0x9a: {  	v14 =	vadd.f32 v15, v14;
	_ =	sdelay $0x1  }
0x9b: {  	[tilespmem:v56+s25+$0x0] =	vst.idx.msk $0xffff, v14  }
0x9c: {  	v14 =	vld.idx.msk [tilespmem:v57+s13+$0x0], $0xffff  }
0x9d: {  	v59 =	vld.idx.msk [tilespmem:v58+s14+$0x0], $0xffff;
	_ =	sdelay $0x3  }
0x9e: {  	v60 =	vor.u32 v5, v16  }
0x9f: {  	v61 =	vadd.s32 s6, v6;
	v14 =	vmul.f32 s4, v14;
	v15 =	vmul.f32 s5, v59  }
0xa0: {  	v62 =	vadd.s32 s8, v6  }
0xa1: {  	v14 =	vadd.f32 v15, v14;
	_ =	sdelay $0x1  }
0xa2: {  	[tilespmem:v60+s25+$0x0] =	vst.idx.msk $0xffff, v14  }
0xa3: {  	v14 =	vld.idx.msk [tilespmem:v61+s13+$0x0], $0xffff  }
0xa4: {  	v63 =	vld.idx.msk [tilespmem:v62+s14+$0x0], $0xffff;
	_ =	sdelay $0x3  }
0xa5: {  	v16 =	vor.u32 v7, v16  }
0xa6: {  	v14 =	vmul.f32 s4, v14;
	v15 =	vmul.f32 s5, v63;
	_ =	sdelay $0x1  }
0xa7: {  	v14 =	vadd.f32 v15, v14;
	_ =	sdelay $0x1  }
0xa8: {  	[tilespmem:v16+s25+$0x0] =	vst.idx.msk $0xffff, v14  }
0xa9: {  	_ =	swait.ge [sflag:s21], $0x2000  }
0xaa: {  	[sflag:s21] =	ssyncset.done $0x0  }
0xab: {  	[sflag:s21] =	ssyncadd.s32 $0xFFFFE000  }
0xac: {  	_ =	swait.ge [sflag:s22], $0x2000  }
0xad: {  	(v2sf) =	vpush v12, $0x7  }
0xae: {  	(v2sf) =	vpush v13, $0x7  }
0xaf: {  	(v2sf) =	vpush v10, $0x2  }
0xb0: {  	(v2sf) =	vpush v11, $0x2;
	_ =	sdelay $0xb  }
0xb1: {  	s4 =	spop (v2sf)  }
0xb2: {  	s5 =	spop (v2sf)  }
0xb3: {  	s6 =	spop (v2sf)  }
0xb4: {  	s8 =	spop (v2sf);
	p2 =	slt.s32 s6, $0x7F  }
0xb5: {  	p0 =	slt.s32 s6, $0x80;
	s6 =	simm.s32 @!p2 $0x7F;
	p2 =	slt.s32 s8, $0x7F  }
0xb6: {  	[sflag:s22] =	ssyncset.done $0x0;
	p1 =	slt.s32 s8, $0x80;
	s8 =	simm.s32 @!p2 $0x7F;
	v19 =	vadd.s32 s6, v0  }
0xb7: {  	[sflag:s22] =	ssyncadd.s32 $0xFFFFE000;
	v20 =	vadd.s32 s8, v0  }
0xb8: {  	[tilespmem:s13], [sflag:$0x1] =	stream.strided.gather [hbm4b:s4+s11], $0x2000, s10, s11, $0x38;
	[tilespmem:$0x1C400] =	vst v63  }
0xb9: {  	_ = 	snop  }
0xba: {  	[tilespmem:s14], [sflag:$0x2] =	stream.strided.gather [hbm4b:s5+s11], $0x2000, s10, s11, $0x38;
	[tilespmem:$0x1C400] =	vst v63  }
0xbb: {  	s5 =	sor.u32 $0x2, s2;
	v14 =	vld.idx.msk [tilespmem:v19+s15+$0x0], $0xffff  }
0xbc: {  	v21 =	vmov s5;
	v15 =	vld.idx.msk [tilespmem:v20+s16+$0x0], $0xffff  }
0xbd: {  	v22 =	vshll.u32 v21, $0x3  }
0xbe: {  	v16 =	vand.u32 $0x62, v21;
	v17 =	vand.u32 $0x400, v22  }
0xbf: {  	s4 =	simm.f32 $1.000000000e+00;
	s5 =	simm.f32 $1.000000000e+00;
	v16 =	vor.u32 v16, v17  }
0xc0: {  	s4 =	simm.s32 @!p0 $0x0;
	s5 =	simm.s32 @!p1 $0x0;
	v17 =	vor.u32 v1, v16  }
0xc1: {  	v23 =	vadd.s32 s6, v2;
	v14 =	vmul.f32 s4, v14;
	v15 =	vmul.f32 s5, v15  }
0xc2: {  	v24 =	vadd.s32 s8, v2  }
0xc3: {  	v14 =	vadd.f32 v15, v14;
	_ =	sdelay $0x1  }
0xc4: {  	[tilespmem:v17+s25+$0x0] =	vst.idx.msk $0xffff, v14  }
0xc5: {  	v14 =	vld.idx.msk [tilespmem:v23+s15+$0x0], $0xffff  }
0xc6: {  	v25 =	vld.idx.msk [tilespmem:v24+s16+$0x0], $0xffff;
	_ =	sdelay $0x3  }
0xc7: {  	v26 =	vor.u32 v3, v16  }
0xc8: {  	v27 =	vadd.s32 s6, v4;
	v14 =	vmul.f32 s4, v14;
	v15 =	vmul.f32 s5, v25  }
0xc9: {  	v28 =	vadd.s32 s8, v4  }
0xca: {  	v14 =	vadd.f32 v15, v14;
	_ =	sdelay $0x1  }
0xcb: {  	[tilespmem:v26+s25+$0x0] =	vst.idx.msk $0xffff, v14  }
0xcc: {  	v14 =	vld.idx.msk [tilespmem:v27+s15+$0x0], $0xffff  }
0xcd: {  	v29 =	vld.idx.msk [tilespmem:v28+s16+$0x0], $0xffff;
	_ =	sdelay $0x3  }
0xce: {  	v30 =	vor.u32 v5, v16  }
0xcf: {  	v31 =	vadd.s32 s6, v6;
	v14 =	vmul.f32 s4, v14;
	v15 =	vmul.f32 s5, v29  }
0xd0: {  	v32 =	vadd.s32 s8, v6  }
0xd1: {  	v14 =	vadd.f32 v15, v14;
	_ =	sdelay $0x1  }
0xd2: {  	[tilespmem:v30+s25+$0x0] =	vst.idx.msk $0xffff, v14  }
0xd3: {  	v14 =	vld.idx.msk [tilespmem:v31+s15+$0x0], $0xffff  }
0xd4: {  	v33 =	vld.idx.msk [tilespmem:v32+s16+$0x0], $0xffff;
	_ =	sdelay $0x3  }
0xd5: {  	v16 =	vor.u32 v7, v16  }
0xd6: {  	v14 =	vmul.f32 s4, v14;
	v15 =	vmul.f32 s5, v33;
	_ =	sdelay $0x1  }
0xd7: {  	v14 =	vadd.f32 v15, v14;
	_ =	sdelay $0x1  }
0xd8: {  	[tilespmem:v16+s25+$0x0] =	vst.idx.msk $0xffff, v14  }
0xd9: {  	_ =	swait.ge [sflag:s21], $0x2000  }
0xda: {  	[sflag:s21] =	ssyncset.done $0x0  }
0xdb: {  	[sflag:s21] =	ssyncadd.s32 $0xFFFFE000  }
0xdc: {  	_ =	swait.ge [sflag:s22], $0x2000  }
0xdd: {  	(v2sf) =	vpush v12, $0x8  }
0xde: {  	(v2sf) =	vpush v13, $0x8  }
0xdf: {  	(v2sf) =	vpush v10, $0x3  }
0xe0: {  	(v2sf) =	vpush v11, $0x3;
	_ =	sdelay $0xb  }
0xe1: {  	s4 =	spop (v2sf)  }
0xe2: {  	s5 =	spop (v2sf)  }
0xe3: {  	s6 =	spop (v2sf)  }
0xe4: {  	s8 =	spop (v2sf);
	p2 =	slt.s32 s6, $0x7F  }
0xe5: {  	p0 =	slt.s32 s6, $0x80;
	s6 =	simm.s32 @!p2 $0x7F;
	p2 =	slt.s32 s8, $0x7F  }
0xe6: {  	[sflag:s22] =	ssyncset.done $0x0;
	p1 =	slt.s32 s8, $0x80;
	s8 =	simm.s32 @!p2 $0x7F;
	v34 =	vadd.s32 s6, v0  }
0xe7: {  	[sflag:s22] =	ssyncadd.s32 $0xFFFFE000;
	v35 =	vadd.s32 s8, v0  }
0xe8: {  	[tilespmem:s15], [sflag:$0x1] =	stream.strided.gather [hbm4b:s4+s11], $0x2000, s10, s11, $0x38;
	[tilespmem:$0x1C400] =	vst v63  }
0xe9: {  	_ = 	snop  }
0xea: {  	[tilespmem:s16], [sflag:$0x2] =	stream.strided.gather [hbm4b:s5+s11], $0x2000, s10, s11, $0x38;
	[tilespmem:$0x1C400] =	vst v63  }
0xeb: {  	s5 =	sor.u32 $0x3, s2;
	v14 =	vld.idx.msk [tilespmem:v34+s17+$0x0], $0xffff  }
0xec: {  	v36 =	vmov s5;
	v15 =	vld.idx.msk [tilespmem:v35+s18+$0x0], $0xffff  }
0xed: {  	v37 =	vshll.u32 v36, $0x3  }
0xee: {  	v16 =	vand.u32 $0x63, v36;
	v17 =	vand.u32 $0x400, v37  }
0xef: {  	s4 =	simm.f32 $1.000000000e+00;
	s5 =	simm.f32 $1.000000000e+00;
	v16 =	vor.u32 v16, v17  }
0xf0: {  	s4 =	simm.s32 @!p0 $0x0;
	s5 =	simm.s32 @!p1 $0x0;
	v17 =	vor.u32 v1, v16  }
0xf1: {  	v38 =	vadd.s32 s6, v2;
	v14 =	vmul.f32 s4, v14;
	v15 =	vmul.f32 s5, v15  }
0xf2: {  	v39 =	vadd.s32 s8, v2  }
0xf3: {  	v14 =	vadd.f32 v15, v14;
	_ =	sdelay $0x1  }
0xf4: {  	[tilespmem:v17+s25+$0x0] =	vst.idx.msk $0xffff, v14  }
0xf5: {  	v14 =	vld.idx.msk [tilespmem:v38+s17+$0x0], $0xffff  }
0xf6: {  	v40 =	vld.idx.msk [tilespmem:v39+s18+$0x0], $0xffff;
	_ =	sdelay $0x3  }
0xf7: {  	v41 =	vor.u32 v3, v16  }
0xf8: {  	v42 =	vadd.s32 s6, v4;
	v14 =	vmul.f32 s4, v14;
	v15 =	vmul.f32 s5, v40  }
0xf9: {  	v43 =	vadd.s32 s8, v4  }
0xfa: {  	v14 =	vadd.f32 v15, v14;
	_ =	sdelay $0x1  }
0xfb: {  	[tilespmem:v41+s25+$0x0] =	vst.idx.msk $0xffff, v14  }
0xfc: {  	v14 =	vld.idx.msk [tilespmem:v42+s17+$0x0], $0xffff  }
0xfd: {  	v44 =	vld.idx.msk [tilespmem:v43+s18+$0x0], $0xffff;
	_ =	sdelay $0x3  }
0xfe: {  	v45 =	vor.u32 v5, v16  }
0xff: {  	v46 =	vadd.s32 s6, v6;
	v14 =	vmul.f32 s4, v14;
	v15 =	vmul.f32 s5, v44  }
0x100: {  	v47 =	vadd.s32 s8, v6  }
0x101: {  	v14 =	vadd.f32 v15, v14;
	_ =	sdelay $0x1  }
0x102: {  	[tilespmem:v45+s25+$0x0] =	vst.idx.msk $0xffff, v14  }
0x103: {  	v14 =	vld.idx.msk [tilespmem:v46+s17+$0x0], $0xffff  }
0x104: {  	v48 =	vld.idx.msk [tilespmem:v47+s18+$0x0], $0xffff;
	_ =	sdelay $0x3  }
0x105: {  	v16 =	vor.u32 v7, v16  }
0x106: {  	v14 =	vmul.f32 s4, v14;
	v15 =	vmul.f32 s5, v48;
	_ =	sdelay $0x1  }
0x107: {  	v14 =	vadd.f32 v15, v14;
	_ =	sdelay $0x1  }
0x108: {  	[tilespmem:v16+s25+$0x0] =	vst.idx.msk $0xffff, v14  }
0x109: {  	_ =	swait.ge [sflag:s21], $0x2000  }
0x10a: {  	[sflag:s21] =	ssyncset.done $0x0  }
0x10b: {  	[sflag:s21] =	ssyncadd.s32 $0xFFFFE000  }
0x10c: {  	_ =	swait.ge [sflag:s22], $0x2000  }
0x10d: {  	(v2sf) =	vpush v12, $0x9  }
0x10e: {  	(v2sf) =	vpush v13, $0x9  }
0x10f: {  	(v2sf) =	vpush v10, $0x4  }
0x110: {  	(v2sf) =	vpush v11, $0x4;
	_ =	sdelay $0xb  }
0x111: {  	s4 =	spop (v2sf)  }
0x112: {  	s5 =	spop (v2sf)  }
0x113: {  	s6 =	spop (v2sf)  }
0x114: {  	s8 =	spop (v2sf);
	p2 =	slt.s32 s6, $0x7F  }
0x115: {  	p0 =	slt.s32 s6, $0x80;
	s6 =	simm.s32 @!p2 $0x7F;
	p2 =	slt.s32 s8, $0x7F  }
0x116: {  	[sflag:s22] =	ssyncset.done $0x0;
	p1 =	slt.s32 s8, $0x80;
	s8 =	simm.s32 @!p2 $0x7F;
	v49 =	vadd.s32 s6, v0  }
0x117: {  	[sflag:s22] =	ssyncadd.s32 $0xFFFFE000;
	v50 =	vadd.s32 s8, v0  }
0x118: {  	[tilespmem:s17], [sflag:$0x1] =	stream.strided.gather [hbm4b:s4+s11], $0x2000, s10, s11, $0x38;
	[tilespmem:$0x1C400] =	vst v63  }
0x119: {  	_ = 	snop  }
0x11a: {  	[tilespmem:s18], [sflag:$0x2] =	stream.strided.gather [hbm4b:s5+s11], $0x2000, s10, s11, $0x38;
	[tilespmem:$0x1C400] =	vst v63  }
0x11b: {  	s5 =	sor.u32 $0x4, s2;
	v14 =	vld.idx.msk [tilespmem:v49+s19+$0x0], $0xffff  }
0x11c: {  	v51 =	vmov s5;
	v15 =	vld.idx.msk [tilespmem:v50+s20+$0x0], $0xffff  }
0x11d: {  	v52 =	vshll.u32 v51, $0x3  }
0x11e: {  	v16 =	vand.u32 $0x64, v51;
	v17 =	vand.u32 $0x400, v52  }
0x11f: {  	s4 =	simm.f32 $1.000000000e+00;
	s5 =	simm.f32 $1.000000000e+00;
	v16 =	vor.u32 v16, v17  }
0x120: {  	s4 =	simm.s32 @!p0 $0x0;
	s5 =	simm.s32 @!p1 $0x0;
	v17 =	vor.u32 v1, v16  }
0x121: {  	v53 =	vadd.s32 s6, v2;
	v14 =	vmul.f32 s4, v14;
	v15 =	vmul.f32 s5, v15  }
0x122: {  	v54 =	vadd.s32 s8, v2  }
0x123: {  	v14 =	vadd.f32 v15, v14;
	_ =	sdelay $0x1  }
0x124: {  	[tilespmem:v17+s25+$0x0] =	vst.idx.msk $0xffff, v14  }
0x125: {  	v14 =	vld.idx.msk [tilespmem:v53+s19+$0x0], $0xffff  }
0x126: {  	v55 =	vld.idx.msk [tilespmem:v54+s20+$0x0], $0xffff;
	_ =	sdelay $0x3  }
0x127: {  	v56 =	vor.u32 v3, v16  }
0x128: {  	v57 =	vadd.s32 s6, v4;
	v14 =	vmul.f32 s4, v14;
	v15 =	vmul.f32 s5, v55  }
0x129: {  	v58 =	vadd.s32 s8, v4  }
0x12a: {  	v14 =	vadd.f32 v15, v14;
	_ =	sdelay $0x1  }
0x12b: {  	[tilespmem:v56+s25+$0x0] =	vst.idx.msk $0xffff, v14  }
0x12c: {  	v14 =	vld.idx.msk [tilespmem:v57+s19+$0x0], $0xffff  }
0x12d: {  	v59 =	vld.idx.msk [tilespmem:v58+s20+$0x0], $0xffff;
	_ =	sdelay $0x3  }
0x12e: {  	v60 =	vor.u32 v5, v16  }
0x12f: {  	v61 =	vadd.s32 s6, v6;
	v14 =	vmul.f32 s4, v14;
	v15 =	vmul.f32 s5, v59  }
0x130: {  	v62 =	vadd.s32 s8, v6  }
0x131: {  	v14 =	vadd.f32 v15, v14;
	_ =	sdelay $0x1  }
0x132: {  	[tilespmem:v60+s25+$0x0] =	vst.idx.msk $0xffff, v14  }
0x133: {  	v14 =	vld.idx.msk [tilespmem:v61+s19+$0x0], $0xffff  }
0x134: {  	v63 =	vld.idx.msk [tilespmem:v62+s20+$0x0], $0xffff;
	_ =	sdelay $0x3  }
0x135: {  	v16 =	vor.u32 v7, v16  }
0x136: {  	v14 =	vmul.f32 s4, v14;
	v15 =	vmul.f32 s5, v63;
	_ =	sdelay $0x1  }
0x137: {  	v14 =	vadd.f32 v15, v14;
	_ =	sdelay $0x1  }
0x138: {  	[tilespmem:v16+s25+$0x0] =	vst.idx.msk $0xffff, v14  }
0x139: {  	_ =	swait.ge [sflag:s21], $0x2000  }
0x13a: {  	[sflag:s21] =	ssyncset.done $0x0  }
0x13b: {  	[sflag:s21] =	ssyncadd.s32 $0xFFFFE000  }
0x13c: {  	_ =	swait.ge [sflag:s22], $0x2000  }
0x13d: {  	(v2sf) =	vpush v12, $0xA  }
0x13e: {  	(v2sf) =	vpush v13, $0xA  }
0x13f: {  	(v2sf) =	vpush v10, $0x5  }
0x140: {  	(v2sf) =	vpush v11, $0x5;
	_ =	sdelay $0xb  }
0x141: {  	s4 =	spop (v2sf)  }
0x142: {  	s5 =	spop (v2sf)  }
0x143: {  	s6 =	spop (v2sf)  }
0x144: {  	s8 =	spop (v2sf);
	p2 =	slt.s32 s6, $0x7F  }
0x145: {  	p0 =	slt.s32 s6, $0x80;
	s6 =	simm.s32 @!p2 $0x7F;
	p2 =	slt.s32 s8, $0x7F  }
0x146: {  	[sflag:s22] =	ssyncset.done $0x0;
	p1 =	slt.s32 s8, $0x80;
	s8 =	simm.s32 @!p2 $0x7F;
	v19 =	vadd.s32 s6, v0  }
0x147: {  	[sflag:s22] =	ssyncadd.s32 $0xFFFFE000;
	v20 =	vadd.s32 s8, v0  }
0x148: {  	[tilespmem:s19], [sflag:$0x1] =	stream.strided.gather [hbm4b:s4+s11], $0x2000, s10, s11, $0x38;
	[tilespmem:$0x1C400] =	vst v63  }
0x149: {  	_ = 	snop  }
0x14a: {  	[tilespmem:s20], [sflag:$0x2] =	stream.strided.gather [hbm4b:s5+s11], $0x2000, s10, s11, $0x38;
	[tilespmem:$0x1C400] =	vst v63  }
0x14b: {  	s5 =	sor.u32 $0x5, s2;
	v14 =	vld.idx.msk [tilespmem:v19+s23+$0x0], $0xffff  }
0x14c: {  	v21 =	vmov s5;
	v15 =	vld.idx.msk [tilespmem:v20+s24+$0x0], $0xffff  }
0x14d: {  	v22 =	vshll.u32 v21, $0x3  }
0x14e: {  	v16 =	vand.u32 $0x65, v21;
	v17 =	vand.u32 $0x400, v22  }
0x14f: {  	s4 =	simm.f32 $1.000000000e+00;
	s5 =	simm.f32 $1.000000000e+00;
	v16 =	vor.u32 v16, v17  }
0x150: {  	s4 =	simm.s32 @!p0 $0x0;
	s5 =	simm.s32 @!p1 $0x0;
	v17 =	vor.u32 v1, v16  }
0x151: {  	v23 =	vadd.s32 s6, v2;
	v14 =	vmul.f32 s4, v14;
	v15 =	vmul.f32 s5, v15  }
0x152: {  	v24 =	vadd.s32 s8, v2  }
0x153: {  	v14 =	vadd.f32 v15, v14;
	_ =	sdelay $0x1  }
0x154: {  	[tilespmem:v17+s25+$0x0] =	vst.idx.msk $0xffff, v14  }
0x155: {  	v14 =	vld.idx.msk [tilespmem:v23+s23+$0x0], $0xffff  }
0x156: {  	v25 =	vld.idx.msk [tilespmem:v24+s24+$0x0], $0xffff;
	_ =	sdelay $0x3  }
0x157: {  	v26 =	vor.u32 v3, v16  }
0x158: {  	v27 =	vadd.s32 s6, v4;
	v14 =	vmul.f32 s4, v14;
	v15 =	vmul.f32 s5, v25  }
0x159: {  	v28 =	vadd.s32 s8, v4  }
0x15a: {  	v14 =	vadd.f32 v15, v14;
	_ =	sdelay $0x1  }
0x15b: {  	[tilespmem:v26+s25+$0x0] =	vst.idx.msk $0xffff, v14  }
0x15c: {  	v14 =	vld.idx.msk [tilespmem:v27+s23+$0x0], $0xffff  }
0x15d: {  	v29 =	vld.idx.msk [tilespmem:v28+s24+$0x0], $0xffff;
	_ =	sdelay $0x3  }
0x15e: {  	v30 =	vor.u32 v5, v16  }
0x15f: {  	v31 =	vadd.s32 s6, v6;
	v14 =	vmul.f32 s4, v14;
	v15 =	vmul.f32 s5, v29  }
0x160: {  	v32 =	vadd.s32 s8, v6  }
0x161: {  	v14 =	vadd.f32 v15, v14;
	_ =	sdelay $0x1  }
0x162: {  	[tilespmem:v30+s25+$0x0] =	vst.idx.msk $0xffff, v14  }
0x163: {  	v14 =	vld.idx.msk [tilespmem:v31+s23+$0x0], $0xffff  }
0x164: {  	v33 =	vld.idx.msk [tilespmem:v32+s24+$0x0], $0xffff;
	_ =	sdelay $0x3  }
0x165: {  	v16 =	vor.u32 v7, v16  }
0x166: {  	v14 =	vmul.f32 s4, v14;
	v15 =	vmul.f32 s5, v33;
	_ =	sdelay $0x1  }
0x167: {  	v14 =	vadd.f32 v15, v14;
	_ =	sdelay $0x1  }
0x168: {  	[tilespmem:v16+s25+$0x0] =	vst.idx.msk $0xffff, v14  }
0x169: {  	_ =	swait.ge [sflag:s21], $0x2000  }
0x16a: {  	[sflag:s21] =	ssyncset.done $0x0  }
0x16b: {  	[sflag:s21] =	ssyncadd.s32 $0xFFFFE000  }
0x16c: {  	_ =	swait.ge [sflag:s22], $0x2000  }
0x16d: {  	(v2sf) =	vpush v12, $0xB  }
0x16e: {  	(v2sf) =	vpush v13, $0xB  }
0x16f: {  	(v2sf) =	vpush v10, $0x6  }
0x170: {  	(v2sf) =	vpush v11, $0x6;
	_ =	sdelay $0xb  }
0x171: {  	s4 =	spop (v2sf)  }
0x172: {  	s5 =	spop (v2sf)  }
0x173: {  	s6 =	spop (v2sf)  }
0x174: {  	s8 =	spop (v2sf);
	p2 =	slt.s32 s6, $0x7F  }
0x175: {  	p0 =	slt.s32 s6, $0x80;
	s6 =	simm.s32 @!p2 $0x7F;
	p2 =	slt.s32 s8, $0x7F  }
0x176: {  	[sflag:s22] =	ssyncset.done $0x0;
	p1 =	slt.s32 s8, $0x80;
	s8 =	simm.s32 @!p2 $0x7F;
	v34 =	vadd.s32 s6, v0  }
0x177: {  	[sflag:s22] =	ssyncadd.s32 $0xFFFFE000;
	v35 =	vadd.s32 s8, v0  }
0x178: {  	[tilespmem:s23], [sflag:$0x1] =	stream.strided.gather [hbm4b:s4+s11], $0x2000, s10, s11, $0x38;
	[tilespmem:$0x1C400] =	vst v63  }
0x179: {  	_ = 	snop  }
0x17a: {  	[tilespmem:s24], [sflag:$0x2] =	stream.strided.gather [hbm4b:s5+s11], $0x2000, s10, s11, $0x38;
	[tilespmem:$0x1C400] =	vst v63  }
0x17b: {  	s5 =	sor.u32 $0x6, s2;
	v14 =	vld.idx.msk [tilespmem:v34+s11+$0x0], $0xffff  }
0x17c: {  	v36 =	vmov s5;
	v15 =	vld.idx.msk [tilespmem:v35+s12+$0x0], $0xffff  }
0x17d: {  	v37 =	vshll.u32 v36, $0x3  }
0x17e: {  	v16 =	vand.u32 $0x66, v36;
	v17 =	vand.u32 $0x400, v37  }
0x17f: {  	s4 =	simm.f32 $1.000000000e+00;
	s5 =	simm.f32 $1.000000000e+00;
	v16 =	vor.u32 v16, v17  }
0x180: {  	s4 =	simm.s32 @!p0 $0x0;
	s5 =	simm.s32 @!p1 $0x0;
	v17 =	vor.u32 v1, v16  }
0x181: {  	v38 =	vadd.s32 s6, v2;
	v14 =	vmul.f32 s4, v14;
	v15 =	vmul.f32 s5, v15  }
0x182: {  	v39 =	vadd.s32 s8, v2  }
0x183: {  	v14 =	vadd.f32 v15, v14;
	_ =	sdelay $0x1  }
0x184: {  	[tilespmem:v17+s25+$0x0] =	vst.idx.msk $0xffff, v14  }
0x185: {  	v14 =	vld.idx.msk [tilespmem:v38+s11+$0x0], $0xffff  }
0x186: {  	v40 =	vld.idx.msk [tilespmem:v39+s12+$0x0], $0xffff;
	_ =	sdelay $0x3  }
0x187: {  	v41 =	vor.u32 v3, v16  }
0x188: {  	v42 =	vadd.s32 s6, v4;
	v14 =	vmul.f32 s4, v14;
	v15 =	vmul.f32 s5, v40  }
0x189: {  	v43 =	vadd.s32 s8, v4  }
0x18a: {  	v14 =	vadd.f32 v15, v14;
	_ =	sdelay $0x1  }
0x18b: {  	[tilespmem:v41+s25+$0x0] =	vst.idx.msk $0xffff, v14  }
0x18c: {  	v14 =	vld.idx.msk [tilespmem:v42+s11+$0x0], $0xffff  }
0x18d: {  	v44 =	vld.idx.msk [tilespmem:v43+s12+$0x0], $0xffff;
	_ =	sdelay $0x3  }
0x18e: {  	v45 =	vor.u32 v5, v16  }
0x18f: {  	v46 =	vadd.s32 s6, v6;
	v14 =	vmul.f32 s4, v14;
	v15 =	vmul.f32 s5, v44  }
0x190: {  	v47 =	vadd.s32 s8, v6  }
0x191: {  	v14 =	vadd.f32 v15, v14;
	_ =	sdelay $0x1  }
0x192: {  	[tilespmem:v45+s25+$0x0] =	vst.idx.msk $0xffff, v14  }
0x193: {  	v14 =	vld.idx.msk [tilespmem:v46+s11+$0x0], $0xffff  }
0x194: {  	v48 =	vld.idx.msk [tilespmem:v47+s12+$0x0], $0xffff;
	_ =	sdelay $0x3  }
0x195: {  	v16 =	vor.u32 v7, v16  }
0x196: {  	v14 =	vmul.f32 s4, v14;
	v15 =	vmul.f32 s5, v48;
	_ =	sdelay $0x1  }
0x197: {  	v14 =	vadd.f32 v15, v14;
	_ =	sdelay $0x1  }
0x198: {  	[tilespmem:v16+s25+$0x0] =	vst.idx.msk $0xffff, v14  }
0x199: {  	_ =	swait.ge [sflag:s21], $0x2000  }
0x19a: {  	[sflag:s21] =	ssyncset.done $0x0  }
0x19b: {  	[sflag:s21] =	ssyncadd.s32 $0xFFFFE000  }
0x19c: {  	_ =	swait.ge [sflag:s22], $0x2000  }
0x19d: {  	(v2sf) =	vpush v12, $0xC  }
0x19e: {  	(v2sf) =	vpush v13, $0xC  }
0x19f: {  	(v2sf) =	vpush v10, $0x7  }
0x1a0: {  	(v2sf) =	vpush v11, $0x7;
	_ =	sdelay $0xb  }
0x1a1: {  	s4 =	spop (v2sf)  }
0x1a2: {  	s5 =	spop (v2sf)  }
0x1a3: {  	s6 =	spop (v2sf)  }
0x1a4: {  	s8 =	spop (v2sf);
	p2 =	slt.s32 s6, $0x7F  }
0x1a5: {  	p0 =	slt.s32 s6, $0x80;
	s6 =	simm.s32 @!p2 $0x7F;
	p2 =	slt.s32 s8, $0x7F  }
0x1a6: {  	[sflag:s22] =	ssyncset.done $0x0;
	p1 =	slt.s32 s8, $0x80;
	s8 =	simm.s32 @!p2 $0x7F;
	v49 =	vadd.s32 s6, v0  }
0x1a7: {  	[sflag:s22] =	ssyncadd.s32 $0xFFFFE000;
	v50 =	vadd.s32 s8, v0  }
0x1a8: {  	[tilespmem:s11], [sflag:$0x1] =	stream.strided.gather [hbm4b:s4+s11], $0x2000, s10, s11, $0x38;
	[tilespmem:$0x1C400] =	vst v63  }
0x1a9: {  	_ = 	snop  }
0x1aa: {  	[tilespmem:s12], [sflag:$0x2] =	stream.strided.gather [hbm4b:s5+s11], $0x2000, s10, s11, $0x38;
	[tilespmem:$0x1C400] =	vst v63  }
0x1ab: {  	s5 =	sor.u32 $0x7, s2;
	v14 =	vld.idx.msk [tilespmem:v49+s13+$0x0], $0xffff  }
0x1ac: {  	v51 =	vmov s5;
	v15 =	vld.idx.msk [tilespmem:v50+s14+$0x0], $0xffff  }
0x1ad: {  	v52 =	vshll.u32 v51, $0x3  }
0x1ae: {  	v16 =	vand.u32 $0x67, v51;
	v17 =	vand.u32 $0x400, v52  }
0x1af: {  	s4 =	simm.f32 $1.000000000e+00;
	s5 =	simm.f32 $1.000000000e+00;
	v16 =	vor.u32 v16, v17  }
0x1b0: {  	s4 =	simm.s32 @!p0 $0x0;
	s5 =	simm.s32 @!p1 $0x0;
	v17 =	vor.u32 v1, v16  }
0x1b1: {  	v53 =	vadd.s32 s6, v2;
	v14 =	vmul.f32 s4, v14;
	v15 =	vmul.f32 s5, v15  }
0x1b2: {  	v54 =	vadd.s32 s8, v2  }
0x1b3: {  	v14 =	vadd.f32 v15, v14;
	_ =	sdelay $0x1  }
0x1b4: {  	[tilespmem:v17+s25+$0x0] =	vst.idx.msk $0xffff, v14  }
0x1b5: {  	v14 =	vld.idx.msk [tilespmem:v53+s13+$0x0], $0xffff  }
0x1b6: {  	v55 =	vld.idx.msk [tilespmem:v54+s14+$0x0], $0xffff;
	_ =	sdelay $0x3  }
0x1b7: {  	v56 =	vor.u32 v3, v16  }
0x1b8: {  	v57 =	vadd.s32 s6, v4;
	v14 =	vmul.f32 s4, v14;
	v15 =	vmul.f32 s5, v55  }
0x1b9: {  	v58 =	vadd.s32 s8, v4  }
0x1ba: {  	v14 =	vadd.f32 v15, v14;
	_ =	sdelay $0x1  }
0x1bb: {  	[tilespmem:v56+s25+$0x0] =	vst.idx.msk $0xffff, v14  }
0x1bc: {  	v14 =	vld.idx.msk [tilespmem:v57+s13+$0x0], $0xffff  }
0x1bd: {  	v59 =	vld.idx.msk [tilespmem:v58+s14+$0x0], $0xffff;
	_ =	sdelay $0x3  }
0x1be: {  	v60 =	vor.u32 v5, v16  }
0x1bf: {  	v61 =	vadd.s32 s6, v6;
	v14 =	vmul.f32 s4, v14;
	v15 =	vmul.f32 s5, v59  }
0x1c0: {  	v62 =	vadd.s32 s8, v6  }
0x1c1: {  	v14 =	vadd.f32 v15, v14;
	_ =	sdelay $0x1  }
0x1c2: {  	[tilespmem:v60+s25+$0x0] =	vst.idx.msk $0xffff, v14  }
0x1c3: {  	v14 =	vld.idx.msk [tilespmem:v61+s13+$0x0], $0xffff  }
0x1c4: {  	v63 =	vld.idx.msk [tilespmem:v62+s14+$0x0], $0xffff;
	_ =	sdelay $0x3  }
0x1c5: {  	v16 =	vor.u32 v7, v16  }
0x1c6: {  	v14 =	vmul.f32 s4, v14;
	v15 =	vmul.f32 s5, v63;
	_ =	sdelay $0x1  }
0x1c7: {  	v14 =	vadd.f32 v15, v14;
	_ =	sdelay $0x1  }
0x1c8: {  	[tilespmem:v16+s25+$0x0] =	vst.idx.msk $0xffff, v14  }
0x1c9: {  	_ =	swait.ge [sflag:s21], $0x2000  }
0x1ca: {  	[sflag:s21] =	ssyncset.done $0x0  }
0x1cb: {  	[sflag:s21] =	ssyncadd.s32 $0xFFFFE000  }
0x1cc: {  	_ =	swait.ge [sflag:s22], $0x2000  }
0x1cd: {  	(v2sf) =	vpush v12, $0xD  }
0x1ce: {  	(v2sf) =	vpush v13, $0xD  }
0x1cf: {  	(v2sf) =	vpush v10, $0x8  }
0x1d0: {  	(v2sf) =	vpush v11, $0x8;
	_ =	sdelay $0xb  }
0x1d1: {  	s4 =	spop (v2sf)  }
0x1d2: {  	s5 =	spop (v2sf)  }
0x1d3: {  	s6 =	spop (v2sf)  }
0x1d4: {  	s8 =	spop (v2sf);
	p2 =	slt.s32 s6, $0x7F  }
0x1d5: {  	p0 =	slt.s32 s6, $0x80;
	s6 =	simm.s32 @!p2 $0x7F;
	p2 =	slt.s32 s8, $0x7F  }
0x1d6: {  	[sflag:s22] =	ssyncset.done $0x0;
	p1 =	slt.s32 s8, $0x80;
	s8 =	simm.s32 @!p2 $0x7F;
	v20 =	vadd.s32 s6, v0  }
0x1d7: {  	[sflag:s22] =	ssyncadd.s32 $0xFFFFE000;
	v21 =	vadd.s32 s8, v0  }
0x1d8: {  	[tilespmem:s13], [sflag:$0x1] =	stream.strided.gather [hbm4b:s4+s11], $0x2000, s10, s11, $0x38;
	[tilespmem:$0x1C400] =	vst v63  }
0x1d9: {  	_ = 	snop  }
0x1da: {  	[tilespmem:s14], [sflag:$0x2] =	stream.strided.gather [hbm4b:s5+s11], $0x2000, s10, s11, $0x38;
	[tilespmem:$0x1C400] =	vst v63  }
0x1db: {  	s5 =	sor.u32 $0x8, s2;
	v14 =	vld.idx.msk [tilespmem:v20+s15+$0x0], $0xffff  }
0x1dc: {  	v22 =	vmov s5;
	v15 =	vld.idx.msk [tilespmem:v21+s16+$0x0], $0xffff  }
0x1dd: {  	v23 =	vshll.u32 v22, $0x3  }
0x1de: {  	v16 =	vand.u32 $0x68, v22;
	v17 =	vand.u32 $0x400, v23  }
0x1df: {  	s4 =	simm.f32 $1.000000000e+00;
	s5 =	simm.f32 $1.000000000e+00;
	v16 =	vor.u32 v16, v17  }
0x1e0: {  	s4 =	simm.s32 @!p0 $0x0;
	s5 =	simm.s32 @!p1 $0x0;
	v17 =	vor.u32 v1, v16  }
0x1e1: {  	v24 =	vadd.s32 s6, v2;
	v14 =	vmul.f32 s4, v14;
	v15 =	vmul.f32 s5, v15  }
0x1e2: {  	v25 =	vadd.s32 s8, v2  }
0x1e3: {  	v14 =	vadd.f32 v15, v14;
	_ =	sdelay $0x1  }
0x1e4: {  	[tilespmem:v17+s25+$0x0] =	vst.idx.msk $0xffff, v14  }
0x1e5: {  	v14 =	vld.idx.msk [tilespmem:v24+s15+$0x0], $0xffff  }
0x1e6: {  	v26 =	vld.idx.msk [tilespmem:v25+s16+$0x0], $0xffff;
	_ =	sdelay $0x3  }
0x1e7: {  	v27 =	vor.u32 v3, v16  }
0x1e8: {  	v28 =	vadd.s32 s6, v4;
	v14 =	vmul.f32 s4, v14;
	v15 =	vmul.f32 s5, v26  }
0x1e9: {  	v29 =	vadd.s32 s8, v4  }
0x1ea: {  	v14 =	vadd.f32 v15, v14;
	_ =	sdelay $0x1  }
0x1eb: {  	[tilespmem:v27+s25+$0x0] =	vst.idx.msk $0xffff, v14  }
0x1ec: {  	v14 =	vld.idx.msk [tilespmem:v28+s15+$0x0], $0xffff  }
0x1ed: {  	v30 =	vld.idx.msk [tilespmem:v29+s16+$0x0], $0xffff;
	_ =	sdelay $0x3  }
0x1ee: {  	v31 =	vor.u32 v5, v16  }
0x1ef: {  	v32 =	vadd.s32 s6, v6;
	v14 =	vmul.f32 s4, v14;
	v15 =	vmul.f32 s5, v30  }
0x1f0: {  	v33 =	vadd.s32 s8, v6  }
0x1f1: {  	v14 =	vadd.f32 v15, v14;
	_ =	sdelay $0x1  }
0x1f2: {  	[tilespmem:v31+s25+$0x0] =	vst.idx.msk $0xffff, v14  }
0x1f3: {  	v14 =	vld.idx.msk [tilespmem:v32+s15+$0x0], $0xffff  }
0x1f4: {  	v34 =	vld.idx.msk [tilespmem:v33+s16+$0x0], $0xffff;
	_ =	sdelay $0x3  }
0x1f5: {  	v16 =	vor.u32 v7, v16  }
0x1f6: {  	v14 =	vmul.f32 s4, v14;
	v15 =	vmul.f32 s5, v34;
	_ =	sdelay $0x1  }
0x1f7: {  	v14 =	vadd.f32 v15, v14;
	_ =	sdelay $0x1  }
0x1f8: {  	[tilespmem:v16+s25+$0x0] =	vst.idx.msk $0xffff, v14  }
0x1f9: {  	_ =	swait.ge [sflag:s21], $0x2000  }
0x1fa: {  	[sflag:s21] =	ssyncset.done $0x0  }
0x1fb: {  	[sflag:s21] =	ssyncadd.s32 $0xFFFFE000  }
0x1fc: {  	_ =	swait.ge [sflag:s22], $0x2000  }
0x1fd: {  	(v2sf) =	vpush v12, $0xE  }
0x1fe: {  	(v2sf) =	vpush v13, $0xE  }
0x1ff: {  	(v2sf) =	vpush v10, $0x9  }
0x200: {  	(v2sf) =	vpush v11, $0x9;
	_ =	sdelay $0xb  }
0x201: {  	s4 =	spop (v2sf)  }
0x202: {  	s5 =	spop (v2sf)  }
0x203: {  	s6 =	spop (v2sf)  }
0x204: {  	s8 =	spop (v2sf);
	p2 =	slt.s32 s6, $0x7F  }
0x205: {  	p0 =	slt.s32 s6, $0x80;
	s6 =	simm.s32 @!p2 $0x7F;
	p2 =	slt.s32 s8, $0x7F  }
0x206: {  	[sflag:s22] =	ssyncset.done $0x0;
	p1 =	slt.s32 s8, $0x80;
	s8 =	simm.s32 @!p2 $0x7F;
	v35 =	vadd.s32 s6, v0  }
0x207: {  	[sflag:s22] =	ssyncadd.s32 $0xFFFFE000;
	v36 =	vadd.s32 s8, v0  }
0x208: {  	[tilespmem:s15], [sflag:$0x1] =	stream.strided.gather [hbm4b:s4+s11], $0x2000, s10, s11, $0x38;
	[tilespmem:$0x1C400] =	vst v63  }
0x209: {  	_ = 	snop  }
0x20a: {  	[tilespmem:s16], [sflag:$0x2] =	stream.strided.gather [hbm4b:s5+s11], $0x2000, s10, s11, $0x38;
	[tilespmem:$0x1C400] =	vst v63  }
0x20b: {  	s5 =	sor.u32 $0x9, s2;
	v14 =	vld.idx.msk [tilespmem:v35+s17+$0x0], $0xffff  }
0x20c: {  	v37 =	vmov s5;
	v15 =	vld.idx.msk [tilespmem:v36+s18+$0x0], $0xffff  }
0x20d: {  	v38 =	vshll.u32 v37, $0x3  }
0x20e: {  	v16 =	vand.u32 $0x69, v37;
	v17 =	vand.u32 $0x400, v38  }
0x20f: {  	s4 =	simm.f32 $1.000000000e+00;
	s5 =	simm.f32 $1.000000000e+00;
	v16 =	vor.u32 v16, v17  }
0x210: {  	s4 =	simm.s32 @!p0 $0x0;
	s5 =	simm.s32 @!p1 $0x0;
	v17 =	vor.u32 v1, v16  }
0x211: {  	v39 =	vadd.s32 s6, v2;
	v14 =	vmul.f32 s4, v14;
	v15 =	vmul.f32 s5, v15  }
0x212: {  	v40 =	vadd.s32 s8, v2  }
0x213: {  	v14 =	vadd.f32 v15, v14;
	_ =	sdelay $0x1  }
0x214: {  	[tilespmem:v17+s25+$0x0] =	vst.idx.msk $0xffff, v14  }
0x215: {  	v14 =	vld.idx.msk [tilespmem:v39+s17+$0x0], $0xffff  }
0x216: {  	v41 =	vld.idx.msk [tilespmem:v40+s18+$0x0], $0xffff;
	_ =	sdelay $0x3  }
0x217: {  	v42 =	vor.u32 v3, v16  }
0x218: {  	v43 =	vadd.s32 s6, v4;
	v14 =	vmul.f32 s4, v14;
	v15 =	vmul.f32 s5, v41  }
0x219: {  	v44 =	vadd.s32 s8, v4  }
0x21a: {  	v14 =	vadd.f32 v15, v14;
	_ =	sdelay $0x1  }
0x21b: {  	[tilespmem:v42+s25+$0x0] =	vst.idx.msk $0xffff, v14  }
0x21c: {  	v14 =	vld.idx.msk [tilespmem:v43+s17+$0x0], $0xffff  }
0x21d: {  	v45 =	vld.idx.msk [tilespmem:v44+s18+$0x0], $0xffff;
	_ =	sdelay $0x3  }
0x21e: {  	v46 =	vor.u32 v5, v16  }
0x21f: {  	v47 =	vadd.s32 s6, v6;
	v14 =	vmul.f32 s4, v14;
	v15 =	vmul.f32 s5, v45  }
0x220: {  	v48 =	vadd.s32 s8, v6  }
0x221: {  	v14 =	vadd.f32 v15, v14;
	_ =	sdelay $0x1  }
0x222: {  	[tilespmem:v46+s25+$0x0] =	vst.idx.msk $0xffff, v14  }
0x223: {  	v14 =	vld.idx.msk [tilespmem:v47+s17+$0x0], $0xffff  }
0x224: {  	v49 =	vld.idx.msk [tilespmem:v48+s18+$0x0], $0xffff;
	_ =	sdelay $0x3  }
0x225: {  	v16 =	vor.u32 v7, v16  }
0x226: {  	v14 =	vmul.f32 s4, v14;
	v15 =	vmul.f32 s5, v49;
	_ =	sdelay $0x1  }
0x227: {  	v14 =	vadd.f32 v15, v14;
	_ =	sdelay $0x1  }
0x228: {  	[tilespmem:v16+s25+$0x0] =	vst.idx.msk $0xffff, v14  }
0x229: {  	_ =	swait.ge [sflag:s21], $0x2000  }
0x22a: {  	[sflag:s21] =	ssyncset.done $0x0  }
0x22b: {  	[sflag:s21] =	ssyncadd.s32 $0xFFFFE000  }
0x22c: {  	_ =	swait.ge [sflag:s22], $0x2000  }
0x22d: {  	(v2sf) =	vpush v12, $0xF  }
0x22e: {  	(v2sf) =	vpush v13, $0xF  }
0x22f: {  	(v2sf) =	vpush v10, $0xA  }
0x230: {  	(v2sf) =	vpush v11, $0xA;
	_ =	sdelay $0xb  }
0x231: {  	s4 =	spop (v2sf)  }
0x232: {  	s5 =	spop (v2sf)  }
0x233: {  	s6 =	spop (v2sf)  }
0x234: {  	s8 =	spop (v2sf);
	p2 =	slt.s32 s6, $0x7F  }
0x235: {  	p0 =	slt.s32 s6, $0x80;
	s6 =	simm.s32 @!p2 $0x7F;
	p2 =	slt.s32 s8, $0x7F  }
0x236: {  	[sflag:s22] =	ssyncset.done $0x0;
	p1 =	slt.s32 s8, $0x80;
	s8 =	simm.s32 @!p2 $0x7F;
	v50 =	vadd.s32 s6, v0  }
0x237: {  	[sflag:s22] =	ssyncadd.s32 $0xFFFFE000;
	v51 =	vadd.s32 s8, v0  }
0x238: {  	[tilespmem:s17], [sflag:$0x1] =	stream.strided.gather [hbm4b:s4+s11], $0x2000, s10, s11, $0x38;
	[tilespmem:$0x1C400] =	vst v63  }
0x239: {  	_ = 	snop  }
0x23a: {  	[tilespmem:s18], [sflag:$0x2] =	stream.strided.gather [hbm4b:s5+s11], $0x2000, s10, s11, $0x38;
	[tilespmem:$0x1C400] =	vst v63  }
0x23b: {  	s5 =	sor.u32 $0xA, s2;
	v12 =	vld.idx.msk [tilespmem:v50+s19+$0x0], $0xffff  }
0x23c: {  	v52 =	vmov s5;
	v13 =	vld.idx.msk [tilespmem:v51+s20+$0x0], $0xffff  }
0x23d: {  	v53 =	vshll.u32 v52, $0x3  }
0x23e: {  	v14 =	vand.u32 $0x6A, v52;
	v15 =	vand.u32 $0x400, v53  }
0x23f: {  	s4 =	simm.f32 $1.000000000e+00;
	s5 =	simm.f32 $1.000000000e+00;
	v14 =	vor.u32 v14, v15  }
0x240: {  	s4 =	simm.s32 @!p0 $0x0;
	s5 =	simm.s32 @!p1 $0x0;
	v15 =	vor.u32 v1, v14  }
0x241: {  	v54 =	vadd.s32 s6, v2;
	v12 =	vmul.f32 s4, v12;
	v13 =	vmul.f32 s5, v13  }
0x242: {  	v55 =	vadd.s32 s8, v2  }
0x243: {  	v12 =	vadd.f32 v13, v12;
	_ =	sdelay $0x1  }
0x244: {  	[tilespmem:v15+s25+$0x0] =	vst.idx.msk $0xffff, v12  }
0x245: {  	v12 =	vld.idx.msk [tilespmem:v54+s19+$0x0], $0xffff  }
0x246: {  	v56 =	vld.idx.msk [tilespmem:v55+s20+$0x0], $0xffff;
	_ =	sdelay $0x3  }
0x247: {  	v57 =	vor.u32 v3, v14  }
0x248: {  	v58 =	vadd.s32 s6, v4;
	v12 =	vmul.f32 s4, v12;
	v13 =	vmul.f32 s5, v56  }
0x249: {  	v59 =	vadd.s32 s8, v4  }
0x24a: {  	v12 =	vadd.f32 v13, v12;
	_ =	sdelay $0x1  }
0x24b: {  	[tilespmem:v57+s25+$0x0] =	vst.idx.msk $0xffff, v12  }
0x24c: {  	v12 =	vld.idx.msk [tilespmem:v58+s19+$0x0], $0xffff  }
0x24d: {  	v60 =	vld.idx.msk [tilespmem:v59+s20+$0x0], $0xffff;
	_ =	sdelay $0x3  }
0x24e: {  	v61 =	vor.u32 v5, v14  }
0x24f: {  	v62 =	vadd.s32 s6, v6;
	v12 =	vmul.f32 s4, v12;
	v13 =	vmul.f32 s5, v60  }
0x250: {  	v63 =	vadd.s32 s8, v6  }
0x251: {  	v12 =	vadd.f32 v13, v12;
	_ =	sdelay $0x1  }
0x252: {  	[tilespmem:v61+s25+$0x0] =	vst.idx.msk $0xffff, v12  }
0x253: {  	v12 =	vld.idx.msk [tilespmem:v62+s19+$0x0], $0xffff  }
0x254: {  	v18 =	vld.idx.msk [tilespmem:v63+s20+$0x0], $0xffff;
	_ =	sdelay $0x3  }
0x255: {  	v14 =	vor.u32 v7, v14  }
0x256: {  	v12 =	vmul.f32 s4, v12;
	v13 =	vmul.f32 s5, v18;
	_ =	sdelay $0x1  }
0x257: {  	v12 =	vadd.f32 v13, v12;
	_ =	sdelay $0x1  }
0x258: {  	[tilespmem:v14+s25+$0x0] =	vst.idx.msk $0xffff, v12  }
0x259: {  	v19 =	vshrl.u32 v8, $0x7;
	_ =	swait.ge [sflag:s21], $0x2000  }
0x25a: {  	v20 =	vshrl.u32 v9, $0x7;
	v12 =	vmin.u32 v19, $0x1E83;
	[sflag:s21] =	ssyncset.done $0x0  }
0x25b: {  	v13 =	vmin.u32 v20, $0x1E83;
	v14 =	vshll.u32 v12, $0x7;
	[sflag:s21] =	ssyncadd.s32 $0xFFFFE000  }
0x25c: {  	v15 =	vshll.u32 v13, $0x7;
	v12 =	vadd.s32 s0, v14;
	_ =	swait.ge [sflag:s22], $0x2000  }
0x25d: {  	v13 =	vadd.s32 s1, v15;
	(v2sf) =	vpush v12, $0x0  }
0x25e: {  	(v2sf) =	vpush v13, $0x0  }
0x25f: {  	(v2sf) =	vpush v10, $0xB  }
0x260: {  	(v2sf) =	vpush v11, $0xB;
	_ =	sdelay $0xb  }
0x261: {  	s4 =	spop (v2sf)  }
0x262: {  	s5 =	spop (v2sf)  }
0x263: {  	s6 =	spop (v2sf)  }
0x264: {  	s8 =	spop (v2sf);
	p2 =	slt.s32 s6, $0x7F  }
0x265: {  	p0 =	slt.s32 s6, $0x80;
	s6 =	simm.s32 @!p2 $0x7F;
	p2 =	slt.s32 s8, $0x7F  }
0x266: {  	[sflag:s22] =	ssyncset.done $0x0;
	p1 =	slt.s32 s8, $0x80;
	s8 =	simm.s32 @!p2 $0x7F;
	v21 =	vadd.s32 s6, v0  }
0x267: {  	[sflag:s22] =	ssyncadd.s32 $0xFFFFE000;
	v22 =	vadd.s32 s8, v0  }
0x268: {  	[tilespmem:s19], [sflag:$0x1] =	stream.strided.gather [hbm4b:s4+s11], $0x2000, s10, s11, $0x38;
	[tilespmem:$0x1C400] =	vst v63  }
0x269: {  	_ = 	snop  }
0x26a: {  	[tilespmem:s20], [sflag:$0x2] =	stream.strided.gather [hbm4b:s5+s11], $0x2000, s10, s11, $0x38;
	[tilespmem:$0x1C400] =	vst v63  }
0x26b: {  	s5 =	sor.u32 $0xB, s2;
	v16 =	vld.idx.msk [tilespmem:v21+s23+$0x0], $0xffff  }
0x26c: {  	v23 =	vmov s5;
	v17 =	vld.idx.msk [tilespmem:v22+s24+$0x0], $0xffff  }
0x26d: {  	v24 =	vshll.u32 v23, $0x3  }
0x26e: {  	v18 =	vand.u32 $0x6B, v23;
	v19 =	vand.u32 $0x400, v24  }
0x26f: {  	s4 =	simm.f32 $1.000000000e+00;
	s5 =	simm.f32 $1.000000000e+00;
	v18 =	vor.u32 v18, v19  }
0x270: {  	s4 =	simm.s32 @!p0 $0x0;
	s5 =	simm.s32 @!p1 $0x0;
	v19 =	vor.u32 v1, v18  }
0x271: {  	v20 =	vadd.s32 s6, v2;
	v16 =	vmul.f32 s4, v16;
	v17 =	vmul.f32 s5, v17  }
0x272: {  	v21 =	vadd.s32 s8, v2  }
0x273: {  	v16 =	vadd.f32 v17, v16;
	_ =	sdelay $0x1  }
0x274: {  	[tilespmem:v19+s25+$0x0] =	vst.idx.msk $0xffff, v16  }
0x275: {  	v16 =	vld.idx.msk [tilespmem:v20+s23+$0x0], $0xffff  }
0x276: {  	v25 =	vld.idx.msk [tilespmem:v21+s24+$0x0], $0xffff;
	_ =	sdelay $0x3  }
0x277: {  	v26 =	vor.u32 v3, v18  }
0x278: {  	v27 =	vadd.s32 s6, v4;
	v16 =	vmul.f32 s4, v16;
	v17 =	vmul.f32 s5, v25  }
0x279: {  	v28 =	vadd.s32 s8, v4  }
0x27a: {  	v16 =	vadd.f32 v17, v16;
	_ =	sdelay $0x1  }
0x27b: {  	[tilespmem:v26+s25+$0x0] =	vst.idx.msk $0xffff, v16  }
0x27c: {  	v16 =	vld.idx.msk [tilespmem:v27+s23+$0x0], $0xffff  }
0x27d: {  	v29 =	vld.idx.msk [tilespmem:v28+s24+$0x0], $0xffff;
	_ =	sdelay $0x3  }
0x27e: {  	v30 =	vor.u32 v5, v18  }
0x27f: {  	v31 =	vadd.s32 s6, v6;
	v16 =	vmul.f32 s4, v16;
	v17 =	vmul.f32 s5, v29  }
0x280: {  	v32 =	vadd.s32 s8, v6  }
0x281: {  	v16 =	vadd.f32 v17, v16;
	_ =	sdelay $0x1  }
0x282: {  	[tilespmem:v30+s25+$0x0] =	vst.idx.msk $0xffff, v16  }
0x283: {  	v16 =	vld.idx.msk [tilespmem:v31+s23+$0x0], $0xffff  }
0x284: {  	v33 =	vld.idx.msk [tilespmem:v32+s24+$0x0], $0xffff;
	_ =	sdelay $0x3  }
0x285: {  	v18 =	vor.u32 v7, v18  }
0x286: {  	v16 =	vmul.f32 s4, v16;
	v17 =	vmul.f32 s5, v33;
	_ =	sdelay $0x1  }
0x287: {  	v16 =	vadd.f32 v17, v16;
	_ =	sdelay $0x1  }
0x288: {  	[tilespmem:v18+s25+$0x0] =	vst.idx.msk $0xffff, v16  }
0x289: {  	_ =	swait.ge [sflag:s21], $0x2000  }
0x28a: {  	[sflag:s21] =	ssyncset.done $0x0  }
0x28b: {  	[sflag:s21] =	ssyncadd.s32 $0xFFFFE000  }
0x28c: {  	_ =	swait.ge [sflag:s22], $0x2000  }
0x28d: {  	(v2sf) =	vpush v12, $0x1  }
0x28e: {  	(v2sf) =	vpush v13, $0x1  }
0x28f: {  	(v2sf) =	vpush v10, $0xC  }
0x290: {  	(v2sf) =	vpush v11, $0xC;
	_ =	sdelay $0xb  }
0x291: {  	s4 =	spop (v2sf)  }
0x292: {  	s5 =	spop (v2sf)  }
0x293: {  	s6 =	spop (v2sf)  }
0x294: {  	s8 =	spop (v2sf);
	p2 =	slt.s32 s6, $0x7F  }
0x295: {  	p0 =	slt.s32 s6, $0x80;
	s6 =	simm.s32 @!p2 $0x7F;
	p2 =	slt.s32 s8, $0x7F  }
0x296: {  	[sflag:s22] =	ssyncset.done $0x0;
	p1 =	slt.s32 s8, $0x80;
	s8 =	simm.s32 @!p2 $0x7F;
	v34 =	vadd.s32 s6, v0  }
0x297: {  	[sflag:s22] =	ssyncadd.s32 $0xFFFFE000;
	v35 =	vadd.s32 s8, v0  }
0x298: {  	[tilespmem:s23], [sflag:$0x1] =	stream.strided.gather [hbm4b:s4+s11], $0x2000, s10, s11, $0x38;
	[tilespmem:$0x1C400] =	vst v63  }
0x299: {  	_ = 	snop  }
0x29a: {  	[tilespmem:s24], [sflag:$0x2] =	stream.strided.gather [hbm4b:s5+s11], $0x2000, s10, s11, $0x38;
	[tilespmem:$0x1C400] =	vst v63  }
0x29b: {  	s5 =	sor.u32 $0xC, s2;
	v16 =	vld.idx.msk [tilespmem:v34+s11+$0x0], $0xffff  }
0x29c: {  	v36 =	vmov s5;
	v17 =	vld.idx.msk [tilespmem:v35+s12+$0x0], $0xffff  }
0x29d: {  	v37 =	vshll.u32 v36, $0x3  }
0x29e: {  	v18 =	vand.u32 $0x6C, v36;
	v19 =	vand.u32 $0x400, v37  }
0x29f: {  	s4 =	simm.f32 $1.000000000e+00;
	s5 =	simm.f32 $1.000000000e+00;
	v18 =	vor.u32 v18, v19  }
0x2a0: {  	s4 =	simm.s32 @!p0 $0x0;
	s5 =	simm.s32 @!p1 $0x0;
	v19 =	vor.u32 v1, v18  }
0x2a1: {  	v38 =	vadd.s32 s6, v2;
	v16 =	vmul.f32 s4, v16;
	v17 =	vmul.f32 s5, v17  }
0x2a2: {  	v39 =	vadd.s32 s8, v2  }
0x2a3: {  	v16 =	vadd.f32 v17, v16;
	_ =	sdelay $0x1  }
0x2a4: {  	[tilespmem:v19+s25+$0x0] =	vst.idx.msk $0xffff, v16  }
0x2a5: {  	v16 =	vld.idx.msk [tilespmem:v38+s11+$0x0], $0xffff  }
0x2a6: {  	v40 =	vld.idx.msk [tilespmem:v39+s12+$0x0], $0xffff;
	_ =	sdelay $0x3  }
0x2a7: {  	v41 =	vor.u32 v3, v18  }
0x2a8: {  	v42 =	vadd.s32 s6, v4;
	v16 =	vmul.f32 s4, v16;
	v17 =	vmul.f32 s5, v40  }
0x2a9: {  	v43 =	vadd.s32 s8, v4  }
0x2aa: {  	v16 =	vadd.f32 v17, v16;
	_ =	sdelay $0x1  }
0x2ab: {  	[tilespmem:v41+s25+$0x0] =	vst.idx.msk $0xffff, v16  }
0x2ac: {  	v16 =	vld.idx.msk [tilespmem:v42+s11+$0x0], $0xffff  }
0x2ad: {  	v44 =	vld.idx.msk [tilespmem:v43+s12+$0x0], $0xffff;
	_ =	sdelay $0x3  }
0x2ae: {  	v45 =	vor.u32 v5, v18  }
0x2af: {  	v46 =	vadd.s32 s6, v6;
	v16 =	vmul.f32 s4, v16;
	v17 =	vmul.f32 s5, v44  }
0x2b0: {  	v47 =	vadd.s32 s8, v6  }
0x2b1: {  	v16 =	vadd.f32 v17, v16;
	_ =	sdelay $0x1  }
0x2b2: {  	[tilespmem:v45+s25+$0x0] =	vst.idx.msk $0xffff, v16  }
0x2b3: {  	v16 =	vld.idx.msk [tilespmem:v46+s11+$0x0], $0xffff  }
0x2b4: {  	v48 =	vld.idx.msk [tilespmem:v47+s12+$0x0], $0xffff;
	_ =	sdelay $0x3  }
0x2b5: {  	v18 =	vor.u32 v7, v18  }
0x2b6: {  	v16 =	vmul.f32 s4, v16;
	v17 =	vmul.f32 s5, v48;
	_ =	sdelay $0x1  }
0x2b7: {  	v16 =	vadd.f32 v17, v16;
	_ =	sdelay $0x1  }
0x2b8: {  	[tilespmem:v18+s25+$0x0] =	vst.idx.msk $0xffff, v16  }
0x2b9: {  	_ =	swait.ge [sflag:s21], $0x2000  }
0x2ba: {  	[sflag:s21] =	ssyncset.done $0x0  }
0x2bb: {  	[sflag:s21] =	ssyncadd.s32 $0xFFFFE000  }
0x2bc: {  	_ =	swait.ge [sflag:s22], $0x2000  }
0x2bd: {  	(v2sf) =	vpush v12, $0x2  }
0x2be: {  	(v2sf) =	vpush v13, $0x2  }
0x2bf: {  	(v2sf) =	vpush v10, $0xD  }
0x2c0: {  	(v2sf) =	vpush v11, $0xD;
	_ =	sdelay $0xb  }
0x2c1: {  	s4 =	spop (v2sf)  }
0x2c2: {  	s5 =	spop (v2sf)  }
0x2c3: {  	s6 =	spop (v2sf)  }
0x2c4: {  	s8 =	spop (v2sf);
	p2 =	slt.s32 s6, $0x7F  }
0x2c5: {  	p0 =	slt.s32 s6, $0x80;
	s6 =	simm.s32 @!p2 $0x7F;
	p2 =	slt.s32 s8, $0x7F  }
0x2c6: {  	[sflag:s22] =	ssyncset.done $0x0;
	p1 =	slt.s32 s8, $0x80;
	s8 =	simm.s32 @!p2 $0x7F;
	v49 =	vadd.s32 s6, v0  }
0x2c7: {  	[sflag:s22] =	ssyncadd.s32 $0xFFFFE000;
	v50 =	vadd.s32 s8, v0  }
0x2c8: {  	[tilespmem:s11], [sflag:$0x1] =	stream.strided.gather [hbm4b:s4+s11], $0x2000, s10, s11, $0x38;
	[tilespmem:$0x1C400] =	vst v63  }
0x2c9: {  	_ = 	snop  }
0x2ca: {  	[tilespmem:s12], [sflag:$0x2] =	stream.strided.gather [hbm4b:s5+s11], $0x2000, s10, s11, $0x38;
	[tilespmem:$0x1C400] =	vst v63  }
0x2cb: {  	s5 =	sor.u32 $0xD, s2;
	v16 =	vld.idx.msk [tilespmem:v49+s13+$0x0], $0xffff  }
0x2cc: {  	v51 =	vmov s5;
	v17 =	vld.idx.msk [tilespmem:v50+s14+$0x0], $0xffff  }
0x2cd: {  	v52 =	vshll.u32 v51, $0x3  }
0x2ce: {  	v18 =	vand.u32 $0x6D, v51;
	v19 =	vand.u32 $0x400, v52  }
0x2cf: {  	s4 =	simm.f32 $1.000000000e+00;
	s5 =	simm.f32 $1.000000000e+00;
	v18 =	vor.u32 v18, v19  }
0x2d0: {  	s4 =	simm.s32 @!p0 $0x0;
	s5 =	simm.s32 @!p1 $0x0;
	v19 =	vor.u32 v1, v18  }
0x2d1: {  	v53 =	vadd.s32 s6, v2;
	v16 =	vmul.f32 s4, v16;
	v17 =	vmul.f32 s5, v17  }
0x2d2: {  	v54 =	vadd.s32 s8, v2  }
0x2d3: {  	v16 =	vadd.f32 v17, v16;
	_ =	sdelay $0x1  }
0x2d4: {  	[tilespmem:v19+s25+$0x0] =	vst.idx.msk $0xffff, v16  }
0x2d5: {  	v16 =	vld.idx.msk [tilespmem:v53+s13+$0x0], $0xffff  }
0x2d6: {  	v55 =	vld.idx.msk [tilespmem:v54+s14+$0x0], $0xffff;
	_ =	sdelay $0x3  }
0x2d7: {  	v56 =	vor.u32 v3, v18  }
0x2d8: {  	v57 =	vadd.s32 s6, v4;
	v16 =	vmul.f32 s4, v16;
	v17 =	vmul.f32 s5, v55  }
0x2d9: {  	v58 =	vadd.s32 s8, v4  }
0x2da: {  	v16 =	vadd.f32 v17, v16;
	_ =	sdelay $0x1  }
0x2db: {  	[tilespmem:v56+s25+$0x0] =	vst.idx.msk $0xffff, v16  }
0x2dc: {  	v16 =	vld.idx.msk [tilespmem:v57+s13+$0x0], $0xffff  }
0x2dd: {  	v59 =	vld.idx.msk [tilespmem:v58+s14+$0x0], $0xffff;
	_ =	sdelay $0x3  }
0x2de: {  	v60 =	vor.u32 v5, v18  }
0x2df: {  	v61 =	vadd.s32 s6, v6;
	v16 =	vmul.f32 s4, v16;
	v17 =	vmul.f32 s5, v59  }
0x2e0: {  	v62 =	vadd.s32 s8, v6  }
0x2e1: {  	v16 =	vadd.f32 v17, v16;
	_ =	sdelay $0x1  }
0x2e2: {  	[tilespmem:v60+s25+$0x0] =	vst.idx.msk $0xffff, v16  }
0x2e3: {  	v16 =	vld.idx.msk [tilespmem:v61+s13+$0x0], $0xffff  }
0x2e4: {  	v63 =	vld.idx.msk [tilespmem:v62+s14+$0x0], $0xffff;
	_ =	sdelay $0x3  }
0x2e5: {  	v18 =	vor.u32 v7, v18  }
0x2e6: {  	v16 =	vmul.f32 s4, v16;
	v17 =	vmul.f32 s5, v63;
	_ =	sdelay $0x1  }
0x2e7: {  	v16 =	vadd.f32 v17, v16;
	_ =	sdelay $0x1  }
0x2e8: {  	[tilespmem:v18+s25+$0x0] =	vst.idx.msk $0xffff, v16  }
0x2e9: {  	_ =	swait.ge [sflag:s21], $0x2000  }
0x2ea: {  	[sflag:s21] =	ssyncset.done $0x0  }
0x2eb: {  	[sflag:s21] =	ssyncadd.s32 $0xFFFFE000  }
0x2ec: {  	_ =	swait.ge [sflag:s22], $0x2000  }
0x2ed: {  	(v2sf) =	vpush v12, $0x3  }
0x2ee: {  	(v2sf) =	vpush v13, $0x3  }
0x2ef: {  	(v2sf) =	vpush v10, $0xE  }
0x2f0: {  	(v2sf) =	vpush v11, $0xE;
	_ =	sdelay $0xb  }
0x2f1: {  	s4 =	spop (v2sf)  }
0x2f2: {  	s5 =	spop (v2sf)  }
0x2f3: {  	s6 =	spop (v2sf)  }
0x2f4: {  	s8 =	spop (v2sf);
	p2 =	slt.s32 s6, $0x7F  }
0x2f5: {  	p0 =	slt.s32 s6, $0x80;
	s6 =	simm.s32 @!p2 $0x7F;
	p2 =	slt.s32 s8, $0x7F  }
0x2f6: {  	[sflag:s22] =	ssyncset.done $0x0;
	p1 =	slt.s32 s8, $0x80;
	s8 =	simm.s32 @!p2 $0x7F;
	v20 =	vadd.s32 s6, v0  }
0x2f7: {  	[sflag:s22] =	ssyncadd.s32 $0xFFFFE000;
	v21 =	vadd.s32 s8, v0  }
0x2f8: {  	[tilespmem:s13], [sflag:$0x1] =	stream.strided.gather [hbm4b:s4+s11], $0x2000, s10, s11, $0x38;
	[tilespmem:$0x1C400] =	vst v63  }
0x2f9: {  	_ = 	snop  }
0x2fa: {  	[tilespmem:s14], [sflag:$0x2] =	stream.strided.gather [hbm4b:s5+s11], $0x2000, s10, s11, $0x38;
	[tilespmem:$0x1C400] =	vst v63  }
0x2fb: {  	s5 =	sor.u32 $0xE, s2;
	v16 =	vld.idx.msk [tilespmem:v20+s15+$0x0], $0xffff  }
0x2fc: {  	v22 =	vmov s5;
	v17 =	vld.idx.msk [tilespmem:v21+s16+$0x0], $0xffff  }
0x2fd: {  	v23 =	vshll.u32 v22, $0x3  }
0x2fe: {  	v18 =	vand.u32 $0x6E, v22;
	v19 =	vand.u32 $0x400, v23  }
0x2ff: {  	s4 =	simm.f32 $1.000000000e+00;
	s5 =	simm.f32 $1.000000000e+00;
	v18 =	vor.u32 v18, v19  }
0x300: {  	s4 =	simm.s32 @!p0 $0x0;
	s5 =	simm.s32 @!p1 $0x0;
	v19 =	vor.u32 v1, v18  }
0x301: {  	v24 =	vadd.s32 s6, v2;
	v16 =	vmul.f32 s4, v16;
	v17 =	vmul.f32 s5, v17  }
0x302: {  	v25 =	vadd.s32 s8, v2  }
0x303: {  	v16 =	vadd.f32 v17, v16;
	_ =	sdelay $0x1  }
0x304: {  	[tilespmem:v19+s25+$0x0] =	vst.idx.msk $0xffff, v16  }
0x305: {  	v16 =	vld.idx.msk [tilespmem:v24+s15+$0x0], $0xffff  }
0x306: {  	v26 =	vld.idx.msk [tilespmem:v25+s16+$0x0], $0xffff;
	_ =	sdelay $0x3  }
0x307: {  	v27 =	vor.u32 v3, v18  }
0x308: {  	v28 =	vadd.s32 s6, v4;
	v16 =	vmul.f32 s4, v16;
	v17 =	vmul.f32 s5, v26  }
0x309: {  	v29 =	vadd.s32 s8, v4  }
0x30a: {  	v16 =	vadd.f32 v17, v16;
	_ =	sdelay $0x1  }
0x30b: {  	[tilespmem:v27+s25+$0x0] =	vst.idx.msk $0xffff, v16  }
0x30c: {  	v16 =	vld.idx.msk [tilespmem:v28+s15+$0x0], $0xffff  }
0x30d: {  	v30 =	vld.idx.msk [tilespmem:v29+s16+$0x0], $0xffff;
	_ =	sdelay $0x3  }
0x30e: {  	v31 =	vor.u32 v5, v18  }
0x30f: {  	v32 =	vadd.s32 s6, v6;
	v16 =	vmul.f32 s4, v16;
	v17 =	vmul.f32 s5, v30  }
0x310: {  	v33 =	vadd.s32 s8, v6  }
0x311: {  	v16 =	vadd.f32 v17, v16;
	_ =	sdelay $0x1  }
0x312: {  	[tilespmem:v31+s25+$0x0] =	vst.idx.msk $0xffff, v16  }
0x313: {  	v16 =	vld.idx.msk [tilespmem:v32+s15+$0x0], $0xffff  }
0x314: {  	v34 =	vld.idx.msk [tilespmem:v33+s16+$0x0], $0xffff;
	_ =	sdelay $0x3  }
0x315: {  	v18 =	vor.u32 v7, v18  }
0x316: {  	v16 =	vmul.f32 s4, v16;
	v17 =	vmul.f32 s5, v34;
	_ =	sdelay $0x1  }
0x317: {  	v16 =	vadd.f32 v17, v16;
	_ =	sdelay $0x1  }
0x318: {  	[tilespmem:v18+s25+$0x0] =	vst.idx.msk $0xffff, v16  }
0x319: {  	_ =	swait.ge [sflag:s21], $0x2000  }
0x31a: {  	[sflag:s21] =	ssyncset.done $0x0  }
0x31b: {  	[sflag:s21] =	ssyncadd.s32 $0xFFFFE000  }
0x31c: {  	_ =	swait.ge [sflag:s22], $0x2000  }
0x31d: {  	(v2sf) =	vpush v12, $0x4  }
0x31e: {  	(v2sf) =	vpush v13, $0x4  }
0x31f: {  	(v2sf) =	vpush v10, $0xF  }
0x320: {  	(v2sf) =	vpush v11, $0xF;
	_ =	sdelay $0xb  }
0x321: {  	s4 =	spop (v2sf)  }
0x322: {  	s5 =	spop (v2sf)  }
0x323: {  	s6 =	spop (v2sf)  }
0x324: {  	s8 =	spop (v2sf);
	p2 =	slt.s32 s6, $0x7F  }
0x325: {  	p0 =	slt.s32 s6, $0x80;
	s6 =	simm.s32 @!p2 $0x7F;
	p2 =	slt.s32 s8, $0x7F  }
0x326: {  	[sflag:s22] =	ssyncset.done $0x0;
	p1 =	slt.s32 s8, $0x80;
	s8 =	simm.s32 @!p2 $0x7F;
	v35 =	vadd.s32 s6, v0  }
0x327: {  	[sflag:s22] =	ssyncadd.s32 $0xFFFFE000;
	v36 =	vadd.s32 s8, v0  }
0x328: {  	[tilespmem:s15], [sflag:$0x1] =	stream.strided.gather [hbm4b:s4+s11], $0x2000, s10, s11, $0x38;
	[tilespmem:$0x1C400] =	vst v63  }
0x329: {  	_ = 	snop  }
0x32a: {  	[tilespmem:s16], [sflag:$0x2] =	stream.strided.gather [hbm4b:s5+s11], $0x2000, s10, s11, $0x38;
	[tilespmem:$0x1C400] =	vst v63  }
0x32b: {  	s5 =	sor.u32 $0xF, s2;
	v10 =	vld.idx.msk [tilespmem:v35+s17+$0x0], $0xffff  }
0x32c: {  	v37 =	vmov s5;
	v11 =	vld.idx.msk [tilespmem:v36+s18+$0x0], $0xffff  }
0x32d: {  	v38 =	vshll.u32 v37, $0x3  }
0x32e: {  	v16 =	vand.u32 $0x6F, v37;
	v17 =	vand.u32 $0x400, v38  }
0x32f: {  	s4 =	simm.f32 $1.000000000e+00;
	s5 =	simm.f32 $1.000000000e+00;
	v16 =	vor.u32 v16, v17  }
0x330: {  	s4 =	simm.s32 @!p0 $0x0;
	s5 =	simm.s32 @!p1 $0x0;
	v17 =	vor.u32 v1, v16  }
0x331: {  	v39 =	vadd.s32 s6, v2;
	v10 =	vmul.f32 s4, v10;
	v11 =	vmul.f32 s5, v11  }
0x332: {  	v40 =	vadd.s32 s8, v2  }
0x333: {  	v10 =	vadd.f32 v11, v10;
	_ =	sdelay $0x1  }
0x334: {  	[tilespmem:v17+s25+$0x0] =	vst.idx.msk $0xffff, v10  }
0x335: {  	v10 =	vld.idx.msk [tilespmem:v39+s17+$0x0], $0xffff  }
0x336: {  	v41 =	vld.idx.msk [tilespmem:v40+s18+$0x0], $0xffff;
	_ =	sdelay $0x3  }
0x337: {  	v42 =	vor.u32 v3, v16  }
0x338: {  	v43 =	vadd.s32 s6, v4;
	v10 =	vmul.f32 s4, v10;
	v11 =	vmul.f32 s5, v41  }
0x339: {  	v44 =	vadd.s32 s8, v4  }
0x33a: {  	v10 =	vadd.f32 v11, v10;
	_ =	sdelay $0x1  }
0x33b: {  	[tilespmem:v42+s25+$0x0] =	vst.idx.msk $0xffff, v10  }
0x33c: {  	v10 =	vld.idx.msk [tilespmem:v43+s17+$0x0], $0xffff  }
0x33d: {  	v45 =	vld.idx.msk [tilespmem:v44+s18+$0x0], $0xffff;
	_ =	sdelay $0x3  }
0x33e: {  	v46 =	vor.u32 v5, v16  }
0x33f: {  	v47 =	vadd.s32 s6, v6;
	v10 =	vmul.f32 s4, v10;
	v11 =	vmul.f32 s5, v45  }
0x340: {  	v48 =	vadd.s32 s8, v6  }
0x341: {  	v10 =	vadd.f32 v11, v10;
	_ =	sdelay $0x1  }
0x342: {  	[tilespmem:v46+s25+$0x0] =	vst.idx.msk $0xffff, v10  }
0x343: {  	v10 =	vld.idx.msk [tilespmem:v47+s17+$0x0], $0xffff  }
0x344: {  	v49 =	vld.idx.msk [tilespmem:v48+s18+$0x0], $0xffff;
	_ =	sdelay $0x3  }
0x345: {  	v16 =	vor.u32 v7, v16  }
0x346: {  	v10 =	vmul.f32 s4, v10;
	v11 =	vmul.f32 s5, v49;
	_ =	sdelay $0x1  }
0x347: {  	v10 =	vadd.f32 v11, v10;
	_ =	sdelay $0x1  }
0x348: {  	[tilespmem:v16+s25+$0x0] =	vst.idx.msk $0xffff, v10  }
0x349: {  	_ =	swait.ge [sflag:s21], $0x2000  }
0x34a: {  	[sflag:s21] =	ssyncset.done $0x0  }
0x34b: {  	[sflag:s21] =	ssyncadd.s32 $0xFFFFE000  }
0x34c: {  	_ =	swait.ge [sflag:s22], $0x2000  }
0x34d: {  	(v2sf) =	vpush v12, $0x5  }
0x34e: {  	v8 =	vsub.s32 v8, v14;
	(v2sf) =	vpush v13, $0x5  }
0x34f: {  	v9 =	vsub.s32 v9, v15;
	(v2sf) =	vpush v8, $0x0  }
0x350: {  	(v2sf) =	vpush v9, $0x0;
	_ =	sdelay $0xb  }
0x351: {  	s4 =	spop (v2sf)  }
0x352: {  	s5 =	spop (v2sf)  }
0x353: {  	s6 =	spop (v2sf)  }
0x354: {  	s8 =	spop (v2sf);
	p2 =	slt.s32 s6, $0x7F  }
0x355: {  	p0 =	slt.s32 s6, $0x80;
	s6 =	simm.s32 @!p2 $0x7F;
	p2 =	slt.s32 s8, $0x7F  }
0x356: {  	[sflag:s22] =	ssyncset.done $0x0;
	p1 =	slt.s32 s8, $0x80;
	s8 =	simm.s32 @!p2 $0x7F;
	v50 =	vadd.s32 s6, v0  }
0x357: {  	[sflag:s22] =	ssyncadd.s32 $0xFFFFE000;
	v51 =	vadd.s32 s8, v0  }
0x358: {  	[tilespmem:s17], [sflag:$0x1] =	stream.strided.gather [hbm4b:s4+s11], $0x2000, s10, s11, $0x38;
	[tilespmem:$0x1C400] =	vst v63  }
0x359: {  	_ = 	snop  }
0x35a: {  	[tilespmem:s18], [sflag:$0x2] =	stream.strided.gather [hbm4b:s5+s11], $0x2000, s10, s11, $0x38;
	[tilespmem:$0x1C400] =	vst v63  }
0x35b: {  	s5 =	sor.u32 $0x10, s2;
	v10 =	vld.idx.msk [tilespmem:v50+s19+$0x0], $0xffff  }
0x35c: {  	v52 =	vmov s5;
	v11 =	vld.idx.msk [tilespmem:v51+s20+$0x0], $0xffff  }
0x35d: {  	v53 =	vshll.u32 v52, $0x3  }
0x35e: {  	v14 =	vand.u32 $0x70, v52;
	v15 =	vand.u32 $0x400, v53  }
0x35f: {  	s4 =	simm.f32 $1.000000000e+00;
	s5 =	simm.f32 $1.000000000e+00;
	v14 =	vor.u32 v14, v15  }
0x360: {  	s4 =	simm.s32 @!p0 $0x0;
	s5 =	simm.s32 @!p1 $0x0;
	v15 =	vor.u32 v1, v14  }
0x361: {  	v54 =	vadd.s32 s6, v2;
	v10 =	vmul.f32 s4, v10;
	v11 =	vmul.f32 s5, v11  }
0x362: {  	v55 =	vadd.s32 s8, v2  }
0x363: {  	v10 =	vadd.f32 v11, v10;
	_ =	sdelay $0x1  }
0x364: {  	[tilespmem:v15+s25+$0x0] =	vst.idx.msk $0xffff, v10  }
0x365: {  	v10 =	vld.idx.msk [tilespmem:v54+s19+$0x0], $0xffff  }
0x366: {  	v56 =	vld.idx.msk [tilespmem:v55+s20+$0x0], $0xffff;
	_ =	sdelay $0x3  }
0x367: {  	v57 =	vor.u32 v3, v14  }
0x368: {  	v58 =	vadd.s32 s6, v4;
	v10 =	vmul.f32 s4, v10;
	v11 =	vmul.f32 s5, v56  }
0x369: {  	v59 =	vadd.s32 s8, v4  }
0x36a: {  	v10 =	vadd.f32 v11, v10;
	_ =	sdelay $0x1  }
0x36b: {  	[tilespmem:v57+s25+$0x0] =	vst.idx.msk $0xffff, v10  }
0x36c: {  	v10 =	vld.idx.msk [tilespmem:v58+s19+$0x0], $0xffff  }
0x36d: {  	v60 =	vld.idx.msk [tilespmem:v59+s20+$0x0], $0xffff;
	_ =	sdelay $0x3  }
0x36e: {  	v61 =	vor.u32 v5, v14  }
0x36f: {  	v62 =	vadd.s32 s6, v6;
	v10 =	vmul.f32 s4, v10;
	v11 =	vmul.f32 s5, v60  }
0x370: {  	v63 =	vadd.s32 s8, v6  }
0x371: {  	v10 =	vadd.f32 v11, v10;
	_ =	sdelay $0x1  }
0x372: {  	[tilespmem:v61+s25+$0x0] =	vst.idx.msk $0xffff, v10  }
0x373: {  	v10 =	vld.idx.msk [tilespmem:v62+s19+$0x0], $0xffff  }
0x374: {  	v19 =	vld.idx.msk [tilespmem:v63+s20+$0x0], $0xffff;
	_ =	sdelay $0x3  }
0x375: {  	v14 =	vor.u32 v7, v14  }
0x376: {  	v10 =	vmul.f32 s4, v10;
	v11 =	vmul.f32 s5, v19;
	_ =	sdelay $0x1  }
0x377: {  	v10 =	vadd.f32 v11, v10;
	_ =	sdelay $0x1  }
0x378: {  	[tilespmem:v14+s25+$0x0] =	vst.idx.msk $0xffff, v10  }
0x379: {  	_ =	swait.ge [sflag:s21], $0x2000  }
0x37a: {  	[sflag:s21] =	ssyncset.done $0x0  }
0x37b: {  	[sflag:s21] =	ssyncadd.s32 $0xFFFFE000  }
0x37c: {  	_ =	swait.ge [sflag:s22], $0x2000  }
0x37d: {  	(v2sf) =	vpush v12, $0x6  }
0x37e: {  	(v2sf) =	vpush v13, $0x6  }
0x37f: {  	(v2sf) =	vpush v8, $0x1  }
0x380: {  	(v2sf) =	vpush v9, $0x1;
	_ =	sdelay $0xb  }
0x381: {  	s4 =	spop (v2sf)  }
0x382: {  	s5 =	spop (v2sf)  }
0x383: {  	s6 =	spop (v2sf)  }
0x384: {  	s8 =	spop (v2sf);
	p2 =	slt.s32 s6, $0x7F  }
0x385: {  	p0 =	slt.s32 s6, $0x80;
	s6 =	simm.s32 @!p2 $0x7F;
	p2 =	slt.s32 s8, $0x7F  }
0x386: {  	[sflag:s22] =	ssyncset.done $0x0;
	p1 =	slt.s32 s8, $0x80;
	s8 =	simm.s32 @!p2 $0x7F;
	v20 =	vadd.s32 s6, v0  }
0x387: {  	[sflag:s22] =	ssyncadd.s32 $0xFFFFE000;
	v21 =	vadd.s32 s8, v0  }
0x388: {  	[tilespmem:s19], [sflag:$0x1] =	stream.strided.gather [hbm4b:s4+s11], $0x2000, s10, s11, $0x38;
	[tilespmem:$0x1C400] =	vst v63  }
0x389: {  	_ = 	snop  }
0x38a: {  	[tilespmem:s20], [sflag:$0x2] =	stream.strided.gather [hbm4b:s5+s11], $0x2000, s10, s11, $0x38;
	[tilespmem:$0x1C400] =	vst v63  }
0x38b: {  	s5 =	sor.u32 $0x11, s2;
	v10 =	vld.idx.msk [tilespmem:v20+s23+$0x0], $0xffff  }
0x38c: {  	v22 =	vmov s5;
	v11 =	vld.idx.msk [tilespmem:v21+s24+$0x0], $0xffff  }
0x38d: {  	v23 =	vshll.u32 v22, $0x3  }
0x38e: {  	v14 =	vand.u32 $0x71, v22;
	v15 =	vand.u32 $0x400, v23  }
0x38f: {  	s4 =	simm.f32 $1.000000000e+00;
	s5 =	simm.f32 $1.000000000e+00;
	v14 =	vor.u32 v14, v15  }
0x390: {  	s4 =	simm.s32 @!p0 $0x0;
	s5 =	simm.s32 @!p1 $0x0;
	v15 =	vor.u32 v1, v14  }
0x391: {  	v24 =	vadd.s32 s6, v2;
	v10 =	vmul.f32 s4, v10;
	v11 =	vmul.f32 s5, v11  }
0x392: {  	v25 =	vadd.s32 s8, v2  }
0x393: {  	v10 =	vadd.f32 v11, v10;
	_ =	sdelay $0x1  }
0x394: {  	[tilespmem:v15+s25+$0x0] =	vst.idx.msk $0xffff, v10  }
0x395: {  	v10 =	vld.idx.msk [tilespmem:v24+s23+$0x0], $0xffff  }
0x396: {  	v26 =	vld.idx.msk [tilespmem:v25+s24+$0x0], $0xffff;
	_ =	sdelay $0x3  }
0x397: {  	v27 =	vor.u32 v3, v14  }
0x398: {  	v28 =	vadd.s32 s6, v4;
	v10 =	vmul.f32 s4, v10;
	v11 =	vmul.f32 s5, v26  }
0x399: {  	v29 =	vadd.s32 s8, v4  }
0x39a: {  	v10 =	vadd.f32 v11, v10;
	_ =	sdelay $0x1  }
0x39b: {  	[tilespmem:v27+s25+$0x0] =	vst.idx.msk $0xffff, v10  }
0x39c: {  	v10 =	vld.idx.msk [tilespmem:v28+s23+$0x0], $0xffff  }
0x39d: {  	v30 =	vld.idx.msk [tilespmem:v29+s24+$0x0], $0xffff;
	_ =	sdelay $0x3  }
0x39e: {  	v31 =	vor.u32 v5, v14  }
0x39f: {  	v32 =	vadd.s32 s6, v6;
	v10 =	vmul.f32 s4, v10;
	v11 =	vmul.f32 s5, v30  }
0x3a0: {  	v33 =	vadd.s32 s8, v6  }
0x3a1: {  	v10 =	vadd.f32 v11, v10;
	_ =	sdelay $0x1  }
0x3a2: {  	[tilespmem:v31+s25+$0x0] =	vst.idx.msk $0xffff, v10  }
0x3a3: {  	v10 =	vld.idx.msk [tilespmem:v32+s23+$0x0], $0xffff  }
0x3a4: {  	v34 =	vld.idx.msk [tilespmem:v33+s24+$0x0], $0xffff;
	_ =	sdelay $0x3  }
0x3a5: {  	v14 =	vor.u32 v7, v14  }
0x3a6: {  	v10 =	vmul.f32 s4, v10;
	v11 =	vmul.f32 s5, v34;
	_ =	sdelay $0x1  }
0x3a7: {  	v10 =	vadd.f32 v11, v10;
	_ =	sdelay $0x1  }
0x3a8: {  	[tilespmem:v14+s25+$0x0] =	vst.idx.msk $0xffff, v10  }
0x3a9: {  	_ =	swait.ge [sflag:s21], $0x2000  }
0x3aa: {  	[sflag:s21] =	ssyncset.done $0x0  }
0x3ab: {  	[sflag:s21] =	ssyncadd.s32 $0xFFFFE000  }
0x3ac: {  	_ =	swait.ge [sflag:s22], $0x2000  }
0x3ad: {  	(v2sf) =	vpush v12, $0x7  }
0x3ae: {  	(v2sf) =	vpush v13, $0x7  }
0x3af: {  	(v2sf) =	vpush v8, $0x2  }
0x3b0: {  	(v2sf) =	vpush v9, $0x2;
	_ =	sdelay $0xb  }
0x3b1: {  	s4 =	spop (v2sf)  }
0x3b2: {  	s5 =	spop (v2sf)  }
0x3b3: {  	s6 =	spop (v2sf)  }
0x3b4: {  	s8 =	spop (v2sf);
	p2 =	slt.s32 s6, $0x7F  }
0x3b5: {  	p0 =	slt.s32 s6, $0x80;
	s6 =	simm.s32 @!p2 $0x7F;
	p2 =	slt.s32 s8, $0x7F  }
0x3b6: {  	[sflag:s22] =	ssyncset.done $0x0;
	p1 =	slt.s32 s8, $0x80;
	s8 =	simm.s32 @!p2 $0x7F;
	v35 =	vadd.s32 s6, v0  }
0x3b7: {  	[sflag:s22] =	ssyncadd.s32 $0xFFFFE000;
	v36 =	vadd.s32 s8, v0  }
0x3b8: {  	[tilespmem:s23], [sflag:$0x1] =	stream.strided.gather [hbm4b:s4+s11], $0x2000, s10, s11, $0x38;
	[tilespmem:$0x1C400] =	vst v63  }
0x3b9: {  	_ = 	snop  }
0x3ba: {  	[tilespmem:s24], [sflag:$0x2] =	stream.strided.gather [hbm4b:s5+s11], $0x2000, s10, s11, $0x38;
	[tilespmem:$0x1C400] =	vst v63  }
0x3bb: {  	s5 =	sor.u32 $0x12, s2;
	v10 =	vld.idx.msk [tilespmem:v35+s11+$0x0], $0xffff  }
0x3bc: {  	v37 =	vmov s5;
	v11 =	vld.idx.msk [tilespmem:v36+s12+$0x0], $0xffff  }
0x3bd: {  	v38 =	vshll.u32 v37, $0x3  }
0x3be: {  	v14 =	vand.u32 $0x72, v37;
	v15 =	vand.u32 $0x400, v38  }
0x3bf: {  	s4 =	simm.f32 $1.000000000e+00;
	s5 =	simm.f32 $1.000000000e+00;
	v14 =	vor.u32 v14, v15  }
0x3c0: {  	s4 =	simm.s32 @!p0 $0x0;
	s5 =	simm.s32 @!p1 $0x0;
	v15 =	vor.u32 v1, v14  }
0x3c1: {  	v39 =	vadd.s32 s6, v2;
	v10 =	vmul.f32 s4, v10;
	v11 =	vmul.f32 s5, v11  }
0x3c2: {  	v40 =	vadd.s32 s8, v2  }
0x3c3: {  	v10 =	vadd.f32 v11, v10;
	_ =	sdelay $0x1  }
0x3c4: {  	[tilespmem:v15+s25+$0x0] =	vst.idx.msk $0xffff, v10  }
0x3c5: {  	v10 =	vld.idx.msk [tilespmem:v39+s11+$0x0], $0xffff  }
0x3c6: {  	v41 =	vld.idx.msk [tilespmem:v40+s12+$0x0], $0xffff;
	_ =	sdelay $0x3  }
0x3c7: {  	v42 =	vor.u32 v3, v14  }
0x3c8: {  	v43 =	vadd.s32 s6, v4;
	v10 =	vmul.f32 s4, v10;
	v11 =	vmul.f32 s5, v41  }
0x3c9: {  	v44 =	vadd.s32 s8, v4  }
0x3ca: {  	v10 =	vadd.f32 v11, v10;
	_ =	sdelay $0x1  }
0x3cb: {  	[tilespmem:v42+s25+$0x0] =	vst.idx.msk $0xffff, v10  }
0x3cc: {  	v10 =	vld.idx.msk [tilespmem:v43+s11+$0x0], $0xffff  }
0x3cd: {  	v45 =	vld.idx.msk [tilespmem:v44+s12+$0x0], $0xffff;
	_ =	sdelay $0x3  }
0x3ce: {  	v46 =	vor.u32 v5, v14  }
0x3cf: {  	v47 =	vadd.s32 s6, v6;
	v10 =	vmul.f32 s4, v10;
	v11 =	vmul.f32 s5, v45  }
0x3d0: {  	v48 =	vadd.s32 s8, v6  }
0x3d1: {  	v10 =	vadd.f32 v11, v10;
	_ =	sdelay $0x1  }
0x3d2: {  	[tilespmem:v46+s25+$0x0] =	vst.idx.msk $0xffff, v10  }
0x3d3: {  	v10 =	vld.idx.msk [tilespmem:v47+s11+$0x0], $0xffff  }
0x3d4: {  	v49 =	vld.idx.msk [tilespmem:v48+s12+$0x0], $0xffff;
	_ =	sdelay $0x3  }
0x3d5: {  	v14 =	vor.u32 v7, v14  }
0x3d6: {  	v10 =	vmul.f32 s4, v10;
	v11 =	vmul.f32 s5, v49;
	_ =	sdelay $0x1  }
0x3d7: {  	v10 =	vadd.f32 v11, v10;
	_ =	sdelay $0x1  }
0x3d8: {  	[tilespmem:v14+s25+$0x0] =	vst.idx.msk $0xffff, v10  }
0x3d9: {  	_ =	swait.ge [sflag:s21], $0x2000  }
0x3da: {  	[sflag:s21] =	ssyncset.done $0x0  }
0x3db: {  	[sflag:s21] =	ssyncadd.s32 $0xFFFFE000  }
0x3dc: {  	_ =	swait.ge [sflag:s22], $0x2000  }
0x3dd: {  	(v2sf) =	vpush v12, $0x8  }
0x3de: {  	(v2sf) =	vpush v13, $0x8  }
0x3df: {  	(v2sf) =	vpush v8, $0x3  }
0x3e0: {  	(v2sf) =	vpush v9, $0x3;
	_ =	sdelay $0xb  }
0x3e1: {  	s4 =	spop (v2sf)  }
0x3e2: {  	s5 =	spop (v2sf)  }
0x3e3: {  	s6 =	spop (v2sf)  }
0x3e4: {  	s8 =	spop (v2sf);
	p2 =	slt.s32 s6, $0x7F  }
0x3e5: {  	p0 =	slt.s32 s6, $0x80;
	s6 =	simm.s32 @!p2 $0x7F;
	p2 =	slt.s32 s8, $0x7F  }
0x3e6: {  	[sflag:s22] =	ssyncset.done $0x0;
	p1 =	slt.s32 s8, $0x80;
	s8 =	simm.s32 @!p2 $0x7F;
	v50 =	vadd.s32 s6, v0  }
0x3e7: {  	[sflag:s22] =	ssyncadd.s32 $0xFFFFE000;
	v51 =	vadd.s32 s8, v0  }
0x3e8: {  	[tilespmem:s11], [sflag:$0x1] =	stream.strided.gather [hbm4b:s4+s11], $0x2000, s10, s11, $0x38;
	[tilespmem:$0x1C400] =	vst v63  }
0x3e9: {  	_ = 	snop  }
0x3ea: {  	[tilespmem:s12], [sflag:$0x2] =	stream.strided.gather [hbm4b:s5+s11], $0x2000, s10, s11, $0x38;
	[tilespmem:$0x1C400] =	vst v63  }
0x3eb: {  	s5 =	sor.u32 $0x13, s2;
	v10 =	vld.idx.msk [tilespmem:v50+s13+$0x0], $0xffff  }
0x3ec: {  	v52 =	vmov s5;
	v11 =	vld.idx.msk [tilespmem:v51+s14+$0x0], $0xffff  }
0x3ed: {  	v53 =	vshll.u32 v52, $0x3  }
0x3ee: {  	v14 =	vand.u32 $0x73, v52;
	v15 =	vand.u32 $0x400, v53  }
0x3ef: {  	s4 =	simm.f32 $1.000000000e+00;
	s5 =	simm.f32 $1.000000000e+00;
	v14 =	vor.u32 v14, v15  }
0x3f0: {  	s4 =	simm.s32 @!p0 $0x0;
	s5 =	simm.s32 @!p1 $0x0;
	v15 =	vor.u32 v1, v14  }
0x3f1: {  	v54 =	vadd.s32 s6, v2;
	v10 =	vmul.f32 s4, v10;
	v11 =	vmul.f32 s5, v11  }
0x3f2: {  	v55 =	vadd.s32 s8, v2  }
0x3f3: {  	v10 =	vadd.f32 v11, v10;
	_ =	sdelay $0x1  }
0x3f4: {  	[tilespmem:v15+s25+$0x0] =	vst.idx.msk $0xffff, v10  }
0x3f5: {  	v10 =	vld.idx.msk [tilespmem:v54+s13+$0x0], $0xffff  }
0x3f6: {  	v56 =	vld.idx.msk [tilespmem:v55+s14+$0x0], $0xffff;
	_ =	sdelay $0x3  }
0x3f7: {  	v57 =	vor.u32 v3, v14  }
0x3f8: {  	v58 =	vadd.s32 s6, v4;
	v10 =	vmul.f32 s4, v10;
	v11 =	vmul.f32 s5, v56  }
0x3f9: {  	v59 =	vadd.s32 s8, v4  }
0x3fa: {  	v10 =	vadd.f32 v11, v10;
	_ =	sdelay $0x1  }
0x3fb: {  	[tilespmem:v57+s25+$0x0] =	vst.idx.msk $0xffff, v10  }
0x3fc: {  	v10 =	vld.idx.msk [tilespmem:v58+s13+$0x0], $0xffff  }
0x3fd: {  	v60 =	vld.idx.msk [tilespmem:v59+s14+$0x0], $0xffff;
	_ =	sdelay $0x3  }
0x3fe: {  	v61 =	vor.u32 v5, v14  }
0x3ff: {  	v62 =	vadd.s32 s6, v6;
	v10 =	vmul.f32 s4, v10;
	v11 =	vmul.f32 s5, v60  }
0x400: {  	v63 =	vadd.s32 s8, v6  }
0x401: {  	v10 =	vadd.f32 v11, v10;
	_ =	sdelay $0x1  }
0x402: {  	[tilespmem:v61+s25+$0x0] =	vst.idx.msk $0xffff, v10  }
0x403: {  	v10 =	vld.idx.msk [tilespmem:v62+s13+$0x0], $0xffff  }
0x404: {  	v19 =	vld.idx.msk [tilespmem:v63+s14+$0x0], $0xffff;
	_ =	sdelay $0x3  }
0x405: {  	v14 =	vor.u32 v7, v14  }
0x406: {  	v10 =	vmul.f32 s4, v10;
	v11 =	vmul.f32 s5, v19;
	_ =	sdelay $0x1  }
0x407: {  	v10 =	vadd.f32 v11, v10;
	_ =	sdelay $0x1  }
0x408: {  	[tilespmem:v14+s25+$0x0] =	vst.idx.msk $0xffff, v10  }
0x409: {  	_ =	swait.ge [sflag:s21], $0x2000  }
0x40a: {  	[sflag:s21] =	ssyncset.done $0x0  }
0x40b: {  	[sflag:s21] =	ssyncadd.s32 $0xFFFFE000  }
0x40c: {  	_ =	swait.ge [sflag:s22], $0x2000  }
0x40d: {  	(v2sf) =	vpush v12, $0x9  }
0x40e: {  	(v2sf) =	vpush v13, $0x9  }
0x40f: {  	(v2sf) =	vpush v8, $0x4  }
0x410: {  	(v2sf) =	vpush v9, $0x4;
	_ =	sdelay $0xb  }
0x411: {  	s4 =	spop (v2sf)  }
0x412: {  	s5 =	spop (v2sf)  }
0x413: {  	s6 =	spop (v2sf)  }
0x414: {  	s8 =	spop (v2sf);
	p2 =	slt.s32 s6, $0x7F  }
0x415: {  	p0 =	slt.s32 s6, $0x80;
	s6 =	simm.s32 @!p2 $0x7F;
	p2 =	slt.s32 s8, $0x7F  }
0x416: {  	[sflag:s22] =	ssyncset.done $0x0;
	p1 =	slt.s32 s8, $0x80;
	s8 =	simm.s32 @!p2 $0x7F;
	v20 =	vadd.s32 s6, v0  }
0x417: {  	[sflag:s22] =	ssyncadd.s32 $0xFFFFE000;
	v21 =	vadd.s32 s8, v0  }
0x418: {  	[tilespmem:s13], [sflag:$0x1] =	stream.strided.gather [hbm4b:s4+s11], $0x2000, s10, s11, $0x38;
	[tilespmem:$0x1C400] =	vst v63  }
0x419: {  	_ = 	snop  }
0x41a: {  	[tilespmem:s14], [sflag:$0x2] =	stream.strided.gather [hbm4b:s5+s11], $0x2000, s10, s11, $0x38;
	[tilespmem:$0x1C400] =	vst v63  }
0x41b: {  	s5 =	sor.u32 $0x14, s2;
	v10 =	vld.idx.msk [tilespmem:v20+s15+$0x0], $0xffff  }
0x41c: {  	v22 =	vmov s5;
	v11 =	vld.idx.msk [tilespmem:v21+s16+$0x0], $0xffff  }
0x41d: {  	v23 =	vshll.u32 v22, $0x3  }
0x41e: {  	v14 =	vand.u32 $0x74, v22;
	v15 =	vand.u32 $0x400, v23  }
0x41f: {  	s4 =	simm.f32 $1.000000000e+00;
	s5 =	simm.f32 $1.000000000e+00;
	v14 =	vor.u32 v14, v15  }
0x420: {  	s4 =	simm.s32 @!p0 $0x0;
	s5 =	simm.s32 @!p1 $0x0;
	v15 =	vor.u32 v1, v14  }
0x421: {  	v24 =	vadd.s32 s6, v2;
	v10 =	vmul.f32 s4, v10;
	v11 =	vmul.f32 s5, v11  }
0x422: {  	v25 =	vadd.s32 s8, v2  }
0x423: {  	v10 =	vadd.f32 v11, v10;
	_ =	sdelay $0x1  }
0x424: {  	[tilespmem:v15+s25+$0x0] =	vst.idx.msk $0xffff, v10  }
0x425: {  	v10 =	vld.idx.msk [tilespmem:v24+s15+$0x0], $0xffff  }
0x426: {  	v26 =	vld.idx.msk [tilespmem:v25+s16+$0x0], $0xffff;
	_ =	sdelay $0x3  }
0x427: {  	v27 =	vor.u32 v3, v14  }
0x428: {  	v28 =	vadd.s32 s6, v4;
	v10 =	vmul.f32 s4, v10;
	v11 =	vmul.f32 s5, v26  }
0x429: {  	v29 =	vadd.s32 s8, v4  }
0x42a: {  	v10 =	vadd.f32 v11, v10;
	_ =	sdelay $0x1  }
0x42b: {  	[tilespmem:v27+s25+$0x0] =	vst.idx.msk $0xffff, v10  }
0x42c: {  	v10 =	vld.idx.msk [tilespmem:v28+s15+$0x0], $0xffff  }
0x42d: {  	v30 =	vld.idx.msk [tilespmem:v29+s16+$0x0], $0xffff;
	_ =	sdelay $0x3  }
0x42e: {  	v31 =	vor.u32 v5, v14  }
0x42f: {  	v32 =	vadd.s32 s6, v6;
	v10 =	vmul.f32 s4, v10;
	v11 =	vmul.f32 s5, v30  }
0x430: {  	v33 =	vadd.s32 s8, v6  }
0x431: {  	v10 =	vadd.f32 v11, v10;
	_ =	sdelay $0x1  }
0x432: {  	[tilespmem:v31+s25+$0x0] =	vst.idx.msk $0xffff, v10  }
0x433: {  	v10 =	vld.idx.msk [tilespmem:v32+s15+$0x0], $0xffff  }
0x434: {  	v34 =	vld.idx.msk [tilespmem:v33+s16+$0x0], $0xffff;
	_ =	sdelay $0x3  }
0x435: {  	v14 =	vor.u32 v7, v14  }
0x436: {  	v10 =	vmul.f32 s4, v10;
	v11 =	vmul.f32 s5, v34;
	_ =	sdelay $0x1  }
0x437: {  	v10 =	vadd.f32 v11, v10;
	_ =	sdelay $0x1  }
0x438: {  	[tilespmem:v14+s25+$0x0] =	vst.idx.msk $0xffff, v10  }
0x439: {  	_ =	swait.ge [sflag:s21], $0x2000  }
0x43a: {  	[sflag:s21] =	ssyncset.done $0x0  }
0x43b: {  	[sflag:s21] =	ssyncadd.s32 $0xFFFFE000  }
0x43c: {  	_ =	swait.ge [sflag:s22], $0x2000  }
0x43d: {  	(v2sf) =	vpush v12, $0xA  }
0x43e: {  	(v2sf) =	vpush v13, $0xA  }
0x43f: {  	(v2sf) =	vpush v8, $0x5  }
0x440: {  	(v2sf) =	vpush v9, $0x5;
	_ =	sdelay $0xb  }
0x441: {  	s4 =	spop (v2sf)  }
0x442: {  	s5 =	spop (v2sf)  }
0x443: {  	s6 =	spop (v2sf)  }
0x444: {  	s8 =	spop (v2sf);
	p2 =	slt.s32 s6, $0x7F  }
0x445: {  	p0 =	slt.s32 s6, $0x80;
	s6 =	simm.s32 @!p2 $0x7F;
	p2 =	slt.s32 s8, $0x7F  }
0x446: {  	[sflag:s22] =	ssyncset.done $0x0;
	p1 =	slt.s32 s8, $0x80;
	s8 =	simm.s32 @!p2 $0x7F;
	v35 =	vadd.s32 s6, v0  }
0x447: {  	[sflag:s22] =	ssyncadd.s32 $0xFFFFE000;
	v36 =	vadd.s32 s8, v0  }
0x448: {  	[tilespmem:s15], [sflag:$0x1] =	stream.strided.gather [hbm4b:s4+s11], $0x2000, s10, s11, $0x38;
	[tilespmem:$0x1C400] =	vst v63  }
0x449: {  	_ = 	snop  }
0x44a: {  	[tilespmem:s16], [sflag:$0x2] =	stream.strided.gather [hbm4b:s5+s11], $0x2000, s10, s11, $0x38;
	[tilespmem:$0x1C400] =	vst v63  }
0x44b: {  	s5 =	sor.u32 $0x15, s2;
	v10 =	vld.idx.msk [tilespmem:v35+s17+$0x0], $0xffff  }
0x44c: {  	v37 =	vmov s5;
	v11 =	vld.idx.msk [tilespmem:v36+s18+$0x0], $0xffff  }
0x44d: {  	v38 =	vshll.u32 v37, $0x3  }
0x44e: {  	v14 =	vand.u32 $0x75, v37;
	v15 =	vand.u32 $0x400, v38  }
0x44f: {  	s4 =	simm.f32 $1.000000000e+00;
	s5 =	simm.f32 $1.000000000e+00;
	v14 =	vor.u32 v14, v15  }
0x450: {  	s4 =	simm.s32 @!p0 $0x0;
	s5 =	simm.s32 @!p1 $0x0;
	v15 =	vor.u32 v1, v14  }
0x451: {  	v39 =	vadd.s32 s6, v2;
	v10 =	vmul.f32 s4, v10;
	v11 =	vmul.f32 s5, v11  }
0x452: {  	v40 =	vadd.s32 s8, v2  }
0x453: {  	v10 =	vadd.f32 v11, v10;
	_ =	sdelay $0x1  }
0x454: {  	[tilespmem:v15+s25+$0x0] =	vst.idx.msk $0xffff, v10  }
0x455: {  	v10 =	vld.idx.msk [tilespmem:v39+s17+$0x0], $0xffff  }
0x456: {  	v41 =	vld.idx.msk [tilespmem:v40+s18+$0x0], $0xffff;
	_ =	sdelay $0x3  }
0x457: {  	v42 =	vor.u32 v3, v14  }
0x458: {  	v43 =	vadd.s32 s6, v4;
	v10 =	vmul.f32 s4, v10;
	v11 =	vmul.f32 s5, v41  }
0x459: {  	v44 =	vadd.s32 s8, v4  }
0x45a: {  	v10 =	vadd.f32 v11, v10;
	_ =	sdelay $0x1  }
0x45b: {  	[tilespmem:v42+s25+$0x0] =	vst.idx.msk $0xffff, v10  }
0x45c: {  	v10 =	vld.idx.msk [tilespmem:v43+s17+$0x0], $0xffff  }
0x45d: {  	v45 =	vld.idx.msk [tilespmem:v44+s18+$0x0], $0xffff;
	_ =	sdelay $0x3  }
0x45e: {  	v46 =	vor.u32 v5, v14  }
0x45f: {  	v47 =	vadd.s32 s6, v6;
	v10 =	vmul.f32 s4, v10;
	v11 =	vmul.f32 s5, v45  }
0x460: {  	v48 =	vadd.s32 s8, v6  }
0x461: {  	v10 =	vadd.f32 v11, v10;
	_ =	sdelay $0x1  }
0x462: {  	[tilespmem:v46+s25+$0x0] =	vst.idx.msk $0xffff, v10  }
0x463: {  	v10 =	vld.idx.msk [tilespmem:v47+s17+$0x0], $0xffff  }
0x464: {  	v49 =	vld.idx.msk [tilespmem:v48+s18+$0x0], $0xffff;
	_ =	sdelay $0x3  }
0x465: {  	v14 =	vor.u32 v7, v14  }
0x466: {  	v10 =	vmul.f32 s4, v10;
	v11 =	vmul.f32 s5, v49;
	_ =	sdelay $0x1  }
0x467: {  	v10 =	vadd.f32 v11, v10;
	_ =	sdelay $0x1  }
0x468: {  	[tilespmem:v14+s25+$0x0] =	vst.idx.msk $0xffff, v10  }
0x469: {  	_ =	swait.ge [sflag:s21], $0x2000  }
0x46a: {  	[sflag:s21] =	ssyncset.done $0x0  }
0x46b: {  	[sflag:s21] =	ssyncadd.s32 $0xFFFFE000  }
0x46c: {  	_ =	swait.ge [sflag:s22], $0x2000  }
0x46d: {  	(v2sf) =	vpush v12, $0xB  }
0x46e: {  	(v2sf) =	vpush v13, $0xB  }
0x46f: {  	(v2sf) =	vpush v8, $0x6  }
0x470: {  	(v2sf) =	vpush v9, $0x6;
	_ =	sdelay $0xb  }
0x471: {  	s4 =	spop (v2sf)  }
0x472: {  	s5 =	spop (v2sf)  }
0x473: {  	s6 =	spop (v2sf)  }
0x474: {  	s8 =	spop (v2sf);
	p2 =	slt.s32 s6, $0x7F  }
0x475: {  	p0 =	slt.s32 s6, $0x80;
	s6 =	simm.s32 @!p2 $0x7F;
	p2 =	slt.s32 s8, $0x7F  }
0x476: {  	[sflag:s22] =	ssyncset.done $0x0;
	p1 =	slt.s32 s8, $0x80;
	s8 =	simm.s32 @!p2 $0x7F;
	v50 =	vadd.s32 s6, v0  }
0x477: {  	[sflag:s22] =	ssyncadd.s32 $0xFFFFE000;
	v51 =	vadd.s32 s8, v0  }
0x478: {  	[tilespmem:s17], [sflag:$0x1] =	stream.strided.gather [hbm4b:s4+s11], $0x2000, s10, s11, $0x38;
	[tilespmem:$0x1C400] =	vst v63  }
0x479: {  	_ = 	snop  }
0x47a: {  	[tilespmem:s18], [sflag:$0x2] =	stream.strided.gather [hbm4b:s5+s11], $0x2000, s10, s11, $0x38;
	[tilespmem:$0x1C400] =	vst v63  }
0x47b: {  	s5 =	sor.u32 $0x16, s2;
	v10 =	vld.idx.msk [tilespmem:v50+s19+$0x0], $0xffff  }
0x47c: {  	v52 =	vmov s5;
	v11 =	vld.idx.msk [tilespmem:v51+s20+$0x0], $0xffff  }
0x47d: {  	v53 =	vshll.u32 v52, $0x3  }
0x47e: {  	v14 =	vand.u32 $0x76, v52;
	v15 =	vand.u32 $0x400, v53  }
0x47f: {  	s4 =	simm.f32 $1.000000000e+00;
	s5 =	simm.f32 $1.000000000e+00;
	v14 =	vor.u32 v14, v15  }
0x480: {  	s4 =	simm.s32 @!p0 $0x0;
	s5 =	simm.s32 @!p1 $0x0;
	v15 =	vor.u32 v1, v14  }
0x481: {  	v54 =	vadd.s32 s6, v2;
	v10 =	vmul.f32 s4, v10;
	v11 =	vmul.f32 s5, v11  }
0x482: {  	v55 =	vadd.s32 s8, v2  }
0x483: {  	v10 =	vadd.f32 v11, v10;
	_ =	sdelay $0x1  }
0x484: {  	[tilespmem:v15+s25+$0x0] =	vst.idx.msk $0xffff, v10  }
0x485: {  	v10 =	vld.idx.msk [tilespmem:v54+s19+$0x0], $0xffff  }
0x486: {  	v56 =	vld.idx.msk [tilespmem:v55+s20+$0x0], $0xffff;
	_ =	sdelay $0x3  }
0x487: {  	v57 =	vor.u32 v3, v14  }
0x488: {  	v58 =	vadd.s32 s6, v4;
	v10 =	vmul.f32 s4, v10;
	v11 =	vmul.f32 s5, v56  }
0x489: {  	v59 =	vadd.s32 s8, v4  }
0x48a: {  	v10 =	vadd.f32 v11, v10;
	_ =	sdelay $0x1  }
0x48b: {  	[tilespmem:v57+s25+$0x0] =	vst.idx.msk $0xffff, v10  }
0x48c: {  	v10 =	vld.idx.msk [tilespmem:v58+s19+$0x0], $0xffff  }
0x48d: {  	v60 =	vld.idx.msk [tilespmem:v59+s20+$0x0], $0xffff;
	_ =	sdelay $0x3  }
0x48e: {  	v61 =	vor.u32 v5, v14  }
0x48f: {  	v62 =	vadd.s32 s6, v6;
	v10 =	vmul.f32 s4, v10;
	v11 =	vmul.f32 s5, v60  }
0x490: {  	v63 =	vadd.s32 s8, v6  }
0x491: {  	v10 =	vadd.f32 v11, v10;
	_ =	sdelay $0x1  }
0x492: {  	[tilespmem:v61+s25+$0x0] =	vst.idx.msk $0xffff, v10  }
0x493: {  	v10 =	vld.idx.msk [tilespmem:v62+s19+$0x0], $0xffff  }
0x494: {  	v19 =	vld.idx.msk [tilespmem:v63+s20+$0x0], $0xffff;
	_ =	sdelay $0x3  }
0x495: {  	v14 =	vor.u32 v7, v14  }
0x496: {  	v10 =	vmul.f32 s4, v10;
	v11 =	vmul.f32 s5, v19;
	_ =	sdelay $0x1  }
0x497: {  	v10 =	vadd.f32 v11, v10;
	_ =	sdelay $0x1  }
0x498: {  	[tilespmem:v14+s25+$0x0] =	vst.idx.msk $0xffff, v10  }
0x499: {  	_ =	swait.ge [sflag:s21], $0x2000  }
0x49a: {  	[sflag:s21] =	ssyncset.done $0x0  }
0x49b: {  	[sflag:s21] =	ssyncadd.s32 $0xFFFFE000  }
0x49c: {  	_ =	swait.ge [sflag:s22], $0x2000  }
0x49d: {  	(v2sf) =	vpush v12, $0xC  }
0x49e: {  	(v2sf) =	vpush v13, $0xC  }
0x49f: {  	(v2sf) =	vpush v8, $0x7  }
0x4a0: {  	(v2sf) =	vpush v9, $0x7;
	_ =	sdelay $0xb  }
0x4a1: {  	s4 =	spop (v2sf)  }
0x4a2: {  	s5 =	spop (v2sf)  }
0x4a3: {  	s6 =	spop (v2sf)  }
0x4a4: {  	s8 =	spop (v2sf);
	p2 =	slt.s32 s6, $0x7F  }
0x4a5: {  	p0 =	slt.s32 s6, $0x80;
	s6 =	simm.s32 @!p2 $0x7F;
	p2 =	slt.s32 s8, $0x7F  }
0x4a6: {  	[sflag:s22] =	ssyncset.done $0x0;
	p1 =	slt.s32 s8, $0x80;
	s8 =	simm.s32 @!p2 $0x7F;
	v20 =	vadd.s32 s6, v0  }
0x4a7: {  	[sflag:s22] =	ssyncadd.s32 $0xFFFFE000;
	v21 =	vadd.s32 s8, v0  }
0x4a8: {  	[tilespmem:s19], [sflag:$0x1] =	stream.strided.gather [hbm4b:s4+s11], $0x2000, s10, s11, $0x38;
	[tilespmem:$0x1C400] =	vst v63  }
0x4a9: {  	_ = 	snop  }
0x4aa: {  	[tilespmem:s20], [sflag:$0x2] =	stream.strided.gather [hbm4b:s5+s11], $0x2000, s10, s11, $0x38;
	[tilespmem:$0x1C400] =	vst v63  }
0x4ab: {  	s5 =	sor.u32 $0x17, s2;
	v10 =	vld.idx.msk [tilespmem:v20+s23+$0x0], $0xffff  }
0x4ac: {  	v22 =	vmov s5;
	v11 =	vld.idx.msk [tilespmem:v21+s24+$0x0], $0xffff  }
0x4ad: {  	v23 =	vshll.u32 v22, $0x3  }
0x4ae: {  	v14 =	vand.u32 $0x77, v22;
	v15 =	vand.u32 $0x400, v23  }
0x4af: {  	s4 =	simm.f32 $1.000000000e+00;
	s5 =	simm.f32 $1.000000000e+00;
	v14 =	vor.u32 v14, v15  }
0x4b0: {  	s4 =	simm.s32 @!p0 $0x0;
	s5 =	simm.s32 @!p1 $0x0;
	v15 =	vor.u32 v1, v14  }
0x4b1: {  	v24 =	vadd.s32 s6, v2;
	v10 =	vmul.f32 s4, v10;
	v11 =	vmul.f32 s5, v11  }
0x4b2: {  	v25 =	vadd.s32 s8, v2  }
0x4b3: {  	v10 =	vadd.f32 v11, v10;
	_ =	sdelay $0x1  }
0x4b4: {  	[tilespmem:v15+s25+$0x0] =	vst.idx.msk $0xffff, v10  }
0x4b5: {  	v10 =	vld.idx.msk [tilespmem:v24+s23+$0x0], $0xffff  }
0x4b6: {  	v26 =	vld.idx.msk [tilespmem:v25+s24+$0x0], $0xffff;
	_ =	sdelay $0x3  }
0x4b7: {  	v27 =	vor.u32 v3, v14  }
0x4b8: {  	v28 =	vadd.s32 s6, v4;
	v10 =	vmul.f32 s4, v10;
	v11 =	vmul.f32 s5, v26  }
0x4b9: {  	v29 =	vadd.s32 s8, v4  }
0x4ba: {  	v10 =	vadd.f32 v11, v10;
	_ =	sdelay $0x1  }
0x4bb: {  	[tilespmem:v27+s25+$0x0] =	vst.idx.msk $0xffff, v10  }
0x4bc: {  	v10 =	vld.idx.msk [tilespmem:v28+s23+$0x0], $0xffff  }
0x4bd: {  	v30 =	vld.idx.msk [tilespmem:v29+s24+$0x0], $0xffff;
	_ =	sdelay $0x3  }
0x4be: {  	v31 =	vor.u32 v5, v14  }
0x4bf: {  	v32 =	vadd.s32 s6, v6;
	v10 =	vmul.f32 s4, v10;
	v11 =	vmul.f32 s5, v30  }
0x4c0: {  	v33 =	vadd.s32 s8, v6  }
0x4c1: {  	v10 =	vadd.f32 v11, v10;
	_ =	sdelay $0x1  }
0x4c2: {  	[tilespmem:v31+s25+$0x0] =	vst.idx.msk $0xffff, v10  }
0x4c3: {  	v10 =	vld.idx.msk [tilespmem:v32+s23+$0x0], $0xffff  }
0x4c4: {  	v34 =	vld.idx.msk [tilespmem:v33+s24+$0x0], $0xffff;
	_ =	sdelay $0x3  }
0x4c5: {  	v14 =	vor.u32 v7, v14  }
0x4c6: {  	v10 =	vmul.f32 s4, v10;
	v11 =	vmul.f32 s5, v34;
	_ =	sdelay $0x1  }
0x4c7: {  	v10 =	vadd.f32 v11, v10;
	_ =	sdelay $0x1  }
0x4c8: {  	[tilespmem:v14+s25+$0x0] =	vst.idx.msk $0xffff, v10  }
0x4c9: {  	_ =	swait.ge [sflag:s21], $0x2000  }
0x4ca: {  	[sflag:s21] =	ssyncset.done $0x0  }
0x4cb: {  	[sflag:s21] =	ssyncadd.s32 $0xFFFFE000  }
0x4cc: {  	_ =	swait.ge [sflag:s22], $0x2000  }
0x4cd: {  	(v2sf) =	vpush v12, $0xD  }
0x4ce: {  	(v2sf) =	vpush v13, $0xD  }
0x4cf: {  	(v2sf) =	vpush v8, $0x8  }
0x4d0: {  	(v2sf) =	vpush v9, $0x8;
	_ =	sdelay $0xb  }
0x4d1: {  	s4 =	spop (v2sf)  }
0x4d2: {  	s5 =	spop (v2sf)  }
0x4d3: {  	s6 =	spop (v2sf)  }
0x4d4: {  	s8 =	spop (v2sf);
	p2 =	slt.s32 s6, $0x7F  }
0x4d5: {  	p0 =	slt.s32 s6, $0x80;
	s6 =	simm.s32 @!p2 $0x7F;
	p2 =	slt.s32 s8, $0x7F  }
0x4d6: {  	[sflag:s22] =	ssyncset.done $0x0;
	p1 =	slt.s32 s8, $0x80;
	s8 =	simm.s32 @!p2 $0x7F;
	v35 =	vadd.s32 s6, v0  }
0x4d7: {  	[sflag:s22] =	ssyncadd.s32 $0xFFFFE000;
	v36 =	vadd.s32 s8, v0  }
0x4d8: {  	[tilespmem:s23], [sflag:$0x1] =	stream.strided.gather [hbm4b:s4+s11], $0x2000, s10, s11, $0x38;
	[tilespmem:$0x1C400] =	vst v63  }
0x4d9: {  	_ = 	snop  }
0x4da: {  	[tilespmem:s24], [sflag:$0x2] =	stream.strided.gather [hbm4b:s5+s11], $0x2000, s10, s11, $0x38;
	[tilespmem:$0x1C400] =	vst v63  }
0x4db: {  	s5 =	sor.u32 $0x18, s2;
	v10 =	vld.idx.msk [tilespmem:v35+s11+$0x0], $0xffff  }
0x4dc: {  	v37 =	vmov s5;
	v11 =	vld.idx.msk [tilespmem:v36+s12+$0x0], $0xffff  }
0x4dd: {  	v38 =	vshll.u32 v37, $0x3  }
0x4de: {  	v14 =	vand.u32 $0x78, v37;
	v15 =	vand.u32 $0x400, v38  }
0x4df: {  	s4 =	simm.f32 $1.000000000e+00;
	s5 =	simm.f32 $1.000000000e+00;
	v14 =	vor.u32 v14, v15  }
0x4e0: {  	s4 =	simm.s32 @!p0 $0x0;
	s5 =	simm.s32 @!p1 $0x0;
	v15 =	vor.u32 v1, v14  }
0x4e1: {  	v39 =	vadd.s32 s6, v2;
	v10 =	vmul.f32 s4, v10;
	v11 =	vmul.f32 s5, v11  }
0x4e2: {  	v40 =	vadd.s32 s8, v2  }
0x4e3: {  	v10 =	vadd.f32 v11, v10;
	_ =	sdelay $0x1  }
0x4e4: {  	[tilespmem:v15+s25+$0x0] =	vst.idx.msk $0xffff, v10  }
0x4e5: {  	v10 =	vld.idx.msk [tilespmem:v39+s11+$0x0], $0xffff  }
0x4e6: {  	v41 =	vld.idx.msk [tilespmem:v40+s12+$0x0], $0xffff;
	_ =	sdelay $0x3  }
0x4e7: {  	v42 =	vor.u32 v3, v14  }
0x4e8: {  	v43 =	vadd.s32 s6, v4;
	v10 =	vmul.f32 s4, v10;
	v11 =	vmul.f32 s5, v41  }
0x4e9: {  	v44 =	vadd.s32 s8, v4  }
0x4ea: {  	v10 =	vadd.f32 v11, v10;
	_ =	sdelay $0x1  }
0x4eb: {  	[tilespmem:v42+s25+$0x0] =	vst.idx.msk $0xffff, v10  }
0x4ec: {  	v10 =	vld.idx.msk [tilespmem:v43+s11+$0x0], $0xffff  }
0x4ed: {  	v45 =	vld.idx.msk [tilespmem:v44+s12+$0x0], $0xffff;
	_ =	sdelay $0x3  }
0x4ee: {  	v46 =	vor.u32 v5, v14  }
0x4ef: {  	v47 =	vadd.s32 s6, v6;
	v10 =	vmul.f32 s4, v10;
	v11 =	vmul.f32 s5, v45  }
0x4f0: {  	v48 =	vadd.s32 s8, v6  }
0x4f1: {  	v10 =	vadd.f32 v11, v10;
	_ =	sdelay $0x1  }
0x4f2: {  	[tilespmem:v46+s25+$0x0] =	vst.idx.msk $0xffff, v10  }
0x4f3: {  	v10 =	vld.idx.msk [tilespmem:v47+s11+$0x0], $0xffff  }
0x4f4: {  	v49 =	vld.idx.msk [tilespmem:v48+s12+$0x0], $0xffff;
	_ =	sdelay $0x3  }
0x4f5: {  	v14 =	vor.u32 v7, v14  }
0x4f6: {  	v10 =	vmul.f32 s4, v10;
	v11 =	vmul.f32 s5, v49;
	_ =	sdelay $0x1  }
0x4f7: {  	v10 =	vadd.f32 v11, v10;
	_ =	sdelay $0x1  }
0x4f8: {  	[tilespmem:v14+s25+$0x0] =	vst.idx.msk $0xffff, v10  }
0x4f9: {  	_ =	swait.ge [sflag:s21], $0x2000  }
0x4fa: {  	[sflag:s21] =	ssyncset.done $0x0  }
0x4fb: {  	[sflag:s21] =	ssyncadd.s32 $0xFFFFE000  }
0x4fc: {  	_ =	swait.ge [sflag:s22], $0x2000  }
0x4fd: {  	(v2sf) =	vpush v12, $0xE  }
0x4fe: {  	(v2sf) =	vpush v13, $0xE  }
0x4ff: {  	(v2sf) =	vpush v8, $0x9  }
0x500: {  	(v2sf) =	vpush v9, $0x9;
	_ =	sdelay $0xb  }
0x501: {  	s4 =	spop (v2sf)  }
0x502: {  	s5 =	spop (v2sf)  }
0x503: {  	s6 =	spop (v2sf)  }
0x504: {  	s8 =	spop (v2sf);
	p2 =	slt.s32 s6, $0x7F  }
0x505: {  	p0 =	slt.s32 s6, $0x80;
	s6 =	simm.s32 @!p2 $0x7F;
	p2 =	slt.s32 s8, $0x7F  }
0x506: {  	[sflag:s22] =	ssyncset.done $0x0;
	p1 =	slt.s32 s8, $0x80;
	s8 =	simm.s32 @!p2 $0x7F;
	v50 =	vadd.s32 s6, v0  }
0x507: {  	[sflag:s22] =	ssyncadd.s32 $0xFFFFE000;
	v51 =	vadd.s32 s8, v0  }
0x508: {  	[tilespmem:s11], [sflag:$0x1] =	stream.strided.gather [hbm4b:s4+s11], $0x2000, s10, s11, $0x38;
	[tilespmem:$0x1C400] =	vst v63  }
0x509: {  	_ = 	snop  }
0x50a: {  	[tilespmem:s12], [sflag:$0x2] =	stream.strided.gather [hbm4b:s5+s11], $0x2000, s10, s11, $0x38;
	[tilespmem:$0x1C400] =	vst v63  }
0x50b: {  	s5 =	sor.u32 $0x19, s2;
	v10 =	vld.idx.msk [tilespmem:v50+s13+$0x0], $0xffff  }
0x50c: {  	v52 =	vmov s5;
	v11 =	vld.idx.msk [tilespmem:v51+s14+$0x0], $0xffff  }
0x50d: {  	v53 =	vshll.u32 v52, $0x3  }
0x50e: {  	v14 =	vand.u32 $0x79, v52;
	v15 =	vand.u32 $0x400, v53  }
0x50f: {  	s4 =	simm.f32 $1.000000000e+00;
	s5 =	simm.f32 $1.000000000e+00;
	v14 =	vor.u32 v14, v15  }
0x510: {  	s4 =	simm.s32 @!p0 $0x0;
	s5 =	simm.s32 @!p1 $0x0;
	v15 =	vor.u32 v1, v14  }
0x511: {  	v54 =	vadd.s32 s6, v2;
	v10 =	vmul.f32 s4, v10;
	v11 =	vmul.f32 s5, v11  }
0x512: {  	v55 =	vadd.s32 s8, v2  }
0x513: {  	v10 =	vadd.f32 v11, v10;
	_ =	sdelay $0x1  }
0x514: {  	[tilespmem:v15+s25+$0x0] =	vst.idx.msk $0xffff, v10  }
0x515: {  	v10 =	vld.idx.msk [tilespmem:v54+s13+$0x0], $0xffff  }
0x516: {  	v56 =	vld.idx.msk [tilespmem:v55+s14+$0x0], $0xffff;
	_ =	sdelay $0x3  }
0x517: {  	v57 =	vor.u32 v3, v14  }
0x518: {  	v58 =	vadd.s32 s6, v4;
	v10 =	vmul.f32 s4, v10;
	v11 =	vmul.f32 s5, v56  }
0x519: {  	v59 =	vadd.s32 s8, v4  }
0x51a: {  	v10 =	vadd.f32 v11, v10;
	_ =	sdelay $0x1  }
0x51b: {  	[tilespmem:v57+s25+$0x0] =	vst.idx.msk $0xffff, v10  }
0x51c: {  	v10 =	vld.idx.msk [tilespmem:v58+s13+$0x0], $0xffff  }
0x51d: {  	v60 =	vld.idx.msk [tilespmem:v59+s14+$0x0], $0xffff;
	_ =	sdelay $0x3  }
0x51e: {  	v61 =	vor.u32 v5, v14  }
0x51f: {  	v62 =	vadd.s32 s6, v6;
	v10 =	vmul.f32 s4, v10;
	v11 =	vmul.f32 s5, v60  }
0x520: {  	v63 =	vadd.s32 s8, v6  }
0x521: {  	v10 =	vadd.f32 v11, v10;
	_ =	sdelay $0x1  }
0x522: {  	[tilespmem:v61+s25+$0x0] =	vst.idx.msk $0xffff, v10  }
0x523: {  	v10 =	vld.idx.msk [tilespmem:v62+s13+$0x0], $0xffff  }
0x524: {  	v20 =	vld.idx.msk [tilespmem:v63+s14+$0x0], $0xffff;
	_ =	sdelay $0x3  }
0x525: {  	v14 =	vor.u32 v7, v14  }
0x526: {  	v10 =	vmul.f32 s4, v10;
	v11 =	vmul.f32 s5, v20;
	_ =	sdelay $0x1  }
0x527: {  	v10 =	vadd.f32 v11, v10;
	_ =	sdelay $0x1  }
0x528: {  	[tilespmem:v14+s25+$0x0] =	vst.idx.msk $0xffff, v10  }
0x529: {  	_ =	swait.ge [sflag:s21], $0x2000  }
0x52a: {  	[sflag:s21] =	ssyncset.done $0x0  }
0x52b: {  	[sflag:s21] =	ssyncadd.s32 $0xFFFFE000  }
0x52c: {  	_ =	swait.ge [sflag:s22], $0x2000  }
0x52d: {  	(v2sf) =	vpush v12, $0xF  }
0x52e: {  	(v2sf) =	vpush v13, $0xF  }
0x52f: {  	(v2sf) =	vpush v8, $0xA  }
0x530: {  	(v2sf) =	vpush v9, $0xA;
	_ =	sdelay $0xb  }
0x531: {  	s4 =	spop (v2sf)  }
0x532: {  	s5 =	spop (v2sf)  }
0x533: {  	s6 =	spop (v2sf)  }
0x534: {  	s8 =	spop (v2sf);
	p2 =	slt.s32 s6, $0x7F  }
0x535: {  	p0 =	slt.s32 s6, $0x80;
	s6 =	simm.s32 @!p2 $0x7F;
	p2 =	slt.s32 s8, $0x7F  }
0x536: {  	[sflag:s22] =	ssyncset.done $0x0;
	p1 =	slt.s32 s8, $0x80;
	s8 =	simm.s32 @!p2 $0x7F;
	v21 =	vadd.s32 s6, v0  }
0x537: {  	[sflag:s22] =	ssyncadd.s32 $0xFFFFE000;
	v22 =	vadd.s32 s8, v0  }
0x538: {  	[tilespmem:s13], [sflag:$0x1] =	stream.strided.gather [hbm4b:s4+s11], $0x2000, s10, s11, $0x38;
	[tilespmem:$0x1C400] =	vst v63  }
0x539: {  	_ = 	snop  }
0x53a: {  	[tilespmem:s14], [sflag:$0x2] =	stream.strided.gather [hbm4b:s5+s11], $0x2000, s10, s11, $0x38;
	[tilespmem:$0x1C400] =	vst v63  }
0x53b: {  	s5 =	sor.u32 $0x1A, s2;
	v10 =	vld.idx.msk [tilespmem:v21+s15+$0x0], $0xffff  }
0x53c: {  	v23 =	vmov s5;
	v11 =	vld.idx.msk [tilespmem:v22+s16+$0x0], $0xffff  }
0x53d: {  	v24 =	vshll.u32 v23, $0x3  }
0x53e: {  	v12 =	vand.u32 $0x7A, v23;
	v13 =	vand.u32 $0x400, v24  }
0x53f: {  	s4 =	simm.f32 $1.000000000e+00;
	s5 =	simm.f32 $1.000000000e+00;
	v12 =	vor.u32 v12, v13  }
0x540: {  	s4 =	simm.s32 @!p0 $0x0;
	s5 =	simm.s32 @!p1 $0x0;
	v13 =	vor.u32 v1, v12  }
0x541: {  	v25 =	vadd.s32 s6, v2;
	v10 =	vmul.f32 s4, v10;
	v11 =	vmul.f32 s5, v11  }
0x542: {  	v26 =	vadd.s32 s8, v2  }
0x543: {  	v10 =	vadd.f32 v11, v10;
	_ =	sdelay $0x1  }
0x544: {  	[tilespmem:v13+s25+$0x0] =	vst.idx.msk $0xffff, v10  }
0x545: {  	v10 =	vld.idx.msk [tilespmem:v25+s15+$0x0], $0xffff  }
0x546: {  	v27 =	vld.idx.msk [tilespmem:v26+s16+$0x0], $0xffff;
	_ =	sdelay $0x3  }
0x547: {  	v28 =	vor.u32 v3, v12  }
0x548: {  	v29 =	vadd.s32 s6, v4;
	v10 =	vmul.f32 s4, v10;
	v11 =	vmul.f32 s5, v27  }
0x549: {  	v30 =	vadd.s32 s8, v4  }
0x54a: {  	v10 =	vadd.f32 v11, v10;
	_ =	sdelay $0x1  }
0x54b: {  	[tilespmem:v28+s25+$0x0] =	vst.idx.msk $0xffff, v10  }
0x54c: {  	v10 =	vld.idx.msk [tilespmem:v29+s15+$0x0], $0xffff  }
0x54d: {  	v31 =	vld.idx.msk [tilespmem:v30+s16+$0x0], $0xffff;
	_ =	sdelay $0x3  }
0x54e: {  	v32 =	vor.u32 v5, v12  }
0x54f: {  	v33 =	vadd.s32 s6, v6;
	v10 =	vmul.f32 s4, v10;
	v11 =	vmul.f32 s5, v31  }
0x550: {  	v34 =	vadd.s32 s8, v6  }
0x551: {  	v10 =	vadd.f32 v11, v10;
	_ =	sdelay $0x1  }
0x552: {  	[tilespmem:v32+s25+$0x0] =	vst.idx.msk $0xffff, v10  }
0x553: {  	v10 =	vld.idx.msk [tilespmem:v33+s15+$0x0], $0xffff  }
0x554: {  	v35 =	vld.idx.msk [tilespmem:v34+s16+$0x0], $0xffff;
	_ =	sdelay $0x3  }
0x555: {  	v12 =	vor.u32 v7, v12  }
0x556: {  	v10 =	vmul.f32 s4, v10;
	v11 =	vmul.f32 s5, v35;
	_ =	sdelay $0x1  }
0x557: {  	v10 =	vadd.f32 v11, v10;
	_ =	sdelay $0x1  }
0x558: {  	[tilespmem:v12+s25+$0x0] =	vst.idx.msk $0xffff, v10  }
0x559: {  	_ =	swait.ge [sflag:s21], $0x2000  }
0x55a: {  	[sflag:s21] =	ssyncset.done $0x0  }
0x55b: {  	[sflag:s21] =	ssyncadd.s32 $0xFFFFE000  }
0x55c: {  	_ =	swait.ge [sflag:s22], $0x2000  }
0x55d: {  	(v2sf) =	vpush v8, $0xB  }
0x55e: {  	(v2sf) =	vpush v9, $0xB;
	_ =	sdelay $0xd  }
0x55f: {  	s4 =	spop (v2sf)  }
0x560: {  	s5 =	spop (v2sf);
	p2 =	slt.s32 s4, $0x7F  }
0x561: {  	p0 =	slt.s32 s4, $0x80;
	s4 =	simm.s32 @!p2 $0x7F;
	p2 =	slt.s32 s5, $0x7F  }
0x562: {  	p1 =	slt.s32 s5, $0x80;
	s5 =	simm.s32 @!p2 $0x7F;
	v36 =	vadd.s32 s4, v0  }
0x563: {  	v37 =	vadd.s32 s5, v0;
	_ =	sdelay $0x1  }
0x564: {  	[sflag:s22] =	ssyncset.done $0x0  }
0x565: {  	[sflag:s22] =	ssyncadd.s32 $0xFFFFE000  }
0x566: {  	s8 =	sor.u32 $0x1B, s2;
	v10 =	vld.idx.msk [tilespmem:v36+s17+$0x0], $0xffff  }
0x567: {  	v38 =	vmov s8;
	v11 =	vld.idx.msk [tilespmem:v37+s18+$0x0], $0xffff  }
0x568: {  	v39 =	vshll.u32 v38, $0x3  }
0x569: {  	v13 =	vand.u32 $0x400, v39;
	v12 =	vand.u32 $0x7B, v38  }
0x56a: {  	s6 =	simm.f32 $1.000000000e+00;
	s8 =	simm.f32 $1.000000000e+00;
	v12 =	vor.u32 v12, v13  }
0x56b: {  	v13 =	vor.u32 v1, v12;
	s6 =	simm.s32 @!p0 $0x0;
	s8 =	simm.s32 @!p1 $0x0  }
0x56c: {  	v40 =	vadd.s32 s4, v2;
	v10 =	vmul.f32 s6, v10;
	v11 =	vmul.f32 s8, v11  }
0x56d: {  	v41 =	vadd.s32 s5, v2  }
0x56e: {  	v10 =	vadd.f32 v11, v10;
	_ =	sdelay $0x1  }
0x56f: {  	[tilespmem:v13+s25+$0x0] =	vst.idx.msk $0xffff, v10  }
0x570: {  	v10 =	vld.idx.msk [tilespmem:v40+s17+$0x0], $0xffff  }
0x571: {  	v42 =	vld.idx.msk [tilespmem:v41+s18+$0x0], $0xffff;
	_ =	sdelay $0x3  }
0x572: {  	v43 =	vor.u32 v3, v12  }
0x573: {  	v44 =	vadd.s32 s4, v4;
	v10 =	vmul.f32 s6, v10;
	v11 =	vmul.f32 s8, v42  }
0x574: {  	v45 =	vadd.s32 s5, v4  }
0x575: {  	v10 =	vadd.f32 v11, v10;
	_ =	sdelay $0x1  }
0x576: {  	[tilespmem:v43+s25+$0x0] =	vst.idx.msk $0xffff, v10  }
0x577: {  	v10 =	vld.idx.msk [tilespmem:v44+s17+$0x0], $0xffff  }
0x578: {  	v46 =	vld.idx.msk [tilespmem:v45+s18+$0x0], $0xffff;
	_ =	sdelay $0x3  }
0x579: {  	v47 =	vor.u32 v5, v12  }
0x57a: {  	v48 =	vadd.s32 s4, v6;
	v10 =	vmul.f32 s6, v10;
	v11 =	vmul.f32 s8, v46  }
0x57b: {  	v49 =	vadd.s32 s5, v6  }
0x57c: {  	v10 =	vadd.f32 v11, v10;
	_ =	sdelay $0x1  }
0x57d: {  	[tilespmem:v47+s25+$0x0] =	vst.idx.msk $0xffff, v10  }
0x57e: {  	v10 =	vld.idx.msk [tilespmem:v48+s17+$0x0], $0xffff  }
0x57f: {  	v50 =	vld.idx.msk [tilespmem:v49+s18+$0x0], $0xffff;
	_ =	sdelay $0x3  }
0x580: {  	v12 =	vor.u32 v7, v12  }
0x581: {  	v10 =	vmul.f32 s6, v10;
	v11 =	vmul.f32 s8, v50;
	_ =	sdelay $0x1  }
0x582: {  	v10 =	vadd.f32 v11, v10;
	_ =	sdelay $0x1  }
0x583: {  	[tilespmem:v12+s25+$0x0] =	vst.idx.msk $0xffff, v10  }
0x584: {  	_ =	swait.ge [sflag:s21], $0x2000  }
0x585: {  	[sflag:s21] =	ssyncset.done $0x0  }
0x586: {  	[sflag:s21] =	ssyncadd.s32 $0xFFFFE000  }
0x587: {  	_ =	swait.ge [sflag:s22], $0x2000  }
0x588: {  	(v2sf) =	vpush v8, $0xC  }
0x589: {  	(v2sf) =	vpush v9, $0xC;
	_ =	sdelay $0xd  }
0x58a: {  	s4 =	spop (v2sf)  }
0x58b: {  	s5 =	spop (v2sf);
	p2 =	slt.s32 s4, $0x7F  }
0x58c: {  	p0 =	slt.s32 s4, $0x80;
	s4 =	simm.s32 @!p2 $0x7F;
	p2 =	slt.s32 s5, $0x7F  }
0x58d: {  	p1 =	slt.s32 s5, $0x80;
	s5 =	simm.s32 @!p2 $0x7F;
	v51 =	vadd.s32 s4, v0  }
0x58e: {  	v52 =	vadd.s32 s5, v0;
	_ =	sdelay $0x1  }
0x58f: {  	[sflag:s22] =	ssyncset.done $0x0  }
0x590: {  	[sflag:s22] =	ssyncadd.s32 $0xFFFFE000  }
0x591: {  	s8 =	sor.u32 $0x1C, s2;
	v10 =	vld.idx.msk [tilespmem:v51+s19+$0x0], $0xffff  }
0x592: {  	v53 =	vmov s8;
	v11 =	vld.idx.msk [tilespmem:v52+s20+$0x0], $0xffff  }
0x593: {  	v54 =	vshll.u32 v53, $0x3  }
0x594: {  	v13 =	vand.u32 $0x400, v54;
	v12 =	vand.u32 $0x7C, v53  }
0x595: {  	s6 =	simm.f32 $1.000000000e+00;
	s8 =	simm.f32 $1.000000000e+00;
	v12 =	vor.u32 v12, v13  }
0x596: {  	v13 =	vor.u32 v1, v12;
	s6 =	simm.s32 @!p0 $0x0;
	s8 =	simm.s32 @!p1 $0x0  }
0x597: {  	v55 =	vadd.s32 s4, v2;
	v10 =	vmul.f32 s6, v10;
	v11 =	vmul.f32 s8, v11  }
0x598: {  	v56 =	vadd.s32 s5, v2  }
0x599: {  	v10 =	vadd.f32 v11, v10;
	_ =	sdelay $0x1  }
0x59a: {  	[tilespmem:v13+s25+$0x0] =	vst.idx.msk $0xffff, v10  }
0x59b: {  	v10 =	vld.idx.msk [tilespmem:v55+s19+$0x0], $0xffff  }
0x59c: {  	v57 =	vld.idx.msk [tilespmem:v56+s20+$0x0], $0xffff;
	_ =	sdelay $0x3  }
0x59d: {  	v58 =	vor.u32 v3, v12  }
0x59e: {  	v59 =	vadd.s32 s4, v4;
	v10 =	vmul.f32 s6, v10;
	v11 =	vmul.f32 s8, v57  }
0x59f: {  	v60 =	vadd.s32 s5, v4  }
0x5a0: {  	v10 =	vadd.f32 v11, v10;
	_ =	sdelay $0x1  }
0x5a1: {  	[tilespmem:v58+s25+$0x0] =	vst.idx.msk $0xffff, v10  }
0x5a2: {  	v10 =	vld.idx.msk [tilespmem:v59+s19+$0x0], $0xffff  }
0x5a3: {  	v61 =	vld.idx.msk [tilespmem:v60+s20+$0x0], $0xffff;
	_ =	sdelay $0x3  }
0x5a4: {  	v62 =	vor.u32 v5, v12  }
0x5a5: {  	v63 =	vadd.s32 s4, v6;
	v10 =	vmul.f32 s6, v10;
	v11 =	vmul.f32 s8, v61  }
0x5a6: {  	v18 =	vadd.s32 s5, v6  }
0x5a7: {  	v10 =	vadd.f32 v11, v10;
	_ =	sdelay $0x1  }
0x5a8: {  	[tilespmem:v62+s25+$0x0] =	vst.idx.msk $0xffff, v10  }
0x5a9: {  	v10 =	vld.idx.msk [tilespmem:v63+s19+$0x0], $0xffff  }
0x5aa: {  	v19 =	vld.idx.msk [tilespmem:v18+s20+$0x0], $0xffff;
	_ =	sdelay $0x3  }
0x5ab: {  	v12 =	vor.u32 v7, v12  }
0x5ac: {  	v10 =	vmul.f32 s6, v10;
	v11 =	vmul.f32 s8, v19;
	_ =	sdelay $0x1  }
0x5ad: {  	v10 =	vadd.f32 v11, v10;
	_ =	sdelay $0x1  }
0x5ae: {  	[tilespmem:v12+s25+$0x0] =	vst.idx.msk $0xffff, v10  }
0x5af: {  	_ =	swait.ge [sflag:s21], $0x2000  }
0x5b0: {  	[sflag:s21] =	ssyncset.done $0x0  }
0x5b1: {  	[sflag:s21] =	ssyncadd.s32 $0xFFFFE000  }
0x5b2: {  	_ =	swait.ge [sflag:s22], $0x2000  }
0x5b3: {  	(v2sf) =	vpush v8, $0xD  }
0x5b4: {  	(v2sf) =	vpush v9, $0xD;
	_ =	sdelay $0xd  }
0x5b5: {  	s4 =	spop (v2sf)  }
0x5b6: {  	s5 =	spop (v2sf);
	p2 =	slt.s32 s4, $0x7F  }
0x5b7: {  	p0 =	slt.s32 s4, $0x80;
	s4 =	simm.s32 @!p2 $0x7F;
	p2 =	slt.s32 s5, $0x7F  }
0x5b8: {  	p1 =	slt.s32 s5, $0x80;
	s5 =	simm.s32 @!p2 $0x7F;
	v20 =	vadd.s32 s4, v0  }
0x5b9: {  	v21 =	vadd.s32 s5, v0;
	_ =	sdelay $0x1  }
0x5ba: {  	[sflag:s22] =	ssyncset.done $0x0  }
0x5bb: {  	[sflag:s22] =	ssyncadd.s32 $0xFFFFE000  }
0x5bc: {  	s8 =	sor.u32 $0x1D, s2;
	v10 =	vld.idx.msk [tilespmem:v20+s23+$0x0], $0xffff  }
0x5bd: {  	v22 =	vmov s8;
	v11 =	vld.idx.msk [tilespmem:v21+s24+$0x0], $0xffff  }
0x5be: {  	v23 =	vshll.u32 v22, $0x3  }
0x5bf: {  	v13 =	vand.u32 $0x400, v23;
	v12 =	vand.u32 $0x7D, v22  }
0x5c0: {  	s6 =	simm.f32 $1.000000000e+00;
	s8 =	simm.f32 $1.000000000e+00;
	v12 =	vor.u32 v12, v13  }
0x5c1: {  	v13 =	vor.u32 v1, v12;
	s6 =	simm.s32 @!p0 $0x0;
	s8 =	simm.s32 @!p1 $0x0  }
0x5c2: {  	v24 =	vadd.s32 s4, v2;
	v10 =	vmul.f32 s6, v10;
	v11 =	vmul.f32 s8, v11  }
0x5c3: {  	v25 =	vadd.s32 s5, v2  }
0x5c4: {  	v10 =	vadd.f32 v11, v10;
	_ =	sdelay $0x1  }
0x5c5: {  	[tilespmem:v13+s25+$0x0] =	vst.idx.msk $0xffff, v10  }
0x5c6: {  	v10 =	vld.idx.msk [tilespmem:v24+s23+$0x0], $0xffff  }
0x5c7: {  	v26 =	vld.idx.msk [tilespmem:v25+s24+$0x0], $0xffff;
	_ =	sdelay $0x3  }
0x5c8: {  	v27 =	vor.u32 v3, v12  }
0x5c9: {  	v28 =	vadd.s32 s4, v4;
	v10 =	vmul.f32 s6, v10;
	v11 =	vmul.f32 s8, v26  }
0x5ca: {  	v29 =	vadd.s32 s5, v4  }
0x5cb: {  	v10 =	vadd.f32 v11, v10;
	_ =	sdelay $0x1  }
0x5cc: {  	[tilespmem:v27+s25+$0x0] =	vst.idx.msk $0xffff, v10  }
0x5cd: {  	v10 =	vld.idx.msk [tilespmem:v28+s23+$0x0], $0xffff  }
0x5ce: {  	v30 =	vld.idx.msk [tilespmem:v29+s24+$0x0], $0xffff;
	_ =	sdelay $0x3  }
0x5cf: {  	v31 =	vor.u32 v5, v12  }
0x5d0: {  	v32 =	vadd.s32 s4, v6;
	v10 =	vmul.f32 s6, v10;
	v11 =	vmul.f32 s8, v30  }
0x5d1: {  	v33 =	vadd.s32 s5, v6  }
0x5d2: {  	v10 =	vadd.f32 v11, v10;
	_ =	sdelay $0x1  }
0x5d3: {  	[tilespmem:v31+s25+$0x0] =	vst.idx.msk $0xffff, v10  }
0x5d4: {  	v10 =	vld.idx.msk [tilespmem:v32+s23+$0x0], $0xffff  }
0x5d5: {  	v34 =	vld.idx.msk [tilespmem:v33+s24+$0x0], $0xffff;
	_ =	sdelay $0x3  }
0x5d6: {  	v12 =	vor.u32 v7, v12  }
0x5d7: {  	v10 =	vmul.f32 s6, v10;
	v11 =	vmul.f32 s8, v34;
	_ =	sdelay $0x1  }
0x5d8: {  	v10 =	vadd.f32 v11, v10;
	_ =	sdelay $0x1  }
0x5d9: {  	[tilespmem:v12+s25+$0x0] =	vst.idx.msk $0xffff, v10  }
0x5da: {  	_ =	swait.ge [sflag:s21], $0x2000  }
0x5db: {  	[sflag:s21] =	ssyncset.done $0x0  }
0x5dc: {  	[sflag:s21] =	ssyncadd.s32 $0xFFFFE000  }
0x5dd: {  	_ =	swait.ge [sflag:s22], $0x2000  }
0x5de: {  	(v2sf) =	vpush v8, $0xE  }
0x5df: {  	(v2sf) =	vpush v9, $0xE;
	_ =	sdelay $0xd  }
0x5e0: {  	s4 =	spop (v2sf)  }
0x5e1: {  	s5 =	spop (v2sf);
	p2 =	slt.s32 s4, $0x7F  }
0x5e2: {  	p0 =	slt.s32 s4, $0x80;
	s4 =	simm.s32 @!p2 $0x7F;
	p2 =	slt.s32 s5, $0x7F  }
0x5e3: {  	p1 =	slt.s32 s5, $0x80;
	s5 =	simm.s32 @!p2 $0x7F;
	v35 =	vadd.s32 s4, v0  }
0x5e4: {  	v36 =	vadd.s32 s5, v0;
	_ =	sdelay $0x1  }
0x5e5: {  	[sflag:s22] =	ssyncset.done $0x0  }
0x5e6: {  	[sflag:s22] =	ssyncadd.s32 $0xFFFFE000  }
0x5e7: {  	s2 =	sor.u32 $0x1E, s2;
	v10 =	vld.idx.msk [tilespmem:v35+s11+$0x0], $0xffff  }
0x5e8: {  	v37 =	vmov s2;
	v11 =	vld.idx.msk [tilespmem:v36+s12+$0x0], $0xffff  }
0x5e9: {  	v38 =	vshll.u32 v37, $0x3  }
0x5ea: {  	v13 =	vand.u32 $0x400, v38;
	v12 =	vand.u32 $0x7E, v37  }
0x5eb: {  	s2 =	simm.f32 $1.000000000e+00;
	s6 =	simm.f32 $1.000000000e+00;
	v12 =	vor.u32 v12, v13  }
0x5ec: {  	v13 =	vor.u32 v1, v12;
	s2 =	simm.s32 @!p0 $0x0;
	s6 =	simm.s32 @!p1 $0x0  }
0x5ed: {  	v39 =	vadd.s32 s4, v2;
	v10 =	vmul.f32 s2, v10;
	v11 =	vmul.f32 s6, v11  }
0x5ee: {  	v40 =	vadd.s32 s5, v2  }
0x5ef: {  	v10 =	vadd.f32 v11, v10;
	_ =	sdelay $0x1  }
0x5f0: {  	[tilespmem:v13+s25+$0x0] =	vst.idx.msk $0xffff, v10  }
0x5f1: {  	v10 =	vld.idx.msk [tilespmem:v39+s11+$0x0], $0xffff  }
0x5f2: {  	v41 =	vld.idx.msk [tilespmem:v40+s12+$0x0], $0xffff;
	_ =	sdelay $0x3  }
0x5f3: {  	v42 =	vor.u32 v3, v12  }
0x5f4: {  	v43 =	vadd.s32 s4, v4;
	v10 =	vmul.f32 s2, v10;
	v11 =	vmul.f32 s6, v41  }
0x5f5: {  	v44 =	vadd.s32 s5, v4  }
0x5f6: {  	v10 =	vadd.f32 v11, v10;
	_ =	sdelay $0x1  }
0x5f7: {  	[tilespmem:v42+s25+$0x0] =	vst.idx.msk $0xffff, v10  }
0x5f8: {  	v10 =	vld.idx.msk [tilespmem:v43+s11+$0x0], $0xffff  }
0x5f9: {  	v45 =	vld.idx.msk [tilespmem:v44+s12+$0x0], $0xffff;
	_ =	sdelay $0x3  }
0x5fa: {  	v46 =	vor.u32 v5, v12  }
0x5fb: {  	v47 =	vadd.s32 s4, v6;
	v10 =	vmul.f32 s2, v10;
	v11 =	vmul.f32 s6, v45  }
0x5fc: {  	v48 =	vadd.s32 s5, v6  }
0x5fd: {  	v10 =	vadd.f32 v11, v10;
	_ =	sdelay $0x1  }
0x5fe: {  	[tilespmem:v46+s25+$0x0] =	vst.idx.msk $0xffff, v10  }
0x5ff: {  	v10 =	vld.idx.msk [tilespmem:v47+s11+$0x0], $0xffff  }
0x600: {  	v49 =	vld.idx.msk [tilespmem:v48+s12+$0x0], $0xffff;
	_ =	sdelay $0x3  }
0x601: {  	v12 =	vor.u32 v7, v12  }
0x602: {  	v10 =	vmul.f32 s2, v10;
	v11 =	vmul.f32 s6, v49;
	_ =	sdelay $0x1  }
0x603: {  	v10 =	vadd.f32 v11, v10;
	_ =	sdelay $0x1  }
0x604: {  	[tilespmem:v12+s25+$0x0] =	vst.idx.msk $0xffff, v10  }
0x605: {  	_ =	swait.ge [sflag:s21], $0x2000  }
0x606: {  	[sflag:s21] =	ssyncset.done $0x0  }
0x607: {  	[sflag:s21] =	ssyncadd.s32 $0xFFFFE000  }
0x608: {  	_ =	swait.ge [sflag:s22], $0x2000  }
0x609: {  	(v2sf) =	vpush v8, $0xF  }
0x60a: {  	(v2sf) =	vpush v9, $0xF;
	_ =	sdelay $0xd  }
0x60b: {  	s2 =	spop (v2sf)  }
0x60c: {  	s4 =	spop (v2sf);
	p2 =	slt.s32 s2, $0x7F  }
0x60d: {  	p0 =	slt.s32 s2, $0x80;
	s2 =	simm.s32 @!p2 $0x7F;
	p2 =	slt.s32 s4, $0x7F  }
0x60e: {  	p1 =	slt.s32 s4, $0x80;
	s4 =	simm.s32 @!p2 $0x7F;
	v8 =	vadd.s32 s2, v0  }
0x60f: {  	v50 =	vadd.s32 s4, v0;
	_ =	sdelay $0x1  }
0x610: {  	[sflag:s22] =	ssyncset.done $0x0  }
0x611: {  	[sflag:s22] =	ssyncadd.s32 $0xFFFFE000  }
0x612: {  	s8 =	sshllo.u32 s3, $0x5;
	v8 =	vld.idx.msk [tilespmem:v8+s13+$0x0], $0xffff  }
0x613: {  	v51 =	vmov s8;
	v9 =	vld.idx.msk [tilespmem:v50+s14+$0x0], $0xffff  }
0x614: {  	v52 =	vshll.u32 v51, $0x3  }
0x615: {  	v11 =	vand.u32 $0x400, v52;
	v10 =	vand.u32 $0x7F, v51  }
0x616: {  	s5 =	simm.f32 $1.000000000e+00;
	s6 =	simm.f32 $1.000000000e+00;
	v10 =	vor.u32 v10, v11  }
0x617: {  	v11 =	vor.u32 v1, v10;
	s5 =	simm.s32 @!p0 $0x0;
	s6 =	simm.s32 @!p1 $0x0  }
0x618: {  	v53 =	vadd.s32 s2, v2;
	v8 =	vmul.f32 s5, v8;
	v9 =	vmul.f32 s6, v9  }
0x619: {  	v54 =	vadd.s32 s4, v2  }
0x61a: {  	v8 =	vadd.f32 v9, v8;
	_ =	sdelay $0x1  }
0x61b: {  	[tilespmem:v11+s25+$0x0] =	vst.idx.msk $0xffff, v8  }
0x61c: {  	v8 =	vld.idx.msk [tilespmem:v53+s13+$0x0], $0xffff  }
0x61d: {  	v55 =	vld.idx.msk [tilespmem:v54+s14+$0x0], $0xffff;
	_ =	sdelay $0x3  }
0x61e: {  	v56 =	vor.u32 v3, v10  }
0x61f: {  	v57 =	vadd.s32 s2, v4;
	v8 =	vmul.f32 s5, v8;
	v9 =	vmul.f32 s6, v55  }
0x620: {  	v58 =	vadd.s32 s4, v4  }
0x621: {  	v8 =	vadd.f32 v9, v8;
	_ =	sdelay $0x1  }
0x622: {  	[tilespmem:v56+s25+$0x0] =	vst.idx.msk $0xffff, v8  }
0x623: {  	v8 =	vld.idx.msk [tilespmem:v57+s13+$0x0], $0xffff  }
0x624: {  	v59 =	vld.idx.msk [tilespmem:v58+s14+$0x0], $0xffff;
	_ =	sdelay $0x3  }
0x625: {  	v60 =	vor.u32 v5, v10  }
0x626: {  	v61 =	vadd.s32 s2, v6;
	v8 =	vmul.f32 s5, v8;
	v9 =	vmul.f32 s6, v59  }
0x627: {  	v62 =	vadd.s32 s4, v6  }
0x628: {  	v8 =	vadd.f32 v9, v8;
	_ =	sdelay $0x1  }
0x629: {  	[tilespmem:v60+s25+$0x0] =	vst.idx.msk $0xffff, v8  }
0x62a: {  	v8 =	vld.idx.msk [tilespmem:v61+s13+$0x0], $0xffff  }
0x62b: {  	v63 =	vld.idx.msk [tilespmem:v62+s14+$0x0], $0xffff;
	_ =	sdelay $0x3  }
0x62c: {  	v10 =	vor.u32 v7, v10  }
0x62d: {  	v8 =	vmul.f32 s5, v8;
	v9 =	vmul.f32 s6, v63  }
0x62e: {  	p0 =	sne.s32 s3, $0x7  }
0x62f: {  	s2 =	rddreg [dreg:$0x5];
	s3 =	sand.u32 @!p0 $0x100, s30;
	v8 =	vadd.f32 v9, v8  }
0x630: {  	s2 =	sadd.s32 @!p0 s3, s2  }
0x631: {  	s3 =	simm.s32 @!p0 $0x800;
	s4 =	simm.s32 @!p0 $0x20000;
	s5 =	simm.s32 @!p0 $0x18400;
	[tilespmem:v10+s25+$0x0] =	vst.idx.msk $0xffff, v8  }
0x632: {  	[hbm4b:s2+s3] =	stream.strided.scatter @!p0 [tilespmem:s5], [sflag:$0x3], $0x4000, s4, s3, $0x38;
	[tilespmem:$0x1C400] =	vst v63  }
0x633: {  	s2 =	simm.s32 @!p0 $0x3  }
0x634: {  	_ =	swait.ge @!p0 [sflag:s2], $0x4000  }
0x635: {  	s31 =	sadd.s32 $0x1, s31;
	[sflag:s2] =	ssyncset.done @!p0 $0x0  }
0x636: {  	[sflag:s2] =	ssyncadd.s32 @!p0 $0xFFFFC000;
	p0 =	sne.s32 s31, $0x10  }
.Ltmp0:
0x637: {  	_ = 	snop;
	(pc) =	sbr.rel @p0 .LBB2_2-.Ltmp0, $2  }
0x638: {  	_ =	sdelay $0x2  }
0x639: {  	s28 =	sadd.s32 $0x20, s28;
	s29 =	sadd.s32 $0x20, s29;
	s30 =	sadd.s32 $0x20, s30  }
0x63a: {  	s26 =	sadd.s32 $0x1, s26  }
0x63b: {  	p0 =	sne.s32 s26, s7  }
.Ltmp1:
0x63c: {  	_ = 	snop;
	(pc) =	sbr.rel @p0 .LBB2_1-.Ltmp1, $1  }
0x63d: {  	_ =	sdelay $0x3  }
0x63e: {  	_ =	sfence.sel $0x180000  }
0x63f: {  	[bflag:$0x0] =	sbarrier.arrive $0xFFFF  }
0x640: {  	_ =	strace $0x90000047  }
0x641: {  	s0 =	stileid.u32;
	[bflag:$0x2] =	sbarrier.arrive $0xFFFF  }
0x642: {  	p0 =	sne.s32 s0, $0x0;
	s0 =	rddreg [dreg:$0x4]  }
0x643: {  	s0 =	sadd.s32 @!p0 $0x100000, s0  }
0x644: {  	[sflag:s0] =	ssyncadd.tile.s32 @!p0 $0x1;
	_ =	shalt  }
.Lfunc_end2:
_tile_overlayer_lowered:
.L_overlay_start_2:
0x645: {  	(tag) =	ssettag $0x2  }
0x646: {  	s0 =	rddreg [dreg:$0x0];
	s2 =	stileid.u32  }
0x647: {  	s1 =	rddreg [dreg:$0x1];
	p0 =	sne.s32 s2, $0x0  }
0x648: {  	s3 =	rddreg [dreg:$0x2];
	[bflag:$0x3] =	sbarrier.arrive $0xFFFF;
	s2 =	simm.s32 @!p0 $0x1C03  }
0x649: {  	[timem:s3], [sflag:s2] =	dma.local @!p0 [hbm:s0], s1  }
0x64a: {  	s0 =	simm.s32 @!p0 $0x3  }
0x64b: {  	_ =	swait.ge @!p0 [sflag:s0], s1  }
0x64c: {  	s1 =	ssub.s32 @!p0 $0x0, s1;
	[sflag:s0] =	ssyncset.done @!p0 $0x0  }
0x64d: {  	[sflag:s0] =	ssyncadd.s32 @!p0 s1  }
0x64e: {  	[bflag:$0x3] =	sbarrier.arrive $0xFFFF  }
0x64f: {  	_ =	shalt  }

</sc_bundles>
